<compile_context>
chip_gen: v7x
topology: tpu7x:2x2x1
jax: 0.10.2.dev20260603
libtpu: 0.0.44.dev20260713+nightly
codegen_flags: <defaults>
</compile_context>

<pallas_src>
import functools

import jax
import jax.numpy as jnp
from jax import lax
from jax.experimental import pallas as pl
from jax.experimental.pallas import tpu as pltpu
from jax.experimental.pallas import tpu_sc as plsc

N_NODES = 10000
N_EDGES = 320000
IN_CH = 128
HID = 16

NC = 2
NS = 16
NW = NC * NS
EPT = N_EDGES // NW
CHUNK = 128
NFULL = EPT // CHUNK
REM = EPT - NFULL * CHUNK
PAD_NODES = 10112
STRIPE = PAD_NODES // NS
NBUF = 13
GROUPS = NFULL // NBUF

_mesh = plsc.VectorSubcoreMesh(core_axis_name="c", subcore_axis_name="s")


def _zero_rows(ref, n):
    def body(i, _):
        ref[i] = jnp.zeros((HID,), jnp.float32)
        return 0
    lax.fori_loop(0, n, body, 0)


@functools.partial(
    pl.kernel,
    out_type=jax.ShapeDtypeStruct((NC, PAD_NODES, HID), jnp.float32),
    mesh=_mesh,
    scratch_types=[
        pltpu.VMEM((EPT,), jnp.int32),
        pltpu.VMEM((CHUNK, HID), jnp.float32),
        pltpu.VMEM((STRIPE, HID), jnp.float32),
        pltpu.VMEM_SHARED((PAD_NODES, HID), jnp.float32),
        pltpu.SemaphoreType.DMA,
    ],
    compiler_params=pltpu.CompilerParams(use_tc_tiling_on_sc=False),
)
def _deg_kernel(edge_hbm, out_hbm, dst_v, ones_v, zeros_v, acc_sh, sem):
    cid = lax.axis_index("c")
    sid = lax.axis_index("s")
    wid = sid * NC + cid
    base = wid * EPT

    _zero_rows(zeros_v, STRIPE)

    def ones_body(i, _):
        ones_v[i] = jnp.ones((HID,), jnp.float32)
        return 0
    lax.fori_loop(0, CHUNK, ones_body, 0)

    pltpu.sync_copy(zeros_v, acc_sh.at[pl.ds(sid * STRIPE, STRIPE)])
    pltpu.sync_copy(edge_hbm.at[1, pl.ds(base, EPT)], dst_v)
    plsc.subcore_barrier()

    def fire(j, _):
        pltpu.async_copy(ones_v, acc_sh.at[dst_v.at[pl.ds(j * CHUNK, CHUNK)]],
                         sem, add=True)
        return 0
    lax.fori_loop(0, NFULL, fire, 0)
    pltpu.async_copy(ones_v.at[pl.ds(0, REM)],
                     acc_sh.at[dst_v.at[pl.ds(NFULL * CHUNK, REM)]], sem, add=True)

    def drain(j, _):
        pltpu.make_async_copy(ones_v, acc_sh.at[dst_v.at[pl.ds(0, CHUNK)]],
                              sem).wait()
        return 0
    lax.fori_loop(0, NFULL, drain, 0)
    pltpu.make_async_copy(ones_v.at[pl.ds(0, REM)],
                          acc_sh.at[dst_v.at[pl.ds(0, REM)]], sem).wait()

    plsc.subcore_barrier()
    pltpu.sync_copy(acc_sh.at[pl.ds(sid * STRIPE, STRIPE)],
                    out_hbm.at[cid, pl.ds(sid * STRIPE, STRIPE)])


@functools.partial(
    pl.kernel,
    out_type=jax.ShapeDtypeStruct((NC, PAD_NODES, HID), jnp.float32),
    mesh=_mesh,
    scratch_types=[
        pltpu.VMEM((EPT,), jnp.int32),
        pltpu.VMEM((EPT,), jnp.int32),
        pltpu.VMEM((2, NBUF, CHUNK, HID), jnp.float32),
        pltpu.VMEM((REM, HID), jnp.float32),
        pltpu.VMEM((STRIPE, HID), jnp.float32),
        pltpu.VMEM_SHARED((PAD_NODES, HID), jnp.float32),
        pltpu.VMEM_SHARED((PAD_NODES, HID), jnp.float32),
        pltpu.SemaphoreType.DMA,
        pltpu.SemaphoreType.DMA,
        pltpu.SemaphoreType.DMA,
        pltpu.SemaphoreType.DMA,
    ],
    compiler_params=pltpu.CompilerParams(use_tc_tiling_on_sc=False),
)
def _scatter_kernel(y_hbm, edge_hbm, out_hbm,
                    src_v, dst_v, rows_v, rem_v, zeros_v,
                    acc_sh, y_sh, gsem0, gsem1, ssem0, ssem1):
    cid = lax.axis_index("c")
    sid = lax.axis_index("s")
    wid = sid * NC + cid
    base = wid * EPT

    _zero_rows(zeros_v, STRIPE)
    pltpu.sync_copy(zeros_v, acc_sh.at[pl.ds(sid * STRIPE, STRIPE)])
    pltpu.sync_copy(y_hbm.at[pl.ds(sid * STRIPE, STRIPE)],
                    y_sh.at[pl.ds(sid * STRIPE, STRIPE)])
    pltpu.sync_copy(edge_hbm.at[0, pl.ds(base, EPT)], src_v)
    pltpu.sync_copy(edge_hbm.at[1, pl.ds(base, EPT)], dst_v)
    plsc.subcore_barrier()

    def sidx(j):
        return src_v.at[pl.ds(j * CHUNK, CHUNK)]

    def didx(j):
        return dst_v.at[pl.ds(j * CHUNK, CHUNK)]

    def fire_gathers(g, half, sem):
        base_c = g * NBUF
        for b in range(NBUF):
            pltpu.async_copy(y_sh.at[sidx(base_c + b)], rows_v.at[half, b], sem)

    def drain_gathers(g, half, sem):
        base_c = g * NBUF
        for b in range(NBUF):
            pltpu.make_async_copy(y_sh.at[sidx(base_c + b)],
                                  rows_v.at[half, b], sem).wait()

    def fire_scatters(g, half, sem):
        base_c = g * NBUF
        for b in range(NBUF):
            pltpu.async_copy(rows_v.at[half, b], acc_sh.at[didx(base_c + b)],
                             sem, add=True)

    def drain_scatters(g, half, sem):
        base_c = g * NBUF
        for b in range(NBUF):
            pltpu.make_async_copy(rows_v.at[half, b],
                                  acc_sh.at[didx(base_c + b)], sem).wait()

    fire_gathers(0, 0, gsem0)

    def body(gg, _):
        g0 = 2 * gg
        g1 = g0 + 1
        fire_gathers(g1, 1, gsem1)
        drain_gathers(g0, 0, gsem0)
        fire_scatters(g0, 0, ssem0)
        drain_scatters(g0, 0, ssem0)

        @pl.when(g0 + 2 < GROUPS)
        def _():
            fire_gathers(g0 + 2, 0, gsem0)

        drain_gathers(g1, 1, gsem1)
        fire_scatters(g1, 1, ssem1)
        drain_scatters(g1, 1, ssem1)
        return 0
    lax.fori_loop(0, GROUPS // 2, body, 0)

    rs = src_v.at[pl.ds(NFULL * CHUNK, REM)]
    rd = dst_v.at[pl.ds(NFULL * CHUNK, REM)]
    pltpu.async_copy(y_sh.at[rs], rem_v, gsem0).wait()
    pltpu.async_copy(rem_v, acc_sh.at[rd], ssem0, add=True).wait()

    plsc.subcore_barrier()
    pltpu.sync_copy(acc_sh.at[pl.ds(sid * STRIPE, STRIPE)],
                    out_hbm.at[cid, pl.ds(sid * STRIPE, STRIPE)])


NFLAT = PAD_NODES * HID // 128
NOUT = PAD_NODES // 128


def _tca_body(x_ref, w1_ref, xw_ref):
    xw = jnp.dot(x_ref[:], w1_ref[:], preferred_element_type=jnp.float32)
    xw_ref[:N_NODES] = xw
    xw_ref[N_NODES:] = jnp.zeros((PAD_NODES - N_NODES, HID), jnp.float32)


def _tcd_body(xwf_ref, degf_ref, yf_ref):
    dinvf = lax.rsqrt(degf_ref[0] + degf_ref[1] + 1.0)
    yf_ref[:] = dinvf * xwf_ref[:]


def _tcb_body(accf_ref, yf_ref, degf_ref, b1f_ref, w2bd_ref, b2_ref, out_ref):
    dinvf = lax.rsqrt(degf_ref[0] + degf_ref[1] + 1.0)
    s = accf_ref[0] + accf_ref[1] + yf_ref[:]
    h = jnp.maximum(dinvf * s + b1f_ref[:], 0.0)
    ovals = jnp.dot(h, w2bd_ref[:], preferred_element_type=jnp.float32)
    out_ref[:] = ovals + b2_ref[0, 0]


def kernel(x, edge_index, W1, b1, W2, b2):
    e32 = edge_index.astype(jnp.int32)

    degp = _deg_kernel(e32)
    degf = degp.reshape(NC, NFLAT, 128)

    xw = pl.pallas_call(
        _tca_body,
        out_shape=jax.ShapeDtypeStruct((PAD_NODES, HID), jnp.float32),
    )(x, W1)
    xwlin = xw.reshape(NFLAT, 128)

    ylin = pl.pallas_call(
        _tcd_body,
        out_shape=jax.ShapeDtypeStruct((NFLAT, 128), jnp.float32),
    )(xwlin, degf)

    acc = _scatter_kernel(ylin.reshape(PAD_NODES, HID), e32)
    accf = acc.reshape(NC, NFLAT, 128)

    w2bd = jnp.kron(jnp.eye(8, dtype=jnp.float32), W2)
    b1f = jnp.tile(b1, 8).reshape(1, 128)

    outp = pl.pallas_call(
        _tcb_body,
        out_shape=jax.ShapeDtypeStruct((NFLAT, 8), jnp.float32),
    )(accf, ylin, degf, b1f, w2bd, b2.reshape(1, 1))
    return outp.reshape(PAD_NODES)[:N_NODES]

# --- scband reference (transcript-rebuilt; emitter-appended) ---
"""Pipeline reference for scband-gcn-81587198755341 (READ-ONLY COPY).

The authoritative reference and input builder live on the scoring server;
editing this copy changes nothing except your own understanding.
"""

import jax, jax.numpy as jnp
import numpy as np

N_NODES = 10000
N_EDGES = 320000
IN_CH = 128
HID = 16


def setup_inputs(seed: int = 0) -> dict:
    key = jax.random.key(seed)
    k1, k2, k3, k4, k5, k6 = jax.random.split(key, 6)
    x = jax.random.normal(k1, (N_NODES, IN_CH), dtype=jnp.float32)
    edge_index = jax.random.randint(k2, (2, N_EDGES), 0, N_NODES, dtype=jnp.int64)
    # GCNConv weights (glorot-ish init)
    W1 = jax.random.normal(k3, (IN_CH, HID), dtype=jnp.float32) * (1.0 / np.sqrt(IN_CH))
    b1 = jnp.zeros((HID,), dtype=jnp.float32)
    # output Linear(16, 1)
    W2 = jax.random.normal(k4, (HID, 1), dtype=jnp.float32) * (1.0 / np.sqrt(HID))
    b2 = jnp.zeros((1,), dtype=jnp.float32)
    return {"x": x, "edge_index": edge_index, "W1": W1, "b1": b1, "W2": W2, "b2": b2}


def _gcn_conv(x, edge_index, W, b):
    # PyG GCNConv: out = D^{-1/2} (A + I) D^{-1/2} (X W) + b
    N = x.shape[0]
    self_loops = jnp.arange(N, dtype=edge_index.dtype)
    src = jnp.concatenate([edge_index[0], self_loops])
    dst = jnp.concatenate([edge_index[1], self_loops])
    deg = jnp.zeros((N,), dtype=x.dtype).at[dst].add(1.0)
    deg_inv_sqrt = jnp.where(deg > 0, jax.lax.rsqrt(deg), 0.0)
    norm = deg_inv_sqrt[src] * deg_inv_sqrt[dst]
    xw = x @ W
    msg = xw[src] * norm[:, None]
    out = jnp.zeros((N, W.shape[1]), dtype=x.dtype).at[dst].add(msg)
    return out + b


def reference(x, edge_index, W1, b1, W2, b2):
    h = _gcn_conv(x, edge_index, W1, b1)
    h = jax.nn.relu(h)
    out = h @ W2 + b2
    return jnp.squeeze(out, axis=-1)

if __name__ == "__main__":
    import jax
    _d = setup_inputs()
    print(jax.jit(kernel)(*tuple(_d.values())))

</pallas_src>

<mosaic_0001>
#map = affine_map<(d0, d1) -> (0, 0)>
#map1 = affine_map<(d0, d1) -> (0, 0, 0)>
module attributes {stable_mosaic.version = 14 : i64} {
  func.func @_deg_kernel(%arg0: i32, %arg1: i32, %arg2: memref<2x320000xi32, #tpu.memory_space<hbm>>, %arg3: memref<2x10112x16xf32, #tpu.memory_space<hbm>>, %arg4: memref<10000xi32, #tpu.memory_space<vmem>>, %arg5: memref<128x16xf32, #tpu.memory_space<vmem>>, %arg6: memref<632x16xf32, #tpu.memory_space<vmem>>, %arg7: memref<10112x16xf32, #tpu.memory_space<vmem_shared>>, %arg8: memref<!tpu.dma_semaphore, #tpu.memory_space<semaphore_mem>>) attributes {dimension_semantics = [#tpu.dimension_semantics<core_parallel>, #tpu.dimension_semantics<subcore_parallel>], iteration_bounds = array<i64: 2, 16>, scalar_prefetch = 0 : i64, scratch_operands = 5 : i64, tpu.core_type = #tpu.core_type<sc_vector_subcore>, window_params = [{transform_indices = #map}, {transform_indices = #map1}]} {
    %mul3A = arith.constant 2 : i32
    %mul3A_0 = arith.muli %arg1, %mul3A : i32
    %add3A = arith.addi %mul3A_0, %arg0 : i32
    %mul3A_1 = arith.constant 10000 : i32
    %mul3A_2 = arith.muli %add3A, %mul3A_1 : i32
    %scan3A = arith.constant 0 : i32
    %scan3A_3 = arith.constant 0 : i32
    %scan3A_4 = arith.constant 632 : i32
    %scan3A_5 = arith.addi %scan3A_3, %scan3A_4 : i32
    %scan3A_6 = arith.constant 1 : i32
    %scan3A_7 = scf.for %scan3A_51 = %scan3A_3 to %scan3A_5 step %scan3A_6 iter_args(%scan3A_52 = %scan3A) -> (i32)  : i32 {
      %broadcast_in_dim3A = arith.constant 0.000000e+00 : f32
      %broadcast_in_dim3A_53 = vector.broadcast %broadcast_in_dim3A : f32 to vector<16xf32>
      %swap3A = arith.index_cast %scan3A_51 : i32 to index
      %swap3A_54 = arith.constant 0 : index
      %swap3A_55 = tpu.vector_load %arg6[%swap3A, %swap3A_54] {strides = array<i32>} : memref<632x16xf32, #tpu.memory_space<vmem>>, vector<1x16xf32>,
      %swap3A_56 = vector.shape_cast %swap3A_55 : vector<1x16xf32> to vector<16xf32>
      %swap3A_57 = vector.shape_cast %broadcast_in_dim3A_53 : vector<16xf32> to vector<1x16xf32>
      tpu.vector_store %arg6[%swap3A, %swap3A_54], %swap3A_57 {strides = array<i32>} : memref<632x16xf32, #tpu.memory_space<vmem>>, vector<1x16xf32>,
      %scan3A_58 = arith.constant 0 : i32
      scf.yield %scan3A_58 : i32
    }
    %scan3A_8 = arith.constant 632 : i32
    %scan3A_9 = arith.constant 0 : i32
    %scan3A_10 = arith.constant 0 : i32
    %scan3A_11 = arith.constant 128 : i32
    %scan3A_12 = arith.addi %scan3A_10, %scan3A_11 : i32
    %scan3A_13 = arith.constant 1 : i32
    %scan3A_14 = scf.for %scan3A_51 = %scan3A_10 to %scan3A_12 step %scan3A_13 iter_args(%scan3A_52 = %scan3A_9) -> (i32)  : i32 {
      %broadcast_in_dim3A = arith.constant 1.000000e+00 : f32
      %broadcast_in_dim3A_53 = vector.broadcast %broadcast_in_dim3A : f32 to vector<16xf32>
      %swap3A = arith.index_cast %scan3A_51 : i32 to index
      %swap3A_54 = arith.constant 0 : index
      %swap3A_55 = tpu.vector_load %arg5[%swap3A, %swap3A_54] {strides = array<i32>} : memref<128x16xf32, #tpu.memory_space<vmem>>, vector<1x16xf32>,
      %swap3A_56 = vector.shape_cast %swap3A_55 : vector<1x16xf32> to vector<16xf32>
      %swap3A_57 = vector.shape_cast %broadcast_in_dim3A_53 : vector<16xf32> to vector<1x16xf32>
      tpu.vector_store %arg5[%swap3A, %swap3A_54], %swap3A_57 {strides = array<i32>} : memref<128x16xf32, #tpu.memory_space<vmem>>, vector<1x16xf32>,
      %scan3A_58 = arith.constant 0 : i32
      scf.yield %scan3A_58 : i32
    }
    %scan3A_15 = arith.constant 128 : i32
    %mul3A_16 = arith.constant 632 : i32
    %mul3A_17 = arith.muli %arg1, %mul3A_16 : i32
    "tpu.region"() ({
      %run_scoped3A_51 = tpu.sem_alloc : memref<!tpu.dma_semaphore, #tpu.memory_space<semaphore_mem>>
      %dma_start3A_52 = arith.constant 0 : i32
      %dma_start3A_53 = tpu.memref_slice %arg7[%mul3A_17, %dma_start3A_52] : memref<10112x16xf32, #tpu.memory_space<vmem_shared>> -> memref<632x16xf32, #tpu.memory_space<vmem_shared>>
      %dma_start3A_54 = arith.constant 0 : i32
      %dma_start3A_55 = tpu.memref_slice %arg7[%mul3A_17, %dma_start3A_54] : memref<10112x16xf32, #tpu.memory_space<vmem_shared>> -> memref<632x16xf32, #tpu.memory_space<vmem_shared>>
      tpu.enqueue_dma source(%arg6 : memref<632x16xf32, #tpu.memory_space<vmem>>) target(%dma_start3A_55 : memref<632x16xf32, #tpu.memory_space<vmem_shared>>) target_semaphore(%run_scoped3A_51 : memref<!tpu.dma_semaphore, #tpu.memory_space<semaphore_mem>>)
      %dma_wait3A_56 = arith.constant 0 : i32
      %dma_wait3A_57 = tpu.memref_slice %arg7[%mul3A_17, %dma_wait3A_56] : memref<10112x16xf32, #tpu.memory_space<vmem_shared>> -> memref<632x16xf32, #tpu.memory_space<vmem_shared>>
      %dma_wait3A_58 = arith.constant 0 : i32
      %dma_wait3A_59 = tpu.memref_slice %arg7[%mul3A_17, %dma_wait3A_58] : memref<10112x16xf32, #tpu.memory_space<vmem_shared>> -> memref<632x16xf32, #tpu.memory_space<vmem_shared>>
      tpu.wait_dma2 semaphore(%run_scoped3A_51 : memref<!tpu.dma_semaphore, #tpu.memory_space<semaphore_mem>>) src(%arg6 : memref<632x16xf32, #tpu.memory_space<vmem>>) dst(%dma_wait3A_59 : memref<632x16xf32, #tpu.memory_space<vmem_shared>>)
      tpu.yield
    }) : () -> ()
    %run_scoped3A = arith.constant 1 : i32
    "tpu.region"() ({
      %run_scoped3A_51 = tpu.sem_alloc : memref<!tpu.dma_semaphore, #tpu.memory_space<semaphore_mem>>
      %dma_start3A_52 = tpu.memref_slice %arg2[%run_scoped3A, %mul3A_2] : memref<2x320000xi32, #tpu.memory_space<hbm>> -> memref<1x10000xi32, #tpu.memory_space<hbm>>
      %dma_start3A_53 = tpu.memref_squeeze %dma_start3A_52 : memref<1x10000xi32, #tpu.memory_space<hbm>> -> memref<10000xi32, #tpu.memory_space<hbm>>
      %dma_start3A_54 = tpu.memref_slice %arg2[%run_scoped3A, %mul3A_2] : memref<2x320000xi32, #tpu.memory_space<hbm>> -> memref<1x10000xi32, #tpu.memory_space<hbm>>
      %dma_start3A_55 = tpu.memref_squeeze %dma_start3A_54 : memref<1x10000xi32, #tpu.memory_space<hbm>> -> memref<10000xi32, #tpu.memory_space<hbm>>
      tpu.enqueue_dma source(%dma_start3A_55 : memref<10000xi32, #tpu.memory_space<hbm>>) target(%arg4 : memref<10000xi32, #tpu.memory_space<vmem>>) target_semaphore(%run_scoped3A_51 : memref<!tpu.dma_semaphore, #tpu.memory_space<semaphore_mem>>)
      %dma_wait3A_56 = tpu.memref_slice %arg2[%run_scoped3A, %mul3A_2] : memref<2x320000xi32, #tpu.memory_space<hbm>> -> memref<1x10000xi32, #tpu.memory_space<hbm>>
      %dma_wait3A_57 = tpu.memref_squeeze %dma_wait3A_56 : memref<1x10000xi32, #tpu.memory_space<hbm>> -> memref<10000xi32, #tpu.memory_space<hbm>>
      %dma_wait3A_58 = tpu.memref_slice %arg2[%run_scoped3A, %mul3A_2] : memref<2x320000xi32, #tpu.memory_space<hbm>> -> memref<1x10000xi32, #tpu.memory_space<hbm>>
      %dma_wait3A_59 = tpu.memref_squeeze %dma_wait3A_58 : memref<1x10000xi32, #tpu.memory_space<hbm>> -> memref<10000xi32, #tpu.memory_space<hbm>>
      tpu.wait_dma2 semaphore(%run_scoped3A_51 : memref<!tpu.dma_semaphore, #tpu.memory_space<semaphore_mem>>) src(%dma_wait3A_59 : memref<10000xi32, #tpu.memory_space<hbm>>) dst(%arg4 : memref<10000xi32, #tpu.memory_space<vmem>>)
      tpu.yield
    }) : () -> ()
    %barrier3A = arith.constant 0 : index
    tpu.barrier barrier_id(%barrier3A)
    %scan3A_18 = arith.constant 0 : i32
    %scan3A_19 = arith.constant 0 : i32
    %scan3A_20 = arith.constant 78 : i32
    %scan3A_21 = arith.addi %scan3A_19, %scan3A_20 : i32
    %scan3A_22 = arith.constant 1 : i32
    %scan3A_23 = scf.for %scan3A_51 = %scan3A_19 to %scan3A_21 step %scan3A_22 iter_args(%scan3A_52 = %scan3A_18) -> (i32)  : i32 {
      %mul3A_53 = arith.constant 128 : i32
      %mul3A_54 = arith.muli %scan3A_51, %mul3A_53 : i32
      %dma_start3A_55 = tpu.memref_slice %arg4[%mul3A_54] : memref<10000xi32, #tpu.memory_space<vmem>> -> memref<128xi32, #tpu.memory_space<vmem>>
      %dma_start3A_56 = arith.constant 0 : i32
      %dma_start3A_57 = arith.constant 0 : i32
      %dma_start3A_58 = tpu.memref_slice %arg7[%dma_start3A_56, %dma_start3A_57] : memref<10112x16xf32, #tpu.memory_space<vmem_shared>> -> memref<10112x16xf32, #tpu.memory_space<vmem_shared>>
      tpu.enqueue_indirect_dma source(%arg5 : memref<128x16xf32, #tpu.memory_space<vmem>>) target(%dma_start3A_58 : memref<10112x16xf32, #tpu.memory_space<vmem_shared>>) offsets(%dma_start3A_55 : memref<128xi32, #tpu.memory_space<vmem>>) semaphore(%arg8 : memref<!tpu.dma_semaphore, #tpu.memory_space<semaphore_mem>>) {add = true}
      %scan3A_59 = arith.constant 0 : i32
      scf.yield %scan3A_59 : i32
    }
    %scan3A_24 = arith.constant 78 : i32
    %dma_start3A = arith.constant 0 : i32
    %dma_start3A_25 = arith.constant 0 : i32
    %dma_start3A_26 = tpu.memref_slice %arg5[%dma_start3A, %dma_start3A_25] : memref<128x16xf32, #tpu.memory_space<vmem>> -> memref<16x16xf32, #tpu.memory_space<vmem>>
    %dma_start3A_27 = arith.constant 9984 : i32
    %dma_start3A_28 = tpu.memref_slice %arg4[%dma_start3A_27] : memref<10000xi32, #tpu.memory_space<vmem>> -> memref<16xi32, #tpu.memory_space<vmem>>
    %dma_start3A_29 = arith.constant 0 : i32
    %dma_start3A_30 = arith.constant 0 : i32
    %dma_start3A_31 = tpu.memref_slice %arg7[%dma_start3A_29, %dma_start3A_30] : memref<10112x16xf32, #tpu.memory_space<vmem_shared>> -> memref<10112x16xf32, #tpu.memory_space<vmem_shared>>
    tpu.enqueue_indirect_dma source(%dma_start3A_26 : memref<16x16xf32, #tpu.memory_space<vmem>>) target(%dma_start3A_31 : memref<10112x16xf32, #tpu.memory_space<vmem_shared>>) offsets(%dma_start3A_28 : memref<16xi32, #tpu.memory_space<vmem>>) semaphore(%arg8 : memref<!tpu.dma_semaphore, #tpu.memory_space<semaphore_mem>>) {add = true}
    %scan3A_32 = arith.constant 0 : i32
    %scan3A_33 = arith.constant 0 : i32
    %scan3A_34 = arith.constant 78 : i32
    %scan3A_35 = arith.addi %scan3A_33, %scan3A_34 : i32
    %scan3A_36 = arith.constant 1 : i32
    %scan3A_37 = scf.for %scan3A_51 = %scan3A_33 to %scan3A_35 step %scan3A_36 iter_args(%scan3A_52 = %scan3A_32) -> (i32)  : i32 {
      %dma_wait3A_53 = arith.constant 0 : i32
      %dma_wait3A_54 = tpu.memref_slice %arg4[%dma_wait3A_53] : memref<10000xi32, #tpu.memory_space<vmem>> -> memref<128xi32, #tpu.memory_space<vmem>>
      %dma_wait3A_55 = arith.constant 0 : i32
      %dma_wait3A_56 = arith.constant 0 : i32
      %dma_wait3A_57 = tpu.memref_slice %arg7[%dma_wait3A_55, %dma_wait3A_56] : memref<10112x16xf32, #tpu.memory_space<vmem_shared>> -> memref<10112x16xf32, #tpu.memory_space<vmem_shared>>
      tpu.wait_indirect_dma semaphore(%arg8 : memref<!tpu.dma_semaphore, #tpu.memory_space<semaphore_mem>>) src(%arg5 : memref<128x16xf32, #tpu.memory_space<vmem>>) dst(%dma_wait3A_57 : memref<10112x16xf32, #tpu.memory_space<vmem_shared>>)
      %scan3A_58 = arith.constant 0 : i32
      scf.yield %scan3A_58 : i32
    }
    %scan3A_38 = arith.constant 78 : i32
    %dma_wait3A = arith.constant 0 : i32
    %dma_wait3A_39 = arith.constant 0 : i32
    %dma_wait3A_40 = tpu.memref_slice %arg5[%dma_wait3A, %dma_wait3A_39] : memref<128x16xf32, #tpu.memory_space<vmem>> -> memref<16x16xf32, #tpu.memory_space<vmem>>
    %dma_wait3A_41 = arith.constant 0 : i32
    %dma_wait3A_42 = tpu.memref_slice %arg4[%dma_wait3A_41] : memref<10000xi32, #tpu.memory_space<vmem>> -> memref<16xi32, #tpu.memory_space<vmem>>
    %dma_wait3A_43 = arith.constant 0 : i32
    %dma_wait3A_44 = arith.constant 0 : i32
    %dma_wait3A_45 = tpu.memref_slice %arg7[%dma_wait3A_43, %dma_wait3A_44] : memref<10112x16xf32, #tpu.memory_space<vmem_shared>> -> memref<10112x16xf32, #tpu.memory_space<vmem_shared>>
    tpu.wait_indirect_dma semaphore(%arg8 : memref<!tpu.dma_semaphore, #tpu.memory_space<semaphore_mem>>) src(%dma_wait3A_40 : memref<16x16xf32, #tpu.memory_space<vmem>>) dst(%dma_wait3A_45 : memref<10112x16xf32, #tpu.memory_space<vmem_shared>>)
    %barrier3A_46 = arith.constant 0 : index
    tpu.barrier barrier_id(%barrier3A_46)
    %mul3A_47 = arith.constant 632 : i32
    %mul3A_48 = arith.muli %arg1, %mul3A_47 : i32
    %mul3A_49 = arith.constant 632 : i32
    %mul3A_50 = arith.muli %arg1, %mul3A_49 : i32
    "tpu.region"() ({
      %run_scoped3A_51 = tpu.sem_alloc : memref<!tpu.dma_semaphore, #tpu.memory_space<semaphore_mem>>
      %dma_start3A_52 = arith.constant 0 : i32
      %dma_start3A_53 = tpu.memref_slice %arg3[%arg0, %mul3A_50, %dma_start3A_52] : memref<2x10112x16xf32, #tpu.memory_space<hbm>> -> memref<1x632x16xf32, #tpu.memory_space<hbm>>
      %dma_start3A_54 = tpu.memref_squeeze %dma_start3A_53 : memref<1x632x16xf32, #tpu.memory_space<hbm>> -> memref<632x16xf32, #tpu.memory_space<hbm>>
      %dma_start3A_55 = arith.constant 0 : i32
      %dma_start3A_56 = tpu.memref_slice %arg7[%mul3A_48, %dma_start3A_55] : memref<10112x16xf32, #tpu.memory_space<vmem_shared>> -> memref<632x16xf32, #tpu.memory_space<vmem_shared>>
      tpu.enqueue_dma source(%dma_start3A_56 : memref<632x16xf32, #tpu.memory_space<vmem_shared>>) target(%dma_start3A_54 : memref<632x16xf32, #tpu.memory_space<hbm>>) target_semaphore(%run_scoped3A_51 : memref<!tpu.dma_semaphore, #tpu.memory_space<semaphore_mem>>)
      %dma_wait3A_57 = arith.constant 0 : i32
      %dma_wait3A_58 = tpu.memref_slice %arg3[%arg0, %mul3A_50, %dma_wait3A_57] : memref<2x10112x16xf32, #tpu.memory_space<hbm>> -> memref<1x632x16xf32, #tpu.memory_space<hbm>>
      %dma_wait3A_59 = tpu.memref_squeeze %dma_wait3A_58 : memref<1x632x16xf32, #tpu.memory_space<hbm>> -> memref<632x16xf32, #tpu.memory_space<hbm>>
      %dma_wait3A_60 = arith.constant 0 : i32
      %dma_wait3A_61 = tpu.memref_slice %arg7[%mul3A_48, %dma_wait3A_60] : memref<10112x16xf32, #tpu.memory_space<vmem_shared>> -> memref<632x16xf32, #tpu.memory_space<vmem_shared>>
      tpu.wait_dma2 semaphore(%run_scoped3A_51 : memref<!tpu.dma_semaphore, #tpu.memory_space<semaphore_mem>>) src(%dma_wait3A_61 : memref<632x16xf32, #tpu.memory_space<vmem_shared>>) dst(%dma_wait3A_59 : memref<632x16xf32, #tpu.memory_space<hbm>>)
      tpu.yield
    }) : () -> ()
    return
  }
}

#map = affine_map<(d0, d1) -> (0, 0)>
#map1 = affine_map<(d0, d1) -> (0, 0, 0)>
module attributes {stable_mosaic.version = 14 : i64} {
  func.func @_scatter_kernel(%arg0: i32, %arg1: i32, %arg2: memref<10112x16xf32, #tpu.memory_space<hbm>>, %arg3: memref<2x320000xi32, #tpu.memory_space<hbm>>, %arg4: memref<2x10112x16xf32, #tpu.memory_space<hbm>>, %arg5: memref<10000xi32, #tpu.memory_space<vmem>>, %arg6: memref<10000xi32, #tpu.memory_space<vmem>>, %arg7: memref<2x13x128x16xf32, #tpu.memory_space<vmem>>, %arg8: memref<16x16xf32, #tpu.memory_space<vmem>>, %arg9: memref<632x16xf32, #tpu.memory_space<vmem>>, %arg10: memref<10112x16xf32, #tpu.memory_space<vmem_shared>>, %arg11: memref<10112x16xf32, #tpu.memory_space<vmem_shared>>, %arg12: memref<!tpu.dma_semaphore, #tpu.memory_space<semaphore_mem>>, %arg13: memref<!tpu.dma_semaphore, #tpu.memory_space<semaphore_mem>>, %arg14: memref<!tpu.dma_semaphore, #tpu.memory_space<semaphore_mem>>, %arg15: memref<!tpu.dma_semaphore, #tpu.memory_space<semaphore_mem>>) attributes {dimension_semantics = [#tpu.dimension_semantics<core_parallel>, #tpu.dimension_semantics<subcore_parallel>], iteration_bounds = array<i64: 2, 16>, scalar_prefetch = 0 : i64, scratch_operands = 11 : i64, tpu.core_type = #tpu.core_type<sc_vector_subcore>, window_params = [{transform_indices = #map}, {transform_indices = #map}, {transform_indices = #map1}]} {
    %mul3A = arith.constant 2 : i32
    %mul3A_0 = arith.muli %arg1, %mul3A : i32
    %add3A = arith.addi %mul3A_0, %arg0 : i32
    %mul3A_1 = arith.constant 10000 : i32
    %mul3A_2 = arith.muli %add3A, %mul3A_1 : i32
    %scan3A = arith.constant 0 : i32
    %scan3A_3 = arith.constant 0 : i32
    %scan3A_4 = arith.constant 632 : i32
    %scan3A_5 = arith.addi %scan3A_3, %scan3A_4 : i32
    %scan3A_6 = arith.constant 1 : i32
    %scan3A_7 = scf.for %scan3A_189 = %scan3A_3 to %scan3A_5 step %scan3A_6 iter_args(%scan3A_190 = %scan3A) -> (i32)  : i32 {
      %broadcast_in_dim3A = arith.constant 0.000000e+00 : f32
      %broadcast_in_dim3A_191 = vector.broadcast %broadcast_in_dim3A : f32 to vector<16xf32>
      %swap3A = arith.index_cast %scan3A_189 : i32 to index
      %swap3A_192 = arith.constant 0 : index
      %swap3A_193 = tpu.vector_load %arg9[%swap3A, %swap3A_192] {strides = array<i32>} : memref<632x16xf32, #tpu.memory_space<vmem>>, vector<1x16xf32>,
      %swap3A_194 = vector.shape_cast %swap3A_193 : vector<1x16xf32> to vector<16xf32>
      %swap3A_195 = vector.shape_cast %broadcast_in_dim3A_191 : vector<16xf32> to vector<1x16xf32>
      tpu.vector_store %arg9[%swap3A, %swap3A_192], %swap3A_195 {strides = array<i32>} : memref<632x16xf32, #tpu.memory_space<vmem>>, vector<1x16xf32>,
      %scan3A_196 = arith.constant 0 : i32
      scf.yield %scan3A_196 : i32
    }
    %scan3A_8 = arith.constant 632 : i32
    %mul3A_9 = arith.constant 632 : i32
    %mul3A_10 = arith.muli %arg1, %mul3A_9 : i32
    "tpu.region"() ({
      %run_scoped3A_189 = tpu.sem_alloc : memref<!tpu.dma_semaphore, #tpu.memory_space<semaphore_mem>>
      %dma_start3A_190 = arith.constant 0 : i32
      %dma_start3A_191 = tpu.memref_slice %arg10[%mul3A_10, %dma_start3A_190] : memref<10112x16xf32, #tpu.memory_space<vmem_shared>> -> memref<632x16xf32, #tpu.memory_space<vmem_shared>>
      %dma_start3A_192 = arith.constant 0 : i32
      %dma_start3A_193 = tpu.memref_slice %arg10[%mul3A_10, %dma_start3A_192] : memref<10112x16xf32, #tpu.memory_space<vmem_shared>> -> memref<632x16xf32, #tpu.memory_space<vmem_shared>>
      tpu.enqueue_dma source(%arg9 : memref<632x16xf32, #tpu.memory_space<vmem>>) target(%dma_start3A_193 : memref<632x16xf32, #tpu.memory_space<vmem_shared>>) target_semaphore(%run_scoped3A_189 : memref<!tpu.dma_semaphore, #tpu.memory_space<semaphore_mem>>)
      %dma_wait3A_194 = arith.constant 0 : i32
      %dma_wait3A_195 = tpu.memref_slice %arg10[%mul3A_10, %dma_wait3A_194] : memref<10112x16xf32, #tpu.memory_space<vmem_shared>> -> memref<632x16xf32, #tpu.memory_space<vmem_shared>>
      %dma_wait3A_196 = arith.constant 0 : i32
      %dma_wait3A_197 = tpu.memref_slice %arg10[%mul3A_10, %dma_wait3A_196] : memref<10112x16xf32, #tpu.memory_space<vmem_shared>> -> memref<632x16xf32, #tpu.memory_space<vmem_shared>>
      tpu.wait_dma2 semaphore(%run_scoped3A_189 : memref<!tpu.dma_semaphore, #tpu.memory_space<semaphore_mem>>) src(%arg9 : memref<632x16xf32, #tpu.memory_space<vmem>>) dst(%dma_wait3A_197 : memref<632x16xf32, #tpu.memory_space<vmem_shared>>)
      tpu.yield
    }) : () -> ()
    %mul3A_11 = arith.constant 632 : i32
    %mul3A_12 = arith.muli %arg1, %mul3A_11 : i32
    %mul3A_13 = arith.constant 632 : i32
    %mul3A_14 = arith.muli %arg1, %mul3A_13 : i32
    "tpu.region"() ({
      %run_scoped3A_189 = tpu.sem_alloc : memref<!tpu.dma_semaphore, #tpu.memory_space<semaphore_mem>>
      %dma_start3A_190 = arith.constant 0 : i32
      %dma_start3A_191 = tpu.memref_slice %arg11[%mul3A_14, %dma_start3A_190] : memref<10112x16xf32, #tpu.memory_space<vmem_shared>> -> memref<632x16xf32, #tpu.memory_space<vmem_shared>>
      %dma_start3A_192 = arith.constant 0 : i32
      %dma_start3A_193 = tpu.memref_slice %arg2[%mul3A_12, %dma_start3A_192] : memref<10112x16xf32, #tpu.memory_space<hbm>> -> memref<632x16xf32, #tpu.memory_space<hbm>>
      tpu.enqueue_dma source(%dma_start3A_193 : memref<632x16xf32, #tpu.memory_space<hbm>>) target(%dma_start3A_191 : memref<632x16xf32, #tpu.memory_space<vmem_shared>>) target_semaphore(%run_scoped3A_189 : memref<!tpu.dma_semaphore, #tpu.memory_space<semaphore_mem>>)
      %dma_wait3A_194 = arith.constant 0 : i32
      %dma_wait3A_195 = tpu.memref_slice %arg11[%mul3A_14, %dma_wait3A_194] : memref<10112x16xf32, #tpu.memory_space<vmem_shared>> -> memref<632x16xf32, #tpu.memory_space<vmem_shared>>
      %dma_wait3A_196 = arith.constant 0 : i32
      %dma_wait3A_197 = tpu.memref_slice %arg2[%mul3A_12, %dma_wait3A_196] : memref<10112x16xf32, #tpu.memory_space<hbm>> -> memref<632x16xf32, #tpu.memory_space<hbm>>
      tpu.wait_dma2 semaphore(%run_scoped3A_189 : memref<!tpu.dma_semaphore, #tpu.memory_space<semaphore_mem>>) src(%dma_wait3A_197 : memref<632x16xf32, #tpu.memory_space<hbm>>) dst(%dma_wait3A_195 : memref<632x16xf32, #tpu.memory_space<vmem_shared>>)
      tpu.yield
    }) : () -> ()
    %run_scoped3A = arith.constant 0 : i32
    "tpu.region"() ({
      %run_scoped3A_189 = tpu.sem_alloc : memref<!tpu.dma_semaphore, #tpu.memory_space<semaphore_mem>>
      %dma_start3A_190 = tpu.memref_slice %arg3[%run_scoped3A, %mul3A_2] : memref<2x320000xi32, #tpu.memory_space<hbm>> -> memref<1x10000xi32, #tpu.memory_space<hbm>>
      %dma_start3A_191 = tpu.memref_squeeze %dma_start3A_190 : memref<1x10000xi32, #tpu.memory_space<hbm>> -> memref<10000xi32, #tpu.memory_space<hbm>>
      %dma_start3A_192 = tpu.memref_slice %arg3[%run_scoped3A, %mul3A_2] : memref<2x320000xi32, #tpu.memory_space<hbm>> -> memref<1x10000xi32, #tpu.memory_space<hbm>>
      %dma_start3A_193 = tpu.memref_squeeze %dma_start3A_192 : memref<1x10000xi32, #tpu.memory_space<hbm>> -> memref<10000xi32, #tpu.memory_space<hbm>>
      tpu.enqueue_dma source(%dma_start3A_193 : memref<10000xi32, #tpu.memory_space<hbm>>) target(%arg5 : memref<10000xi32, #tpu.memory_space<vmem>>) target_semaphore(%run_scoped3A_189 : memref<!tpu.dma_semaphore, #tpu.memory_space<semaphore_mem>>)
      %dma_wait3A_194 = tpu.memref_slice %arg3[%run_scoped3A, %mul3A_2] : memref<2x320000xi32, #tpu.memory_space<hbm>> -> memref<1x10000xi32, #tpu.memory_space<hbm>>
      %dma_wait3A_195 = tpu.memref_squeeze %dma_wait3A_194 : memref<1x10000xi32, #tpu.memory_space<hbm>> -> memref<10000xi32, #tpu.memory_space<hbm>>
      %dma_wait3A_196 = tpu.memref_slice %arg3[%run_scoped3A, %mul3A_2] : memref<2x320000xi32, #tpu.memory_space<hbm>> -> memref<1x10000xi32, #tpu.memory_space<hbm>>
      %dma_wait3A_197 = tpu.memref_squeeze %dma_wait3A_196 : memref<1x10000xi32, #tpu.memory_space<hbm>> -> memref<10000xi32, #tpu.memory_space<hbm>>
      tpu.wait_dma2 semaphore(%run_scoped3A_189 : memref<!tpu.dma_semaphore, #tpu.memory_space<semaphore_mem>>) src(%dma_wait3A_197 : memref<10000xi32, #tpu.memory_space<hbm>>) dst(%arg5 : memref<10000xi32, #tpu.memory_space<vmem>>)
      tpu.yield
    }) : () -> ()
    %run_scoped3A_15 = arith.constant 1 : i32
    "tpu.region"() ({
      %run_scoped3A_189 = tpu.sem_alloc : memref<!tpu.dma_semaphore, #tpu.memory_space<semaphore_mem>>
      %dma_start3A_190 = tpu.memref_slice %arg3[%run_scoped3A_15, %mul3A_2] : memref<2x320000xi32, #tpu.memory_space<hbm>> -> memref<1x10000xi32, #tpu.memory_space<hbm>>
      %dma_start3A_191 = tpu.memref_squeeze %dma_start3A_190 : memref<1x10000xi32, #tpu.memory_space<hbm>> -> memref<10000xi32, #tpu.memory_space<hbm>>
      %dma_start3A_192 = tpu.memref_slice %arg3[%run_scoped3A_15, %mul3A_2] : memref<2x320000xi32, #tpu.memory_space<hbm>> -> memref<1x10000xi32, #tpu.memory_space<hbm>>
      %dma_start3A_193 = tpu.memref_squeeze %dma_start3A_192 : memref<1x10000xi32, #tpu.memory_space<hbm>> -> memref<10000xi32, #tpu.memory_space<hbm>>
      tpu.enqueue_dma source(%dma_start3A_193 : memref<10000xi32, #tpu.memory_space<hbm>>) target(%arg6 : memref<10000xi32, #tpu.memory_space<vmem>>) target_semaphore(%run_scoped3A_189 : memref<!tpu.dma_semaphore, #tpu.memory_space<semaphore_mem>>)
      %dma_wait3A_194 = tpu.memref_slice %arg3[%run_scoped3A_15, %mul3A_2] : memref<2x320000xi32, #tpu.memory_space<hbm>> -> memref<1x10000xi32, #tpu.memory_space<hbm>>
      %dma_wait3A_195 = tpu.memref_squeeze %dma_wait3A_194 : memref<1x10000xi32, #tpu.memory_space<hbm>> -> memref<10000xi32, #tpu.memory_space<hbm>>
      %dma_wait3A_196 = tpu.memref_slice %arg3[%run_scoped3A_15, %mul3A_2] : memref<2x320000xi32, #tpu.memory_space<hbm>> -> memref<1x10000xi32, #tpu.memory_space<hbm>>
      %dma_wait3A_197 = tpu.memref_squeeze %dma_wait3A_196 : memref<1x10000xi32, #tpu.memory_space<hbm>> -> memref<10000xi32, #tpu.memory_space<hbm>>
      tpu.wait_dma2 semaphore(%run_scoped3A_189 : memref<!tpu.dma_semaphore, #tpu.memory_space<semaphore_mem>>) src(%dma_wait3A_197 : memref<10000xi32, #tpu.memory_space<hbm>>) dst(%arg6 : memref<10000xi32, #tpu.memory_space<vmem>>)
      tpu.yield
    }) : () -> ()
    %barrier3A = arith.constant 0 : index
    tpu.barrier barrier_id(%barrier3A)
    %dma_start3A = arith.constant 0 : i32
    %dma_start3A_16 = arith.constant 0 : i32
    %dma_start3A_17 = arith.constant 0 : i32
    %dma_start3A_18 = arith.constant 0 : i32
    %dma_start3A_19 = tpu.memref_slice %arg7[%dma_start3A, %dma_start3A_16, %dma_start3A_17, %dma_start3A_18] : memref<2x13x128x16xf32, #tpu.memory_space<vmem>> -> memref<1x1x128x16xf32, #tpu.memory_space<vmem>>
    %dma_start3A_20 = tpu.memref_squeeze %dma_start3A_19 : memref<1x1x128x16xf32, #tpu.memory_space<vmem>> -> memref<128x16xf32, #tpu.memory_space<vmem>>
    %dma_start3A_21 = arith.constant 0 : i32
    %dma_start3A_22 = tpu.memref_slice %arg5[%dma_start3A_21] : memref<10000xi32, #tpu.memory_space<vmem>> -> memref<128xi32, #tpu.memory_space<vmem>>
    %dma_start3A_23 = arith.constant 0 : i32
    %dma_start3A_24 = arith.constant 0 : i32
    %dma_start3A_25 = tpu.memref_slice %arg11[%dma_start3A_23, %dma_start3A_24] : memref<10112x16xf32, #tpu.memory_space<vmem_shared>> -> memref<10112x16xf32, #tpu.memory_space<vmem_shared>>
    tpu.enqueue_indirect_dma source(%dma_start3A_25 : memref<10112x16xf32, #tpu.memory_space<vmem_shared>>) target(%dma_start3A_20 : memref<128x16xf32, #tpu.memory_space<vmem>>) offsets(%dma_start3A_22 : memref<128xi32, #tpu.memory_space<vmem>>) semaphore(%arg12 : memref<!tpu.dma_semaphore, #tpu.memory_space<semaphore_mem>>)
    %dma_start3A_26 = arith.constant 0 : i32
    %dma_start3A_27 = arith.constant 1 : i32
    %dma_start3A_28 = arith.constant 0 : i32
    %dma_start3A_29 = arith.constant 0 : i32
    %dma_start3A_30 = tpu.memref_slice %arg7[%dma_start3A_26, %dma_start3A_27, %dma_start3A_28, %dma_start3A_29] : memref<2x13x128x16xf32, #tpu.memory_space<vmem>> -> memref<1x1x128x16xf32, #tpu.memory_space<vmem>>
    %dma_start3A_31 = tpu.memref_squeeze %dma_start3A_30 : memref<1x1x128x16xf32, #tpu.memory_space<vmem>> -> memref<128x16xf32, #tpu.memory_space<vmem>>
    %dma_start3A_32 = arith.constant 128 : i32
    %dma_start3A_33 = tpu.memref_slice %arg5[%dma_start3A_32] : memref<10000xi32, #tpu.memory_space<vmem>> -> memref<128xi32, #tpu.memory_space<vmem>>
    %dma_start3A_34 = arith.constant 0 : i32
    %dma_start3A_35 = arith.constant 0 : i32
    %dma_start3A_36 = tpu.memref_slice %arg11[%dma_start3A_34, %dma_start3A_35] : memref<10112x16xf32, #tpu.memory_space<vmem_shared>> -> memref<10112x16xf32, #tpu.memory_space<vmem_shared>>
    tpu.enqueue_indirect_dma source(%dma_start3A_36 : memref<10112x16xf32, #tpu.memory_space<vmem_shared>>) target(%dma_start3A_31 : memref<128x16xf32, #tpu.memory_space<vmem>>) offsets(%dma_start3A_33 : memref<128xi32, #tpu.memory_space<vmem>>) semaphore(%arg12 : memref<!tpu.dma_semaphore, #tpu.memory_space<semaphore_mem>>)
    %dma_start3A_37 = arith.constant 0 : i32
    %dma_start3A_38 = arith.constant 2 : i32
    %dma_start3A_39 = arith.constant 0 : i32
    %dma_start3A_40 = arith.constant 0 : i32
    %dma_start3A_41 = tpu.memref_slice %arg7[%dma_start3A_37, %dma_start3A_38, %dma_start3A_39, %dma_start3A_40] : memref<2x13x128x16xf32, #tpu.memory_space<vmem>> -> memref<1x1x128x16xf32, #tpu.memory_space<vmem>>
    %dma_start3A_42 = tpu.memref_squeeze %dma_start3A_41 : memref<1x1x128x16xf32, #tpu.memory_space<vmem>> -> memref<128x16xf32, #tpu.memory_space<vmem>>
    %dma_start3A_43 = arith.constant 256 : i32
    %dma_start3A_44 = tpu.memref_slice %arg5[%dma_start3A_43] : memref<10000xi32, #tpu.memory_space<vmem>> -> memref<128xi32, #tpu.memory_space<vmem>>
    %dma_start3A_45 = arith.constant 0 : i32
    %dma_start3A_46 = arith.constant 0 : i32
    %dma_start3A_47 = tpu.memref_slice %arg11[%dma_start3A_45, %dma_start3A_46] : memref<10112x16xf32, #tpu.memory_space<vmem_shared>> -> memref<10112x16xf32, #tpu.memory_space<vmem_shared>>
    tpu.enqueue_indirect_dma source(%dma_start3A_47 : memref<10112x16xf32, #tpu.memory_space<vmem_shared>>) target(%dma_start3A_42 : memref<128x16xf32, #tpu.memory_space<vmem>>) offsets(%dma_start3A_44 : memref<128xi32, #tpu.memory_space<vmem>>) semaphore(%arg12 : memref<!tpu.dma_semaphore, #tpu.memory_space<semaphore_mem>>)
    %dma_start3A_48 = arith.constant 0 : i32
    %dma_start3A_49 = arith.constant 3 : i32
    %dma_start3A_50 = arith.constant 0 : i32
    %dma_start3A_51 = arith.constant 0 : i32
    %dma_start3A_52 = tpu.memref_slice %arg7[%dma_start3A_48, %dma_start3A_49, %dma_start3A_50, %dma_start3A_51] : memref<2x13x128x16xf32, #tpu.memory_space<vmem>> -> memref<1x1x128x16xf32, #tpu.memory_space<vmem>>
    %dma_start3A_53 = tpu.memref_squeeze %dma_start3A_52 : memref<1x1x128x16xf32, #tpu.memory_space<vmem>> -> memref<128x16xf32, #tpu.memory_space<vmem>>
    %dma_start3A_54 = arith.constant 384 : i32
    %dma_start3A_55 = tpu.memref_slice %arg5[%dma_start3A_54] : memref<10000xi32, #tpu.memory_space<vmem>> -> memref<128xi32, #tpu.memory_space<vmem>>
    %dma_start3A_56 = arith.constant 0 : i32
    %dma_start3A_57 = arith.constant 0 : i32
    %dma_start3A_58 = tpu.memref_slice %arg11[%dma_start3A_56, %dma_start3A_57] : memref<10112x16xf32, #tpu.memory_space<vmem_shared>> -> memref<10112x16xf32, #tpu.memory_space<vmem_shared>>
    tpu.enqueue_indirect_dma source(%dma_start3A_58 : memref<10112x16xf32, #tpu.memory_space<vmem_shared>>) target(%dma_start3A_53 : memref<128x16xf32, #tpu.memory_space<vmem>>) offsets(%dma_start3A_55 : memref<128xi32, #tpu.memory_space<vmem>>) semaphore(%arg12 : memref<!tpu.dma_semaphore, #tpu.memory_space<semaphore_mem>>)
    %dma_start3A_59 = arith.constant 0 : i32
    %dma_start3A_60 = arith.constant 4 : i32
    %dma_start3A_61 = arith.constant 0 : i32
    %dma_start3A_62 = arith.constant 0 : i32
    %dma_start3A_63 = tpu.memref_slice %arg7[%dma_start3A_59, %dma_start3A_60, %dma_start3A_61, %dma_start3A_62] : memref<2x13x128x16xf32, #tpu.memory_space<vmem>> -> memref<1x1x128x16xf32, #tpu.memory_space<vmem>>
    %dma_start3A_64 = tpu.memref_squeeze %dma_start3A_63 : memref<1x1x128x16xf32, #tpu.memory_space<vmem>> -> memref<128x16xf32, #tpu.memory_space<vmem>>
    %dma_start3A_65 = arith.constant 512 : i32
    %dma_start3A_66 = tpu.memref_slice %arg5[%dma_start3A_65] : memref<10000xi32, #tpu.memory_space<vmem>> -> memref<128xi32, #tpu.memory_space<vmem>>
    %dma_start3A_67 = arith.constant 0 : i32
    %dma_start3A_68 = arith.constant 0 : i32
    %dma_start3A_69 = tpu.memref_slice %arg11[%dma_start3A_67, %dma_start3A_68] : memref<10112x16xf32, #tpu.memory_space<vmem_shared>> -> memref<10112x16xf32, #tpu.memory_space<vmem_shared>>
    tpu.enqueue_indirect_dma source(%dma_start3A_69 : memref<10112x16xf32, #tpu.memory_space<vmem_shared>>) target(%dma_start3A_64 : memref<128x16xf32, #tpu.memory_space<vmem>>) offsets(%dma_start3A_66 : memref<128xi32, #tpu.memory_space<vmem>>) semaphore(%arg12 : memref<!tpu.dma_semaphore, #tpu.memory_space<semaphore_mem>>)
    %dma_start3A_70 = arith.constant 0 : i32
    %dma_start3A_71 = arith.constant 5 : i32
    %dma_start3A_72 = arith.constant 0 : i32
    %dma_start3A_73 = arith.constant 0 : i32
    %dma_start3A_74 = tpu.memref_slice %arg7[%dma_start3A_70, %dma_start3A_71, %dma_start3A_72, %dma_start3A_73] : memref<2x13x128x16xf32, #tpu.memory_space<vmem>> -> memref<1x1x128x16xf32, #tpu.memory_space<vmem>>
    %dma_start3A_75 = tpu.memref_squeeze %dma_start3A_74 : memref<1x1x128x16xf32, #tpu.memory_space<vmem>> -> memref<128x16xf32, #tpu.memory_space<vmem>>
    %dma_start3A_76 = arith.constant 640 : i32
    %dma_start3A_77 = tpu.memref_slice %arg5[%dma_start3A_76] : memref<10000xi32, #tpu.memory_space<vmem>> -> memref<128xi32, #tpu.memory_space<vmem>>
    %dma_start3A_78 = arith.constant 0 : i32
    %dma_start3A_79 = arith.constant 0 : i32
    %dma_start3A_80 = tpu.memref_slice %arg11[%dma_start3A_78, %dma_start3A_79] : memref<10112x16xf32, #tpu.memory_space<vmem_shared>> -> memref<10112x16xf32, #tpu.memory_space<vmem_shared>>
    tpu.enqueue_indirect_dma source(%dma_start3A_80 : memref<10112x16xf32, #tpu.memory_space<vmem_shared>>) target(%dma_start3A_75 : memref<128x16xf32, #tpu.memory_space<vmem>>) offsets(%dma_start3A_77 : memref<128xi32, #tpu.memory_space<vmem>>) semaphore(%arg12 : memref<!tpu.dma_semaphore, #tpu.memory_space<semaphore_mem>>)
    %dma_start3A_81 = arith.constant 0 : i32
    %dma_start3A_82 = arith.constant 6 : i32
    %dma_start3A_83 = arith.constant 0 : i32
    %dma_start3A_84 = arith.constant 0 : i32
    %dma_start3A_85 = tpu.memref_slice %arg7[%dma_start3A_81, %dma_start3A_82, %dma_start3A_83, %dma_start3A_84] : memref<2x13x128x16xf32, #tpu.memory_space<vmem>> -> memref<1x1x128x16xf32, #tpu.memory_space<vmem>>
    %dma_start3A_86 = tpu.memref_squeeze %dma_start3A_85 : memref<1x1x128x16xf32, #tpu.memory_space<vmem>> -> memref<128x16xf32, #tpu.memory_space<vmem>>
    %dma_start3A_87 = arith.constant 768 : i32
    %dma_start3A_88 = tpu.memref_slice %arg5[%dma_start3A_87] : memref<10000xi32, #tpu.memory_space<vmem>> -> memref<128xi32, #tpu.memory_space<vmem>>
    %dma_start3A_89 = arith.constant 0 : i32
    %dma_start3A_90 = arith.constant 0 : i32
    %dma_start3A_91 = tpu.memref_slice %arg11[%dma_start3A_89, %dma_start3A_90] : memref<10112x16xf32, #tpu.memory_space<vmem_shared>> -> memref<10112x16xf32, #tpu.memory_space<vmem_shared>>
    tpu.enqueue_indirect_dma source(%dma_start3A_91 : memref<10112x16xf32, #tpu.memory_space<vmem_shared>>) target(%dma_start3A_86 : memref<128x16xf32, #tpu.memory_space<vmem>>) offsets(%dma_start3A_88 : memref<128xi32, #tpu.memory_space<vmem>>) semaphore(%arg12 : memref<!tpu.dma_semaphore, #tpu.memory_space<semaphore_mem>>)
    %dma_start3A_92 = arith.constant 0 : i32
    %dma_start3A_93 = arith.constant 7 : i32
    %dma_start3A_94 = arith.constant 0 : i32
    %dma_start3A_95 = arith.constant 0 : i32
    %dma_start3A_96 = tpu.memref_slice %arg7[%dma_start3A_92, %dma_start3A_93, %dma_start3A_94, %dma_start3A_95] : memref<2x13x128x16xf32, #tpu.memory_space<vmem>> -> memref<1x1x128x16xf32, #tpu.memory_space<vmem>>
    %dma_start3A_97 = tpu.memref_squeeze %dma_start3A_96 : memref<1x1x128x16xf32, #tpu.memory_space<vmem>> -> memref<128x16xf32, #tpu.memory_space<vmem>>
    %dma_start3A_98 = arith.constant 896 : i32
    %dma_start3A_99 = tpu.memref_slice %arg5[%dma_start3A_98] : memref<10000xi32, #tpu.memory_space<vmem>> -> memref<128xi32, #tpu.memory_space<vmem>>
    %dma_start3A_100 = arith.constant 0 : i32
    %dma_start3A_101 = arith.constant 0 : i32
    %dma_start3A_102 = tpu.memref_slice %arg11[%dma_start3A_100, %dma_start3A_101] : memref<10112x16xf32, #tpu.memory_space<vmem_shared>> -> memref<10112x16xf32, #tpu.memory_space<vmem_shared>>
    tpu.enqueue_indirect_dma source(%dma_start3A_102 : memref<10112x16xf32, #tpu.memory_space<vmem_shared>>) target(%dma_start3A_97 : memref<128x16xf32, #tpu.memory_space<vmem>>) offsets(%dma_start3A_99 : memref<128xi32, #tpu.memory_space<vmem>>) semaphore(%arg12 : memref<!tpu.dma_semaphore, #tpu.memory_space<semaphore_mem>>)
    %dma_start3A_103 = arith.constant 0 : i32
    %dma_start3A_104 = arith.constant 8 : i32
    %dma_start3A_105 = arith.constant 0 : i32
    %dma_start3A_106 = arith.constant 0 : i32
    %dma_start3A_107 = tpu.memref_slice %arg7[%dma_start3A_103, %dma_start3A_104, %dma_start3A_105, %dma_start3A_106] : memref<2x13x128x16xf32, #tpu.memory_space<vmem>> -> memref<1x1x128x16xf32, #tpu.memory_space<vmem>>
    %dma_start3A_108 = tpu.memref_squeeze %dma_start3A_107 : memref<1x1x128x16xf32, #tpu.memory_space<vmem>> -> memref<128x16xf32, #tpu.memory_space<vmem>>
    %dma_start3A_109 = arith.constant 1024 : i32
    %dma_start3A_110 = tpu.memref_slice %arg5[%dma_start3A_109] : memref<10000xi32, #tpu.memory_space<vmem>> -> memref<128xi32, #tpu.memory_space<vmem>>
    %dma_start3A_111 = arith.constant 0 : i32
    %dma_start3A_112 = arith.constant 0 : i32
    %dma_start3A_113 = tpu.memref_slice %arg11[%dma_start3A_111, %dma_start3A_112] : memref<10112x16xf32, #tpu.memory_space<vmem_shared>> -> memref<10112x16xf32, #tpu.memory_space<vmem_shared>>
    tpu.enqueue_indirect_dma source(%dma_start3A_113 : memref<10112x16xf32, #tpu.memory_space<vmem_shared>>) target(%dma_start3A_108 : memref<128x16xf32, #tpu.memory_space<vmem>>) offsets(%dma_start3A_110 : memref<128xi32, #tpu.memory_space<vmem>>) semaphore(%arg12 : memref<!tpu.dma_semaphore, #tpu.memory_space<semaphore_mem>>)
    %dma_start3A_114 = arith.constant 0 : i32
    %dma_start3A_115 = arith.constant 9 : i32
    %dma_start3A_116 = arith.constant 0 : i32
    %dma_start3A_117 = arith.constant 0 : i32
    %dma_start3A_118 = tpu.memref_slice %arg7[%dma_start3A_114, %dma_start3A_115, %dma_start3A_116, %dma_start3A_117] : memref<2x13x128x16xf32, #tpu.memory_space<vmem>> -> memref<1x1x128x16xf32, #tpu.memory_space<vmem>>
    %dma_start3A_119 = tpu.memref_squeeze %dma_start3A_118 : memref<1x1x128x16xf32, #tpu.memory_space<vmem>> -> memref<128x16xf32, #tpu.memory_space<vmem>>
    %dma_start3A_120 = arith.constant 1152 : i32
    %dma_start3A_121 = tpu.memref_slice %arg5[%dma_start3A_120] : memref<10000xi32, #tpu.memory_space<vmem>> -> memref<128xi32, #tpu.memory_space<vmem>>
    %dma_start3A_122 = arith.constant 0 : i32
    %dma_start3A_123 = arith.constant 0 : i32
    %dma_start3A_124 = tpu.memref_slice %arg11[%dma_start3A_122, %dma_start3A_123] : memref<10112x16xf32, #tpu.memory_space<vmem_shared>> -> memref<10112x16xf32, #tpu.memory_space<vmem_shared>>
    tpu.enqueue_indirect_dma source(%dma_start3A_124 : memref<10112x16xf32, #tpu.memory_space<vmem_shared>>) target(%dma_start3A_119 : memref<128x16xf32, #tpu.memory_space<vmem>>) offsets(%dma_start3A_121 : memref<128xi32, #tpu.memory_space<vmem>>) semaphore(%arg12 : memref<!tpu.dma_semaphore, #tpu.memory_space<semaphore_mem>>)
    %dma_start3A_125 = arith.constant 0 : i32
    %dma_start3A_126 = arith.constant 10 : i32
    %dma_start3A_127 = arith.constant 0 : i32
    %dma_start3A_128 = arith.constant 0 : i32
    %dma_start3A_129 = tpu.memref_slice %arg7[%dma_start3A_125, %dma_start3A_126, %dma_start3A_127, %dma_start3A_128] : memref<2x13x128x16xf32, #tpu.memory_space<vmem>> -> memref<1x1x128x16xf32, #tpu.memory_space<vmem>>
    %dma_start3A_130 = tpu.memref_squeeze %dma_start3A_129 : memref<1x1x128x16xf32, #tpu.memory_space<vmem>> -> memref<128x16xf32, #tpu.memory_space<vmem>>
    %dma_start3A_131 = arith.constant 1280 : i32
    %dma_start3A_132 = tpu.memref_slice %arg5[%dma_start3A_131] : memref<10000xi32, #tpu.memory_space<vmem>> -> memref<128xi32, #tpu.memory_space<vmem>>
    %dma_start3A_133 = arith.constant 0 : i32
    %dma_start3A_134 = arith.constant 0 : i32
    %dma_start3A_135 = tpu.memref_slice %arg11[%dma_start3A_133, %dma_start3A_134] : memref<10112x16xf32, #tpu.memory_space<vmem_shared>> -> memref<10112x16xf32, #tpu.memory_space<vmem_shared>>
    tpu.enqueue_indirect_dma source(%dma_start3A_135 : memref<10112x16xf32, #tpu.memory_space<vmem_shared>>) target(%dma_start3A_130 : memref<128x16xf32, #tpu.memory_space<vmem>>) offsets(%dma_start3A_132 : memref<128xi32, #tpu.memory_space<vmem>>) semaphore(%arg12 : memref<!tpu.dma_semaphore, #tpu.memory_space<semaphore_mem>>)
    %dma_start3A_136 = arith.constant 0 : i32
    %dma_start3A_137 = arith.constant 11 : i32
    %dma_start3A_138 = arith.constant 0 : i32
    %dma_start3A_139 = arith.constant 0 : i32
    %dma_start3A_140 = tpu.memref_slice %arg7[%dma_start3A_136, %dma_start3A_137, %dma_start3A_138, %dma_start3A_139] : memref<2x13x128x16xf32, #tpu.memory_space<vmem>> -> memref<1x1x128x16xf32, #tpu.memory_space<vmem>>
    %dma_start3A_141 = tpu.memref_squeeze %dma_start3A_140 : memref<1x1x128x16xf32, #tpu.memory_space<vmem>> -> memref<128x16xf32, #tpu.memory_space<vmem>>
    %dma_start3A_142 = arith.constant 1408 : i32
    %dma_start3A_143 = tpu.memref_slice %arg5[%dma_start3A_142] : memref<10000xi32, #tpu.memory_space<vmem>> -> memref<128xi32, #tpu.memory_space<vmem>>
    %dma_start3A_144 = arith.constant 0 : i32
    %dma_start3A_145 = arith.constant 0 : i32
    %dma_start3A_146 = tpu.memref_slice %arg11[%dma_start3A_144, %dma_start3A_145] : memref<10112x16xf32, #tpu.memory_space<vmem_shared>> -> memref<10112x16xf32, #tpu.memory_space<vmem_shared>>
    tpu.enqueue_indirect_dma source(%dma_start3A_146 : memref<10112x16xf32, #tpu.memory_space<vmem_shared>>) target(%dma_start3A_141 : memref<128x16xf32, #tpu.memory_space<vmem>>) offsets(%dma_start3A_143 : memref<128xi32, #tpu.memory_space<vmem>>) semaphore(%arg12 : memref<!tpu.dma_semaphore, #tpu.memory_space<semaphore_mem>>)
    %dma_start3A_147 = arith.constant 0 : i32
    %dma_start3A_148 = arith.constant 12 : i32
    %dma_start3A_149 = arith.constant 0 : i32
    %dma_start3A_150 = arith.constant 0 : i32
    %dma_start3A_151 = tpu.memref_slice %arg7[%dma_start3A_147, %dma_start3A_148, %dma_start3A_149, %dma_start3A_150] : memref<2x13x128x16xf32, #tpu.memory_space<vmem>> -> memref<1x1x128x16xf32, #tpu.memory_space<vmem>>
    %dma_start3A_152 = tpu.memref_squeeze %dma_start3A_151 : memref<1x1x128x16xf32, #tpu.memory_space<vmem>> -> memref<128x16xf32, #tpu.memory_space<vmem>>
    %dma_start3A_153 = arith.constant 1536 : i32
    %dma_start3A_154 = tpu.memref_slice %arg5[%dma_start3A_153] : memref<10000xi32, #tpu.memory_space<vmem>> -> memref<128xi32, #tpu.memory_space<vmem>>
    %dma_start3A_155 = arith.constant 0 : i32
    %dma_start3A_156 = arith.constant 0 : i32
    %dma_start3A_157 = tpu.memref_slice %arg11[%dma_start3A_155, %dma_start3A_156] : memref<10112x16xf32, #tpu.memory_space<vmem_shared>> -> memref<10112x16xf32, #tpu.memory_space<vmem_shared>>
    tpu.enqueue_indirect_dma source(%dma_start3A_157 : memref<10112x16xf32, #tpu.memory_space<vmem_shared>>) target(%dma_start3A_152 : memref<128x16xf32, #tpu.memory_space<vmem>>) offsets(%dma_start3A_154 : memref<128xi32, #tpu.memory_space<vmem>>) semaphore(%arg12 : memref<!tpu.dma_semaphore, #tpu.memory_space<semaphore_mem>>)
    %scan3A_158 = arith.constant 0 : i32
    %scan3A_159 = arith.constant 0 : i32
    %scan3A_160 = arith.constant 3 : i32
    %scan3A_161 = arith.addi %scan3A_159, %scan3A_160 : i32
    %scan3A_162 = arith.constant 1 : i32
    %scan3A_163 = scf.for %scan3A_189 = %scan3A_159 to %scan3A_161 step %scan3A_162 iter_args(%scan3A_190 = %scan3A_158) -> (i32)  : i32 {
      %mul3A_191 = arith.constant 2 : i32
      %mul3A_192 = arith.muli %mul3A_191, %scan3A_189 : i32
      %add3A_193 = arith.constant 1 : i32
      %add3A_194 = arith.addi %mul3A_192, %add3A_193 : i32
      %mul3A_195 = arith.constant 13 : i32
      %mul3A_196 = arith.muli %add3A_194, %mul3A_195 : i32
      %add3A_197 = arith.constant 0 : i32
      %add3A_198 = arith.addi %mul3A_196, %add3A_197 : i32
      %mul3A_199 = arith.constant 128 : i32
      %mul3A_200 = arith.muli %add3A_198, %mul3A_199 : i32
      %dma_start3A_201 = arith.constant 1 : i32
      %dma_start3A_202 = arith.constant 0 : i32
      %dma_start3A_203 = arith.constant 0 : i32
      %dma_start3A_204 = arith.constant 0 : i32
      %dma_start3A_205 = tpu.memref_slice %arg7[%dma_start3A_201, %dma_start3A_202, %dma_start3A_203, %dma_start3A_204] : memref<2x13x128x16xf32, #tpu.memory_space<vmem>> -> memref<1x1x128x16xf32, #tpu.memory_space<vmem>>
      %dma_start3A_206 = tpu.memref_squeeze %dma_start3A_205 : memref<1x1x128x16xf32, #tpu.memory_space<vmem>> -> memref<128x16xf32, #tpu.memory_space<vmem>>
      %dma_start3A_207 = tpu.memref_slice %arg5[%mul3A_200] : memref<10000xi32, #tpu.memory_space<vmem>> -> memref<128xi32, #tpu.memory_space<vmem>>
      %dma_start3A_208 = arith.constant 0 : i32
      %dma_start3A_209 = arith.constant 0 : i32
      %dma_start3A_210 = tpu.memref_slice %arg11[%dma_start3A_208, %dma_start3A_209] : memref<10112x16xf32, #tpu.memory_space<vmem_shared>> -> memref<10112x16xf32, #tpu.memory_space<vmem_shared>>
      tpu.enqueue_indirect_dma source(%dma_start3A_210 : memref<10112x16xf32, #tpu.memory_space<vmem_shared>>) target(%dma_start3A_206 : memref<128x16xf32, #tpu.memory_space<vmem>>) offsets(%dma_start3A_207 : memref<128xi32, #tpu.memory_space<vmem>>) semaphore(%arg13 : memref<!tpu.dma_semaphore, #tpu.memory_space<semaphore_mem>>)
      %add3A_211 = arith.constant 1 : i32
      %add3A_212 = arith.addi %mul3A_196, %add3A_211 : i32
      %mul3A_213 = arith.constant 128 : i32
      %mul3A_214 = arith.muli %add3A_212, %mul3A_213 : i32
      %dma_start3A_215 = arith.constant 1 : i32
      %dma_start3A_216 = arith.constant 1 : i32
      %dma_start3A_217 = arith.constant 0 : i32
      %dma_start3A_218 = arith.constant 0 : i32
      %dma_start3A_219 = tpu.memref_slice %arg7[%dma_start3A_215, %dma_start3A_216, %dma_start3A_217, %dma_start3A_218] : memref<2x13x128x16xf32, #tpu.memory_space<vmem>> -> memref<1x1x128x16xf32, #tpu.memory_space<vmem>>
      %dma_start3A_220 = tpu.memref_squeeze %dma_start3A_219 : memref<1x1x128x16xf32, #tpu.memory_space<vmem>> -> memref<128x16xf32, #tpu.memory_space<vmem>>
      %dma_start3A_221 = tpu.memref_slice %arg5[%mul3A_214] : memref<10000xi32, #tpu.memory_space<vmem>> -> memref<128xi32, #tpu.memory_space<vmem>>
      %dma_start3A_222 = arith.constant 0 : i32
      %dma_start3A_223 = arith.constant 0 : i32
      %dma_start3A_224 = tpu.memref_slice %arg11[%dma_start3A_222, %dma_start3A_223] : memref<10112x16xf32, #tpu.memory_space<vmem_shared>> -> memref<10112x16xf32, #tpu.memory_space<vmem_shared>>
      tpu.enqueue_indirect_dma source(%dma_start3A_224 : memref<10112x16xf32, #tpu.memory_space<vmem_shared>>) target(%dma_start3A_220 : memref<128x16xf32, #tpu.memory_space<vmem>>) offsets(%dma_start3A_221 : memref<128xi32, #tpu.memory_space<vmem>>) semaphore(%arg13 : memref<!tpu.dma_semaphore, #tpu.memory_space<semaphore_mem>>)
      %add3A_225 = arith.constant 2 : i32
      %add3A_226 = arith.addi %mul3A_196, %add3A_225 : i32
      %mul3A_227 = arith.constant 128 : i32
      %mul3A_228 = arith.muli %add3A_226, %mul3A_227 : i32
      %dma_start3A_229 = arith.constant 1 : i32
      %dma_start3A_230 = arith.constant 2 : i32
      %dma_start3A_231 = arith.constant 0 : i32
      %dma_start3A_232 = arith.constant 0 : i32
      %dma_start3A_233 = tpu.memref_slice %arg7[%dma_start3A_229, %dma_start3A_230, %dma_start3A_231, %dma_start3A_232] : memref<2x13x128x16xf32, #tpu.memory_space<vmem>> -> memref<1x1x128x16xf32, #tpu.memory_space<vmem>>
      %dma_start3A_234 = tpu.memref_squeeze %dma_start3A_233 : memref<1x1x128x16xf32, #tpu.memory_space<vmem>> -> memref<128x16xf32, #tpu.memory_space<vmem>>
      %dma_start3A_235 = tpu.memref_slice %arg5[%mul3A_228] : memref<10000xi32, #tpu.memory_space<vmem>> -> memref<128xi32, #tpu.memory_space<vmem>>
      %dma_start3A_236 = arith.constant 0 : i32
      %dma_start3A_237 = arith.constant 0 : i32
      %dma_start3A_238 = tpu.memref_slice %arg11[%dma_start3A_236, %dma_start3A_237] : memref<10112x16xf32, #tpu.memory_space<vmem_shared>> -> memref<10112x16xf32, #tpu.memory_space<vmem_shared>>
      tpu.enqueue_indirect_dma source(%dma_start3A_238 : memref<10112x16xf32, #tpu.memory_space<vmem_shared>>) target(%dma_start3A_234 : memref<128x16xf32, #tpu.memory_space<vmem>>) offsets(%dma_start3A_235 : memref<128xi32, #tpu.memory_space<vmem>>) semaphore(%arg13 : memref<!tpu.dma_semaphore, #tpu.memory_space<semaphore_mem>>)
      %add3A_239 = arith.constant 3 : i32
      %add3A_240 = arith.addi %mul3A_196, %add3A_239 : i32
      %mul3A_241 = arith.constant 128 : i32
      %mul3A_242 = arith.muli %add3A_240, %mul3A_241 : i32
      %dma_start3A_243 = arith.constant 1 : i32
      %dma_start3A_244 = arith.constant 3 : i32
      %dma_start3A_245 = arith.constant 0 : i32
      %dma_start3A_246 = arith.constant 0 : i32
      %dma_start3A_247 = tpu.memref_slice %arg7[%dma_start3A_243, %dma_start3A_244, %dma_start3A_245, %dma_start3A_246] : memref<2x13x128x16xf32, #tpu.memory_space<vmem>> -> memref<1x1x128x16xf32, #tpu.memory_space<vmem>>
      %dma_start3A_248 = tpu.memref_squeeze %dma_start3A_247 : memref<1x1x128x16xf32, #tpu.memory_space<vmem>> -> memref<128x16xf32, #tpu.memory_space<vmem>>
      %dma_start3A_249 = tpu.memref_slice %arg5[%mul3A_242] : memref<10000xi32, #tpu.memory_space<vmem>> -> memref<128xi32, #tpu.memory_space<vmem>>
      %dma_start3A_250 = arith.constant 0 : i32
      %dma_start3A_251 = arith.constant 0 : i32
      %dma_start3A_252 = tpu.memref_slice %arg11[%dma_start3A_250, %dma_start3A_251] : memref<10112x16xf32, #tpu.memory_space<vmem_shared>> -> memref<10112x16xf32, #tpu.memory_space<vmem_shared>>
      tpu.enqueue_indirect_dma source(%dma_start3A_252 : memref<10112x16xf32, #tpu.memory_space<vmem_shared>>) target(%dma_start3A_248 : memref<128x16xf32, #tpu.memory_space<vmem>>) offsets(%dma_start3A_249 : memref<128xi32, #tpu.memory_space<vmem>>) semaphore(%arg13 : memref<!tpu.dma_semaphore, #tpu.memory_space<semaphore_mem>>)
      %add3A_253 = arith.constant 4 : i32
      %add3A_254 = arith.addi %mul3A_196, %add3A_253 : i32
      %mul3A_255 = arith.constant 128 : i32
      %mul3A_256 = arith.muli %add3A_254, %mul3A_255 : i32
      %dma_start3A_257 = arith.constant 1 : i32
      %dma_start3A_258 = arith.constant 4 : i32
      %dma_start3A_259 = arith.constant 0 : i32
      %dma_start3A_260 = arith.constant 0 : i32
      %dma_start3A_261 = tpu.memref_slice %arg7[%dma_start3A_257, %dma_start3A_258, %dma_start3A_259, %dma_start3A_260] : memref<2x13x128x16xf32, #tpu.memory_space<vmem>> -> memref<1x1x128x16xf32, #tpu.memory_space<vmem>>
      %dma_start3A_262 = tpu.memref_squeeze %dma_start3A_261 : memref<1x1x128x16xf32, #tpu.memory_space<vmem>> -> memref<128x16xf32, #tpu.memory_space<vmem>>
      %dma_start3A_263 = tpu.memref_slice %arg5[%mul3A_256] : memref<10000xi32, #tpu.memory_space<vmem>> -> memref<128xi32, #tpu.memory_space<vmem>>
      %dma_start3A_264 = arith.constant 0 : i32
      %dma_start3A_265 = arith.constant 0 : i32
      %dma_start3A_266 = tpu.memref_slice %arg11[%dma_start3A_264, %dma_start3A_265] : memref<10112x16xf32, #tpu.memory_space<vmem_shared>> -> memref<10112x16xf32, #tpu.memory_space<vmem_shared>>
      tpu.enqueue_indirect_dma source(%dma_start3A_266 : memref<10112x16xf32, #tpu.memory_space<vmem_shared>>) target(%dma_start3A_262 : memref<128x16xf32, #tpu.memory_space<vmem>>) offsets(%dma_start3A_263 : memref<128xi32, #tpu.memory_space<vmem>>) semaphore(%arg13 : memref<!tpu.dma_semaphore, #tpu.memory_space<semaphore_mem>>)
      %add3A_267 = arith.constant 5 : i32
      %add3A_268 = arith.addi %mul3A_196, %add3A_267 : i32
      %mul3A_269 = arith.constant 128 : i32
      %mul3A_270 = arith.muli %add3A_268, %mul3A_269 : i32
      %dma_start3A_271 = arith.constant 1 : i32
      %dma_start3A_272 = arith.constant 5 : i32
      %dma_start3A_273 = arith.constant 0 : i32
      %dma_start3A_274 = arith.constant 0 : i32
      %dma_start3A_275 = tpu.memref_slice %arg7[%dma_start3A_271, %dma_start3A_272, %dma_start3A_273, %dma_start3A_274] : memref<2x13x128x16xf32, #tpu.memory_space<vmem>> -> memref<1x1x128x16xf32, #tpu.memory_space<vmem>>
      %dma_start3A_276 = tpu.memref_squeeze %dma_start3A_275 : memref<1x1x128x16xf32, #tpu.memory_space<vmem>> -> memref<128x16xf32, #tpu.memory_space<vmem>>
      %dma_start3A_277 = tpu.memref_slice %arg5[%mul3A_270] : memref<10000xi32, #tpu.memory_space<vmem>> -> memref<128xi32, #tpu.memory_space<vmem>>
      %dma_start3A_278 = arith.constant 0 : i32
      %dma_start3A_279 = arith.constant 0 : i32
      %dma_start3A_280 = tpu.memref_slice %arg11[%dma_start3A_278, %dma_start3A_279] : memref<10112x16xf32, #tpu.memory_space<vmem_shared>> -> memref<10112x16xf32, #tpu.memory_space<vmem_shared>>
      tpu.enqueue_indirect_dma source(%dma_start3A_280 : memref<10112x16xf32, #tpu.memory_space<vmem_shared>>) target(%dma_start3A_276 : memref<128x16xf32, #tpu.memory_space<vmem>>) offsets(%dma_start3A_277 : memref<128xi32, #tpu.memory_space<vmem>>) semaphore(%arg13 : memref<!tpu.dma_semaphore, #tpu.memory_space<semaphore_mem>>)
      %add3A_281 = arith.constant 6 : i32
      %add3A_282 = arith.addi %mul3A_196, %add3A_281 : i32
      %mul3A_283 = arith.constant 128 : i32
      %mul3A_284 = arith.muli %add3A_282, %mul3A_283 : i32
      %dma_start3A_285 = arith.constant 1 : i32
      %dma_start3A_286 = arith.constant 6 : i32
      %dma_start3A_287 = arith.constant 0 : i32
      %dma_start3A_288 = arith.constant 0 : i32
      %dma_start3A_289 = tpu.memref_slice %arg7[%dma_start3A_285, %dma_start3A_286, %dma_start3A_287, %dma_start3A_288] : memref<2x13x128x16xf32, #tpu.memory_space<vmem>> -> memref<1x1x128x16xf32, #tpu.memory_space<vmem>>
      %dma_start3A_290 = tpu.memref_squeeze %dma_start3A_289 : memref<1x1x128x16xf32, #tpu.memory_space<vmem>> -> memref<128x16xf32, #tpu.memory_space<vmem>>
      %dma_start3A_291 = tpu.memref_slice %arg5[%mul3A_284] : memref<10000xi32, #tpu.memory_space<vmem>> -> memref<128xi32, #tpu.memory_space<vmem>>
      %dma_start3A_292 = arith.constant 0 : i32
      %dma_start3A_293 = arith.constant 0 : i32
      %dma_start3A_294 = tpu.memref_slice %arg11[%dma_start3A_292, %dma_start3A_293] : memref<10112x16xf32, #tpu.memory_space<vmem_shared>> -> memref<10112x16xf32, #tpu.memory_space<vmem_shared>>
      tpu.enqueue_indirect_dma source(%dma_start3A_294 : memref<10112x16xf32, #tpu.memory_space<vmem_shared>>) target(%dma_start3A_290 : memref<128x16xf32, #tpu.memory_space<vmem>>) offsets(%dma_start3A_291 : memref<128xi32, #tpu.memory_space<vmem>>) semaphore(%arg13 : memref<!tpu.dma_semaphore, #tpu.memory_space<semaphore_mem>>)
      %add3A_295 = arith.constant 7 : i32
      %add3A_296 = arith.addi %mul3A_196, %add3A_295 : i32
      %mul3A_297 = arith.constant 128 : i32
      %mul3A_298 = arith.muli %add3A_296, %mul3A_297 : i32
      %dma_start3A_299 = arith.constant 1 : i32
      %dma_start3A_300 = arith.constant 7 : i32
      %dma_start3A_301 = arith.constant 0 : i32
      %dma_start3A_302 = arith.constant 0 : i32
      %dma_start3A_303 = tpu.memref_slice %arg7[%dma_start3A_299, %dma_start3A_300, %dma_start3A_301, %dma_start3A_302] : memref<2x13x128x16xf32, #tpu.memory_space<vmem>> -> memref<1x1x128x16xf32, #tpu.memory_space<vmem>>
      %dma_start3A_304 = tpu.memref_squeeze %dma_start3A_303 : memref<1x1x128x16xf32, #tpu.memory_space<vmem>> -> memref<128x16xf32, #tpu.memory_space<vmem>>
      %dma_start3A_305 = tpu.memref_slice %arg5[%mul3A_298] : memref<10000xi32, #tpu.memory_space<vmem>> -> memref<128xi32, #tpu.memory_space<vmem>>
      %dma_start3A_306 = arith.constant 0 : i32
      %dma_start3A_307 = arith.constant 0 : i32
      %dma_start3A_308 = tpu.memref_slice %arg11[%dma_start3A_306, %dma_start3A_307] : memref<10112x16xf32, #tpu.memory_space<vmem_shared>> -> memref<10112x16xf32, #tpu.memory_space<vmem_shared>>
      tpu.enqueue_indirect_dma source(%dma_start3A_308 : memref<10112x16xf32, #tpu.memory_space<vmem_shared>>) target(%dma_start3A_304 : memref<128x16xf32, #tpu.memory_space<vmem>>) offsets(%dma_start3A_305 : memref<128xi32, #tpu.memory_space<vmem>>) semaphore(%arg13 : memref<!tpu.dma_semaphore, #tpu.memory_space<semaphore_mem>>)
      %add3A_309 = arith.constant 8 : i32
      %add3A_310 = arith.addi %mul3A_196, %add3A_309 : i32
      %mul3A_311 = arith.constant 128 : i32
      %mul3A_312 = arith.muli %add3A_310, %mul3A_311 : i32
      %dma_start3A_313 = arith.constant 1 : i32
      %dma_start3A_314 = arith.constant 8 : i32
      %dma_start3A_315 = arith.constant 0 : i32
      %dma_start3A_316 = arith.constant 0 : i32
      %dma_start3A_317 = tpu.memref_slice %arg7[%dma_start3A_313, %dma_start3A_314, %dma_start3A_315, %dma_start3A_316] : memref<2x13x128x16xf32, #tpu.memory_space<vmem>> -> memref<1x1x128x16xf32, #tpu.memory_space<vmem>>
      %dma_start3A_318 = tpu.memref_squeeze %dma_start3A_317 : memref<1x1x128x16xf32, #tpu.memory_space<vmem>> -> memref<128x16xf32, #tpu.memory_space<vmem>>
      %dma_start3A_319 = tpu.memref_slice %arg5[%mul3A_312] : memref<10000xi32, #tpu.memory_space<vmem>> -> memref<128xi32, #tpu.memory_space<vmem>>
      %dma_start3A_320 = arith.constant 0 : i32
      %dma_start3A_321 = arith.constant 0 : i32
      %dma_start3A_322 = tpu.memref_slice %arg11[%dma_start3A_320, %dma_start3A_321] : memref<10112x16xf32, #tpu.memory_space<vmem_shared>> -> memref<10112x16xf32, #tpu.memory_space<vmem_shared>>
      tpu.enqueue_indirect_dma source(%dma_start3A_322 : memref<10112x16xf32, #tpu.memory_space<vmem_shared>>) target(%dma_start3A_318 : memref<128x16xf32, #tpu.memory_space<vmem>>) offsets(%dma_start3A_319 : memref<128xi32, #tpu.memory_space<vmem>>) semaphore(%arg13 : memref<!tpu.dma_semaphore, #tpu.memory_space<semaphore_mem>>)
      %add3A_323 = arith.constant 9 : i32
      %add3A_324 = arith.addi %mul3A_196, %add3A_323 : i32
      %mul3A_325 = arith.constant 128 : i32
      %mul3A_326 = arith.muli %add3A_324, %mul3A_325 : i32
      %dma_start3A_327 = arith.constant 1 : i32
      %dma_start3A_328 = arith.constant 9 : i32
      %dma_start3A_329 = arith.constant 0 : i32
      %dma_start3A_330 = arith.constant 0 : i32
      %dma_start3A_331 = tpu.memref_slice %arg7[%dma_start3A_327, %dma_start3A_328, %dma_start3A_329, %dma_start3A_330] : memref<2x13x128x16xf32, #tpu.memory_space<vmem>> -> memref<1x1x128x16xf32, #tpu.memory_space<vmem>>
      %dma_start3A_332 = tpu.memref_squeeze %dma_start3A_331 : memref<1x1x128x16xf32, #tpu.memory_space<vmem>> -> memref<128x16xf32, #tpu.memory_space<vmem>>
      %dma_start3A_333 = tpu.memref_slice %arg5[%mul3A_326] : memref<10000xi32, #tpu.memory_space<vmem>> -> memref<128xi32, #tpu.memory_space<vmem>>
      %dma_start3A_334 = arith.constant 0 : i32
      %dma_start3A_335 = arith.constant 0 : i32
      %dma_start3A_336 = tpu.memref_slice %arg11[%dma_start3A_334, %dma_start3A_335] : memref<10112x16xf32, #tpu.memory_space<vmem_shared>> -> memref<10112x16xf32, #tpu.memory_space<vmem_shared>>
      tpu.enqueue_indirect_dma source(%dma_start3A_336 : memref<10112x16xf32, #tpu.memory_space<vmem_shared>>) target(%dma_start3A_332 : memref<128x16xf32, #tpu.memory_space<vmem>>) offsets(%dma_start3A_333 : memref<128xi32, #tpu.memory_space<vmem>>) semaphore(%arg13 : memref<!tpu.dma_semaphore, #tpu.memory_space<semaphore_mem>>)
      %add3A_337 = arith.constant 10 : i32
      %add3A_338 = arith.addi %mul3A_196, %add3A_337 : i32
      %mul3A_339 = arith.constant 128 : i32
      %mul3A_340 = arith.muli %add3A_338, %mul3A_339 : i32
      %dma_start3A_341 = arith.constant 1 : i32
      %dma_start3A_342 = arith.constant 10 : i32
      %dma_start3A_343 = arith.constant 0 : i32
      %dma_start3A_344 = arith.constant 0 : i32
      %dma_start3A_345 = tpu.memref_slice %arg7[%dma_start3A_341, %dma_start3A_342, %dma_start3A_343, %dma_start3A_344] : memref<2x13x128x16xf32, #tpu.memory_space<vmem>> -> memref<1x1x128x16xf32, #tpu.memory_space<vmem>>
      %dma_start3A_346 = tpu.memref_squeeze %dma_start3A_345 : memref<1x1x128x16xf32, #tpu.memory_space<vmem>> -> memref<128x16xf32, #tpu.memory_space<vmem>>
      %dma_start3A_347 = tpu.memref_slice %arg5[%mul3A_340] : memref<10000xi32, #tpu.memory_space<vmem>> -> memref<128xi32, #tpu.memory_space<vmem>>
      %dma_start3A_348 = arith.constant 0 : i32
      %dma_start3A_349 = arith.constant 0 : i32
      %dma_start3A_350 = tpu.memref_slice %arg11[%dma_start3A_348, %dma_start3A_349] : memref<10112x16xf32, #tpu.memory_space<vmem_shared>> -> memref<10112x16xf32, #tpu.memory_space<vmem_shared>>
      tpu.enqueue_indirect_dma source(%dma_start3A_350 : memref<10112x16xf32, #tpu.memory_space<vmem_shared>>) target(%dma_start3A_346 : memref<128x16xf32, #tpu.memory_space<vmem>>) offsets(%dma_start3A_347 : memref<128xi32, #tpu.memory_space<vmem>>) semaphore(%arg13 : memref<!tpu.dma_semaphore, #tpu.memory_space<semaphore_mem>>)
      %add3A_351 = arith.constant 11 : i32
      %add3A_352 = arith.addi %mul3A_196, %add3A_351 : i32
      %mul3A_353 = arith.constant 128 : i32
      %mul3A_354 = arith.muli %add3A_352, %mul3A_353 : i32
      %dma_start3A_355 = arith.constant 1 : i32
      %dma_start3A_356 = arith.constant 11 : i32
      %dma_start3A_357 = arith.constant 0 : i32
      %dma_start3A_358 = arith.constant 0 : i32
      %dma_start3A_359 = tpu.memref_slice %arg7[%dma_start3A_355, %dma_start3A_356, %dma_start3A_357, %dma_start3A_358] : memref<2x13x128x16xf32, #tpu.memory_space<vmem>> -> memref<1x1x128x16xf32, #tpu.memory_space<vmem>>
      %dma_start3A_360 = tpu.memref_squeeze %dma_start3A_359 : memref<1x1x128x16xf32, #tpu.memory_space<vmem>> -> memref<128x16xf32, #tpu.memory_space<vmem>>
      %dma_start3A_361 = tpu.memref_slice %arg5[%mul3A_354] : memref<10000xi32, #tpu.memory_space<vmem>> -> memref<128xi32, #tpu.memory_space<vmem>>
      %dma_start3A_362 = arith.constant 0 : i32
      %dma_start3A_363 = arith.constant 0 : i32
      %dma_start3A_364 = tpu.memref_slice %arg11[%dma_start3A_362, %dma_start3A_363] : memref<10112x16xf32, #tpu.memory_space<vmem_shared>> -> memref<10112x16xf32, #tpu.memory_space<vmem_shared>>
      tpu.enqueue_indirect_dma source(%dma_start3A_364 : memref<10112x16xf32, #tpu.memory_space<vmem_shared>>) target(%dma_start3A_360 : memref<128x16xf32, #tpu.memory_space<vmem>>) offsets(%dma_start3A_361 : memref<128xi32, #tpu.memory_space<vmem>>) semaphore(%arg13 : memref<!tpu.dma_semaphore, #tpu.memory_space<semaphore_mem>>)
      %add3A_365 = arith.constant 12 : i32
      %add3A_366 = arith.addi %mul3A_196, %add3A_365 : i32
      %mul3A_367 = arith.constant 128 : i32
      %mul3A_368 = arith.muli %add3A_366, %mul3A_367 : i32
      %dma_start3A_369 = arith.constant 1 : i32
      %dma_start3A_370 = arith.constant 12 : i32
      %dma_start3A_371 = arith.constant 0 : i32
      %dma_start3A_372 = arith.constant 0 : i32
      %dma_start3A_373 = tpu.memref_slice %arg7[%dma_start3A_369, %dma_start3A_370, %dma_start3A_371, %dma_start3A_372] : memref<2x13x128x16xf32, #tpu.memory_space<vmem>> -> memref<1x1x128x16xf32, #tpu.memory_space<vmem>>
      %dma_start3A_374 = tpu.memref_squeeze %dma_start3A_373 : memref<1x1x128x16xf32, #tpu.memory_space<vmem>> -> memref<128x16xf32, #tpu.memory_space<vmem>>
      %dma_start3A_375 = tpu.memref_slice %arg5[%mul3A_368] : memref<10000xi32, #tpu.memory_space<vmem>> -> memref<128xi32, #tpu.memory_space<vmem>>
      %dma_start3A_376 = arith.constant 0 : i32
      %dma_start3A_377 = arith.constant 0 : i32
      %dma_start3A_378 = tpu.memref_slice %arg11[%dma_start3A_376, %dma_start3A_377] : memref<10112x16xf32, #tpu.memory_space<vmem_shared>> -> memref<10112x16xf32, #tpu.memory_space<vmem_shared>>
      tpu.enqueue_indirect_dma source(%dma_start3A_378 : memref<10112x16xf32, #tpu.memory_space<vmem_shared>>) target(%dma_start3A_374 : memref<128x16xf32, #tpu.memory_space<vmem>>) offsets(%dma_start3A_375 : memref<128xi32, #tpu.memory_space<vmem>>) semaphore(%arg13 : memref<!tpu.dma_semaphore, #tpu.memory_space<semaphore_mem>>)
      %mul3A_379 = arith.constant 13 : i32
      %mul3A_380 = arith.muli %mul3A_192, %mul3A_379 : i32
      %add3A_381 = arith.constant 0 : i32
      %add3A_382 = arith.addi %mul3A_380, %add3A_381 : i32
      %mul3A_383 = arith.constant 128 : i32
      %mul3A_384 = arith.muli %add3A_382, %mul3A_383 : i32
      %dma_wait3A_385 = arith.constant 0 : i32
      %dma_wait3A_386 = arith.constant 0 : i32
      %dma_wait3A_387 = arith.constant 0 : i32
      %dma_wait3A_388 = arith.constant 0 : i32
      %dma_wait3A_389 = tpu.memref_slice %arg7[%dma_wait3A_385, %dma_wait3A_386, %dma_wait3A_387, %dma_wait3A_388] : memref<2x13x128x16xf32, #tpu.memory_space<vmem>> -> memref<1x1x128x16xf32, #tpu.memory_space<vmem>>
      %dma_wait3A_390 = tpu.memref_squeeze %dma_wait3A_389 : memref<1x1x128x16xf32, #tpu.memory_space<vmem>> -> memref<128x16xf32, #tpu.memory_space<vmem>>
      %dma_wait3A_391 = tpu.memref_slice %arg5[%mul3A_384] : memref<10000xi32, #tpu.memory_space<vmem>> -> memref<128xi32, #tpu.memory_space<vmem>>
      %dma_wait3A_392 = arith.constant 0 : i32
      %dma_wait3A_393 = arith.constant 0 : i32
      %dma_wait3A_394 = tpu.memref_slice %arg11[%dma_wait3A_392, %dma_wait3A_393] : memref<10112x16xf32, #tpu.memory_space<vmem_shared>> -> memref<10112x16xf32, #tpu.memory_space<vmem_shared>>
      tpu.wait_indirect_dma semaphore(%arg12 : memref<!tpu.dma_semaphore, #tpu.memory_space<semaphore_mem>>) src(%dma_wait3A_394 : memref<10112x16xf32, #tpu.memory_space<vmem_shared>>) dst(%dma_wait3A_390 : memref<128x16xf32, #tpu.memory_space<vmem>>)
      %add3A_395 = arith.constant 1 : i32
      %add3A_396 = arith.addi %mul3A_380, %add3A_395 : i32
      %mul3A_397 = arith.constant 128 : i32
      %mul3A_398 = arith.muli %add3A_396, %mul3A_397 : i32
      %dma_wait3A_399 = arith.constant 0 : i32
      %dma_wait3A_400 = arith.constant 1 : i32
      %dma_wait3A_401 = arith.constant 0 : i32
      %dma_wait3A_402 = arith.constant 0 : i32
      %dma_wait3A_403 = tpu.memref_slice %arg7[%dma_wait3A_399, %dma_wait3A_400, %dma_wait3A_401, %dma_wait3A_402] : memref<2x13x128x16xf32, #tpu.memory_space<vmem>> -> memref<1x1x128x16xf32, #tpu.memory_space<vmem>>
      %dma_wait3A_404 = tpu.memref_squeeze %dma_wait3A_403 : memref<1x1x128x16xf32, #tpu.memory_space<vmem>> -> memref<128x16xf32, #tpu.memory_space<vmem>>
      %dma_wait3A_405 = tpu.memref_slice %arg5[%mul3A_398] : memref<10000xi32, #tpu.memory_space<vmem>> -> memref<128xi32, #tpu.memory_space<vmem>>
      %dma_wait3A_406 = arith.constant 0 : i32
      %dma_wait3A_407 = arith.constant 0 : i32
      %dma_wait3A_408 = tpu.memref_slice %arg11[%dma_wait3A_406, %dma_wait3A_407] : memref<10112x16xf32, #tpu.memory_space<vmem_shared>> -> memref<10112x16xf32, #tpu.memory_space<vmem_shared>>
      tpu.wait_indirect_dma semaphore(%arg12 : memref<!tpu.dma_semaphore, #tpu.memory_space<semaphore_mem>>) src(%dma_wait3A_408 : memref<10112x16xf32, #tpu.memory_space<vmem_shared>>) dst(%dma_wait3A_404 : memref<128x16xf32, #tpu.memory_space<vmem>>)
      %add3A_409 = arith.constant 2 : i32
      %add3A_410 = arith.addi %mul3A_380, %add3A_409 : i32
      %mul3A_411 = arith.constant 128 : i32
      %mul3A_412 = arith.muli %add3A_410, %mul3A_411 : i32
      %dma_wait3A_413 = arith.constant 0 : i32
      %dma_wait3A_414 = arith.constant 2 : i32
      %dma_wait3A_415 = arith.constant 0 : i32
      %dma_wait3A_416 = arith.constant 0 : i32
      %dma_wait3A_417 = tpu.memref_slice %arg7[%dma_wait3A_413, %dma_wait3A_414, %dma_wait3A_415, %dma_wait3A_416] : memref<2x13x128x16xf32, #tpu.memory_space<vmem>> -> memref<1x1x128x16xf32, #tpu.memory_space<vmem>>
      %dma_wait3A_418 = tpu.memref_squeeze %dma_wait3A_417 : memref<1x1x128x16xf32, #tpu.memory_space<vmem>> -> memref<128x16xf32, #tpu.memory_space<vmem>>
      %dma_wait3A_419 = tpu.memref_slice %arg5[%mul3A_412] : memref<10000xi32, #tpu.memory_space<vmem>> -> memref<128xi32, #tpu.memory_space<vmem>>
      %dma_wait3A_420 = arith.constant 0 : i32
      %dma_wait3A_421 = arith.constant 0 : i32
      %dma_wait3A_422 = tpu.memref_slice %arg11[%dma_wait3A_420, %dma_wait3A_421] : memref<10112x16xf32, #tpu.memory_space<vmem_shared>> -> memref<10112x16xf32, #tpu.memory_space<vmem_shared>>
      tpu.wait_indirect_dma semaphore(%arg12 : memref<!tpu.dma_semaphore, #tpu.memory_space<semaphore_mem>>) src(%dma_wait3A_422 : memref<10112x16xf32, #tpu.memory_space<vmem_shared>>) dst(%dma_wait3A_418 : memref<128x16xf32, #tpu.memory_space<vmem>>)
      %add3A_423 = arith.constant 3 : i32
      %add3A_424 = arith.addi %mul3A_380, %add3A_423 : i32
      %mul3A_425 = arith.constant 128 : i32
      %mul3A_426 = arith.muli %add3A_424, %mul3A_425 : i32
      %dma_wait3A_427 = arith.constant 0 : i32
      %dma_wait3A_428 = arith.constant 3 : i32
      %dma_wait3A_429 = arith.constant 0 : i32
      %dma_wait3A_430 = arith.constant 0 : i32
      %dma_wait3A_431 = tpu.memref_slice %arg7[%dma_wait3A_427, %dma_wait3A_428, %dma_wait3A_429, %dma_wait3A_430] : memref<2x13x128x16xf32, #tpu.memory_space<vmem>> -> memref<1x1x128x16xf32, #tpu.memory_space<vmem>>
      %dma_wait3A_432 = tpu.memref_squeeze %dma_wait3A_431 : memref<1x1x128x16xf32, #tpu.memory_space<vmem>> -> memref<128x16xf32, #tpu.memory_space<vmem>>
      %dma_wait3A_433 = tpu.memref_slice %arg5[%mul3A_426] : memref<10000xi32, #tpu.memory_space<vmem>> -> memref<128xi32, #tpu.memory_space<vmem>>
      %dma_wait3A_434 = arith.constant 0 : i32
      %dma_wait3A_435 = arith.constant 0 : i32
      %dma_wait3A_436 = tpu.memref_slice %arg11[%dma_wait3A_434, %dma_wait3A_435] : memref<10112x16xf32, #tpu.memory_space<vmem_shared>> -> memref<10112x16xf32, #tpu.memory_space<vmem_shared>>
      tpu.wait_indirect_dma semaphore(%arg12 : memref<!tpu.dma_semaphore, #tpu.memory_space<semaphore_mem>>) src(%dma_wait3A_436 : memref<10112x16xf32, #tpu.memory_space<vmem_shared>>) dst(%dma_wait3A_432 : memref<128x16xf32, #tpu.memory_space<vmem>>)
      %add3A_437 = arith.constant 4 : i32
      %add3A_438 = arith.addi %mul3A_380, %add3A_437 : i32
      %mul3A_439 = arith.constant 128 : i32
      %mul3A_440 = arith.muli %add3A_438, %mul3A_439 : i32
      %dma_wait3A_441 = arith.constant 0 : i32
      %dma_wait3A_442 = arith.constant 4 : i32
      %dma_wait3A_443 = arith.constant 0 : i32
      %dma_wait3A_444 = arith.constant 0 : i32
      %dma_wait3A_445 = tpu.memref_slice %arg7[%dma_wait3A_441, %dma_wait3A_442, %dma_wait3A_443, %dma_wait3A_444] : memref<2x13x128x16xf32, #tpu.memory_space<vmem>> -> memref<1x1x128x16xf32, #tpu.memory_space<vmem>>
      %dma_wait3A_446 = tpu.memref_squeeze %dma_wait3A_445 : memref<1x1x128x16xf32, #tpu.memory_space<vmem>> -> memref<128x16xf32, #tpu.memory_space<vmem>>
      %dma_wait3A_447 = tpu.memref_slice %arg5[%mul3A_440] : memref<10000xi32, #tpu.memory_space<vmem>> -> memref<128xi32, #tpu.memory_space<vmem>>
      %dma_wait3A_448 = arith.constant 0 : i32
      %dma_wait3A_449 = arith.constant 0 : i32
      %dma_wait3A_450 = tpu.memref_slice %arg11[%dma_wait3A_448, %dma_wait3A_449] : memref<10112x16xf32, #tpu.memory_space<vmem_shared>> -> memref<10112x16xf32, #tpu.memory_space<vmem_shared>>
      tpu.wait_indirect_dma semaphore(%arg12 : memref<!tpu.dma_semaphore, #tpu.memory_space<semaphore_mem>>) src(%dma_wait3A_450 : memref<10112x16xf32, #tpu.memory_space<vmem_shared>>) dst(%dma_wait3A_446 : memref<128x16xf32, #tpu.memory_space<vmem>>)
      %add3A_451 = arith.constant 5 : i32
      %add3A_452 = arith.addi %mul3A_380, %add3A_451 : i32
      %mul3A_453 = arith.constant 128 : i32
      %mul3A_454 = arith.muli %add3A_452, %mul3A_453 : i32
      %dma_wait3A_455 = arith.constant 0 : i32
      %dma_wait3A_456 = arith.constant 5 : i32
      %dma_wait3A_457 = arith.constant 0 : i32
      %dma_wait3A_458 = arith.constant 0 : i32
      %dma_wait3A_459 = tpu.memref_slice %arg7[%dma_wait3A_455, %dma_wait3A_456, %dma_wait3A_457, %dma_wait3A_458] : memref<2x13x128x16xf32, #tpu.memory_space<vmem>> -> memref<1x1x128x16xf32, #tpu.memory_space<vmem>>
      %dma_wait3A_460 = tpu.memref_squeeze %dma_wait3A_459 : memref<1x1x128x16xf32, #tpu.memory_space<vmem>> -> memref<128x16xf32, #tpu.memory_space<vmem>>
      %dma_wait3A_461 = tpu.memref_slice %arg5[%mul3A_454] : memref<10000xi32, #tpu.memory_space<vmem>> -> memref<128xi32, #tpu.memory_space<vmem>>
      %dma_wait3A_462 = arith.constant 0 : i32
      %dma_wait3A_463 = arith.constant 0 : i32
      %dma_wait3A_464 = tpu.memref_slice %arg11[%dma_wait3A_462, %dma_wait3A_463] : memref<10112x16xf32, #tpu.memory_space<vmem_shared>> -> memref<10112x16xf32, #tpu.memory_space<vmem_shared>>
      tpu.wait_indirect_dma semaphore(%arg12 : memref<!tpu.dma_semaphore, #tpu.memory_space<semaphore_mem>>) src(%dma_wait3A_464 : memref<10112x16xf32, #tpu.memory_space<vmem_shared>>) dst(%dma_wait3A_460 : memref<128x16xf32, #tpu.memory_space<vmem>>)
      %add3A_465 = arith.constant 6 : i32
      %add3A_466 = arith.addi %mul3A_380, %add3A_465 : i32
      %mul3A_467 = arith.constant 128 : i32
      %mul3A_468 = arith.muli %add3A_466, %mul3A_467 : i32
      %dma_wait3A_469 = arith.constant 0 : i32
      %dma_wait3A_470 = arith.constant 6 : i32
      %dma_wait3A_471 = arith.constant 0 : i32
      %dma_wait3A_472 = arith.constant 0 : i32
      %dma_wait3A_473 = tpu.memref_slice %arg7[%dma_wait3A_469, %dma_wait3A_470, %dma_wait3A_471, %dma_wait3A_472] : memref<2x13x128x16xf32, #tpu.memory_space<vmem>> -> memref<1x1x128x16xf32, #tpu.memory_space<vmem>>
      %dma_wait3A_474 = tpu.memref_squeeze %dma_wait3A_473 : memref<1x1x128x16xf32, #tpu.memory_space<vmem>> -> memref<128x16xf32, #tpu.memory_space<vmem>>
      %dma_wait3A_475 = tpu.memref_slice %arg5[%mul3A_468] : memref<10000xi32, #tpu.memory_space<vmem>> -> memref<128xi32, #tpu.memory_space<vmem>>
      %dma_wait3A_476 = arith.constant 0 : i32
      %dma_wait3A_477 = arith.constant 0 : i32
      %dma_wait3A_478 = tpu.memref_slice %arg11[%dma_wait3A_476, %dma_wait3A_477] : memref<10112x16xf32, #tpu.memory_space<vmem_shared>> -> memref<10112x16xf32, #tpu.memory_space<vmem_shared>>
      tpu.wait_indirect_dma semaphore(%arg12 : memref<!tpu.dma_semaphore, #tpu.memory_space<semaphore_mem>>) src(%dma_wait3A_478 : memref<10112x16xf32, #tpu.memory_space<vmem_shared>>) dst(%dma_wait3A_474 : memref<128x16xf32, #tpu.memory_space<vmem>>)
      %add3A_479 = arith.constant 7 : i32
      %add3A_480 = arith.addi %mul3A_380, %add3A_479 : i32
      %mul3A_481 = arith.constant 128 : i32
      %mul3A_482 = arith.muli %add3A_480, %mul3A_481 : i32
      %dma_wait3A_483 = arith.constant 0 : i32
      %dma_wait3A_484 = arith.constant 7 : i32
      %dma_wait3A_485 = arith.constant 0 : i32
      %dma_wait3A_486 = arith.constant 0 : i32
      %dma_wait3A_487 = tpu.memref_slice %arg7[%dma_wait3A_483, %dma_wait3A_484, %dma_wait3A_485, %dma_wait3A_486] : memref<2x13x128x16xf32, #tpu.memory_space<vmem>> -> memref<1x1x128x16xf32, #tpu.memory_space<vmem>>
      %dma_wait3A_488 = tpu.memref_squeeze %dma_wait3A_487 : memref<1x1x128x16xf32, #tpu.memory_space<vmem>> -> memref<128x16xf32, #tpu.memory_space<vmem>>
      %dma_wait3A_489 = tpu.memref_slice %arg5[%mul3A_482] : memref<10000xi32, #tpu.memory_space<vmem>> -> memref<128xi32, #tpu.memory_space<vmem>>
      %dma_wait3A_490 = arith.constant 0 : i32
      %dma_wait3A_491 = arith.constant 0 : i32
      %dma_wait3A_492 = tpu.memref_slice %arg11[%dma_wait3A_490, %dma_wait3A_491] : memref<10112x16xf32, #tpu.memory_space<vmem_shared>> -> memref<10112x16xf32, #tpu.memory_space<vmem_shared>>
      tpu.wait_indirect_dma semaphore(%arg12 : memref<!tpu.dma_semaphore, #tpu.memory_space<semaphore_mem>>) src(%dma_wait3A_492 : memref<10112x16xf32, #tpu.memory_space<vmem_shared>>) dst(%dma_wait3A_488 : memref<128x16xf32, #tpu.memory_space<vmem>>)
      %add3A_493 = arith.constant 8 : i32
      %add3A_494 = arith.addi %mul3A_380, %add3A_493 : i32
      %mul3A_495 = arith.constant 128 : i32
      %mul3A_496 = arith.muli %add3A_494, %mul3A_495 : i32
      %dma_wait3A_497 = arith.constant 0 : i32
      %dma_wait3A_498 = arith.constant 8 : i32
      %dma_wait3A_499 = arith.constant 0 : i32
      %dma_wait3A_500 = arith.constant 0 : i32
      %dma_wait3A_501 = tpu.memref_slice %arg7[%dma_wait3A_497, %dma_wait3A_498, %dma_wait3A_499, %dma_wait3A_500] : memref<2x13x128x16xf32, #tpu.memory_space<vmem>> -> memref<1x1x128x16xf32, #tpu.memory_space<vmem>>
      %dma_wait3A_502 = tpu.memref_squeeze %dma_wait3A_501 : memref<1x1x128x16xf32, #tpu.memory_space<vmem>> -> memref<128x16xf32, #tpu.memory_space<vmem>>
      %dma_wait3A_503 = tpu.memref_slice %arg5[%mul3A_496] : memref<10000xi32, #tpu.memory_space<vmem>> -> memref<128xi32, #tpu.memory_space<vmem>>
      %dma_wait3A_504 = arith.constant 0 : i32
      %dma_wait3A_505 = arith.constant 0 : i32
      %dma_wait3A_506 = tpu.memref_slice %arg11[%dma_wait3A_504, %dma_wait3A_505] : memref<10112x16xf32, #tpu.memory_space<vmem_shared>> -> memref<10112x16xf32, #tpu.memory_space<vmem_shared>>
      tpu.wait_indirect_dma semaphore(%arg12 : memref<!tpu.dma_semaphore, #tpu.memory_space<semaphore_mem>>) src(%dma_wait3A_506 : memref<10112x16xf32, #tpu.memory_space<vmem_shared>>) dst(%dma_wait3A_502 : memref<128x16xf32, #tpu.memory_space<vmem>>)
      %add3A_507 = arith.constant 9 : i32
      %add3A_508 = arith.addi %mul3A_380, %add3A_507 : i32
      %mul3A_509 = arith.constant 128 : i32
      %mul3A_510 = arith.muli %add3A_508, %mul3A_509 : i32
      %dma_wait3A_511 = arith.constant 0 : i32
      %dma_wait3A_512 = arith.constant 9 : i32
      %dma_wait3A_513 = arith.constant 0 : i32
      %dma_wait3A_514 = arith.constant 0 : i32
      %dma_wait3A_515 = tpu.memref_slice %arg7[%dma_wait3A_511, %dma_wait3A_512, %dma_wait3A_513, %dma_wait3A_514] : memref<2x13x128x16xf32, #tpu.memory_space<vmem>> -> memref<1x1x128x16xf32, #tpu.memory_space<vmem>>
      %dma_wait3A_516 = tpu.memref_squeeze %dma_wait3A_515 : memref<1x1x128x16xf32, #tpu.memory_space<vmem>> -> memref<128x16xf32, #tpu.memory_space<vmem>>
      %dma_wait3A_517 = tpu.memref_slice %arg5[%mul3A_510] : memref<10000xi32, #tpu.memory_space<vmem>> -> memref<128xi32, #tpu.memory_space<vmem>>
      %dma_wait3A_518 = arith.constant 0 : i32
      %dma_wait3A_519 = arith.constant 0 : i32
      %dma_wait3A_520 = tpu.memref_slice %arg11[%dma_wait3A_518, %dma_wait3A_519] : memref<10112x16xf32, #tpu.memory_space<vmem_shared>> -> memref<10112x16xf32, #tpu.memory_space<vmem_shared>>
      tpu.wait_indirect_dma semaphore(%arg12 : memref<!tpu.dma_semaphore, #tpu.memory_space<semaphore_mem>>) src(%dma_wait3A_520 : memref<10112x16xf32, #tpu.memory_space<vmem_shared>>) dst(%dma_wait3A_516 : memref<128x16xf32, #tpu.memory_space<vmem>>)
      %add3A_521 = arith.constant 10 : i32
      %add3A_522 = arith.addi %mul3A_380, %add3A_521 : i32
      %mul3A_523 = arith.constant 128 : i32
      %mul3A_524 = arith.muli %add3A_522, %mul3A_523 : i32
      %dma_wait3A_525 = arith.constant 0 : i32
      %dma_wait3A_526 = arith.constant 10 : i32
      %dma_wait3A_527 = arith.constant 0 : i32
      %dma_wait3A_528 = arith.constant 0 : i32
      %dma_wait3A_529 = tpu.memref_slice %arg7[%dma_wait3A_525, %dma_wait3A_526, %dma_wait3A_527, %dma_wait3A_528] : memref<2x13x128x16xf32, #tpu.memory_space<vmem>> -> memref<1x1x128x16xf32, #tpu.memory_space<vmem>>
      %dma_wait3A_530 = tpu.memref_squeeze %dma_wait3A_529 : memref<1x1x128x16xf32, #tpu.memory_space<vmem>> -> memref<128x16xf32, #tpu.memory_space<vmem>>
      %dma_wait3A_531 = tpu.memref_slice %arg5[%mul3A_524] : memref<10000xi32, #tpu.memory_space<vmem>> -> memref<128xi32, #tpu.memory_space<vmem>>
      %dma_wait3A_532 = arith.constant 0 : i32
      %dma_wait3A_533 = arith.constant 0 : i32
      %dma_wait3A_534 = tpu.memref_slice %arg11[%dma_wait3A_532, %dma_wait3A_533] : memref<10112x16xf32, #tpu.memory_space<vmem_shared>> -> memref<10112x16xf32, #tpu.memory_space<vmem_shared>>
      tpu.wait_indirect_dma semaphore(%arg12 : memref<!tpu.dma_semaphore, #tpu.memory_space<semaphore_mem>>) src(%dma_wait3A_534 : memref<10112x16xf32, #tpu.memory_space<vmem_shared>>) dst(%dma_wait3A_530 : memref<128x16xf32, #tpu.memory_space<vmem>>)
      %add3A_535 = arith.constant 11 : i32
      %add3A_536 = arith.addi %mul3A_380, %add3A_535 : i32
      %mul3A_537 = arith.constant 128 : i32
      %mul3A_538 = arith.muli %add3A_536, %mul3A_537 : i32
      %dma_wait3A_539 = arith.constant 0 : i32
      %dma_wait3A_540 = arith.constant 11 : i32
      %dma_wait3A_541 = arith.constant 0 : i32
      %dma_wait3A_542 = arith.constant 0 : i32
      %dma_wait3A_543 = tpu.memref_slice %arg7[%dma_wait3A_539, %dma_wait3A_540, %dma_wait3A_541, %dma_wait3A_542] : memref<2x13x128x16xf32, #tpu.memory_space<vmem>> -> memref<1x1x128x16xf32, #tpu.memory_space<vmem>>
      %dma_wait3A_544 = tpu.memref_squeeze %dma_wait3A_543 : memref<1x1x128x16xf32, #tpu.memory_space<vmem>> -> memref<128x16xf32, #tpu.memory_space<vmem>>
      %dma_wait3A_545 = tpu.memref_slice %arg5[%mul3A_538] : memref<10000xi32, #tpu.memory_space<vmem>> -> memref<128xi32, #tpu.memory_space<vmem>>
      %dma_wait3A_546 = arith.constant 0 : i32
      %dma_wait3A_547 = arith.constant 0 : i32
      %dma_wait3A_548 = tpu.memref_slice %arg11[%dma_wait3A_546, %dma_wait3A_547] : memref<10112x16xf32, #tpu.memory_space<vmem_shared>> -> memref<10112x16xf32, #tpu.memory_space<vmem_shared>>
      tpu.wait_indirect_dma semaphore(%arg12 : memref<!tpu.dma_semaphore, #tpu.memory_space<semaphore_mem>>) src(%dma_wait3A_548 : memref<10112x16xf32, #tpu.memory_space<vmem_shared>>) dst(%dma_wait3A_544 : memref<128x16xf32, #tpu.memory_space<vmem>>)
      %add3A_549 = arith.constant 12 : i32
      %add3A_550 = arith.addi %mul3A_380, %add3A_549 : i32
      %mul3A_551 = arith.constant 128 : i32
      %mul3A_552 = arith.muli %add3A_550, %mul3A_551 : i32
      %dma_wait3A_553 = arith.constant 0 : i32
      %dma_wait3A_554 = arith.constant 12 : i32
      %dma_wait3A_555 = arith.constant 0 : i32
      %dma_wait3A_556 = arith.constant 0 : i32
      %dma_wait3A_557 = tpu.memref_slice %arg7[%dma_wait3A_553, %dma_wait3A_554, %dma_wait3A_555, %dma_wait3A_556] : memref<2x13x128x16xf32, #tpu.memory_space<vmem>> -> memref<1x1x128x16xf32, #tpu.memory_space<vmem>>
      %dma_wait3A_558 = tpu.memref_squeeze %dma_wait3A_557 : memref<1x1x128x16xf32, #tpu.memory_space<vmem>> -> memref<128x16xf32, #tpu.memory_space<vmem>>
      %dma_wait3A_559 = tpu.memref_slice %arg5[%mul3A_552] : memref<10000xi32, #tpu.memory_space<vmem>> -> memref<128xi32, #tpu.memory_space<vmem>>
      %dma_wait3A_560 = arith.constant 0 : i32
      %dma_wait3A_561 = arith.constant 0 : i32
      %dma_wait3A_562 = tpu.memref_slice %arg11[%dma_wait3A_560, %dma_wait3A_561] : memref<10112x16xf32, #tpu.memory_space<vmem_shared>> -> memref<10112x16xf32, #tpu.memory_space<vmem_shared>>
      tpu.wait_indirect_dma semaphore(%arg12 : memref<!tpu.dma_semaphore, #tpu.memory_space<semaphore_mem>>) src(%dma_wait3A_562 : memref<10112x16xf32, #tpu.memory_space<vmem_shared>>) dst(%dma_wait3A_558 : memref<128x16xf32, #tpu.memory_space<vmem>>)
      %mul3A_563 = arith.constant 13 : i32
      %mul3A_564 = arith.muli %mul3A_192, %mul3A_563 : i32
      %add3A_565 = arith.constant 0 : i32
      %add3A_566 = arith.addi %mul3A_564, %add3A_565 : i32
      %mul3A_567 = arith.constant 128 : i32
      %mul3A_568 = arith.muli %add3A_566, %mul3A_567 : i32
      %dma_start3A_569 = arith.constant 0 : i32
      %dma_start3A_570 = arith.constant 0 : i32
      %dma_start3A_571 = arith.constant 0 : i32
      %dma_start3A_572 = arith.constant 0 : i32
      %dma_start3A_573 = tpu.memref_slice %arg7[%dma_start3A_569, %dma_start3A_570, %dma_start3A_571, %dma_start3A_572] : memref<2x13x128x16xf32, #tpu.memory_space<vmem>> -> memref<1x1x128x16xf32, #tpu.memory_space<vmem>>
      %dma_start3A_574 = tpu.memref_squeeze %dma_start3A_573 : memref<1x1x128x16xf32, #tpu.memory_space<vmem>> -> memref<128x16xf32, #tpu.memory_space<vmem>>
      %dma_start3A_575 = tpu.memref_slice %arg6[%mul3A_568] : memref<10000xi32, #tpu.memory_space<vmem>> -> memref<128xi32, #tpu.memory_space<vmem>>
      %dma_start3A_576 = arith.constant 0 : i32
      %dma_start3A_577 = arith.constant 0 : i32
      %dma_start3A_578 = tpu.memref_slice %arg10[%dma_start3A_576, %dma_start3A_577] : memref<10112x16xf32, #tpu.memory_space<vmem_shared>> -> memref<10112x16xf32, #tpu.memory_space<vmem_shared>>
      tpu.enqueue_indirect_dma source(%dma_start3A_574 : memref<128x16xf32, #tpu.memory_space<vmem>>) target(%dma_start3A_578 : memref<10112x16xf32, #tpu.memory_space<vmem_shared>>) offsets(%dma_start3A_575 : memref<128xi32, #tpu.memory_space<vmem>>) semaphore(%arg14 : memref<!tpu.dma_semaphore, #tpu.memory_space<semaphore_mem>>) {add = true}
      %add3A_579 = arith.constant 1 : i32
      %add3A_580 = arith.addi %mul3A_564, %add3A_579 : i32
      %mul3A_581 = arith.constant 128 : i32
      %mul3A_582 = arith.muli %add3A_580, %mul3A_581 : i32
      %dma_start3A_583 = arith.constant 0 : i32
      %dma_start3A_584 = arith.constant 1 : i32
      %dma_start3A_585 = arith.constant 0 : i32
      %dma_start3A_586 = arith.constant 0 : i32
      %dma_start3A_587 = tpu.memref_slice %arg7[%dma_start3A_583, %dma_start3A_584, %dma_start3A_585, %dma_start3A_586] : memref<2x13x128x16xf32, #tpu.memory_space<vmem>> -> memref<1x1x128x16xf32, #tpu.memory_space<vmem>>
      %dma_start3A_588 = tpu.memref_squeeze %dma_start3A_587 : memref<1x1x128x16xf32, #tpu.memory_space<vmem>> -> memref<128x16xf32, #tpu.memory_space<vmem>>
      %dma_start3A_589 = tpu.memref_slice %arg6[%mul3A_582] : memref<10000xi32, #tpu.memory_space<vmem>> -> memref<128xi32, #tpu.memory_space<vmem>>
      %dma_start3A_590 = arith.constant 0 : i32
      %dma_start3A_591 = arith.constant 0 : i32
      %dma_start3A_592 = tpu.memref_slice %arg10[%dma_start3A_590, %dma_start3A_591] : memref<10112x16xf32, #tpu.memory_space<vmem_shared>> -> memref<10112x16xf32, #tpu.memory_space<vmem_shared>>
      tpu.enqueue_indirect_dma source(%dma_start3A_588 : memref<128x16xf32, #tpu.memory_space<vmem>>) target(%dma_start3A_592 : memref<10112x16xf32, #tpu.memory_space<vmem_shared>>) offsets(%dma_start3A_589 : memref<128xi32, #tpu.memory_space<vmem>>) semaphore(%arg14 : memref<!tpu.dma_semaphore, #tpu.memory_space<semaphore_mem>>) {add = true}
      %add3A_593 = arith.constant 2 : i32
      %add3A_594 = arith.addi %mul3A_564, %add3A_593 : i32
      %mul3A_595 = arith.constant 128 : i32
      %mul3A_596 = arith.muli %add3A_594, %mul3A_595 : i32
      %dma_start3A_597 = arith.constant 0 : i32
      %dma_start3A_598 = arith.constant 2 : i32
      %dma_start3A_599 = arith.constant 0 : i32
      %dma_start3A_600 = arith.constant 0 : i32
      %dma_start3A_601 = tpu.memref_slice %arg7[%dma_start3A_597, %dma_start3A_598, %dma_start3A_599, %dma_start3A_600] : memref<2x13x128x16xf32, #tpu.memory_space<vmem>> -> memref<1x1x128x16xf32, #tpu.memory_space<vmem>>
      %dma_start3A_602 = tpu.memref_squeeze %dma_start3A_601 : memref<1x1x128x16xf32, #tpu.memory_space<vmem>> -> memref<128x16xf32, #tpu.memory_space<vmem>>
      %dma_start3A_603 = tpu.memref_slice %arg6[%mul3A_596] : memref<10000xi32, #tpu.memory_space<vmem>> -> memref<128xi32, #tpu.memory_space<vmem>>
      %dma_start3A_604 = arith.constant 0 : i32
      %dma_start3A_605 = arith.constant 0 : i32
      %dma_start3A_606 = tpu.memref_slice %arg10[%dma_start3A_604, %dma_start3A_605] : memref<10112x16xf32, #tpu.memory_space<vmem_shared>> -> memref<10112x16xf32, #tpu.memory_space<vmem_shared>>
      tpu.enqueue_indirect_dma source(%dma_start3A_602 : memref<128x16xf32, #tpu.memory_space<vmem>>) target(%dma_start3A_606 : memref<10112x16xf32, #tpu.memory_space<vmem_shared>>) offsets(%dma_start3A_603 : memref<128xi32, #tpu.memory_space<vmem>>) semaphore(%arg14 : memref<!tpu.dma_semaphore, #tpu.memory_space<semaphore_mem>>) {add = true}
      %add3A_607 = arith.constant 3 : i32
      %add3A_608 = arith.addi %mul3A_564, %add3A_607 : i32
      %mul3A_609 = arith.constant 128 : i32
      %mul3A_610 = arith.muli %add3A_608, %mul3A_609 : i32
      %dma_start3A_611 = arith.constant 0 : i32
      %dma_start3A_612 = arith.constant 3 : i32
      %dma_start3A_613 = arith.constant 0 : i32
      %dma_start3A_614 = arith.constant 0 : i32
      %dma_start3A_615 = tpu.memref_slice %arg7[%dma_start3A_611, %dma_start3A_612, %dma_start3A_613, %dma_start3A_614] : memref<2x13x128x16xf32, #tpu.memory_space<vmem>> -> memref<1x1x128x16xf32, #tpu.memory_space<vmem>>
      %dma_start3A_616 = tpu.memref_squeeze %dma_start3A_615 : memref<1x1x128x16xf32, #tpu.memory_space<vmem>> -> memref<128x16xf32, #tpu.memory_space<vmem>>
      %dma_start3A_617 = tpu.memref_slice %arg6[%mul3A_610] : memref<10000xi32, #tpu.memory_space<vmem>> -> memref<128xi32, #tpu.memory_space<vmem>>
      %dma_start3A_618 = arith.constant 0 : i32
      %dma_start3A_619 = arith.constant 0 : i32
      %dma_start3A_620 = tpu.memref_slice %arg10[%dma_start3A_618, %dma_start3A_619] : memref<10112x16xf32, #tpu.memory_space<vmem_shared>> -> memref<10112x16xf32, #tpu.memory_space<vmem_shared>>
      tpu.enqueue_indirect_dma source(%dma_start3A_616 : memref<128x16xf32, #tpu.memory_space<vmem>>) target(%dma_start3A_620 : memref<10112x16xf32, #tpu.memory_space<vmem_shared>>) offsets(%dma_start3A_617 : memref<128xi32, #tpu.memory_space<vmem>>) semaphore(%arg14 : memref<!tpu.dma_semaphore, #tpu.memory_space<semaphore_mem>>) {add = true}
      %add3A_621 = arith.constant 4 : i32
      %add3A_622 = arith.addi %mul3A_564, %add3A_621 : i32
      %mul3A_623 = arith.constant 128 : i32
      %mul3A_624 = arith.muli %add3A_622, %mul3A_623 : i32
      %dma_start3A_625 = arith.constant 0 : i32
      %dma_start3A_626 = arith.constant 4 : i32
      %dma_start3A_627 = arith.constant 0 : i32
      %dma_start3A_628 = arith.constant 0 : i32
      %dma_start3A_629 = tpu.memref_slice %arg7[%dma_start3A_625, %dma_start3A_626, %dma_start3A_627, %dma_start3A_628] : memref<2x13x128x16xf32, #tpu.memory_space<vmem>> -> memref<1x1x128x16xf32, #tpu.memory_space<vmem>>
      %dma_start3A_630 = tpu.memref_squeeze %dma_start3A_629 : memref<1x1x128x16xf32, #tpu.memory_space<vmem>> -> memref<128x16xf32, #tpu.memory_space<vmem>>
      %dma_start3A_631 = tpu.memref_slice %arg6[%mul3A_624] : memref<10000xi32, #tpu.memory_space<vmem>> -> memref<128xi32, #tpu.memory_space<vmem>>
      %dma_start3A_632 = arith.constant 0 : i32
      %dma_start3A_633 = arith.constant 0 : i32
      %dma_start3A_634 = tpu.memref_slice %arg10[%dma_start3A_632, %dma_start3A_633] : memref<10112x16xf32, #tpu.memory_space<vmem_shared>> -> memref<10112x16xf32, #tpu.memory_space<vmem_shared>>
      tpu.enqueue_indirect_dma source(%dma_start3A_630 : memref<128x16xf32, #tpu.memory_space<vmem>>) target(%dma_start3A_634 : memref<10112x16xf32, #tpu.memory_space<vmem_shared>>) offsets(%dma_start3A_631 : memref<128xi32, #tpu.memory_space<vmem>>) semaphore(%arg14 : memref<!tpu.dma_semaphore, #tpu.memory_space<semaphore_mem>>) {add = true}
      %add3A_635 = arith.constant 5 : i32
      %add3A_636 = arith.addi %mul3A_564, %add3A_635 : i32
      %mul3A_637 = arith.constant 128 : i32
      %mul3A_638 = arith.muli %add3A_636, %mul3A_637 : i32
      %dma_start3A_639 = arith.constant 0 : i32
      %dma_start3A_640 = arith.constant 5 : i32
      %dma_start3A_641 = arith.constant 0 : i32
      %dma_start3A_642 = arith.constant 0 : i32
      %dma_start3A_643 = tpu.memref_slice %arg7[%dma_start3A_639, %dma_start3A_640, %dma_start3A_641, %dma_start3A_642] : memref<2x13x128x16xf32, #tpu.memory_space<vmem>> -> memref<1x1x128x16xf32, #tpu.memory_space<vmem>>
      %dma_start3A_644 = tpu.memref_squeeze %dma_start3A_643 : memref<1x1x128x16xf32, #tpu.memory_space<vmem>> -> memref<128x16xf32, #tpu.memory_space<vmem>>
      %dma_start3A_645 = tpu.memref_slice %arg6[%mul3A_638] : memref<10000xi32, #tpu.memory_space<vmem>> -> memref<128xi32, #tpu.memory_space<vmem>>
      %dma_start3A_646 = arith.constant 0 : i32
      %dma_start3A_647 = arith.constant 0 : i32
      %dma_start3A_648 = tpu.memref_slice %arg10[%dma_start3A_646, %dma_start3A_647] : memref<10112x16xf32, #tpu.memory_space<vmem_shared>> -> memref<10112x16xf32, #tpu.memory_space<vmem_shared>>
      tpu.enqueue_indirect_dma source(%dma_start3A_644 : memref<128x16xf32, #tpu.memory_space<vmem>>) target(%dma_start3A_648 : memref<10112x16xf32, #tpu.memory_space<vmem_shared>>) offsets(%dma_start3A_645 : memref<128xi32, #tpu.memory_space<vmem>>) semaphore(%arg14 : memref<!tpu.dma_semaphore, #tpu.memory_space<semaphore_mem>>) {add = true}
      %add3A_649 = arith.constant 6 : i32
      %add3A_650 = arith.addi %mul3A_564, %add3A_649 : i32
      %mul3A_651 = arith.constant 128 : i32
      %mul3A_652 = arith.muli %add3A_650, %mul3A_651 : i32
      %dma_start3A_653 = arith.constant 0 : i32
      %dma_start3A_654 = arith.constant 6 : i32
      %dma_start3A_655 = arith.constant 0 : i32
      %dma_start3A_656 = arith.constant 0 : i32
      %dma_start3A_657 = tpu.memref_slice %arg7[%dma_start3A_653, %dma_start3A_654, %dma_start3A_655, %dma_start3A_656] : memref<2x13x128x16xf32, #tpu.memory_space<vmem>> -> memref<1x1x128x16xf32, #tpu.memory_space<vmem>>
      %dma_start3A_658 = tpu.memref_squeeze %dma_start3A_657 : memref<1x1x128x16xf32, #tpu.memory_space<vmem>> -> memref<128x16xf32, #tpu.memory_space<vmem>>
      %dma_start3A_659 = tpu.memref_slice %arg6[%mul3A_652] : memref<10000xi32, #tpu.memory_space<vmem>> -> memref<128xi32, #tpu.memory_space<vmem>>
      %dma_start3A_660 = arith.constant 0 : i32
      %dma_start3A_661 = arith.constant 0 : i32
      %dma_start3A_662 = tpu.memref_slice %arg10[%dma_start3A_660, %dma_start3A_661] : memref<10112x16xf32, #tpu.memory_space<vmem_shared>> -> memref<10112x16xf32, #tpu.memory_space<vmem_shared>>
      tpu.enqueue_indirect_dma source(%dma_start3A_658 : memref<128x16xf32, #tpu.memory_space<vmem>>) target(%dma_start3A_662 : memref<10112x16xf32, #tpu.memory_space<vmem_shared>>) offsets(%dma_start3A_659 : memref<128xi32, #tpu.memory_space<vmem>>) semaphore(%arg14 : memref<!tpu.dma_semaphore, #tpu.memory_space<semaphore_mem>>) {add = true}
      %add3A_663 = arith.constant 7 : i32
      %add3A_664 = arith.addi %mul3A_564, %add3A_663 : i32
      %mul3A_665 = arith.constant 128 : i32
      %mul3A_666 = arith.muli %add3A_664, %mul3A_665 : i32
      %dma_start3A_667 = arith.constant 0 : i32
      %dma_start3A_668 = arith.constant 7 : i32
      %dma_start3A_669 = arith.constant 0 : i32
      %dma_start3A_670 = arith.constant 0 : i32
      %dma_start3A_671 = tpu.memref_slice %arg7[%dma_start3A_667, %dma_start3A_668, %dma_start3A_669, %dma_start3A_670] : memref<2x13x128x16xf32, #tpu.memory_space<vmem>> -> memref<1x1x128x16xf32, #tpu.memory_space<vmem>>
      %dma_start3A_672 = tpu.memref_squeeze %dma_start3A_671 : memref<1x1x128x16xf32, #tpu.memory_space<vmem>> -> memref<128x16xf32, #tpu.memory_space<vmem>>
      %dma_start3A_673 = tpu.memref_slice %arg6[%mul3A_666] : memref<10000xi32, #tpu.memory_space<vmem>> -> memref<128xi32, #tpu.memory_space<vmem>>
      %dma_start3A_674 = arith.constant 0 : i32
      %dma_start3A_675 = arith.constant 0 : i32
      %dma_start3A_676 = tpu.memref_slice %arg10[%dma_start3A_674, %dma_start3A_675] : memref<10112x16xf32, #tpu.memory_space<vmem_shared>> -> memref<10112x16xf32, #tpu.memory_space<vmem_shared>>
      tpu.enqueue_indirect_dma source(%dma_start3A_672 : memref<128x16xf32, #tpu.memory_space<vmem>>) target(%dma_start3A_676 : memref<10112x16xf32, #tpu.memory_space<vmem_shared>>) offsets(%dma_start3A_673 : memref<128xi32, #tpu.memory_space<vmem>>) semaphore(%arg14 : memref<!tpu.dma_semaphore, #tpu.memory_space<semaphore_mem>>) {add = true}
      %add3A_677 = arith.constant 8 : i32
      %add3A_678 = arith.addi %mul3A_564, %add3A_677 : i32
      %mul3A_679 = arith.constant 128 : i32
      %mul3A_680 = arith.muli %add3A_678, %mul3A_679 : i32
      %dma_start3A_681 = arith.constant 0 : i32
      %dma_start3A_682 = arith.constant 8 : i32
      %dma_start3A_683 = arith.constant 0 : i32
      %dma_start3A_684 = arith.constant 0 : i32
      %dma_start3A_685 = tpu.memref_slice %arg7[%dma_start3A_681, %dma_start3A_682, %dma_start3A_683, %dma_start3A_684] : memref<2x13x128x16xf32, #tpu.memory_space<vmem>> -> memref<1x1x128x16xf32, #tpu.memory_space<vmem>>
      %dma_start3A_686 = tpu.memref_squeeze %dma_start3A_685 : memref<1x1x128x16xf32, #tpu.memory_space<vmem>> -> memref<128x16xf32, #tpu.memory_space<vmem>>
      %dma_start3A_687 = tpu.memref_slice %arg6[%mul3A_680] : memref<10000xi32, #tpu.memory_space<vmem>> -> memref<128xi32, #tpu.memory_space<vmem>>
      %dma_start3A_688 = arith.constant 0 : i32
      %dma_start3A_689 = arith.constant 0 : i32
      %dma_start3A_690 = tpu.memref_slice %arg10[%dma_start3A_688, %dma_start3A_689] : memref<10112x16xf32, #tpu.memory_space<vmem_shared>> -> memref<10112x16xf32, #tpu.memory_space<vmem_shared>>
      tpu.enqueue_indirect_dma source(%dma_start3A_686 : memref<128x16xf32, #tpu.memory_space<vmem>>) target(%dma_start3A_690 : memref<10112x16xf32, #tpu.memory_space<vmem_shared>>) offsets(%dma_start3A_687 : memref<128xi32, #tpu.memory_space<vmem>>) semaphore(%arg14 : memref<!tpu.dma_semaphore, #tpu.memory_space<semaphore_mem>>) {add = true}
      %add3A_691 = arith.constant 9 : i32
      %add3A_692 = arith.addi %mul3A_564, %add3A_691 : i32
      %mul3A_693 = arith.constant 128 : i32
      %mul3A_694 = arith.muli %add3A_692, %mul3A_693 : i32
      %dma_start3A_695 = arith.constant 0 : i32
      %dma_start3A_696 = arith.constant 9 : i32
      %dma_start3A_697 = arith.constant 0 : i32
      %dma_start3A_698 = arith.constant 0 : i32
      %dma_start3A_699 = tpu.memref_slice %arg7[%dma_start3A_695, %dma_start3A_696, %dma_start3A_697, %dma_start3A_698] : memref<2x13x128x16xf32, #tpu.memory_space<vmem>> -> memref<1x1x128x16xf32, #tpu.memory_space<vmem>>
      %dma_start3A_700 = tpu.memref_squeeze %dma_start3A_699 : memref<1x1x128x16xf32, #tpu.memory_space<vmem>> -> memref<128x16xf32, #tpu.memory_space<vmem>>
      %dma_start3A_701 = tpu.memref_slice %arg6[%mul3A_694] : memref<10000xi32, #tpu.memory_space<vmem>> -> memref<128xi32, #tpu.memory_space<vmem>>
      %dma_start3A_702 = arith.constant 0 : i32
      %dma_start3A_703 = arith.constant 0 : i32
      %dma_start3A_704 = tpu.memref_slice %arg10[%dma_start3A_702, %dma_start3A_703] : memref<10112x16xf32, #tpu.memory_space<vmem_shared>> -> memref<10112x16xf32, #tpu.memory_space<vmem_shared>>
      tpu.enqueue_indirect_dma source(%dma_start3A_700 : memref<128x16xf32, #tpu.memory_space<vmem>>) target(%dma_start3A_704 : memref<10112x16xf32, #tpu.memory_space<vmem_shared>>) offsets(%dma_start3A_701 : memref<128xi32, #tpu.memory_space<vmem>>) semaphore(%arg14 : memref<!tpu.dma_semaphore, #tpu.memory_space<semaphore_mem>>) {add = true}
      %add3A_705 = arith.constant 10 : i32
      %add3A_706 = arith.addi %mul3A_564, %add3A_705 : i32
      %mul3A_707 = arith.constant 128 : i32
      %mul3A_708 = arith.muli %add3A_706, %mul3A_707 : i32
      %dma_start3A_709 = arith.constant 0 : i32
      %dma_start3A_710 = arith.constant 10 : i32
      %dma_start3A_711 = arith.constant 0 : i32
      %dma_start3A_712 = arith.constant 0 : i32
      %dma_start3A_713 = tpu.memref_slice %arg7[%dma_start3A_709, %dma_start3A_710, %dma_start3A_711, %dma_start3A_712] : memref<2x13x128x16xf32, #tpu.memory_space<vmem>> -> memref<1x1x128x16xf32, #tpu.memory_space<vmem>>
      %dma_start3A_714 = tpu.memref_squeeze %dma_start3A_713 : memref<1x1x128x16xf32, #tpu.memory_space<vmem>> -> memref<128x16xf32, #tpu.memory_space<vmem>>
      %dma_start3A_715 = tpu.memref_slice %arg6[%mul3A_708] : memref<10000xi32, #tpu.memory_space<vmem>> -> memref<128xi32, #tpu.memory_space<vmem>>
      %dma_start3A_716 = arith.constant 0 : i32
      %dma_start3A_717 = arith.constant 0 : i32
      %dma_start3A_718 = tpu.memref_slice %arg10[%dma_start3A_716, %dma_start3A_717] : memref<10112x16xf32, #tpu.memory_space<vmem_shared>> -> memref<10112x16xf32, #tpu.memory_space<vmem_shared>>
      tpu.enqueue_indirect_dma source(%dma_start3A_714 : memref<128x16xf32, #tpu.memory_space<vmem>>) target(%dma_start3A_718 : memref<10112x16xf32, #tpu.memory_space<vmem_shared>>) offsets(%dma_start3A_715 : memref<128xi32, #tpu.memory_space<vmem>>) semaphore(%arg14 : memref<!tpu.dma_semaphore, #tpu.memory_space<semaphore_mem>>) {add = true}
      %add3A_719 = arith.constant 11 : i32
      %add3A_720 = arith.addi %mul3A_564, %add3A_719 : i32
      %mul3A_721 = arith.constant 128 : i32
      %mul3A_722 = arith.muli %add3A_720, %mul3A_721 : i32
      %dma_start3A_723 = arith.constant 0 : i32
      %dma_start3A_724 = arith.constant 11 : i32
      %dma_start3A_725 = arith.constant 0 : i32
      %dma_start3A_726 = arith.constant 0 : i32
      %dma_start3A_727 = tpu.memref_slice %arg7[%dma_start3A_723, %dma_start3A_724, %dma_start3A_725, %dma_start3A_726] : memref<2x13x128x16xf32, #tpu.memory_space<vmem>> -> memref<1x1x128x16xf32, #tpu.memory_space<vmem>>
      %dma_start3A_728 = tpu.memref_squeeze %dma_start3A_727 : memref<1x1x128x16xf32, #tpu.memory_space<vmem>> -> memref<128x16xf32, #tpu.memory_space<vmem>>
      %dma_start3A_729 = tpu.memref_slice %arg6[%mul3A_722] : memref<10000xi32, #tpu.memory_space<vmem>> -> memref<128xi32, #tpu.memory_space<vmem>>
      %dma_start3A_730 = arith.constant 0 : i32
      %dma_start3A_731 = arith.constant 0 : i32
      %dma_start3A_732 = tpu.memref_slice %arg10[%dma_start3A_730, %dma_start3A_731] : memref<10112x16xf32, #tpu.memory_space<vmem_shared>> -> memref<10112x16xf32, #tpu.memory_space<vmem_shared>>
      tpu.enqueue_indirect_dma source(%dma_start3A_728 : memref<128x16xf32, #tpu.memory_space<vmem>>) target(%dma_start3A_732 : memref<10112x16xf32, #tpu.memory_space<vmem_shared>>) offsets(%dma_start3A_729 : memref<128xi32, #tpu.memory_space<vmem>>) semaphore(%arg14 : memref<!tpu.dma_semaphore, #tpu.memory_space<semaphore_mem>>) {add = true}
      %add3A_733 = arith.constant 12 : i32
      %add3A_734 = arith.addi %mul3A_564, %add3A_733 : i32
      %mul3A_735 = arith.constant 128 : i32
      %mul3A_736 = arith.muli %add3A_734, %mul3A_735 : i32
      %dma_start3A_737 = arith.constant 0 : i32
      %dma_start3A_738 = arith.constant 12 : i32
      %dma_start3A_739 = arith.constant 0 : i32
      %dma_start3A_740 = arith.constant 0 : i32
      %dma_start3A_741 = tpu.memref_slice %arg7[%dma_start3A_737, %dma_start3A_738, %dma_start3A_739, %dma_start3A_740] : memref<2x13x128x16xf32, #tpu.memory_space<vmem>> -> memref<1x1x128x16xf32, #tpu.memory_space<vmem>>
      %dma_start3A_742 = tpu.memref_squeeze %dma_start3A_741 : memref<1x1x128x16xf32, #tpu.memory_space<vmem>> -> memref<128x16xf32, #tpu.memory_space<vmem>>
      %dma_start3A_743 = tpu.memref_slice %arg6[%mul3A_736] : memref<10000xi32, #tpu.memory_space<vmem>> -> memref<128xi32, #tpu.memory_space<vmem>>
      %dma_start3A_744 = arith.constant 0 : i32
      %dma_start3A_745 = arith.constant 0 : i32
      %dma_start3A_746 = tpu.memref_slice %arg10[%dma_start3A_744, %dma_start3A_745] : memref<10112x16xf32, #tpu.memory_space<vmem_shared>> -> memref<10112x16xf32, #tpu.memory_space<vmem_shared>>
      tpu.enqueue_indirect_dma source(%dma_start3A_742 : memref<128x16xf32, #tpu.memory_space<vmem>>) target(%dma_start3A_746 : memref<10112x16xf32, #tpu.memory_space<vmem_shared>>) offsets(%dma_start3A_743 : memref<128xi32, #tpu.memory_space<vmem>>) semaphore(%arg14 : memref<!tpu.dma_semaphore, #tpu.memory_space<semaphore_mem>>) {add = true}
      %mul3A_747 = arith.constant 13 : i32
      %mul3A_748 = arith.muli %mul3A_192, %mul3A_747 : i32
      %add3A_749 = arith.constant 0 : i32
      %add3A_750 = arith.addi %mul3A_748, %add3A_749 : i32
      %mul3A_751 = arith.constant 128 : i32
      %mul3A_752 = arith.muli %add3A_750, %mul3A_751 : i32
      %dma_wait3A_753 = arith.constant 0 : i32
      %dma_wait3A_754 = arith.constant 0 : i32
      %dma_wait3A_755 = arith.constant 0 : i32
      %dma_wait3A_756 = arith.constant 0 : i32
      %dma_wait3A_757 = tpu.memref_slice %arg7[%dma_wait3A_753, %dma_wait3A_754, %dma_wait3A_755, %dma_wait3A_756] : memref<2x13x128x16xf32, #tpu.memory_space<vmem>> -> memref<1x1x128x16xf32, #tpu.memory_space<vmem>>
      %dma_wait3A_758 = tpu.memref_squeeze %dma_wait3A_757 : memref<1x1x128x16xf32, #tpu.memory_space<vmem>> -> memref<128x16xf32, #tpu.memory_space<vmem>>
      %dma_wait3A_759 = tpu.memref_slice %arg6[%mul3A_752] : memref<10000xi32, #tpu.memory_space<vmem>> -> memref<128xi32, #tpu.memory_space<vmem>>
      %dma_wait3A_760 = arith.constant 0 : i32
      %dma_wait3A_761 = arith.constant 0 : i32
      %dma_wait3A_762 = tpu.memref_slice %arg10[%dma_wait3A_760, %dma_wait3A_761] : memref<10112x16xf32, #tpu.memory_space<vmem_shared>> -> memref<10112x16xf32, #tpu.memory_space<vmem_shared>>
      tpu.wait_indirect_dma semaphore(%arg14 : memref<!tpu.dma_semaphore, #tpu.memory_space<semaphore_mem>>) src(%dma_wait3A_758 : memref<128x16xf32, #tpu.memory_space<vmem>>) dst(%dma_wait3A_762 : memref<10112x16xf32, #tpu.memory_space<vmem_shared>>)
      %add3A_763 = arith.constant 1 : i32
      %add3A_764 = arith.addi %mul3A_748, %add3A_763 : i32
      %mul3A_765 = arith.constant 128 : i32
      %mul3A_766 = arith.muli %add3A_764, %mul3A_765 : i32
      %dma_wait3A_767 = arith.constant 0 : i32
      %dma_wait3A_768 = arith.constant 1 : i32
      %dma_wait3A_769 = arith.constant 0 : i32
      %dma_wait3A_770 = arith.constant 0 : i32
      %dma_wait3A_771 = tpu.memref_slice %arg7[%dma_wait3A_767, %dma_wait3A_768, %dma_wait3A_769, %dma_wait3A_770] : memref<2x13x128x16xf32, #tpu.memory_space<vmem>> -> memref<1x1x128x16xf32, #tpu.memory_space<vmem>>
      %dma_wait3A_772 = tpu.memref_squeeze %dma_wait3A_771 : memref<1x1x128x16xf32, #tpu.memory_space<vmem>> -> memref<128x16xf32, #tpu.memory_space<vmem>>
      %dma_wait3A_773 = tpu.memref_slice %arg6[%mul3A_766] : memref<10000xi32, #tpu.memory_space<vmem>> -> memref<128xi32, #tpu.memory_space<vmem>>
      %dma_wait3A_774 = arith.constant 0 : i32
      %dma_wait3A_775 = arith.constant 0 : i32
      %dma_wait3A_776 = tpu.memref_slice %arg10[%dma_wait3A_774, %dma_wait3A_775] : memref<10112x16xf32, #tpu.memory_space<vmem_shared>> -> memref<10112x16xf32, #tpu.memory_space<vmem_shared>>
      tpu.wait_indirect_dma semaphore(%arg14 : memref<!tpu.dma_semaphore, #tpu.memory_space<semaphore_mem>>) src(%dma_wait3A_772 : memref<128x16xf32, #tpu.memory_space<vmem>>) dst(%dma_wait3A_776 : memref<10112x16xf32, #tpu.memory_space<vmem_shared>>)
      %add3A_777 = arith.constant 2 : i32
      %add3A_778 = arith.addi %mul3A_748, %add3A_777 : i32
      %mul3A_779 = arith.constant 128 : i32
      %mul3A_780 = arith.muli %add3A_778, %mul3A_779 : i32
      %dma_wait3A_781 = arith.constant 0 : i32
      %dma_wait3A_782 = arith.constant 2 : i32
      %dma_wait3A_783 = arith.constant 0 : i32
      %dma_wait3A_784 = arith.constant 0 : i32
      %dma_wait3A_785 = tpu.memref_slice %arg7[%dma_wait3A_781, %dma_wait3A_782, %dma_wait3A_783, %dma_wait3A_784] : memref<2x13x128x16xf32, #tpu.memory_space<vmem>> -> memref<1x1x128x16xf32, #tpu.memory_space<vmem>>
      %dma_wait3A_786 = tpu.memref_squeeze %dma_wait3A_785 : memref<1x1x128x16xf32, #tpu.memory_space<vmem>> -> memref<128x16xf32, #tpu.memory_space<vmem>>
      %dma_wait3A_787 = tpu.memref_slice %arg6[%mul3A_780] : memref<10000xi32, #tpu.memory_space<vmem>> -> memref<128xi32, #tpu.memory_space<vmem>>
      %dma_wait3A_788 = arith.constant 0 : i32
      %dma_wait3A_789 = arith.constant 0 : i32
      %dma_wait3A_790 = tpu.memref_slice %arg10[%dma_wait3A_788, %dma_wait3A_789] : memref<10112x16xf32, #tpu.memory_space<vmem_shared>> -> memref<10112x16xf32, #tpu.memory_space<vmem_shared>>
      tpu.wait_indirect_dma semaphore(%arg14 : memref<!tpu.dma_semaphore, #tpu.memory_space<semaphore_mem>>) src(%dma_wait3A_786 : memref<128x16xf32, #tpu.memory_space<vmem>>) dst(%dma_wait3A_790 : memref<10112x16xf32, #tpu.memory_space<vmem_shared>>)
      %add3A_791 = arith.constant 3 : i32
      %add3A_792 = arith.addi %mul3A_748, %add3A_791 : i32
      %mul3A_793 = arith.constant 128 : i32
      %mul3A_794 = arith.muli %add3A_792, %mul3A_793 : i32
      %dma_wait3A_795 = arith.constant 0 : i32
      %dma_wait3A_796 = arith.constant 3 : i32
      %dma_wait3A_797 = arith.constant 0 : i32
      %dma_wait3A_798 = arith.constant 0 : i32
      %dma_wait3A_799 = tpu.memref_slice %arg7[%dma_wait3A_795, %dma_wait3A_796, %dma_wait3A_797, %dma_wait3A_798] : memref<2x13x128x16xf32, #tpu.memory_space<vmem>> -> memref<1x1x128x16xf32, #tpu.memory_space<vmem>>
      %dma_wait3A_800 = tpu.memref_squeeze %dma_wait3A_799 : memref<1x1x128x16xf32, #tpu.memory_space<vmem>> -> memref<128x16xf32, #tpu.memory_space<vmem>>
      %dma_wait3A_801 = tpu.memref_slice %arg6[%mul3A_794] : memref<10000xi32, #tpu.memory_space<vmem>> -> memref<128xi32, #tpu.memory_space<vmem>>
      %dma_wait3A_802 = arith.constant 0 : i32
      %dma_wait3A_803 = arith.constant 0 : i32
      %dma_wait3A_804 = tpu.memref_slice %arg10[%dma_wait3A_802, %dma_wait3A_803] : memref<10112x16xf32, #tpu.memory_space<vmem_shared>> -> memref<10112x16xf32, #tpu.memory_space<vmem_shared>>
      tpu.wait_indirect_dma semaphore(%arg14 : memref<!tpu.dma_semaphore, #tpu.memory_space<semaphore_mem>>) src(%dma_wait3A_800 : memref<128x16xf32, #tpu.memory_space<vmem>>) dst(%dma_wait3A_804 : memref<10112x16xf32, #tpu.memory_space<vmem_shared>>)
      %add3A_805 = arith.constant 4 : i32
      %add3A_806 = arith.addi %mul3A_748, %add3A_805 : i32
      %mul3A_807 = arith.constant 128 : i32
      %mul3A_808 = arith.muli %add3A_806, %mul3A_807 : i32
      %dma_wait3A_809 = arith.constant 0 : i32
      %dma_wait3A_810 = arith.constant 4 : i32
      %dma_wait3A_811 = arith.constant 0 : i32
      %dma_wait3A_812 = arith.constant 0 : i32
      %dma_wait3A_813 = tpu.memref_slice %arg7[%dma_wait3A_809, %dma_wait3A_810, %dma_wait3A_811, %dma_wait3A_812] : memref<2x13x128x16xf32, #tpu.memory_space<vmem>> -> memref<1x1x128x16xf32, #tpu.memory_space<vmem>>
      %dma_wait3A_814 = tpu.memref_squeeze %dma_wait3A_813 : memref<1x1x128x16xf32, #tpu.memory_space<vmem>> -> memref<128x16xf32, #tpu.memory_space<vmem>>
      %dma_wait3A_815 = tpu.memref_slice %arg6[%mul3A_808] : memref<10000xi32, #tpu.memory_space<vmem>> -> memref<128xi32, #tpu.memory_space<vmem>>
      %dma_wait3A_816 = arith.constant 0 : i32
      %dma_wait3A_817 = arith.constant 0 : i32
      %dma_wait3A_818 = tpu.memref_slice %arg10[%dma_wait3A_816, %dma_wait3A_817] : memref<10112x16xf32, #tpu.memory_space<vmem_shared>> -> memref<10112x16xf32, #tpu.memory_space<vmem_shared>>
      tpu.wait_indirect_dma semaphore(%arg14 : memref<!tpu.dma_semaphore, #tpu.memory_space<semaphore_mem>>) src(%dma_wait3A_814 : memref<128x16xf32, #tpu.memory_space<vmem>>) dst(%dma_wait3A_818 : memref<10112x16xf32, #tpu.memory_space<vmem_shared>>)
      %add3A_819 = arith.constant 5 : i32
      %add3A_820 = arith.addi %mul3A_748, %add3A_819 : i32
      %mul3A_821 = arith.constant 128 : i32
      %mul3A_822 = arith.muli %add3A_820, %mul3A_821 : i32
      %dma_wait3A_823 = arith.constant 0 : i32
      %dma_wait3A_824 = arith.constant 5 : i32
      %dma_wait3A_825 = arith.constant 0 : i32
      %dma_wait3A_826 = arith.constant 0 : i32
      %dma_wait3A_827 = tpu.memref_slice %arg7[%dma_wait3A_823, %dma_wait3A_824, %dma_wait3A_825, %dma_wait3A_826] : memref<2x13x128x16xf32, #tpu.memory_space<vmem>> -> memref<1x1x128x16xf32, #tpu.memory_space<vmem>>
      %dma_wait3A_828 = tpu.memref_squeeze %dma_wait3A_827 : memref<1x1x128x16xf32, #tpu.memory_space<vmem>> -> memref<128x16xf32, #tpu.memory_space<vmem>>
      %dma_wait3A_829 = tpu.memref_slice %arg6[%mul3A_822] : memref<10000xi32, #tpu.memory_space<vmem>> -> memref<128xi32, #tpu.memory_space<vmem>>
      %dma_wait3A_830 = arith.constant 0 : i32
      %dma_wait3A_831 = arith.constant 0 : i32
      %dma_wait3A_832 = tpu.memref_slice %arg10[%dma_wait3A_830, %dma_wait3A_831] : memref<10112x16xf32, #tpu.memory_space<vmem_shared>> -> memref<10112x16xf32, #tpu.memory_space<vmem_shared>>
      tpu.wait_indirect_dma semaphore(%arg14 : memref<!tpu.dma_semaphore, #tpu.memory_space<semaphore_mem>>) src(%dma_wait3A_828 : memref<128x16xf32, #tpu.memory_space<vmem>>) dst(%dma_wait3A_832 : memref<10112x16xf32, #tpu.memory_space<vmem_shared>>)
      %add3A_833 = arith.constant 6 : i32
      %add3A_834 = arith.addi %mul3A_748, %add3A_833 : i32
      %mul3A_835 = arith.constant 128 : i32
      %mul3A_836 = arith.muli %add3A_834, %mul3A_835 : i32
      %dma_wait3A_837 = arith.constant 0 : i32
      %dma_wait3A_838 = arith.constant 6 : i32
      %dma_wait3A_839 = arith.constant 0 : i32
      %dma_wait3A_840 = arith.constant 0 : i32
      %dma_wait3A_841 = tpu.memref_slice %arg7[%dma_wait3A_837, %dma_wait3A_838, %dma_wait3A_839, %dma_wait3A_840] : memref<2x13x128x16xf32, #tpu.memory_space<vmem>> -> memref<1x1x128x16xf32, #tpu.memory_space<vmem>>
      %dma_wait3A_842 = tpu.memref_squeeze %dma_wait3A_841 : memref<1x1x128x16xf32, #tpu.memory_space<vmem>> -> memref<128x16xf32, #tpu.memory_space<vmem>>
      %dma_wait3A_843 = tpu.memref_slice %arg6[%mul3A_836] : memref<10000xi32, #tpu.memory_space<vmem>> -> memref<128xi32, #tpu.memory_space<vmem>>
      %dma_wait3A_844 = arith.constant 0 : i32
      %dma_wait3A_845 = arith.constant 0 : i32
      %dma_wait3A_846 = tpu.memref_slice %arg10[%dma_wait3A_844, %dma_wait3A_845] : memref<10112x16xf32, #tpu.memory_space<vmem_shared>> -> memref<10112x16xf32, #tpu.memory_space<vmem_shared>>
      tpu.wait_indirect_dma semaphore(%arg14 : memref<!tpu.dma_semaphore, #tpu.memory_space<semaphore_mem>>) src(%dma_wait3A_842 : memref<128x16xf32, #tpu.memory_space<vmem>>) dst(%dma_wait3A_846 : memref<10112x16xf32, #tpu.memory_space<vmem_shared>>)
      %add3A_847 = arith.constant 7 : i32
      %add3A_848 = arith.addi %mul3A_748, %add3A_847 : i32
      %mul3A_849 = arith.constant 128 : i32
      %mul3A_850 = arith.muli %add3A_848, %mul3A_849 : i32
      %dma_wait3A_851 = arith.constant 0 : i32
      %dma_wait3A_852 = arith.constant 7 : i32
      %dma_wait3A_853 = arith.constant 0 : i32
      %dma_wait3A_854 = arith.constant 0 : i32
      %dma_wait3A_855 = tpu.memref_slice %arg7[%dma_wait3A_851, %dma_wait3A_852, %dma_wait3A_853, %dma_wait3A_854] : memref<2x13x128x16xf32, #tpu.memory_space<vmem>> -> memref<1x1x128x16xf32, #tpu.memory_space<vmem>>
      %dma_wait3A_856 = tpu.memref_squeeze %dma_wait3A_855 : memref<1x1x128x16xf32, #tpu.memory_space<vmem>> -> memref<128x16xf32, #tpu.memory_space<vmem>>
      %dma_wait3A_857 = tpu.memref_slice %arg6[%mul3A_850] : memref<10000xi32, #tpu.memory_space<vmem>> -> memref<128xi32, #tpu.memory_space<vmem>>
      %dma_wait3A_858 = arith.constant 0 : i32
      %dma_wait3A_859 = arith.constant 0 : i32
      %dma_wait3A_860 = tpu.memref_slice %arg10[%dma_wait3A_858, %dma_wait3A_859] : memref<10112x16xf32, #tpu.memory_space<vmem_shared>> -> memref<10112x16xf32, #tpu.memory_space<vmem_shared>>
      tpu.wait_indirect_dma semaphore(%arg14 : memref<!tpu.dma_semaphore, #tpu.memory_space<semaphore_mem>>) src(%dma_wait3A_856 : memref<128x16xf32, #tpu.memory_space<vmem>>) dst(%dma_wait3A_860 : memref<10112x16xf32, #tpu.memory_space<vmem_shared>>)
      %add3A_861 = arith.constant 8 : i32
      %add3A_862 = arith.addi %mul3A_748, %add3A_861 : i32
      %mul3A_863 = arith.constant 128 : i32
      %mul3A_864 = arith.muli %add3A_862, %mul3A_863 : i32
      %dma_wait3A_865 = arith.constant 0 : i32
      %dma_wait3A_866 = arith.constant 8 : i32
      %dma_wait3A_867 = arith.constant 0 : i32
      %dma_wait3A_868 = arith.constant 0 : i32
      %dma_wait3A_869 = tpu.memref_slice %arg7[%dma_wait3A_865, %dma_wait3A_866, %dma_wait3A_867, %dma_wait3A_868] : memref<2x13x128x16xf32, #tpu.memory_space<vmem>> -> memref<1x1x128x16xf32, #tpu.memory_space<vmem>>
      %dma_wait3A_870 = tpu.memref_squeeze %dma_wait3A_869 : memref<1x1x128x16xf32, #tpu.memory_space<vmem>> -> memref<128x16xf32, #tpu.memory_space<vmem>>
      %dma_wait3A_871 = tpu.memref_slice %arg6[%mul3A_864] : memref<10000xi32, #tpu.memory_space<vmem>> -> memref<128xi32, #tpu.memory_space<vmem>>
      %dma_wait3A_872 = arith.constant 0 : i32
      %dma_wait3A_873 = arith.constant 0 : i32
      %dma_wait3A_874 = tpu.memref_slice %arg10[%dma_wait3A_872, %dma_wait3A_873] : memref<10112x16xf32, #tpu.memory_space<vmem_shared>> -> memref<10112x16xf32, #tpu.memory_space<vmem_shared>>
      tpu.wait_indirect_dma semaphore(%arg14 : memref<!tpu.dma_semaphore, #tpu.memory_space<semaphore_mem>>) src(%dma_wait3A_870 : memref<128x16xf32, #tpu.memory_space<vmem>>) dst(%dma_wait3A_874 : memref<10112x16xf32, #tpu.memory_space<vmem_shared>>)
      %add3A_875 = arith.constant 9 : i32
      %add3A_876 = arith.addi %mul3A_748, %add3A_875 : i32
      %mul3A_877 = arith.constant 128 : i32
      %mul3A_878 = arith.muli %add3A_876, %mul3A_877 : i32
      %dma_wait3A_879 = arith.constant 0 : i32
      %dma_wait3A_880 = arith.constant 9 : i32
      %dma_wait3A_881 = arith.constant 0 : i32
      %dma_wait3A_882 = arith.constant 0 : i32
      %dma_wait3A_883 = tpu.memref_slice %arg7[%dma_wait3A_879, %dma_wait3A_880, %dma_wait3A_881, %dma_wait3A_882] : memref<2x13x128x16xf32, #tpu.memory_space<vmem>> -> memref<1x1x128x16xf32, #tpu.memory_space<vmem>>
      %dma_wait3A_884 = tpu.memref_squeeze %dma_wait3A_883 : memref<1x1x128x16xf32, #tpu.memory_space<vmem>> -> memref<128x16xf32, #tpu.memory_space<vmem>>
      %dma_wait3A_885 = tpu.memref_slice %arg6[%mul3A_878] : memref<10000xi32, #tpu.memory_space<vmem>> -> memref<128xi32, #tpu.memory_space<vmem>>
      %dma_wait3A_886 = arith.constant 0 : i32
      %dma_wait3A_887 = arith.constant 0 : i32
      %dma_wait3A_888 = tpu.memref_slice %arg10[%dma_wait3A_886, %dma_wait3A_887] : memref<10112x16xf32, #tpu.memory_space<vmem_shared>> -> memref<10112x16xf32, #tpu.memory_space<vmem_shared>>
      tpu.wait_indirect_dma semaphore(%arg14 : memref<!tpu.dma_semaphore, #tpu.memory_space<semaphore_mem>>) src(%dma_wait3A_884 : memref<128x16xf32, #tpu.memory_space<vmem>>) dst(%dma_wait3A_888 : memref<10112x16xf32, #tpu.memory_space<vmem_shared>>)
      %add3A_889 = arith.constant 10 : i32
      %add3A_890 = arith.addi %mul3A_748, %add3A_889 : i32
      %mul3A_891 = arith.constant 128 : i32
      %mul3A_892 = arith.muli %add3A_890, %mul3A_891 : i32
      %dma_wait3A_893 = arith.constant 0 : i32
      %dma_wait3A_894 = arith.constant 10 : i32
      %dma_wait3A_895 = arith.constant 0 : i32
      %dma_wait3A_896 = arith.constant 0 : i32
      %dma_wait3A_897 = tpu.memref_slice %arg7[%dma_wait3A_893, %dma_wait3A_894, %dma_wait3A_895, %dma_wait3A_896] : memref<2x13x128x16xf32, #tpu.memory_space<vmem>> -> memref<1x1x128x16xf32, #tpu.memory_space<vmem>>
      %dma_wait3A_898 = tpu.memref_squeeze %dma_wait3A_897 : memref<1x1x128x16xf32, #tpu.memory_space<vmem>> -> memref<128x16xf32, #tpu.memory_space<vmem>>
      %dma_wait3A_899 = tpu.memref_slice %arg6[%mul3A_892] : memref<10000xi32, #tpu.memory_space<vmem>> -> memref<128xi32, #tpu.memory_space<vmem>>
      %dma_wait3A_900 = arith.constant 0 : i32
      %dma_wait3A_901 = arith.constant 0 : i32
      %dma_wait3A_902 = tpu.memref_slice %arg10[%dma_wait3A_900, %dma_wait3A_901] : memref<10112x16xf32, #tpu.memory_space<vmem_shared>> -> memref<10112x16xf32, #tpu.memory_space<vmem_shared>>
      tpu.wait_indirect_dma semaphore(%arg14 : memref<!tpu.dma_semaphore, #tpu.memory_space<semaphore_mem>>) src(%dma_wait3A_898 : memref<128x16xf32, #tpu.memory_space<vmem>>) dst(%dma_wait3A_902 : memref<10112x16xf32, #tpu.memory_space<vmem_shared>>)
      %add3A_903 = arith.constant 11 : i32
      %add3A_904 = arith.addi %mul3A_748, %add3A_903 : i32
      %mul3A_905 = arith.constant 128 : i32
      %mul3A_906 = arith.muli %add3A_904, %mul3A_905 : i32
      %dma_wait3A_907 = arith.constant 0 : i32
      %dma_wait3A_908 = arith.constant 11 : i32
      %dma_wait3A_909 = arith.constant 0 : i32
      %dma_wait3A_910 = arith.constant 0 : i32
      %dma_wait3A_911 = tpu.memref_slice %arg7[%dma_wait3A_907, %dma_wait3A_908, %dma_wait3A_909, %dma_wait3A_910] : memref<2x13x128x16xf32, #tpu.memory_space<vmem>> -> memref<1x1x128x16xf32, #tpu.memory_space<vmem>>
      %dma_wait3A_912 = tpu.memref_squeeze %dma_wait3A_911 : memref<1x1x128x16xf32, #tpu.memory_space<vmem>> -> memref<128x16xf32, #tpu.memory_space<vmem>>
      %dma_wait3A_913 = tpu.memref_slice %arg6[%mul3A_906] : memref<10000xi32, #tpu.memory_space<vmem>> -> memref<128xi32, #tpu.memory_space<vmem>>
      %dma_wait3A_914 = arith.constant 0 : i32
      %dma_wait3A_915 = arith.constant 0 : i32
      %dma_wait3A_916 = tpu.memref_slice %arg10[%dma_wait3A_914, %dma_wait3A_915] : memref<10112x16xf32, #tpu.memory_space<vmem_shared>> -> memref<10112x16xf32, #tpu.memory_space<vmem_shared>>
      tpu.wait_indirect_dma semaphore(%arg14 : memref<!tpu.dma_semaphore, #tpu.memory_space<semaphore_mem>>) src(%dma_wait3A_912 : memref<128x16xf32, #tpu.memory_space<vmem>>) dst(%dma_wait3A_916 : memref<10112x16xf32, #tpu.memory_space<vmem_shared>>)
      %add3A_917 = arith.constant 12 : i32
      %add3A_918 = arith.addi %mul3A_748, %add3A_917 : i32
      %mul3A_919 = arith.constant 128 : i32
      %mul3A_920 = arith.muli %add3A_918, %mul3A_919 : i32
      %dma_wait3A_921 = arith.constant 0 : i32
      %dma_wait3A_922 = arith.constant 12 : i32
      %dma_wait3A_923 = arith.constant 0 : i32
      %dma_wait3A_924 = arith.constant 0 : i32
      %dma_wait3A_925 = tpu.memref_slice %arg7[%dma_wait3A_921, %dma_wait3A_922, %dma_wait3A_923, %dma_wait3A_924] : memref<2x13x128x16xf32, #tpu.memory_space<vmem>> -> memref<1x1x128x16xf32, #tpu.memory_space<vmem>>
      %dma_wait3A_926 = tpu.memref_squeeze %dma_wait3A_925 : memref<1x1x128x16xf32, #tpu.memory_space<vmem>> -> memref<128x16xf32, #tpu.memory_space<vmem>>
      %dma_wait3A_927 = tpu.memref_slice %arg6[%mul3A_920] : memref<10000xi32, #tpu.memory_space<vmem>> -> memref<128xi32, #tpu.memory_space<vmem>>
      %dma_wait3A_928 = arith.constant 0 : i32
      %dma_wait3A_929 = arith.constant 0 : i32
      %dma_wait3A_930 = tpu.memref_slice %arg10[%dma_wait3A_928, %dma_wait3A_929] : memref<10112x16xf32, #tpu.memory_space<vmem_shared>> -> memref<10112x16xf32, #tpu.memory_space<vmem_shared>>
      tpu.wait_indirect_dma semaphore(%arg14 : memref<!tpu.dma_semaphore, #tpu.memory_space<semaphore_mem>>) src(%dma_wait3A_926 : memref<128x16xf32, #tpu.memory_space<vmem>>) dst(%dma_wait3A_930 : memref<10112x16xf32, #tpu.memory_space<vmem_shared>>)
      %add3A_931 = arith.constant 2 : i32
      %add3A_932 = arith.addi %mul3A_192, %add3A_931 : i32
      %lt3A = arith.constant 6 : i32
      %lt3A_933 = arith.cmpi slt, %add3A_932, %lt3A : i32
      %convert_element_type3A = arith.extui %lt3A_933 : i1 to i32
      %cond3A = arith.constant 0 : i32
      %cond3A_934 = arith.cmpi ne, %convert_element_type3A, %cond3A : i32
      scf.if %cond3A_934 {
        %add3A_1488 = arith.constant 2 : i32
        %add3A_1489 = arith.addi %mul3A_192, %add3A_1488 : i32
        %mul3A_1490 = arith.constant 13 : i32
        %mul3A_1491 = arith.muli %add3A_1489, %mul3A_1490 : i32
        %add3A_1492 = arith.constant 0 : i32
        %add3A_1493 = arith.addi %mul3A_1491, %add3A_1492 : i32
        %mul3A_1494 = arith.constant 128 : i32
        %mul3A_1495 = arith.muli %add3A_1493, %mul3A_1494 : i32
        %dma_start3A_1496 = arith.constant 0 : i32
        %dma_start3A_1497 = arith.constant 0 : i32
        %dma_start3A_1498 = arith.constant 0 : i32
        %dma_start3A_1499 = arith.constant 0 : i32
        %dma_start3A_1500 = tpu.memref_slice %arg7[%dma_start3A_1496, %dma_start3A_1497, %dma_start3A_1498, %dma_start3A_1499] : memref<2x13x128x16xf32, #tpu.memory_space<vmem>> -> memref<1x1x128x16xf32, #tpu.memory_space<vmem>>
        %dma_start3A_1501 = tpu.memref_squeeze %dma_start3A_1500 : memref<1x1x128x16xf32, #tpu.memory_space<vmem>> -> memref<128x16xf32, #tpu.memory_space<vmem>>
        %dma_start3A_1502 = tpu.memref_slice %arg5[%mul3A_1495] : memref<10000xi32, #tpu.memory_space<vmem>> -> memref<128xi32, #tpu.memory_space<vmem>>
        %dma_start3A_1503 = arith.constant 0 : i32
        %dma_start3A_1504 = arith.constant 0 : i32
        %dma_start3A_1505 = tpu.memref_slice %arg11[%dma_start3A_1503, %dma_start3A_1504] : memref<10112x16xf32, #tpu.memory_space<vmem_shared>> -> memref<10112x16xf32, #tpu.memory_space<vmem_shared>>
        tpu.enqueue_indirect_dma source(%dma_start3A_1505 : memref<10112x16xf32, #tpu.memory_space<vmem_shared>>) target(%dma_start3A_1501 : memref<128x16xf32, #tpu.memory_space<vmem>>) offsets(%dma_start3A_1502 : memref<128xi32, #tpu.memory_space<vmem>>) semaphore(%arg12 : memref<!tpu.dma_semaphore, #tpu.memory_space<semaphore_mem>>)
        %add3A_1506 = arith.constant 1 : i32
        %add3A_1507 = arith.addi %mul3A_1491, %add3A_1506 : i32
        %mul3A_1508 = arith.constant 128 : i32
        %mul3A_1509 = arith.muli %add3A_1507, %mul3A_1508 : i32
        %dma_start3A_1510 = arith.constant 0 : i32
        %dma_start3A_1511 = arith.constant 1 : i32
        %dma_start3A_1512 = arith.constant 0 : i32
        %dma_start3A_1513 = arith.constant 0 : i32
        %dma_start3A_1514 = tpu.memref_slice %arg7[%dma_start3A_1510, %dma_start3A_1511, %dma_start3A_1512, %dma_start3A_1513] : memref<2x13x128x16xf32, #tpu.memory_space<vmem>> -> memref<1x1x128x16xf32, #tpu.memory_space<vmem>>
        %dma_start3A_1515 = tpu.memref_squeeze %dma_start3A_1514 : memref<1x1x128x16xf32, #tpu.memory_space<vmem>> -> memref<128x16xf32, #tpu.memory_space<vmem>>
        %dma_start3A_1516 = tpu.memref_slice %arg5[%mul3A_1509] : memref<10000xi32, #tpu.memory_space<vmem>> -> memref<128xi32, #tpu.memory_space<vmem>>
        %dma_start3A_1517 = arith.constant 0 : i32
        %dma_start3A_1518 = arith.constant 0 : i32
        %dma_start3A_1519 = tpu.memref_slice %arg11[%dma_start3A_1517, %dma_start3A_1518] : memref<10112x16xf32, #tpu.memory_space<vmem_shared>> -> memref<10112x16xf32, #tpu.memory_space<vmem_shared>>
        tpu.enqueue_indirect_dma source(%dma_start3A_1519 : memref<10112x16xf32, #tpu.memory_space<vmem_shared>>) target(%dma_start3A_1515 : memref<128x16xf32, #tpu.memory_space<vmem>>) offsets(%dma_start3A_1516 : memref<128xi32, #tpu.memory_space<vmem>>) semaphore(%arg12 : memref<!tpu.dma_semaphore, #tpu.memory_space<semaphore_mem>>)
        %add3A_1520 = arith.constant 2 : i32
        %add3A_1521 = arith.addi %mul3A_1491, %add3A_1520 : i32
        %mul3A_1522 = arith.constant 128 : i32
        %mul3A_1523 = arith.muli %add3A_1521, %mul3A_1522 : i32
        %dma_start3A_1524 = arith.constant 0 : i32
        %dma_start3A_1525 = arith.constant 2 : i32
        %dma_start3A_1526 = arith.constant 0 : i32
        %dma_start3A_1527 = arith.constant 0 : i32
        %dma_start3A_1528 = tpu.memref_slice %arg7[%dma_start3A_1524, %dma_start3A_1525, %dma_start3A_1526, %dma_start3A_1527] : memref<2x13x128x16xf32, #tpu.memory_space<vmem>> -> memref<1x1x128x16xf32, #tpu.memory_space<vmem>>
        %dma_start3A_1529 = tpu.memref_squeeze %dma_start3A_1528 : memref<1x1x128x16xf32, #tpu.memory_space<vmem>> -> memref<128x16xf32, #tpu.memory_space<vmem>>
        %dma_start3A_1530 = tpu.memref_slice %arg5[%mul3A_1523] : memref<10000xi32, #tpu.memory_space<vmem>> -> memref<128xi32, #tpu.memory_space<vmem>>
        %dma_start3A_1531 = arith.constant 0 : i32
        %dma_start3A_1532 = arith.constant 0 : i32
        %dma_start3A_1533 = tpu.memref_slice %arg11[%dma_start3A_1531, %dma_start3A_1532] : memref<10112x16xf32, #tpu.memory_space<vmem_shared>> -> memref<10112x16xf32, #tpu.memory_space<vmem_shared>>
        tpu.enqueue_indirect_dma source(%dma_start3A_1533 : memref<10112x16xf32, #tpu.memory_space<vmem_shared>>) target(%dma_start3A_1529 : memref<128x16xf32, #tpu.memory_space<vmem>>) offsets(%dma_start3A_1530 : memref<128xi32, #tpu.memory_space<vmem>>) semaphore(%arg12 : memref<!tpu.dma_semaphore, #tpu.memory_space<semaphore_mem>>)
        %add3A_1534 = arith.constant 3 : i32
        %add3A_1535 = arith.addi %mul3A_1491, %add3A_1534 : i32
        %mul3A_1536 = arith.constant 128 : i32
        %mul3A_1537 = arith.muli %add3A_1535, %mul3A_1536 : i32
        %dma_start3A_1538 = arith.constant 0 : i32
        %dma_start3A_1539 = arith.constant 3 : i32
        %dma_start3A_1540 = arith.constant 0 : i32
        %dma_start3A_1541 = arith.constant 0 : i32
        %dma_start3A_1542 = tpu.memref_slice %arg7[%dma_start3A_1538, %dma_start3A_1539, %dma_start3A_1540, %dma_start3A_1541] : memref<2x13x128x16xf32, #tpu.memory_space<vmem>> -> memref<1x1x128x16xf32, #tpu.memory_space<vmem>>
        %dma_start3A_1543 = tpu.memref_squeeze %dma_start3A_1542 : memref<1x1x128x16xf32, #tpu.memory_space<vmem>> -> memref<128x16xf32, #tpu.memory_space<vmem>>
        %dma_start3A_1544 = tpu.memref_slice %arg5[%mul3A_1537] : memref<10000xi32, #tpu.memory_space<vmem>> -> memref<128xi32, #tpu.memory_space<vmem>>
        %dma_start3A_1545 = arith.constant 0 : i32
        %dma_start3A_1546 = arith.constant 0 : i32
        %dma_start3A_1547 = tpu.memref_slice %arg11[%dma_start3A_1545, %dma_start3A_1546] : memref<10112x16xf32, #tpu.memory_space<vmem_shared>> -> memref<10112x16xf32, #tpu.memory_space<vmem_shared>>
        tpu.enqueue_indirect_dma source(%dma_start3A_1547 : memref<10112x16xf32, #tpu.memory_space<vmem_shared>>) target(%dma_start3A_1543 : memref<128x16xf32, #tpu.memory_space<vmem>>) offsets(%dma_start3A_1544 : memref<128xi32, #tpu.memory_space<vmem>>) semaphore(%arg12 : memref<!tpu.dma_semaphore, #tpu.memory_space<semaphore_mem>>)
        %add3A_1548 = arith.constant 4 : i32
        %add3A_1549 = arith.addi %mul3A_1491, %add3A_1548 : i32
        %mul3A_1550 = arith.constant 128 : i32
        %mul3A_1551 = arith.muli %add3A_1549, %mul3A_1550 : i32
        %dma_start3A_1552 = arith.constant 0 : i32
        %dma_start3A_1553 = arith.constant 4 : i32
        %dma_start3A_1554 = arith.constant 0 : i32
        %dma_start3A_1555 = arith.constant 0 : i32
        %dma_start3A_1556 = tpu.memref_slice %arg7[%dma_start3A_1552, %dma_start3A_1553, %dma_start3A_1554, %dma_start3A_1555] : memref<2x13x128x16xf32, #tpu.memory_space<vmem>> -> memref<1x1x128x16xf32, #tpu.memory_space<vmem>>
        %dma_start3A_1557 = tpu.memref_squeeze %dma_start3A_1556 : memref<1x1x128x16xf32, #tpu.memory_space<vmem>> -> memref<128x16xf32, #tpu.memory_space<vmem>>
        %dma_start3A_1558 = tpu.memref_slice %arg5[%mul3A_1551] : memref<10000xi32, #tpu.memory_space<vmem>> -> memref<128xi32, #tpu.memory_space<vmem>>
        %dma_start3A_1559 = arith.constant 0 : i32
        %dma_start3A_1560 = arith.constant 0 : i32
        %dma_start3A_1561 = tpu.memref_slice %arg11[%dma_start3A_1559, %dma_start3A_1560] : memref<10112x16xf32, #tpu.memory_space<vmem_shared>> -> memref<10112x16xf32, #tpu.memory_space<vmem_shared>>
        tpu.enqueue_indirect_dma source(%dma_start3A_1561 : memref<10112x16xf32, #tpu.memory_space<vmem_shared>>) target(%dma_start3A_1557 : memref<128x16xf32, #tpu.memory_space<vmem>>) offsets(%dma_start3A_1558 : memref<128xi32, #tpu.memory_space<vmem>>) semaphore(%arg12 : memref<!tpu.dma_semaphore, #tpu.memory_space<semaphore_mem>>)
        %add3A_1562 = arith.constant 5 : i32
        %add3A_1563 = arith.addi %mul3A_1491, %add3A_1562 : i32
        %mul3A_1564 = arith.constant 128 : i32
        %mul3A_1565 = arith.muli %add3A_1563, %mul3A_1564 : i32
        %dma_start3A_1566 = arith.constant 0 : i32
        %dma_start3A_1567 = arith.constant 5 : i32
        %dma_start3A_1568 = arith.constant 0 : i32
        %dma_start3A_1569 = arith.constant 0 : i32
        %dma_start3A_1570 = tpu.memref_slice %arg7[%dma_start3A_1566, %dma_start3A_1567, %dma_start3A_1568, %dma_start3A_1569] : memref<2x13x128x16xf32, #tpu.memory_space<vmem>> -> memref<1x1x128x16xf32, #tpu.memory_space<vmem>>
        %dma_start3A_1571 = tpu.memref_squeeze %dma_start3A_1570 : memref<1x1x128x16xf32, #tpu.memory_space<vmem>> -> memref<128x16xf32, #tpu.memory_space<vmem>>
        %dma_start3A_1572 = tpu.memref_slice %arg5[%mul3A_1565] : memref<10000xi32, #tpu.memory_space<vmem>> -> memref<128xi32, #tpu.memory_space<vmem>>
        %dma_start3A_1573 = arith.constant 0 : i32
        %dma_start3A_1574 = arith.constant 0 : i32
        %dma_start3A_1575 = tpu.memref_slice %arg11[%dma_start3A_1573, %dma_start3A_1574] : memref<10112x16xf32, #tpu.memory_space<vmem_shared>> -> memref<10112x16xf32, #tpu.memory_space<vmem_shared>>
        tpu.enqueue_indirect_dma source(%dma_start3A_1575 : memref<10112x16xf32, #tpu.memory_space<vmem_shared>>) target(%dma_start3A_1571 : memref<128x16xf32, #tpu.memory_space<vmem>>) offsets(%dma_start3A_1572 : memref<128xi32, #tpu.memory_space<vmem>>) semaphore(%arg12 : memref<!tpu.dma_semaphore, #tpu.memory_space<semaphore_mem>>)
        %add3A_1576 = arith.constant 6 : i32
        %add3A_1577 = arith.addi %mul3A_1491, %add3A_1576 : i32
        %mul3A_1578 = arith.constant 128 : i32
        %mul3A_1579 = arith.muli %add3A_1577, %mul3A_1578 : i32
        %dma_start3A_1580 = arith.constant 0 : i32
        %dma_start3A_1581 = arith.constant 6 : i32
        %dma_start3A_1582 = arith.constant 0 : i32
        %dma_start3A_1583 = arith.constant 0 : i32
        %dma_start3A_1584 = tpu.memref_slice %arg7[%dma_start3A_1580, %dma_start3A_1581, %dma_start3A_1582, %dma_start3A_1583] : memref<2x13x128x16xf32, #tpu.memory_space<vmem>> -> memref<1x1x128x16xf32, #tpu.memory_space<vmem>>
        %dma_start3A_1585 = tpu.memref_squeeze %dma_start3A_1584 : memref<1x1x128x16xf32, #tpu.memory_space<vmem>> -> memref<128x16xf32, #tpu.memory_space<vmem>>
        %dma_start3A_1586 = tpu.memref_slice %arg5[%mul3A_1579] : memref<10000xi32, #tpu.memory_space<vmem>> -> memref<128xi32, #tpu.memory_space<vmem>>
        %dma_start3A_1587 = arith.constant 0 : i32
        %dma_start3A_1588 = arith.constant 0 : i32
        %dma_start3A_1589 = tpu.memref_slice %arg11[%dma_start3A_1587, %dma_start3A_1588] : memref<10112x16xf32, #tpu.memory_space<vmem_shared>> -> memref<10112x16xf32, #tpu.memory_space<vmem_shared>>
        tpu.enqueue_indirect_dma source(%dma_start3A_1589 : memref<10112x16xf32, #tpu.memory_space<vmem_shared>>) target(%dma_start3A_1585 : memref<128x16xf32, #tpu.memory_space<vmem>>) offsets(%dma_start3A_1586 : memref<128xi32, #tpu.memory_space<vmem>>) semaphore(%arg12 : memref<!tpu.dma_semaphore, #tpu.memory_space<semaphore_mem>>)
        %add3A_1590 = arith.constant 7 : i32
        %add3A_1591 = arith.addi %mul3A_1491, %add3A_1590 : i32
        %mul3A_1592 = arith.constant 128 : i32
        %mul3A_1593 = arith.muli %add3A_1591, %mul3A_1592 : i32
        %dma_start3A_1594 = arith.constant 0 : i32
        %dma_start3A_1595 = arith.constant 7 : i32
        %dma_start3A_1596 = arith.constant 0 : i32
        %dma_start3A_1597 = arith.constant 0 : i32
        %dma_start3A_1598 = tpu.memref_slice %arg7[%dma_start3A_1594, %dma_start3A_1595, %dma_start3A_1596, %dma_start3A_1597] : memref<2x13x128x16xf32, #tpu.memory_space<vmem>> -> memref<1x1x128x16xf32, #tpu.memory_space<vmem>>
        %dma_start3A_1599 = tpu.memref_squeeze %dma_start3A_1598 : memref<1x1x128x16xf32, #tpu.memory_space<vmem>> -> memref<128x16xf32, #tpu.memory_space<vmem>>
        %dma_start3A_1600 = tpu.memref_slice %arg5[%mul3A_1593] : memref<10000xi32, #tpu.memory_space<vmem>> -> memref<128xi32, #tpu.memory_space<vmem>>
        %dma_start3A_1601 = arith.constant 0 : i32
        %dma_start3A_1602 = arith.constant 0 : i32
        %dma_start3A_1603 = tpu.memref_slice %arg11[%dma_start3A_1601, %dma_start3A_1602] : memref<10112x16xf32, #tpu.memory_space<vmem_shared>> -> memref<10112x16xf32, #tpu.memory_space<vmem_shared>>
        tpu.enqueue_indirect_dma source(%dma_start3A_1603 : memref<10112x16xf32, #tpu.memory_space<vmem_shared>>) target(%dma_start3A_1599 : memref<128x16xf32, #tpu.memory_space<vmem>>) offsets(%dma_start3A_1600 : memref<128xi32, #tpu.memory_space<vmem>>) semaphore(%arg12 : memref<!tpu.dma_semaphore, #tpu.memory_space<semaphore_mem>>)
        %add3A_1604 = arith.constant 8 : i32
        %add3A_1605 = arith.addi %mul3A_1491, %add3A_1604 : i32
        %mul3A_1606 = arith.constant 128 : i32
        %mul3A_1607 = arith.muli %add3A_1605, %mul3A_1606 : i32
        %dma_start3A_1608 = arith.constant 0 : i32
        %dma_start3A_1609 = arith.constant 8 : i32
        %dma_start3A_1610 = arith.constant 0 : i32
        %dma_start3A_1611 = arith.constant 0 : i32
        %dma_start3A_1612 = tpu.memref_slice %arg7[%dma_start3A_1608, %dma_start3A_1609, %dma_start3A_1610, %dma_start3A_1611] : memref<2x13x128x16xf32, #tpu.memory_space<vmem>> -> memref<1x1x128x16xf32, #tpu.memory_space<vmem>>
        %dma_start3A_1613 = tpu.memref_squeeze %dma_start3A_1612 : memref<1x1x128x16xf32, #tpu.memory_space<vmem>> -> memref<128x16xf32, #tpu.memory_space<vmem>>
        %dma_start3A_1614 = tpu.memref_slice %arg5[%mul3A_1607] : memref<10000xi32, #tpu.memory_space<vmem>> -> memref<128xi32, #tpu.memory_space<vmem>>
        %dma_start3A_1615 = arith.constant 0 : i32
        %dma_start3A_1616 = arith.constant 0 : i32
        %dma_start3A_1617 = tpu.memref_slice %arg11[%dma_start3A_1615, %dma_start3A_1616] : memref<10112x16xf32, #tpu.memory_space<vmem_shared>> -> memref<10112x16xf32, #tpu.memory_space<vmem_shared>>
        tpu.enqueue_indirect_dma source(%dma_start3A_1617 : memref<10112x16xf32, #tpu.memory_space<vmem_shared>>) target(%dma_start3A_1613 : memref<128x16xf32, #tpu.memory_space<vmem>>) offsets(%dma_start3A_1614 : memref<128xi32, #tpu.memory_space<vmem>>) semaphore(%arg12 : memref<!tpu.dma_semaphore, #tpu.memory_space<semaphore_mem>>)
        %add3A_1618 = arith.constant 9 : i32
        %add3A_1619 = arith.addi %mul3A_1491, %add3A_1618 : i32
        %mul3A_1620 = arith.constant 128 : i32
        %mul3A_1621 = arith.muli %add3A_1619, %mul3A_1620 : i32
        %dma_start3A_1622 = arith.constant 0 : i32
        %dma_start3A_1623 = arith.constant 9 : i32
        %dma_start3A_1624 = arith.constant 0 : i32
        %dma_start3A_1625 = arith.constant 0 : i32
        %dma_start3A_1626 = tpu.memref_slice %arg7[%dma_start3A_1622, %dma_start3A_1623, %dma_start3A_1624, %dma_start3A_1625] : memref<2x13x128x16xf32, #tpu.memory_space<vmem>> -> memref<1x1x128x16xf32, #tpu.memory_space<vmem>>
        %dma_start3A_1627 = tpu.memref_squeeze %dma_start3A_1626 : memref<1x1x128x16xf32, #tpu.memory_space<vmem>> -> memref<128x16xf32, #tpu.memory_space<vmem>>
        %dma_start3A_1628 = tpu.memref_slice %arg5[%mul3A_1621] : memref<10000xi32, #tpu.memory_space<vmem>> -> memref<128xi32, #tpu.memory_space<vmem>>
        %dma_start3A_1629 = arith.constant 0 : i32
        %dma_start3A_1630 = arith.constant 0 : i32
        %dma_start3A_1631 = tpu.memref_slice %arg11[%dma_start3A_1629, %dma_start3A_1630] : memref<10112x16xf32, #tpu.memory_space<vmem_shared>> -> memref<10112x16xf32, #tpu.memory_space<vmem_shared>>
        tpu.enqueue_indirect_dma source(%dma_start3A_1631 : memref<10112x16xf32, #tpu.memory_space<vmem_shared>>) target(%dma_start3A_1627 : memref<128x16xf32, #tpu.memory_space<vmem>>) offsets(%dma_start3A_1628 : memref<128xi32, #tpu.memory_space<vmem>>) semaphore(%arg12 : memref<!tpu.dma_semaphore, #tpu.memory_space<semaphore_mem>>)
        %add3A_1632 = arith.constant 10 : i32
        %add3A_1633 = arith.addi %mul3A_1491, %add3A_1632 : i32
        %mul3A_1634 = arith.constant 128 : i32
        %mul3A_1635 = arith.muli %add3A_1633, %mul3A_1634 : i32
        %dma_start3A_1636 = arith.constant 0 : i32
        %dma_start3A_1637 = arith.constant 10 : i32
        %dma_start3A_1638 = arith.constant 0 : i32
        %dma_start3A_1639 = arith.constant 0 : i32
        %dma_start3A_1640 = tpu.memref_slice %arg7[%dma_start3A_1636, %dma_start3A_1637, %dma_start3A_1638, %dma_start3A_1639] : memref<2x13x128x16xf32, #tpu.memory_space<vmem>> -> memref<1x1x128x16xf32, #tpu.memory_space<vmem>>
        %dma_start3A_1641 = tpu.memref_squeeze %dma_start3A_1640 : memref<1x1x128x16xf32, #tpu.memory_space<vmem>> -> memref<128x16xf32, #tpu.memory_space<vmem>>
        %dma_start3A_1642 = tpu.memref_slice %arg5[%mul3A_1635] : memref<10000xi32, #tpu.memory_space<vmem>> -> memref<128xi32, #tpu.memory_space<vmem>>
        %dma_start3A_1643 = arith.constant 0 : i32
        %dma_start3A_1644 = arith.constant 0 : i32
        %dma_start3A_1645 = tpu.memref_slice %arg11[%dma_start3A_1643, %dma_start3A_1644] : memref<10112x16xf32, #tpu.memory_space<vmem_shared>> -> memref<10112x16xf32, #tpu.memory_space<vmem_shared>>
        tpu.enqueue_indirect_dma source(%dma_start3A_1645 : memref<10112x16xf32, #tpu.memory_space<vmem_shared>>) target(%dma_start3A_1641 : memref<128x16xf32, #tpu.memory_space<vmem>>) offsets(%dma_start3A_1642 : memref<128xi32, #tpu.memory_space<vmem>>) semaphore(%arg12 : memref<!tpu.dma_semaphore, #tpu.memory_space<semaphore_mem>>)
        %add3A_1646 = arith.constant 11 : i32
        %add3A_1647 = arith.addi %mul3A_1491, %add3A_1646 : i32
        %mul3A_1648 = arith.constant 128 : i32
        %mul3A_1649 = arith.muli %add3A_1647, %mul3A_1648 : i32
        %dma_start3A_1650 = arith.constant 0 : i32
        %dma_start3A_1651 = arith.constant 11 : i32
        %dma_start3A_1652 = arith.constant 0 : i32
        %dma_start3A_1653 = arith.constant 0 : i32
        %dma_start3A_1654 = tpu.memref_slice %arg7[%dma_start3A_1650, %dma_start3A_1651, %dma_start3A_1652, %dma_start3A_1653] : memref<2x13x128x16xf32, #tpu.memory_space<vmem>> -> memref<1x1x128x16xf32, #tpu.memory_space<vmem>>
        %dma_start3A_1655 = tpu.memref_squeeze %dma_start3A_1654 : memref<1x1x128x16xf32, #tpu.memory_space<vmem>> -> memref<128x16xf32, #tpu.memory_space<vmem>>
        %dma_start3A_1656 = tpu.memref_slice %arg5[%mul3A_1649] : memref<10000xi32, #tpu.memory_space<vmem>> -> memref<128xi32, #tpu.memory_space<vmem>>
        %dma_start3A_1657 = arith.constant 0 : i32
        %dma_start3A_1658 = arith.constant 0 : i32
        %dma_start3A_1659 = tpu.memref_slice %arg11[%dma_start3A_1657, %dma_start3A_1658] : memref<10112x16xf32, #tpu.memory_space<vmem_shared>> -> memref<10112x16xf32, #tpu.memory_space<vmem_shared>>
        tpu.enqueue_indirect_dma source(%dma_start3A_1659 : memref<10112x16xf32, #tpu.memory_space<vmem_shared>>) target(%dma_start3A_1655 : memref<128x16xf32, #tpu.memory_space<vmem>>) offsets(%dma_start3A_1656 : memref<128xi32, #tpu.memory_space<vmem>>) semaphore(%arg12 : memref<!tpu.dma_semaphore, #tpu.memory_space<semaphore_mem>>)
        %add3A_1660 = arith.constant 12 : i32
        %add3A_1661 = arith.addi %mul3A_1491, %add3A_1660 : i32
        %mul3A_1662 = arith.constant 128 : i32
        %mul3A_1663 = arith.muli %add3A_1661, %mul3A_1662 : i32
        %dma_start3A_1664 = arith.constant 0 : i32
        %dma_start3A_1665 = arith.constant 12 : i32
        %dma_start3A_1666 = arith.constant 0 : i32
        %dma_start3A_1667 = arith.constant 0 : i32
        %dma_start3A_1668 = tpu.memref_slice %arg7[%dma_start3A_1664, %dma_start3A_1665, %dma_start3A_1666, %dma_start3A_1667] : memref<2x13x128x16xf32, #tpu.memory_space<vmem>> -> memref<1x1x128x16xf32, #tpu.memory_space<vmem>>
        %dma_start3A_1669 = tpu.memref_squeeze %dma_start3A_1668 : memref<1x1x128x16xf32, #tpu.memory_space<vmem>> -> memref<128x16xf32, #tpu.memory_space<vmem>>
        %dma_start3A_1670 = tpu.memref_slice %arg5[%mul3A_1663] : memref<10000xi32, #tpu.memory_space<vmem>> -> memref<128xi32, #tpu.memory_space<vmem>>
        %dma_start3A_1671 = arith.constant 0 : i32
        %dma_start3A_1672 = arith.constant 0 : i32
        %dma_start3A_1673 = tpu.memref_slice %arg11[%dma_start3A_1671, %dma_start3A_1672] : memref<10112x16xf32, #tpu.memory_space<vmem_shared>> -> memref<10112x16xf32, #tpu.memory_space<vmem_shared>>
        tpu.enqueue_indirect_dma source(%dma_start3A_1673 : memref<10112x16xf32, #tpu.memory_space<vmem_shared>>) target(%dma_start3A_1669 : memref<128x16xf32, #tpu.memory_space<vmem>>) offsets(%dma_start3A_1670 : memref<128xi32, #tpu.memory_space<vmem>>) semaphore(%arg12 : memref<!tpu.dma_semaphore, #tpu.memory_space<semaphore_mem>>)
      } else {
      }
      %mul3A_935 = arith.constant 13 : i32
      %mul3A_936 = arith.muli %add3A_194, %mul3A_935 : i32
      %add3A_937 = arith.constant 0 : i32
      %add3A_938 = arith.addi %mul3A_936, %add3A_937 : i32
      %mul3A_939 = arith.constant 128 : i32
      %mul3A_940 = arith.muli %add3A_938, %mul3A_939 : i32
      %dma_wait3A_941 = arith.constant 1 : i32
      %dma_wait3A_942 = arith.constant 0 : i32
      %dma_wait3A_943 = arith.constant 0 : i32
      %dma_wait3A_944 = arith.constant 0 : i32
      %dma_wait3A_945 = tpu.memref_slice %arg7[%dma_wait3A_941, %dma_wait3A_942, %dma_wait3A_943, %dma_wait3A_944] : memref<2x13x128x16xf32, #tpu.memory_space<vmem>> -> memref<1x1x128x16xf32, #tpu.memory_space<vmem>>
      %dma_wait3A_946 = tpu.memref_squeeze %dma_wait3A_945 : memref<1x1x128x16xf32, #tpu.memory_space<vmem>> -> memref<128x16xf32, #tpu.memory_space<vmem>>
      %dma_wait3A_947 = tpu.memref_slice %arg5[%mul3A_940] : memref<10000xi32, #tpu.memory_space<vmem>> -> memref<128xi32, #tpu.memory_space<vmem>>
      %dma_wait3A_948 = arith.constant 0 : i32
      %dma_wait3A_949 = arith.constant 0 : i32
      %dma_wait3A_950 = tpu.memref_slice %arg11[%dma_wait3A_948, %dma_wait3A_949] : memref<10112x16xf32, #tpu.memory_space<vmem_shared>> -> memref<10112x16xf32, #tpu.memory_space<vmem_shared>>
      tpu.wait_indirect_dma semaphore(%arg13 : memref<!tpu.dma_semaphore, #tpu.memory_space<semaphore_mem>>) src(%dma_wait3A_950 : memref<10112x16xf32, #tpu.memory_space<vmem_shared>>) dst(%dma_wait3A_946 : memref<128x16xf32, #tpu.memory_space<vmem>>)
      %add3A_951 = arith.constant 1 : i32
      %add3A_952 = arith.addi %mul3A_936, %add3A_951 : i32
      %mul3A_953 = arith.constant 128 : i32
      %mul3A_954 = arith.muli %add3A_952, %mul3A_953 : i32
      %dma_wait3A_955 = arith.constant 1 : i32
      %dma_wait3A_956 = arith.constant 1 : i32
      %dma_wait3A_957 = arith.constant 0 : i32
      %dma_wait3A_958 = arith.constant 0 : i32
      %dma_wait3A_959 = tpu.memref_slice %arg7[%dma_wait3A_955, %dma_wait3A_956, %dma_wait3A_957, %dma_wait3A_958] : memref<2x13x128x16xf32, #tpu.memory_space<vmem>> -> memref<1x1x128x16xf32, #tpu.memory_space<vmem>>
      %dma_wait3A_960 = tpu.memref_squeeze %dma_wait3A_959 : memref<1x1x128x16xf32, #tpu.memory_space<vmem>> -> memref<128x16xf32, #tpu.memory_space<vmem>>
      %dma_wait3A_961 = tpu.memref_slice %arg5[%mul3A_954] : memref<10000xi32, #tpu.memory_space<vmem>> -> memref<128xi32, #tpu.memory_space<vmem>>
      %dma_wait3A_962 = arith.constant 0 : i32
      %dma_wait3A_963 = arith.constant 0 : i32
      %dma_wait3A_964 = tpu.memref_slice %arg11[%dma_wait3A_962, %dma_wait3A_963] : memref<10112x16xf32, #tpu.memory_space<vmem_shared>> -> memref<10112x16xf32, #tpu.memory_space<vmem_shared>>
      tpu.wait_indirect_dma semaphore(%arg13 : memref<!tpu.dma_semaphore, #tpu.memory_space<semaphore_mem>>) src(%dma_wait3A_964 : memref<10112x16xf32, #tpu.memory_space<vmem_shared>>) dst(%dma_wait3A_960 : memref<128x16xf32, #tpu.memory_space<vmem>>)
      %add3A_965 = arith.constant 2 : i32
      %add3A_966 = arith.addi %mul3A_936, %add3A_965 : i32
      %mul3A_967 = arith.constant 128 : i32
      %mul3A_968 = arith.muli %add3A_966, %mul3A_967 : i32
      %dma_wait3A_969 = arith.constant 1 : i32
      %dma_wait3A_970 = arith.constant 2 : i32
      %dma_wait3A_971 = arith.constant 0 : i32
      %dma_wait3A_972 = arith.constant 0 : i32
      %dma_wait3A_973 = tpu.memref_slice %arg7[%dma_wait3A_969, %dma_wait3A_970, %dma_wait3A_971, %dma_wait3A_972] : memref<2x13x128x16xf32, #tpu.memory_space<vmem>> -> memref<1x1x128x16xf32, #tpu.memory_space<vmem>>
      %dma_wait3A_974 = tpu.memref_squeeze %dma_wait3A_973 : memref<1x1x128x16xf32, #tpu.memory_space<vmem>> -> memref<128x16xf32, #tpu.memory_space<vmem>>
      %dma_wait3A_975 = tpu.memref_slice %arg5[%mul3A_968] : memref<10000xi32, #tpu.memory_space<vmem>> -> memref<128xi32, #tpu.memory_space<vmem>>
      %dma_wait3A_976 = arith.constant 0 : i32
      %dma_wait3A_977 = arith.constant 0 : i32
      %dma_wait3A_978 = tpu.memref_slice %arg11[%dma_wait3A_976, %dma_wait3A_977] : memref<10112x16xf32, #tpu.memory_space<vmem_shared>> -> memref<10112x16xf32, #tpu.memory_space<vmem_shared>>
      tpu.wait_indirect_dma semaphore(%arg13 : memref<!tpu.dma_semaphore, #tpu.memory_space<semaphore_mem>>) src(%dma_wait3A_978 : memref<10112x16xf32, #tpu.memory_space<vmem_shared>>) dst(%dma_wait3A_974 : memref<128x16xf32, #tpu.memory_space<vmem>>)
      %add3A_979 = arith.constant 3 : i32
      %add3A_980 = arith.addi %mul3A_936, %add3A_979 : i32
      %mul3A_981 = arith.constant 128 : i32
      %mul3A_982 = arith.muli %add3A_980, %mul3A_981 : i32
      %dma_wait3A_983 = arith.constant 1 : i32
      %dma_wait3A_984 = arith.constant 3 : i32
      %dma_wait3A_985 = arith.constant 0 : i32
      %dma_wait3A_986 = arith.constant 0 : i32
      %dma_wait3A_987 = tpu.memref_slice %arg7[%dma_wait3A_983, %dma_wait3A_984, %dma_wait3A_985, %dma_wait3A_986] : memref<2x13x128x16xf32, #tpu.memory_space<vmem>> -> memref<1x1x128x16xf32, #tpu.memory_space<vmem>>
      %dma_wait3A_988 = tpu.memref_squeeze %dma_wait3A_987 : memref<1x1x128x16xf32, #tpu.memory_space<vmem>> -> memref<128x16xf32, #tpu.memory_space<vmem>>
      %dma_wait3A_989 = tpu.memref_slice %arg5[%mul3A_982] : memref<10000xi32, #tpu.memory_space<vmem>> -> memref<128xi32, #tpu.memory_space<vmem>>
      %dma_wait3A_990 = arith.constant 0 : i32
      %dma_wait3A_991 = arith.constant 0 : i32
      %dma_wait3A_992 = tpu.memref_slice %arg11[%dma_wait3A_990, %dma_wait3A_991] : memref<10112x16xf32, #tpu.memory_space<vmem_shared>> -> memref<10112x16xf32, #tpu.memory_space<vmem_shared>>
      tpu.wait_indirect_dma semaphore(%arg13 : memref<!tpu.dma_semaphore, #tpu.memory_space<semaphore_mem>>) src(%dma_wait3A_992 : memref<10112x16xf32, #tpu.memory_space<vmem_shared>>) dst(%dma_wait3A_988 : memref<128x16xf32, #tpu.memory_space<vmem>>)
      %add3A_993 = arith.constant 4 : i32
      %add3A_994 = arith.addi %mul3A_936, %add3A_993 : i32
      %mul3A_995 = arith.constant 128 : i32
      %mul3A_996 = arith.muli %add3A_994, %mul3A_995 : i32
      %dma_wait3A_997 = arith.constant 1 : i32
      %dma_wait3A_998 = arith.constant 4 : i32
      %dma_wait3A_999 = arith.constant 0 : i32
      %dma_wait3A_1000 = arith.constant 0 : i32
      %dma_wait3A_1001 = tpu.memref_slice %arg7[%dma_wait3A_997, %dma_wait3A_998, %dma_wait3A_999, %dma_wait3A_1000] : memref<2x13x128x16xf32, #tpu.memory_space<vmem>> -> memref<1x1x128x16xf32, #tpu.memory_space<vmem>>
      %dma_wait3A_1002 = tpu.memref_squeeze %dma_wait3A_1001 : memref<1x1x128x16xf32, #tpu.memory_space<vmem>> -> memref<128x16xf32, #tpu.memory_space<vmem>>
      %dma_wait3A_1003 = tpu.memref_slice %arg5[%mul3A_996] : memref<10000xi32, #tpu.memory_space<vmem>> -> memref<128xi32, #tpu.memory_space<vmem>>
      %dma_wait3A_1004 = arith.constant 0 : i32
      %dma_wait3A_1005 = arith.constant 0 : i32
      %dma_wait3A_1006 = tpu.memref_slice %arg11[%dma_wait3A_1004, %dma_wait3A_1005] : memref<10112x16xf32, #tpu.memory_space<vmem_shared>> -> memref<10112x16xf32, #tpu.memory_space<vmem_shared>>
      tpu.wait_indirect_dma semaphore(%arg13 : memref<!tpu.dma_semaphore, #tpu.memory_space<semaphore_mem>>) src(%dma_wait3A_1006 : memref<10112x16xf32, #tpu.memory_space<vmem_shared>>) dst(%dma_wait3A_1002 : memref<128x16xf32, #tpu.memory_space<vmem>>)
      %add3A_1007 = arith.constant 5 : i32
      %add3A_1008 = arith.addi %mul3A_936, %add3A_1007 : i32
      %mul3A_1009 = arith.constant 128 : i32
      %mul3A_1010 = arith.muli %add3A_1008, %mul3A_1009 : i32
      %dma_wait3A_1011 = arith.constant 1 : i32
      %dma_wait3A_1012 = arith.constant 5 : i32
      %dma_wait3A_1013 = arith.constant 0 : i32
      %dma_wait3A_1014 = arith.constant 0 : i32
      %dma_wait3A_1015 = tpu.memref_slice %arg7[%dma_wait3A_1011, %dma_wait3A_1012, %dma_wait3A_1013, %dma_wait3A_1014] : memref<2x13x128x16xf32, #tpu.memory_space<vmem>> -> memref<1x1x128x16xf32, #tpu.memory_space<vmem>>
      %dma_wait3A_1016 = tpu.memref_squeeze %dma_wait3A_1015 : memref<1x1x128x16xf32, #tpu.memory_space<vmem>> -> memref<128x16xf32, #tpu.memory_space<vmem>>
      %dma_wait3A_1017 = tpu.memref_slice %arg5[%mul3A_1010] : memref<10000xi32, #tpu.memory_space<vmem>> -> memref<128xi32, #tpu.memory_space<vmem>>
      %dma_wait3A_1018 = arith.constant 0 : i32
      %dma_wait3A_1019 = arith.constant 0 : i32
      %dma_wait3A_1020 = tpu.memref_slice %arg11[%dma_wait3A_1018, %dma_wait3A_1019] : memref<10112x16xf32, #tpu.memory_space<vmem_shared>> -> memref<10112x16xf32, #tpu.memory_space<vmem_shared>>
      tpu.wait_indirect_dma semaphore(%arg13 : memref<!tpu.dma_semaphore, #tpu.memory_space<semaphore_mem>>) src(%dma_wait3A_1020 : memref<10112x16xf32, #tpu.memory_space<vmem_shared>>) dst(%dma_wait3A_1016 : memref<128x16xf32, #tpu.memory_space<vmem>>)
      %add3A_1021 = arith.constant 6 : i32
      %add3A_1022 = arith.addi %mul3A_936, %add3A_1021 : i32
      %mul3A_1023 = arith.constant 128 : i32
      %mul3A_1024 = arith.muli %add3A_1022, %mul3A_1023 : i32
      %dma_wait3A_1025 = arith.constant 1 : i32
      %dma_wait3A_1026 = arith.constant 6 : i32
      %dma_wait3A_1027 = arith.constant 0 : i32
      %dma_wait3A_1028 = arith.constant 0 : i32
      %dma_wait3A_1029 = tpu.memref_slice %arg7[%dma_wait3A_1025, %dma_wait3A_1026, %dma_wait3A_1027, %dma_wait3A_1028] : memref<2x13x128x16xf32, #tpu.memory_space<vmem>> -> memref<1x1x128x16xf32, #tpu.memory_space<vmem>>
      %dma_wait3A_1030 = tpu.memref_squeeze %dma_wait3A_1029 : memref<1x1x128x16xf32, #tpu.memory_space<vmem>> -> memref<128x16xf32, #tpu.memory_space<vmem>>
      %dma_wait3A_1031 = tpu.memref_slice %arg5[%mul3A_1024] : memref<10000xi32, #tpu.memory_space<vmem>> -> memref<128xi32, #tpu.memory_space<vmem>>
      %dma_wait3A_1032 = arith.constant 0 : i32
      %dma_wait3A_1033 = arith.constant 0 : i32
      %dma_wait3A_1034 = tpu.memref_slice %arg11[%dma_wait3A_1032, %dma_wait3A_1033] : memref<10112x16xf32, #tpu.memory_space<vmem_shared>> -> memref<10112x16xf32, #tpu.memory_space<vmem_shared>>
      tpu.wait_indirect_dma semaphore(%arg13 : memref<!tpu.dma_semaphore, #tpu.memory_space<semaphore_mem>>) src(%dma_wait3A_1034 : memref<10112x16xf32, #tpu.memory_space<vmem_shared>>) dst(%dma_wait3A_1030 : memref<128x16xf32, #tpu.memory_space<vmem>>)
      %add3A_1035 = arith.constant 7 : i32
      %add3A_1036 = arith.addi %mul3A_936, %add3A_1035 : i32
      %mul3A_1037 = arith.constant 128 : i32
      %mul3A_1038 = arith.muli %add3A_1036, %mul3A_1037 : i32
      %dma_wait3A_1039 = arith.constant 1 : i32
      %dma_wait3A_1040 = arith.constant 7 : i32
      %dma_wait3A_1041 = arith.constant 0 : i32
      %dma_wait3A_1042 = arith.constant 0 : i32
      %dma_wait3A_1043 = tpu.memref_slice %arg7[%dma_wait3A_1039, %dma_wait3A_1040, %dma_wait3A_1041, %dma_wait3A_1042] : memref<2x13x128x16xf32, #tpu.memory_space<vmem>> -> memref<1x1x128x16xf32, #tpu.memory_space<vmem>>
      %dma_wait3A_1044 = tpu.memref_squeeze %dma_wait3A_1043 : memref<1x1x128x16xf32, #tpu.memory_space<vmem>> -> memref<128x16xf32, #tpu.memory_space<vmem>>
      %dma_wait3A_1045 = tpu.memref_slice %arg5[%mul3A_1038] : memref<10000xi32, #tpu.memory_space<vmem>> -> memref<128xi32, #tpu.memory_space<vmem>>
      %dma_wait3A_1046 = arith.constant 0 : i32
      %dma_wait3A_1047 = arith.constant 0 : i32
      %dma_wait3A_1048 = tpu.memref_slice %arg11[%dma_wait3A_1046, %dma_wait3A_1047] : memref<10112x16xf32, #tpu.memory_space<vmem_shared>> -> memref<10112x16xf32, #tpu.memory_space<vmem_shared>>
      tpu.wait_indirect_dma semaphore(%arg13 : memref<!tpu.dma_semaphore, #tpu.memory_space<semaphore_mem>>) src(%dma_wait3A_1048 : memref<10112x16xf32, #tpu.memory_space<vmem_shared>>) dst(%dma_wait3A_1044 : memref<128x16xf32, #tpu.memory_space<vmem>>)
      %add3A_1049 = arith.constant 8 : i32
      %add3A_1050 = arith.addi %mul3A_936, %add3A_1049 : i32
      %mul3A_1051 = arith.constant 128 : i32
      %mul3A_1052 = arith.muli %add3A_1050, %mul3A_1051 : i32
      %dma_wait3A_1053 = arith.constant 1 : i32
      %dma_wait3A_1054 = arith.constant 8 : i32
      %dma_wait3A_1055 = arith.constant 0 : i32
      %dma_wait3A_1056 = arith.constant 0 : i32
      %dma_wait3A_1057 = tpu.memref_slice %arg7[%dma_wait3A_1053, %dma_wait3A_1054, %dma_wait3A_1055, %dma_wait3A_1056] : memref<2x13x128x16xf32, #tpu.memory_space<vmem>> -> memref<1x1x128x16xf32, #tpu.memory_space<vmem>>
      %dma_wait3A_1058 = tpu.memref_squeeze %dma_wait3A_1057 : memref<1x1x128x16xf32, #tpu.memory_space<vmem>> -> memref<128x16xf32, #tpu.memory_space<vmem>>
      %dma_wait3A_1059 = tpu.memref_slice %arg5[%mul3A_1052] : memref<10000xi32, #tpu.memory_space<vmem>> -> memref<128xi32, #tpu.memory_space<vmem>>
      %dma_wait3A_1060 = arith.constant 0 : i32
      %dma_wait3A_1061 = arith.constant 0 : i32
      %dma_wait3A_1062 = tpu.memref_slice %arg11[%dma_wait3A_1060, %dma_wait3A_1061] : memref<10112x16xf32, #tpu.memory_space<vmem_shared>> -> memref<10112x16xf32, #tpu.memory_space<vmem_shared>>
      tpu.wait_indirect_dma semaphore(%arg13 : memref<!tpu.dma_semaphore, #tpu.memory_space<semaphore_mem>>) src(%dma_wait3A_1062 : memref<10112x16xf32, #tpu.memory_space<vmem_shared>>) dst(%dma_wait3A_1058 : memref<128x16xf32, #tpu.memory_space<vmem>>)
      %add3A_1063 = arith.constant 9 : i32
      %add3A_1064 = arith.addi %mul3A_936, %add3A_1063 : i32
      %mul3A_1065 = arith.constant 128 : i32
      %mul3A_1066 = arith.muli %add3A_1064, %mul3A_1065 : i32
      %dma_wait3A_1067 = arith.constant 1 : i32
      %dma_wait3A_1068 = arith.constant 9 : i32
      %dma_wait3A_1069 = arith.constant 0 : i32
      %dma_wait3A_1070 = arith.constant 0 : i32
      %dma_wait3A_1071 = tpu.memref_slice %arg7[%dma_wait3A_1067, %dma_wait3A_1068, %dma_wait3A_1069, %dma_wait3A_1070] : memref<2x13x128x16xf32, #tpu.memory_space<vmem>> -> memref<1x1x128x16xf32, #tpu.memory_space<vmem>>
      %dma_wait3A_1072 = tpu.memref_squeeze %dma_wait3A_1071 : memref<1x1x128x16xf32, #tpu.memory_space<vmem>> -> memref<128x16xf32, #tpu.memory_space<vmem>>
      %dma_wait3A_1073 = tpu.memref_slice %arg5[%mul3A_1066] : memref<10000xi32, #tpu.memory_space<vmem>> -> memref<128xi32, #tpu.memory_space<vmem>>
      %dma_wait3A_1074 = arith.constant 0 : i32
      %dma_wait3A_1075 = arith.constant 0 : i32
      %dma_wait3A_1076 = tpu.memref_slice %arg11[%dma_wait3A_1074, %dma_wait3A_1075] : memref<10112x16xf32, #tpu.memory_space<vmem_shared>> -> memref<10112x16xf32, #tpu.memory_space<vmem_shared>>
      tpu.wait_indirect_dma semaphore(%arg13 : memref<!tpu.dma_semaphore, #tpu.memory_space<semaphore_mem>>) src(%dma_wait3A_1076 : memref<10112x16xf32, #tpu.memory_space<vmem_shared>>) dst(%dma_wait3A_1072 : memref<128x16xf32, #tpu.memory_space<vmem>>)
      %add3A_1077 = arith.constant 10 : i32
      %add3A_1078 = arith.addi %mul3A_936, %add3A_1077 : i32
      %mul3A_1079 = arith.constant 128 : i32
      %mul3A_1080 = arith.muli %add3A_1078, %mul3A_1079 : i32
      %dma_wait3A_1081 = arith.constant 1 : i32
      %dma_wait3A_1082 = arith.constant 10 : i32
      %dma_wait3A_1083 = arith.constant 0 : i32
      %dma_wait3A_1084 = arith.constant 0 : i32
      %dma_wait3A_1085 = tpu.memref_slice %arg7[%dma_wait3A_1081, %dma_wait3A_1082, %dma_wait3A_1083, %dma_wait3A_1084] : memref<2x13x128x16xf32, #tpu.memory_space<vmem>> -> memref<1x1x128x16xf32, #tpu.memory_space<vmem>>
      %dma_wait3A_1086 = tpu.memref_squeeze %dma_wait3A_1085 : memref<1x1x128x16xf32, #tpu.memory_space<vmem>> -> memref<128x16xf32, #tpu.memory_space<vmem>>
      %dma_wait3A_1087 = tpu.memref_slice %arg5[%mul3A_1080] : memref<10000xi32, #tpu.memory_space<vmem>> -> memref<128xi32, #tpu.memory_space<vmem>>
      %dma_wait3A_1088 = arith.constant 0 : i32
      %dma_wait3A_1089 = arith.constant 0 : i32
      %dma_wait3A_1090 = tpu.memref_slice %arg11[%dma_wait3A_1088, %dma_wait3A_1089] : memref<10112x16xf32, #tpu.memory_space<vmem_shared>> -> memref<10112x16xf32, #tpu.memory_space<vmem_shared>>
      tpu.wait_indirect_dma semaphore(%arg13 : memref<!tpu.dma_semaphore, #tpu.memory_space<semaphore_mem>>) src(%dma_wait3A_1090 : memref<10112x16xf32, #tpu.memory_space<vmem_shared>>) dst(%dma_wait3A_1086 : memref<128x16xf32, #tpu.memory_space<vmem>>)
      %add3A_1091 = arith.constant 11 : i32
      %add3A_1092 = arith.addi %mul3A_936, %add3A_1091 : i32
      %mul3A_1093 = arith.constant 128 : i32
      %mul3A_1094 = arith.muli %add3A_1092, %mul3A_1093 : i32
      %dma_wait3A_1095 = arith.constant 1 : i32
      %dma_wait3A_1096 = arith.constant 11 : i32
      %dma_wait3A_1097 = arith.constant 0 : i32
      %dma_wait3A_1098 = arith.constant 0 : i32
      %dma_wait3A_1099 = tpu.memref_slice %arg7[%dma_wait3A_1095, %dma_wait3A_1096, %dma_wait3A_1097, %dma_wait3A_1098] : memref<2x13x128x16xf32, #tpu.memory_space<vmem>> -> memref<1x1x128x16xf32, #tpu.memory_space<vmem>>
      %dma_wait3A_1100 = tpu.memref_squeeze %dma_wait3A_1099 : memref<1x1x128x16xf32, #tpu.memory_space<vmem>> -> memref<128x16xf32, #tpu.memory_space<vmem>>
      %dma_wait3A_1101 = tpu.memref_slice %arg5[%mul3A_1094] : memref<10000xi32, #tpu.memory_space<vmem>> -> memref<128xi32, #tpu.memory_space<vmem>>
      %dma_wait3A_1102 = arith.constant 0 : i32
      %dma_wait3A_1103 = arith.constant 0 : i32
      %dma_wait3A_1104 = tpu.memref_slice %arg11[%dma_wait3A_1102, %dma_wait3A_1103] : memref<10112x16xf32, #tpu.memory_space<vmem_shared>> -> memref<10112x16xf32, #tpu.memory_space<vmem_shared>>
      tpu.wait_indirect_dma semaphore(%arg13 : memref<!tpu.dma_semaphore, #tpu.memory_space<semaphore_mem>>) src(%dma_wait3A_1104 : memref<10112x16xf32, #tpu.memory_space<vmem_shared>>) dst(%dma_wait3A_1100 : memref<128x16xf32, #tpu.memory_space<vmem>>)
      %add3A_1105 = arith.constant 12 : i32
      %add3A_1106 = arith.addi %mul3A_936, %add3A_1105 : i32
      %mul3A_1107 = arith.constant 128 : i32
      %mul3A_1108 = arith.muli %add3A_1106, %mul3A_1107 : i32
      %dma_wait3A_1109 = arith.constant 1 : i32
      %dma_wait3A_1110 = arith.constant 12 : i32
      %dma_wait3A_1111 = arith.constant 0 : i32
      %dma_wait3A_1112 = arith.constant 0 : i32
      %dma_wait3A_1113 = tpu.memref_slice %arg7[%dma_wait3A_1109, %dma_wait3A_1110, %dma_wait3A_1111, %dma_wait3A_1112] : memref<2x13x128x16xf32, #tpu.memory_space<vmem>> -> memref<1x1x128x16xf32, #tpu.memory_space<vmem>>
      %dma_wait3A_1114 = tpu.memref_squeeze %dma_wait3A_1113 : memref<1x1x128x16xf32, #tpu.memory_space<vmem>> -> memref<128x16xf32, #tpu.memory_space<vmem>>
      %dma_wait3A_1115 = tpu.memref_slice %arg5[%mul3A_1108] : memref<10000xi32, #tpu.memory_space<vmem>> -> memref<128xi32, #tpu.memory_space<vmem>>
      %dma_wait3A_1116 = arith.constant 0 : i32
      %dma_wait3A_1117 = arith.constant 0 : i32
      %dma_wait3A_1118 = tpu.memref_slice %arg11[%dma_wait3A_1116, %dma_wait3A_1117] : memref<10112x16xf32, #tpu.memory_space<vmem_shared>> -> memref<10112x16xf32, #tpu.memory_space<vmem_shared>>
      tpu.wait_indirect_dma semaphore(%arg13 : memref<!tpu.dma_semaphore, #tpu.memory_space<semaphore_mem>>) src(%dma_wait3A_1118 : memref<10112x16xf32, #tpu.memory_space<vmem_shared>>) dst(%dma_wait3A_1114 : memref<128x16xf32, #tpu.memory_space<vmem>>)
      %mul3A_1119 = arith.constant 13 : i32
      %mul3A_1120 = arith.muli %add3A_194, %mul3A_1119 : i32
      %add3A_1121 = arith.constant 0 : i32
      %add3A_1122 = arith.addi %mul3A_1120, %add3A_1121 : i32
      %mul3A_1123 = arith.constant 128 : i32
      %mul3A_1124 = arith.muli %add3A_1122, %mul3A_1123 : i32
      %dma_start3A_1125 = arith.constant 1 : i32
      %dma_start3A_1126 = arith.constant 0 : i32
      %dma_start3A_1127 = arith.constant 0 : i32
      %dma_start3A_1128 = arith.constant 0 : i32
      %dma_start3A_1129 = tpu.memref_slice %arg7[%dma_start3A_1125, %dma_start3A_1126, %dma_start3A_1127, %dma_start3A_1128] : memref<2x13x128x16xf32, #tpu.memory_space<vmem>> -> memref<1x1x128x16xf32, #tpu.memory_space<vmem>>
      %dma_start3A_1130 = tpu.memref_squeeze %dma_start3A_1129 : memref<1x1x128x16xf32, #tpu.memory_space<vmem>> -> memref<128x16xf32, #tpu.memory_space<vmem>>
      %dma_start3A_1131 = tpu.memref_slice %arg6[%mul3A_1124] : memref<10000xi32, #tpu.memory_space<vmem>> -> memref<128xi32, #tpu.memory_space<vmem>>
      %dma_start3A_1132 = arith.constant 0 : i32
      %dma_start3A_1133 = arith.constant 0 : i32
      %dma_start3A_1134 = tpu.memref_slice %arg10[%dma_start3A_1132, %dma_start3A_1133] : memref<10112x16xf32, #tpu.memory_space<vmem_shared>> -> memref<10112x16xf32, #tpu.memory_space<vmem_shared>>
      tpu.enqueue_indirect_dma source(%dma_start3A_1130 : memref<128x16xf32, #tpu.memory_space<vmem>>) target(%dma_start3A_1134 : memref<10112x16xf32, #tpu.memory_space<vmem_shared>>) offsets(%dma_start3A_1131 : memref<128xi32, #tpu.memory_space<vmem>>) semaphore(%arg15 : memref<!tpu.dma_semaphore, #tpu.memory_space<semaphore_mem>>) {add = true}
      %add3A_1135 = arith.constant 1 : i32
      %add3A_1136 = arith.addi %mul3A_1120, %add3A_1135 : i32
      %mul3A_1137 = arith.constant 128 : i32
      %mul3A_1138 = arith.muli %add3A_1136, %mul3A_1137 : i32
      %dma_start3A_1139 = arith.constant 1 : i32
      %dma_start3A_1140 = arith.constant 1 : i32
      %dma_start3A_1141 = arith.constant 0 : i32
      %dma_start3A_1142 = arith.constant 0 : i32
      %dma_start3A_1143 = tpu.memref_slice %arg7[%dma_start3A_1139, %dma_start3A_1140, %dma_start3A_1141, %dma_start3A_1142] : memref<2x13x128x16xf32, #tpu.memory_space<vmem>> -> memref<1x1x128x16xf32, #tpu.memory_space<vmem>>
      %dma_start3A_1144 = tpu.memref_squeeze %dma_start3A_1143 : memref<1x1x128x16xf32, #tpu.memory_space<vmem>> -> memref<128x16xf32, #tpu.memory_space<vmem>>
      %dma_start3A_1145 = tpu.memref_slice %arg6[%mul3A_1138] : memref<10000xi32, #tpu.memory_space<vmem>> -> memref<128xi32, #tpu.memory_space<vmem>>
      %dma_start3A_1146 = arith.constant 0 : i32
      %dma_start3A_1147 = arith.constant 0 : i32
      %dma_start3A_1148 = tpu.memref_slice %arg10[%dma_start3A_1146, %dma_start3A_1147] : memref<10112x16xf32, #tpu.memory_space<vmem_shared>> -> memref<10112x16xf32, #tpu.memory_space<vmem_shared>>
      tpu.enqueue_indirect_dma source(%dma_start3A_1144 : memref<128x16xf32, #tpu.memory_space<vmem>>) target(%dma_start3A_1148 : memref<10112x16xf32, #tpu.memory_space<vmem_shared>>) offsets(%dma_start3A_1145 : memref<128xi32, #tpu.memory_space<vmem>>) semaphore(%arg15 : memref<!tpu.dma_semaphore, #tpu.memory_space<semaphore_mem>>) {add = true}
      %add3A_1149 = arith.constant 2 : i32
      %add3A_1150 = arith.addi %mul3A_1120, %add3A_1149 : i32
      %mul3A_1151 = arith.constant 128 : i32
      %mul3A_1152 = arith.muli %add3A_1150, %mul3A_1151 : i32
      %dma_start3A_1153 = arith.constant 1 : i32
      %dma_start3A_1154 = arith.constant 2 : i32
      %dma_start3A_1155 = arith.constant 0 : i32
      %dma_start3A_1156 = arith.constant 0 : i32
      %dma_start3A_1157 = tpu.memref_slice %arg7[%dma_start3A_1153, %dma_start3A_1154, %dma_start3A_1155, %dma_start3A_1156] : memref<2x13x128x16xf32, #tpu.memory_space<vmem>> -> memref<1x1x128x16xf32, #tpu.memory_space<vmem>>
      %dma_start3A_1158 = tpu.memref_squeeze %dma_start3A_1157 : memref<1x1x128x16xf32, #tpu.memory_space<vmem>> -> memref<128x16xf32, #tpu.memory_space<vmem>>
      %dma_start3A_1159 = tpu.memref_slice %arg6[%mul3A_1152] : memref<10000xi32, #tpu.memory_space<vmem>> -> memref<128xi32, #tpu.memory_space<vmem>>
      %dma_start3A_1160 = arith.constant 0 : i32
      %dma_start3A_1161 = arith.constant 0 : i32
      %dma_start3A_1162 = tpu.memref_slice %arg10[%dma_start3A_1160, %dma_start3A_1161] : memref<10112x16xf32, #tpu.memory_space<vmem_shared>> -> memref<10112x16xf32, #tpu.memory_space<vmem_shared>>
      tpu.enqueue_indirect_dma source(%dma_start3A_1158 : memref<128x16xf32, #tpu.memory_space<vmem>>) target(%dma_start3A_1162 : memref<10112x16xf32, #tpu.memory_space<vmem_shared>>) offsets(%dma_start3A_1159 : memref<128xi32, #tpu.memory_space<vmem>>) semaphore(%arg15 : memref<!tpu.dma_semaphore, #tpu.memory_space<semaphore_mem>>) {add = true}
      %add3A_1163 = arith.constant 3 : i32
      %add3A_1164 = arith.addi %mul3A_1120, %add3A_1163 : i32
      %mul3A_1165 = arith.constant 128 : i32
      %mul3A_1166 = arith.muli %add3A_1164, %mul3A_1165 : i32
      %dma_start3A_1167 = arith.constant 1 : i32
      %dma_start3A_1168 = arith.constant 3 : i32
      %dma_start3A_1169 = arith.constant 0 : i32
      %dma_start3A_1170 = arith.constant 0 : i32
      %dma_start3A_1171 = tpu.memref_slice %arg7[%dma_start3A_1167, %dma_start3A_1168, %dma_start3A_1169, %dma_start3A_1170] : memref<2x13x128x16xf32, #tpu.memory_space<vmem>> -> memref<1x1x128x16xf32, #tpu.memory_space<vmem>>
      %dma_start3A_1172 = tpu.memref_squeeze %dma_start3A_1171 : memref<1x1x128x16xf32, #tpu.memory_space<vmem>> -> memref<128x16xf32, #tpu.memory_space<vmem>>
      %dma_start3A_1173 = tpu.memref_slice %arg6[%mul3A_1166] : memref<10000xi32, #tpu.memory_space<vmem>> -> memref<128xi32, #tpu.memory_space<vmem>>
      %dma_start3A_1174 = arith.constant 0 : i32
      %dma_start3A_1175 = arith.constant 0 : i32
      %dma_start3A_1176 = tpu.memref_slice %arg10[%dma_start3A_1174, %dma_start3A_1175] : memref<10112x16xf32, #tpu.memory_space<vmem_shared>> -> memref<10112x16xf32, #tpu.memory_space<vmem_shared>>
      tpu.enqueue_indirect_dma source(%dma_start3A_1172 : memref<128x16xf32, #tpu.memory_space<vmem>>) target(%dma_start3A_1176 : memref<10112x16xf32, #tpu.memory_space<vmem_shared>>) offsets(%dma_start3A_1173 : memref<128xi32, #tpu.memory_space<vmem>>) semaphore(%arg15 : memref<!tpu.dma_semaphore, #tpu.memory_space<semaphore_mem>>) {add = true}
      %add3A_1177 = arith.constant 4 : i32
      %add3A_1178 = arith.addi %mul3A_1120, %add3A_1177 : i32
      %mul3A_1179 = arith.constant 128 : i32
      %mul3A_1180 = arith.muli %add3A_1178, %mul3A_1179 : i32
      %dma_start3A_1181 = arith.constant 1 : i32
      %dma_start3A_1182 = arith.constant 4 : i32
      %dma_start3A_1183 = arith.constant 0 : i32
      %dma_start3A_1184 = arith.constant 0 : i32
      %dma_start3A_1185 = tpu.memref_slice %arg7[%dma_start3A_1181, %dma_start3A_1182, %dma_start3A_1183, %dma_start3A_1184] : memref<2x13x128x16xf32, #tpu.memory_space<vmem>> -> memref<1x1x128x16xf32, #tpu.memory_space<vmem>>
      %dma_start3A_1186 = tpu.memref_squeeze %dma_start3A_1185 : memref<1x1x128x16xf32, #tpu.memory_space<vmem>> -> memref<128x16xf32, #tpu.memory_space<vmem>>
      %dma_start3A_1187 = tpu.memref_slice %arg6[%mul3A_1180] : memref<10000xi32, #tpu.memory_space<vmem>> -> memref<128xi32, #tpu.memory_space<vmem>>
      %dma_start3A_1188 = arith.constant 0 : i32
      %dma_start3A_1189 = arith.constant 0 : i32
      %dma_start3A_1190 = tpu.memref_slice %arg10[%dma_start3A_1188, %dma_start3A_1189] : memref<10112x16xf32, #tpu.memory_space<vmem_shared>> -> memref<10112x16xf32, #tpu.memory_space<vmem_shared>>
      tpu.enqueue_indirect_dma source(%dma_start3A_1186 : memref<128x16xf32, #tpu.memory_space<vmem>>) target(%dma_start3A_1190 : memref<10112x16xf32, #tpu.memory_space<vmem_shared>>) offsets(%dma_start3A_1187 : memref<128xi32, #tpu.memory_space<vmem>>) semaphore(%arg15 : memref<!tpu.dma_semaphore, #tpu.memory_space<semaphore_mem>>) {add = true}
      %add3A_1191 = arith.constant 5 : i32
      %add3A_1192 = arith.addi %mul3A_1120, %add3A_1191 : i32
      %mul3A_1193 = arith.constant 128 : i32
      %mul3A_1194 = arith.muli %add3A_1192, %mul3A_1193 : i32
      %dma_start3A_1195 = arith.constant 1 : i32
      %dma_start3A_1196 = arith.constant 5 : i32
      %dma_start3A_1197 = arith.constant 0 : i32
      %dma_start3A_1198 = arith.constant 0 : i32
      %dma_start3A_1199 = tpu.memref_slice %arg7[%dma_start3A_1195, %dma_start3A_1196, %dma_start3A_1197, %dma_start3A_1198] : memref<2x13x128x16xf32, #tpu.memory_space<vmem>> -> memref<1x1x128x16xf32, #tpu.memory_space<vmem>>
      %dma_start3A_1200 = tpu.memref_squeeze %dma_start3A_1199 : memref<1x1x128x16xf32, #tpu.memory_space<vmem>> -> memref<128x16xf32, #tpu.memory_space<vmem>>
      %dma_start3A_1201 = tpu.memref_slice %arg6[%mul3A_1194] : memref<10000xi32, #tpu.memory_space<vmem>> -> memref<128xi32, #tpu.memory_space<vmem>>
      %dma_start3A_1202 = arith.constant 0 : i32
      %dma_start3A_1203 = arith.constant 0 : i32
      %dma_start3A_1204 = tpu.memref_slice %arg10[%dma_start3A_1202, %dma_start3A_1203] : memref<10112x16xf32, #tpu.memory_space<vmem_shared>> -> memref<10112x16xf32, #tpu.memory_space<vmem_shared>>
      tpu.enqueue_indirect_dma source(%dma_start3A_1200 : memref<128x16xf32, #tpu.memory_space<vmem>>) target(%dma_start3A_1204 : memref<10112x16xf32, #tpu.memory_space<vmem_shared>>) offsets(%dma_start3A_1201 : memref<128xi32, #tpu.memory_space<vmem>>) semaphore(%arg15 : memref<!tpu.dma_semaphore, #tpu.memory_space<semaphore_mem>>) {add = true}
      %add3A_1205 = arith.constant 6 : i32
      %add3A_1206 = arith.addi %mul3A_1120, %add3A_1205 : i32
      %mul3A_1207 = arith.constant 128 : i32
      %mul3A_1208 = arith.muli %add3A_1206, %mul3A_1207 : i32
      %dma_start3A_1209 = arith.constant 1 : i32
      %dma_start3A_1210 = arith.constant 6 : i32
      %dma_start3A_1211 = arith.constant 0 : i32
      %dma_start3A_1212 = arith.constant 0 : i32
      %dma_start3A_1213 = tpu.memref_slice %arg7[%dma_start3A_1209, %dma_start3A_1210, %dma_start3A_1211, %dma_start3A_1212] : memref<2x13x128x16xf32, #tpu.memory_space<vmem>> -> memref<1x1x128x16xf32, #tpu.memory_space<vmem>>
      %dma_start3A_1214 = tpu.memref_squeeze %dma_start3A_1213 : memref<1x1x128x16xf32, #tpu.memory_space<vmem>> -> memref<128x16xf32, #tpu.memory_space<vmem>>
      %dma_start3A_1215 = tpu.memref_slice %arg6[%mul3A_1208] : memref<10000xi32, #tpu.memory_space<vmem>> -> memref<128xi32, #tpu.memory_space<vmem>>
      %dma_start3A_1216 = arith.constant 0 : i32
      %dma_start3A_1217 = arith.constant 0 : i32
      %dma_start3A_1218 = tpu.memref_slice %arg10[%dma_start3A_1216, %dma_start3A_1217] : memref<10112x16xf32, #tpu.memory_space<vmem_shared>> -> memref<10112x16xf32, #tpu.memory_space<vmem_shared>>
      tpu.enqueue_indirect_dma source(%dma_start3A_1214 : memref<128x16xf32, #tpu.memory_space<vmem>>) target(%dma_start3A_1218 : memref<10112x16xf32, #tpu.memory_space<vmem_shared>>) offsets(%dma_start3A_1215 : memref<128xi32, #tpu.memory_space<vmem>>) semaphore(%arg15 : memref<!tpu.dma_semaphore, #tpu.memory_space<semaphore_mem>>) {add = true}
      %add3A_1219 = arith.constant 7 : i32
      %add3A_1220 = arith.addi %mul3A_1120, %add3A_1219 : i32
      %mul3A_1221 = arith.constant 128 : i32
      %mul3A_1222 = arith.muli %add3A_1220, %mul3A_1221 : i32
      %dma_start3A_1223 = arith.constant 1 : i32
      %dma_start3A_1224 = arith.constant 7 : i32
      %dma_start3A_1225 = arith.constant 0 : i32
      %dma_start3A_1226 = arith.constant 0 : i32
      %dma_start3A_1227 = tpu.memref_slice %arg7[%dma_start3A_1223, %dma_start3A_1224, %dma_start3A_1225, %dma_start3A_1226] : memref<2x13x128x16xf32, #tpu.memory_space<vmem>> -> memref<1x1x128x16xf32, #tpu.memory_space<vmem>>
      %dma_start3A_1228 = tpu.memref_squeeze %dma_start3A_1227 : memref<1x1x128x16xf32, #tpu.memory_space<vmem>> -> memref<128x16xf32, #tpu.memory_space<vmem>>
      %dma_start3A_1229 = tpu.memref_slice %arg6[%mul3A_1222] : memref<10000xi32, #tpu.memory_space<vmem>> -> memref<128xi32, #tpu.memory_space<vmem>>
      %dma_start3A_1230 = arith.constant 0 : i32
      %dma_start3A_1231 = arith.constant 0 : i32
      %dma_start3A_1232 = tpu.memref_slice %arg10[%dma_start3A_1230, %dma_start3A_1231] : memref<10112x16xf32, #tpu.memory_space<vmem_shared>> -> memref<10112x16xf32, #tpu.memory_space<vmem_shared>>
      tpu.enqueue_indirect_dma source(%dma_start3A_1228 : memref<128x16xf32, #tpu.memory_space<vmem>>) target(%dma_start3A_1232 : memref<10112x16xf32, #tpu.memory_space<vmem_shared>>) offsets(%dma_start3A_1229 : memref<128xi32, #tpu.memory_space<vmem>>) semaphore(%arg15 : memref<!tpu.dma_semaphore, #tpu.memory_space<semaphore_mem>>) {add = true}
      %add3A_1233 = arith.constant 8 : i32
      %add3A_1234 = arith.addi %mul3A_1120, %add3A_1233 : i32
      %mul3A_1235 = arith.constant 128 : i32
      %mul3A_1236 = arith.muli %add3A_1234, %mul3A_1235 : i32
      %dma_start3A_1237 = arith.constant 1 : i32
      %dma_start3A_1238 = arith.constant 8 : i32
      %dma_start3A_1239 = arith.constant 0 : i32
      %dma_start3A_1240 = arith.constant 0 : i32
      %dma_start3A_1241 = tpu.memref_slice %arg7[%dma_start3A_1237, %dma_start3A_1238, %dma_start3A_1239, %dma_start3A_1240] : memref<2x13x128x16xf32, #tpu.memory_space<vmem>> -> memref<1x1x128x16xf32, #tpu.memory_space<vmem>>
      %dma_start3A_1242 = tpu.memref_squeeze %dma_start3A_1241 : memref<1x1x128x16xf32, #tpu.memory_space<vmem>> -> memref<128x16xf32, #tpu.memory_space<vmem>>
      %dma_start3A_1243 = tpu.memref_slice %arg6[%mul3A_1236] : memref<10000xi32, #tpu.memory_space<vmem>> -> memref<128xi32, #tpu.memory_space<vmem>>
      %dma_start3A_1244 = arith.constant 0 : i32
      %dma_start3A_1245 = arith.constant 0 : i32
      %dma_start3A_1246 = tpu.memref_slice %arg10[%dma_start3A_1244, %dma_start3A_1245] : memref<10112x16xf32, #tpu.memory_space<vmem_shared>> -> memref<10112x16xf32, #tpu.memory_space<vmem_shared>>
      tpu.enqueue_indirect_dma source(%dma_start3A_1242 : memref<128x16xf32, #tpu.memory_space<vmem>>) target(%dma_start3A_1246 : memref<10112x16xf32, #tpu.memory_space<vmem_shared>>) offsets(%dma_start3A_1243 : memref<128xi32, #tpu.memory_space<vmem>>) semaphore(%arg15 : memref<!tpu.dma_semaphore, #tpu.memory_space<semaphore_mem>>) {add = true}
      %add3A_1247 = arith.constant 9 : i32
      %add3A_1248 = arith.addi %mul3A_1120, %add3A_1247 : i32
      %mul3A_1249 = arith.constant 128 : i32
      %mul3A_1250 = arith.muli %add3A_1248, %mul3A_1249 : i32
      %dma_start3A_1251 = arith.constant 1 : i32
      %dma_start3A_1252 = arith.constant 9 : i32
      %dma_start3A_1253 = arith.constant 0 : i32
      %dma_start3A_1254 = arith.constant 0 : i32
      %dma_start3A_1255 = tpu.memref_slice %arg7[%dma_start3A_1251, %dma_start3A_1252, %dma_start3A_1253, %dma_start3A_1254] : memref<2x13x128x16xf32, #tpu.memory_space<vmem>> -> memref<1x1x128x16xf32, #tpu.memory_space<vmem>>
      %dma_start3A_1256 = tpu.memref_squeeze %dma_start3A_1255 : memref<1x1x128x16xf32, #tpu.memory_space<vmem>> -> memref<128x16xf32, #tpu.memory_space<vmem>>
      %dma_start3A_1257 = tpu.memref_slice %arg6[%mul3A_1250] : memref<10000xi32, #tpu.memory_space<vmem>> -> memref<128xi32, #tpu.memory_space<vmem>>
      %dma_start3A_1258 = arith.constant 0 : i32
      %dma_start3A_1259 = arith.constant 0 : i32
      %dma_start3A_1260 = tpu.memref_slice %arg10[%dma_start3A_1258, %dma_start3A_1259] : memref<10112x16xf32, #tpu.memory_space<vmem_shared>> -> memref<10112x16xf32, #tpu.memory_space<vmem_shared>>
      tpu.enqueue_indirect_dma source(%dma_start3A_1256 : memref<128x16xf32, #tpu.memory_space<vmem>>) target(%dma_start3A_1260 : memref<10112x16xf32, #tpu.memory_space<vmem_shared>>) offsets(%dma_start3A_1257 : memref<128xi32, #tpu.memory_space<vmem>>) semaphore(%arg15 : memref<!tpu.dma_semaphore, #tpu.memory_space<semaphore_mem>>) {add = true}
      %add3A_1261 = arith.constant 10 : i32
      %add3A_1262 = arith.addi %mul3A_1120, %add3A_1261 : i32
      %mul3A_1263 = arith.constant 128 : i32
      %mul3A_1264 = arith.muli %add3A_1262, %mul3A_1263 : i32
      %dma_start3A_1265 = arith.constant 1 : i32
      %dma_start3A_1266 = arith.constant 10 : i32
      %dma_start3A_1267 = arith.constant 0 : i32
      %dma_start3A_1268 = arith.constant 0 : i32
      %dma_start3A_1269 = tpu.memref_slice %arg7[%dma_start3A_1265, %dma_start3A_1266, %dma_start3A_1267, %dma_start3A_1268] : memref<2x13x128x16xf32, #tpu.memory_space<vmem>> -> memref<1x1x128x16xf32, #tpu.memory_space<vmem>>
      %dma_start3A_1270 = tpu.memref_squeeze %dma_start3A_1269 : memref<1x1x128x16xf32, #tpu.memory_space<vmem>> -> memref<128x16xf32, #tpu.memory_space<vmem>>
      %dma_start3A_1271 = tpu.memref_slice %arg6[%mul3A_1264] : memref<10000xi32, #tpu.memory_space<vmem>> -> memref<128xi32, #tpu.memory_space<vmem>>
      %dma_start3A_1272 = arith.constant 0 : i32
      %dma_start3A_1273 = arith.constant 0 : i32
      %dma_start3A_1274 = tpu.memref_slice %arg10[%dma_start3A_1272, %dma_start3A_1273] : memref<10112x16xf32, #tpu.memory_space<vmem_shared>> -> memref<10112x16xf32, #tpu.memory_space<vmem_shared>>
      tpu.enqueue_indirect_dma source(%dma_start3A_1270 : memref<128x16xf32, #tpu.memory_space<vmem>>) target(%dma_start3A_1274 : memref<10112x16xf32, #tpu.memory_space<vmem_shared>>) offsets(%dma_start3A_1271 : memref<128xi32, #tpu.memory_space<vmem>>) semaphore(%arg15 : memref<!tpu.dma_semaphore, #tpu.memory_space<semaphore_mem>>) {add = true}
      %add3A_1275 = arith.constant 11 : i32
      %add3A_1276 = arith.addi %mul3A_1120, %add3A_1275 : i32
      %mul3A_1277 = arith.constant 128 : i32
      %mul3A_1278 = arith.muli %add3A_1276, %mul3A_1277 : i32
      %dma_start3A_1279 = arith.constant 1 : i32
      %dma_start3A_1280 = arith.constant 11 : i32
      %dma_start3A_1281 = arith.constant 0 : i32
      %dma_start3A_1282 = arith.constant 0 : i32
      %dma_start3A_1283 = tpu.memref_slice %arg7[%dma_start3A_1279, %dma_start3A_1280, %dma_start3A_1281, %dma_start3A_1282] : memref<2x13x128x16xf32, #tpu.memory_space<vmem>> -> memref<1x1x128x16xf32, #tpu.memory_space<vmem>>
      %dma_start3A_1284 = tpu.memref_squeeze %dma_start3A_1283 : memref<1x1x128x16xf32, #tpu.memory_space<vmem>> -> memref<128x16xf32, #tpu.memory_space<vmem>>
      %dma_start3A_1285 = tpu.memref_slice %arg6[%mul3A_1278] : memref<10000xi32, #tpu.memory_space<vmem>> -> memref<128xi32, #tpu.memory_space<vmem>>
      %dma_start3A_1286 = arith.constant 0 : i32
      %dma_start3A_1287 = arith.constant 0 : i32
      %dma_start3A_1288 = tpu.memref_slice %arg10[%dma_start3A_1286, %dma_start3A_1287] : memref<10112x16xf32, #tpu.memory_space<vmem_shared>> -> memref<10112x16xf32, #tpu.memory_space<vmem_shared>>
      tpu.enqueue_indirect_dma source(%dma_start3A_1284 : memref<128x16xf32, #tpu.memory_space<vmem>>) target(%dma_start3A_1288 : memref<10112x16xf32, #tpu.memory_space<vmem_shared>>) offsets(%dma_start3A_1285 : memref<128xi32, #tpu.memory_space<vmem>>) semaphore(%arg15 : memref<!tpu.dma_semaphore, #tpu.memory_space<semaphore_mem>>) {add = true}
      %add3A_1289 = arith.constant 12 : i32
      %add3A_1290 = arith.addi %mul3A_1120, %add3A_1289 : i32
      %mul3A_1291 = arith.constant 128 : i32
      %mul3A_1292 = arith.muli %add3A_1290, %mul3A_1291 : i32
      %dma_start3A_1293 = arith.constant 1 : i32
      %dma_start3A_1294 = arith.constant 12 : i32
      %dma_start3A_1295 = arith.constant 0 : i32
      %dma_start3A_1296 = arith.constant 0 : i32
      %dma_start3A_1297 = tpu.memref_slice %arg7[%dma_start3A_1293, %dma_start3A_1294, %dma_start3A_1295, %dma_start3A_1296] : memref<2x13x128x16xf32, #tpu.memory_space<vmem>> -> memref<1x1x128x16xf32, #tpu.memory_space<vmem>>
      %dma_start3A_1298 = tpu.memref_squeeze %dma_start3A_1297 : memref<1x1x128x16xf32, #tpu.memory_space<vmem>> -> memref<128x16xf32, #tpu.memory_space<vmem>>
      %dma_start3A_1299 = tpu.memref_slice %arg6[%mul3A_1292] : memref<10000xi32, #tpu.memory_space<vmem>> -> memref<128xi32, #tpu.memory_space<vmem>>
      %dma_start3A_1300 = arith.constant 0 : i32
      %dma_start3A_1301 = arith.constant 0 : i32
      %dma_start3A_1302 = tpu.memref_slice %arg10[%dma_start3A_1300, %dma_start3A_1301] : memref<10112x16xf32, #tpu.memory_space<vmem_shared>> -> memref<10112x16xf32, #tpu.memory_space<vmem_shared>>
      tpu.enqueue_indirect_dma source(%dma_start3A_1298 : memref<128x16xf32, #tpu.memory_space<vmem>>) target(%dma_start3A_1302 : memref<10112x16xf32, #tpu.memory_space<vmem_shared>>) offsets(%dma_start3A_1299 : memref<128xi32, #tpu.memory_space<vmem>>) semaphore(%arg15 : memref<!tpu.dma_semaphore, #tpu.memory_space<semaphore_mem>>) {add = true}
      %mul3A_1303 = arith.constant 13 : i32
      %mul3A_1304 = arith.muli %add3A_194, %mul3A_1303 : i32
      %add3A_1305 = arith.constant 0 : i32
      %add3A_1306 = arith.addi %mul3A_1304, %add3A_1305 : i32
      %mul3A_1307 = arith.constant 128 : i32
      %mul3A_1308 = arith.muli %add3A_1306, %mul3A_1307 : i32
      %dma_wait3A_1309 = arith.constant 1 : i32
      %dma_wait3A_1310 = arith.constant 0 : i32
      %dma_wait3A_1311 = arith.constant 0 : i32
      %dma_wait3A_1312 = arith.constant 0 : i32
      %dma_wait3A_1313 = tpu.memref_slice %arg7[%dma_wait3A_1309, %dma_wait3A_1310, %dma_wait3A_1311, %dma_wait3A_1312] : memref<2x13x128x16xf32, #tpu.memory_space<vmem>> -> memref<1x1x128x16xf32, #tpu.memory_space<vmem>>
      %dma_wait3A_1314 = tpu.memref_squeeze %dma_wait3A_1313 : memref<1x1x128x16xf32, #tpu.memory_space<vmem>> -> memref<128x16xf32, #tpu.memory_space<vmem>>
      %dma_wait3A_1315 = tpu.memref_slice %arg6[%mul3A_1308] : memref<10000xi32, #tpu.memory_space<vmem>> -> memref<128xi32, #tpu.memory_space<vmem>>
      %dma_wait3A_1316 = arith.constant 0 : i32
      %dma_wait3A_1317 = arith.constant 0 : i32
      %dma_wait3A_1318 = tpu.memref_slice %arg10[%dma_wait3A_1316, %dma_wait3A_1317] : memref<10112x16xf32, #tpu.memory_space<vmem_shared>> -> memref<10112x16xf32, #tpu.memory_space<vmem_shared>>
      tpu.wait_indirect_dma semaphore(%arg15 : memref<!tpu.dma_semaphore, #tpu.memory_space<semaphore_mem>>) src(%dma_wait3A_1314 : memref<128x16xf32, #tpu.memory_space<vmem>>) dst(%dma_wait3A_1318 : memref<10112x16xf32, #tpu.memory_space<vmem_shared>>)
      %add3A_1319 = arith.constant 1 : i32
      %add3A_1320 = arith.addi %mul3A_1304, %add3A_1319 : i32
      %mul3A_1321 = arith.constant 128 : i32
      %mul3A_1322 = arith.muli %add3A_1320, %mul3A_1321 : i32
      %dma_wait3A_1323 = arith.constant 1 : i32
      %dma_wait3A_1324 = arith.constant 1 : i32
      %dma_wait3A_1325 = arith.constant 0 : i32
      %dma_wait3A_1326 = arith.constant 0 : i32
      %dma_wait3A_1327 = tpu.memref_slice %arg7[%dma_wait3A_1323, %dma_wait3A_1324, %dma_wait3A_1325, %dma_wait3A_1326] : memref<2x13x128x16xf32, #tpu.memory_space<vmem>> -> memref<1x1x128x16xf32, #tpu.memory_space<vmem>>
      %dma_wait3A_1328 = tpu.memref_squeeze %dma_wait3A_1327 : memref<1x1x128x16xf32, #tpu.memory_space<vmem>> -> memref<128x16xf32, #tpu.memory_space<vmem>>
      %dma_wait3A_1329 = tpu.memref_slice %arg6[%mul3A_1322] : memref<10000xi32, #tpu.memory_space<vmem>> -> memref<128xi32, #tpu.memory_space<vmem>>
      %dma_wait3A_1330 = arith.constant 0 : i32
      %dma_wait3A_1331 = arith.constant 0 : i32
      %dma_wait3A_1332 = tpu.memref_slice %arg10[%dma_wait3A_1330, %dma_wait3A_1331] : memref<10112x16xf32, #tpu.memory_space<vmem_shared>> -> memref<10112x16xf32, #tpu.memory_space<vmem_shared>>
      tpu.wait_indirect_dma semaphore(%arg15 : memref<!tpu.dma_semaphore, #tpu.memory_space<semaphore_mem>>) src(%dma_wait3A_1328 : memref<128x16xf32, #tpu.memory_space<vmem>>) dst(%dma_wait3A_1332 : memref<10112x16xf32, #tpu.memory_space<vmem_shared>>)
      %add3A_1333 = arith.constant 2 : i32
      %add3A_1334 = arith.addi %mul3A_1304, %add3A_1333 : i32
      %mul3A_1335 = arith.constant 128 : i32
      %mul3A_1336 = arith.muli %add3A_1334, %mul3A_1335 : i32
      %dma_wait3A_1337 = arith.constant 1 : i32
      %dma_wait3A_1338 = arith.constant 2 : i32
      %dma_wait3A_1339 = arith.constant 0 : i32
      %dma_wait3A_1340 = arith.constant 0 : i32
      %dma_wait3A_1341 = tpu.memref_slice %arg7[%dma_wait3A_1337, %dma_wait3A_1338, %dma_wait3A_1339, %dma_wait3A_1340] : memref<2x13x128x16xf32, #tpu.memory_space<vmem>> -> memref<1x1x128x16xf32, #tpu.memory_space<vmem>>
      %dma_wait3A_1342 = tpu.memref_squeeze %dma_wait3A_1341 : memref<1x1x128x16xf32, #tpu.memory_space<vmem>> -> memref<128x16xf32, #tpu.memory_space<vmem>>
      %dma_wait3A_1343 = tpu.memref_slice %arg6[%mul3A_1336] : memref<10000xi32, #tpu.memory_space<vmem>> -> memref<128xi32, #tpu.memory_space<vmem>>
      %dma_wait3A_1344 = arith.constant 0 : i32
      %dma_wait3A_1345 = arith.constant 0 : i32
      %dma_wait3A_1346 = tpu.memref_slice %arg10[%dma_wait3A_1344, %dma_wait3A_1345] : memref<10112x16xf32, #tpu.memory_space<vmem_shared>> -> memref<10112x16xf32, #tpu.memory_space<vmem_shared>>
      tpu.wait_indirect_dma semaphore(%arg15 : memref<!tpu.dma_semaphore, #tpu.memory_space<semaphore_mem>>) src(%dma_wait3A_1342 : memref<128x16xf32, #tpu.memory_space<vmem>>) dst(%dma_wait3A_1346 : memref<10112x16xf32, #tpu.memory_space<vmem_shared>>)
      %add3A_1347 = arith.constant 3 : i32
      %add3A_1348 = arith.addi %mul3A_1304, %add3A_1347 : i32
      %mul3A_1349 = arith.constant 128 : i32
      %mul3A_1350 = arith.muli %add3A_1348, %mul3A_1349 : i32
      %dma_wait3A_1351 = arith.constant 1 : i32
      %dma_wait3A_1352 = arith.constant 3 : i32
      %dma_wait3A_1353 = arith.constant 0 : i32
      %dma_wait3A_1354 = arith.constant 0 : i32
      %dma_wait3A_1355 = tpu.memref_slice %arg7[%dma_wait3A_1351, %dma_wait3A_1352, %dma_wait3A_1353, %dma_wait3A_1354] : memref<2x13x128x16xf32, #tpu.memory_space<vmem>> -> memref<1x1x128x16xf32, #tpu.memory_space<vmem>>
      %dma_wait3A_1356 = tpu.memref_squeeze %dma_wait3A_1355 : memref<1x1x128x16xf32, #tpu.memory_space<vmem>> -> memref<128x16xf32, #tpu.memory_space<vmem>>
      %dma_wait3A_1357 = tpu.memref_slice %arg6[%mul3A_1350] : memref<10000xi32, #tpu.memory_space<vmem>> -> memref<128xi32, #tpu.memory_space<vmem>>
      %dma_wait3A_1358 = arith.constant 0 : i32
      %dma_wait3A_1359 = arith.constant 0 : i32
      %dma_wait3A_1360 = tpu.memref_slice %arg10[%dma_wait3A_1358, %dma_wait3A_1359] : memref<10112x16xf32, #tpu.memory_space<vmem_shared>> -> memref<10112x16xf32, #tpu.memory_space<vmem_shared>>
      tpu.wait_indirect_dma semaphore(%arg15 : memref<!tpu.dma_semaphore, #tpu.memory_space<semaphore_mem>>) src(%dma_wait3A_1356 : memref<128x16xf32, #tpu.memory_space<vmem>>) dst(%dma_wait3A_1360 : memref<10112x16xf32, #tpu.memory_space<vmem_shared>>)
      %add3A_1361 = arith.constant 4 : i32
      %add3A_1362 = arith.addi %mul3A_1304, %add3A_1361 : i32
      %mul3A_1363 = arith.constant 128 : i32
      %mul3A_1364 = arith.muli %add3A_1362, %mul3A_1363 : i32
      %dma_wait3A_1365 = arith.constant 1 : i32
      %dma_wait3A_1366 = arith.constant 4 : i32
      %dma_wait3A_1367 = arith.constant 0 : i32
      %dma_wait3A_1368 = arith.constant 0 : i32
      %dma_wait3A_1369 = tpu.memref_slice %arg7[%dma_wait3A_1365, %dma_wait3A_1366, %dma_wait3A_1367, %dma_wait3A_1368] : memref<2x13x128x16xf32, #tpu.memory_space<vmem>> -> memref<1x1x128x16xf32, #tpu.memory_space<vmem>>
      %dma_wait3A_1370 = tpu.memref_squeeze %dma_wait3A_1369 : memref<1x1x128x16xf32, #tpu.memory_space<vmem>> -> memref<128x16xf32, #tpu.memory_space<vmem>>
      %dma_wait3A_1371 = tpu.memref_slice %arg6[%mul3A_1364] : memref<10000xi32, #tpu.memory_space<vmem>> -> memref<128xi32, #tpu.memory_space<vmem>>
      %dma_wait3A_1372 = arith.constant 0 : i32
      %dma_wait3A_1373 = arith.constant 0 : i32
      %dma_wait3A_1374 = tpu.memref_slice %arg10[%dma_wait3A_1372, %dma_wait3A_1373] : memref<10112x16xf32, #tpu.memory_space<vmem_shared>> -> memref<10112x16xf32, #tpu.memory_space<vmem_shared>>
      tpu.wait_indirect_dma semaphore(%arg15 : memref<!tpu.dma_semaphore, #tpu.memory_space<semaphore_mem>>) src(%dma_wait3A_1370 : memref<128x16xf32, #tpu.memory_space<vmem>>) dst(%dma_wait3A_1374 : memref<10112x16xf32, #tpu.memory_space<vmem_shared>>)
      %add3A_1375 = arith.constant 5 : i32
      %add3A_1376 = arith.addi %mul3A_1304, %add3A_1375 : i32
      %mul3A_1377 = arith.constant 128 : i32
      %mul3A_1378 = arith.muli %add3A_1376, %mul3A_1377 : i32
      %dma_wait3A_1379 = arith.constant 1 : i32
      %dma_wait3A_1380 = arith.constant 5 : i32
      %dma_wait3A_1381 = arith.constant 0 : i32
      %dma_wait3A_1382 = arith.constant 0 : i32
      %dma_wait3A_1383 = tpu.memref_slice %arg7[%dma_wait3A_1379, %dma_wait3A_1380, %dma_wait3A_1381, %dma_wait3A_1382] : memref<2x13x128x16xf32, #tpu.memory_space<vmem>> -> memref<1x1x128x16xf32, #tpu.memory_space<vmem>>
      %dma_wait3A_1384 = tpu.memref_squeeze %dma_wait3A_1383 : memref<1x1x128x16xf32, #tpu.memory_space<vmem>> -> memref<128x16xf32, #tpu.memory_space<vmem>>
      %dma_wait3A_1385 = tpu.memref_slice %arg6[%mul3A_1378] : memref<10000xi32, #tpu.memory_space<vmem>> -> memref<128xi32, #tpu.memory_space<vmem>>
      %dma_wait3A_1386 = arith.constant 0 : i32
      %dma_wait3A_1387 = arith.constant 0 : i32
      %dma_wait3A_1388 = tpu.memref_slice %arg10[%dma_wait3A_1386, %dma_wait3A_1387] : memref<10112x16xf32, #tpu.memory_space<vmem_shared>> -> memref<10112x16xf32, #tpu.memory_space<vmem_shared>>
      tpu.wait_indirect_dma semaphore(%arg15 : memref<!tpu.dma_semaphore, #tpu.memory_space<semaphore_mem>>) src(%dma_wait3A_1384 : memref<128x16xf32, #tpu.memory_space<vmem>>) dst(%dma_wait3A_1388 : memref<10112x16xf32, #tpu.memory_space<vmem_shared>>)
      %add3A_1389 = arith.constant 6 : i32
      %add3A_1390 = arith.addi %mul3A_1304, %add3A_1389 : i32
      %mul3A_1391 = arith.constant 128 : i32
      %mul3A_1392 = arith.muli %add3A_1390, %mul3A_1391 : i32
      %dma_wait3A_1393 = arith.constant 1 : i32
      %dma_wait3A_1394 = arith.constant 6 : i32
      %dma_wait3A_1395 = arith.constant 0 : i32
      %dma_wait3A_1396 = arith.constant 0 : i32
      %dma_wait3A_1397 = tpu.memref_slice %arg7[%dma_wait3A_1393, %dma_wait3A_1394, %dma_wait3A_1395, %dma_wait3A_1396] : memref<2x13x128x16xf32, #tpu.memory_space<vmem>> -> memref<1x1x128x16xf32, #tpu.memory_space<vmem>>
      %dma_wait3A_1398 = tpu.memref_squeeze %dma_wait3A_1397 : memref<1x1x128x16xf32, #tpu.memory_space<vmem>> -> memref<128x16xf32, #tpu.memory_space<vmem>>
      %dma_wait3A_1399 = tpu.memref_slice %arg6[%mul3A_1392] : memref<10000xi32, #tpu.memory_space<vmem>> -> memref<128xi32, #tpu.memory_space<vmem>>
      %dma_wait3A_1400 = arith.constant 0 : i32
      %dma_wait3A_1401 = arith.constant 0 : i32
      %dma_wait3A_1402 = tpu.memref_slice %arg10[%dma_wait3A_1400, %dma_wait3A_1401] : memref<10112x16xf32, #tpu.memory_space<vmem_shared>> -> memref<10112x16xf32, #tpu.memory_space<vmem_shared>>
      tpu.wait_indirect_dma semaphore(%arg15 : memref<!tpu.dma_semaphore, #tpu.memory_space<semaphore_mem>>) src(%dma_wait3A_1398 : memref<128x16xf32, #tpu.memory_space<vmem>>) dst(%dma_wait3A_1402 : memref<10112x16xf32, #tpu.memory_space<vmem_shared>>)
      %add3A_1403 = arith.constant 7 : i32
      %add3A_1404 = arith.addi %mul3A_1304, %add3A_1403 : i32
      %mul3A_1405 = arith.constant 128 : i32
      %mul3A_1406 = arith.muli %add3A_1404, %mul3A_1405 : i32
      %dma_wait3A_1407 = arith.constant 1 : i32
      %dma_wait3A_1408 = arith.constant 7 : i32
      %dma_wait3A_1409 = arith.constant 0 : i32
      %dma_wait3A_1410 = arith.constant 0 : i32
      %dma_wait3A_1411 = tpu.memref_slice %arg7[%dma_wait3A_1407, %dma_wait3A_1408, %dma_wait3A_1409, %dma_wait3A_1410] : memref<2x13x128x16xf32, #tpu.memory_space<vmem>> -> memref<1x1x128x16xf32, #tpu.memory_space<vmem>>
      %dma_wait3A_1412 = tpu.memref_squeeze %dma_wait3A_1411 : memref<1x1x128x16xf32, #tpu.memory_space<vmem>> -> memref<128x16xf32, #tpu.memory_space<vmem>>
      %dma_wait3A_1413 = tpu.memref_slice %arg6[%mul3A_1406] : memref<10000xi32, #tpu.memory_space<vmem>> -> memref<128xi32, #tpu.memory_space<vmem>>
      %dma_wait3A_1414 = arith.constant 0 : i32
      %dma_wait3A_1415 = arith.constant 0 : i32
      %dma_wait3A_1416 = tpu.memref_slice %arg10[%dma_wait3A_1414, %dma_wait3A_1415] : memref<10112x16xf32, #tpu.memory_space<vmem_shared>> -> memref<10112x16xf32, #tpu.memory_space<vmem_shared>>
      tpu.wait_indirect_dma semaphore(%arg15 : memref<!tpu.dma_semaphore, #tpu.memory_space<semaphore_mem>>) src(%dma_wait3A_1412 : memref<128x16xf32, #tpu.memory_space<vmem>>) dst(%dma_wait3A_1416 : memref<10112x16xf32, #tpu.memory_space<vmem_shared>>)
      %add3A_1417 = arith.constant 8 : i32
      %add3A_1418 = arith.addi %mul3A_1304, %add3A_1417 : i32
      %mul3A_1419 = arith.constant 128 : i32
      %mul3A_1420 = arith.muli %add3A_1418, %mul3A_1419 : i32
      %dma_wait3A_1421 = arith.constant 1 : i32
      %dma_wait3A_1422 = arith.constant 8 : i32
      %dma_wait3A_1423 = arith.constant 0 : i32
      %dma_wait3A_1424 = arith.constant 0 : i32
      %dma_wait3A_1425 = tpu.memref_slice %arg7[%dma_wait3A_1421, %dma_wait3A_1422, %dma_wait3A_1423, %dma_wait3A_1424] : memref<2x13x128x16xf32, #tpu.memory_space<vmem>> -> memref<1x1x128x16xf32, #tpu.memory_space<vmem>>
      %dma_wait3A_1426 = tpu.memref_squeeze %dma_wait3A_1425 : memref<1x1x128x16xf32, #tpu.memory_space<vmem>> -> memref<128x16xf32, #tpu.memory_space<vmem>>
      %dma_wait3A_1427 = tpu.memref_slice %arg6[%mul3A_1420] : memref<10000xi32, #tpu.memory_space<vmem>> -> memref<128xi32, #tpu.memory_space<vmem>>
      %dma_wait3A_1428 = arith.constant 0 : i32
      %dma_wait3A_1429 = arith.constant 0 : i32
      %dma_wait3A_1430 = tpu.memref_slice %arg10[%dma_wait3A_1428, %dma_wait3A_1429] : memref<10112x16xf32, #tpu.memory_space<vmem_shared>> -> memref<10112x16xf32, #tpu.memory_space<vmem_shared>>
      tpu.wait_indirect_dma semaphore(%arg15 : memref<!tpu.dma_semaphore, #tpu.memory_space<semaphore_mem>>) src(%dma_wait3A_1426 : memref<128x16xf32, #tpu.memory_space<vmem>>) dst(%dma_wait3A_1430 : memref<10112x16xf32, #tpu.memory_space<vmem_shared>>)
      %add3A_1431 = arith.constant 9 : i32
      %add3A_1432 = arith.addi %mul3A_1304, %add3A_1431 : i32
      %mul3A_1433 = arith.constant 128 : i32
      %mul3A_1434 = arith.muli %add3A_1432, %mul3A_1433 : i32
      %dma_wait3A_1435 = arith.constant 1 : i32
      %dma_wait3A_1436 = arith.constant 9 : i32
      %dma_wait3A_1437 = arith.constant 0 : i32
      %dma_wait3A_1438 = arith.constant 0 : i32
      %dma_wait3A_1439 = tpu.memref_slice %arg7[%dma_wait3A_1435, %dma_wait3A_1436, %dma_wait3A_1437, %dma_wait3A_1438] : memref<2x13x128x16xf32, #tpu.memory_space<vmem>> -> memref<1x1x128x16xf32, #tpu.memory_space<vmem>>
      %dma_wait3A_1440 = tpu.memref_squeeze %dma_wait3A_1439 : memref<1x1x128x16xf32, #tpu.memory_space<vmem>> -> memref<128x16xf32, #tpu.memory_space<vmem>>
      %dma_wait3A_1441 = tpu.memref_slice %arg6[%mul3A_1434] : memref<10000xi32, #tpu.memory_space<vmem>> -> memref<128xi32, #tpu.memory_space<vmem>>
      %dma_wait3A_1442 = arith.constant 0 : i32
      %dma_wait3A_1443 = arith.constant 0 : i32
      %dma_wait3A_1444 = tpu.memref_slice %arg10[%dma_wait3A_1442, %dma_wait3A_1443] : memref<10112x16xf32, #tpu.memory_space<vmem_shared>> -> memref<10112x16xf32, #tpu.memory_space<vmem_shared>>
      tpu.wait_indirect_dma semaphore(%arg15 : memref<!tpu.dma_semaphore, #tpu.memory_space<semaphore_mem>>) src(%dma_wait3A_1440 : memref<128x16xf32, #tpu.memory_space<vmem>>) dst(%dma_wait3A_1444 : memref<10112x16xf32, #tpu.memory_space<vmem_shared>>)
      %add3A_1445 = arith.constant 10 : i32
      %add3A_1446 = arith.addi %mul3A_1304, %add3A_1445 : i32
      %mul3A_1447 = arith.constant 128 : i32
      %mul3A_1448 = arith.muli %add3A_1446, %mul3A_1447 : i32
      %dma_wait3A_1449 = arith.constant 1 : i32
      %dma_wait3A_1450 = arith.constant 10 : i32
      %dma_wait3A_1451 = arith.constant 0 : i32
      %dma_wait3A_1452 = arith.constant 0 : i32
      %dma_wait3A_1453 = tpu.memref_slice %arg7[%dma_wait3A_1449, %dma_wait3A_1450, %dma_wait3A_1451, %dma_wait3A_1452] : memref<2x13x128x16xf32, #tpu.memory_space<vmem>> -> memref<1x1x128x16xf32, #tpu.memory_space<vmem>>
      %dma_wait3A_1454 = tpu.memref_squeeze %dma_wait3A_1453 : memref<1x1x128x16xf32, #tpu.memory_space<vmem>> -> memref<128x16xf32, #tpu.memory_space<vmem>>
      %dma_wait3A_1455 = tpu.memref_slice %arg6[%mul3A_1448] : memref<10000xi32, #tpu.memory_space<vmem>> -> memref<128xi32, #tpu.memory_space<vmem>>
      %dma_wait3A_1456 = arith.constant 0 : i32
      %dma_wait3A_1457 = arith.constant 0 : i32
      %dma_wait3A_1458 = tpu.memref_slice %arg10[%dma_wait3A_1456, %dma_wait3A_1457] : memref<10112x16xf32, #tpu.memory_space<vmem_shared>> -> memref<10112x16xf32, #tpu.memory_space<vmem_shared>>
      tpu.wait_indirect_dma semaphore(%arg15 : memref<!tpu.dma_semaphore, #tpu.memory_space<semaphore_mem>>) src(%dma_wait3A_1454 : memref<128x16xf32, #tpu.memory_space<vmem>>) dst(%dma_wait3A_1458 : memref<10112x16xf32, #tpu.memory_space<vmem_shared>>)
      %add3A_1459 = arith.constant 11 : i32
      %add3A_1460 = arith.addi %mul3A_1304, %add3A_1459 : i32
      %mul3A_1461 = arith.constant 128 : i32
      %mul3A_1462 = arith.muli %add3A_1460, %mul3A_1461 : i32
      %dma_wait3A_1463 = arith.constant 1 : i32
      %dma_wait3A_1464 = arith.constant 11 : i32
      %dma_wait3A_1465 = arith.constant 0 : i32
      %dma_wait3A_1466 = arith.constant 0 : i32
      %dma_wait3A_1467 = tpu.memref_slice %arg7[%dma_wait3A_1463, %dma_wait3A_1464, %dma_wait3A_1465, %dma_wait3A_1466] : memref<2x13x128x16xf32, #tpu.memory_space<vmem>> -> memref<1x1x128x16xf32, #tpu.memory_space<vmem>>
      %dma_wait3A_1468 = tpu.memref_squeeze %dma_wait3A_1467 : memref<1x1x128x16xf32, #tpu.memory_space<vmem>> -> memref<128x16xf32, #tpu.memory_space<vmem>>
      %dma_wait3A_1469 = tpu.memref_slice %arg6[%mul3A_1462] : memref<10000xi32, #tpu.memory_space<vmem>> -> memref<128xi32, #tpu.memory_space<vmem>>
      %dma_wait3A_1470 = arith.constant 0 : i32
      %dma_wait3A_1471 = arith.constant 0 : i32
      %dma_wait3A_1472 = tpu.memref_slice %arg10[%dma_wait3A_1470, %dma_wait3A_1471] : memref<10112x16xf32, #tpu.memory_space<vmem_shared>> -> memref<10112x16xf32, #tpu.memory_space<vmem_shared>>
      tpu.wait_indirect_dma semaphore(%arg15 : memref<!tpu.dma_semaphore, #tpu.memory_space<semaphore_mem>>) src(%dma_wait3A_1468 : memref<128x16xf32, #tpu.memory_space<vmem>>) dst(%dma_wait3A_1472 : memref<10112x16xf32, #tpu.memory_space<vmem_shared>>)
      %add3A_1473 = arith.constant 12 : i32
      %add3A_1474 = arith.addi %mul3A_1304, %add3A_1473 : i32
      %mul3A_1475 = arith.constant 128 : i32
      %mul3A_1476 = arith.muli %add3A_1474, %mul3A_1475 : i32
      %dma_wait3A_1477 = arith.constant 1 : i32
      %dma_wait3A_1478 = arith.constant 12 : i32
      %dma_wait3A_1479 = arith.constant 0 : i32
      %dma_wait3A_1480 = arith.constant 0 : i32
      %dma_wait3A_1481 = tpu.memref_slice %arg7[%dma_wait3A_1477, %dma_wait3A_1478, %dma_wait3A_1479, %dma_wait3A_1480] : memref<2x13x128x16xf32, #tpu.memory_space<vmem>> -> memref<1x1x128x16xf32, #tpu.memory_space<vmem>>
      %dma_wait3A_1482 = tpu.memref_squeeze %dma_wait3A_1481 : memref<1x1x128x16xf32, #tpu.memory_space<vmem>> -> memref<128x16xf32, #tpu.memory_space<vmem>>
      %dma_wait3A_1483 = tpu.memref_slice %arg6[%mul3A_1476] : memref<10000xi32, #tpu.memory_space<vmem>> -> memref<128xi32, #tpu.memory_space<vmem>>
      %dma_wait3A_1484 = arith.constant 0 : i32
      %dma_wait3A_1485 = arith.constant 0 : i32
      %dma_wait3A_1486 = tpu.memref_slice %arg10[%dma_wait3A_1484, %dma_wait3A_1485] : memref<10112x16xf32, #tpu.memory_space<vmem_shared>> -> memref<10112x16xf32, #tpu.memory_space<vmem_shared>>
      tpu.wait_indirect_dma semaphore(%arg15 : memref<!tpu.dma_semaphore, #tpu.memory_space<semaphore_mem>>) src(%dma_wait3A_1482 : memref<128x16xf32, #tpu.memory_space<vmem>>) dst(%dma_wait3A_1486 : memref<10112x16xf32, #tpu.memory_space<vmem_shared>>)
      %scan3A_1487 = arith.constant 0 : i32
      scf.yield %scan3A_1487 : i32
    }
    %scan3A_164 = arith.constant 3 : i32
    %dma_start3A_165 = arith.constant 9984 : i32
    %dma_start3A_166 = tpu.memref_slice %arg5[%dma_start3A_165] : memref<10000xi32, #tpu.memory_space<vmem>> -> memref<16xi32, #tpu.memory_space<vmem>>
    %dma_start3A_167 = arith.constant 0 : i32
    %dma_start3A_168 = arith.constant 0 : i32
    %dma_start3A_169 = tpu.memref_slice %arg11[%dma_start3A_167, %dma_start3A_168] : memref<10112x16xf32, #tpu.memory_space<vmem_shared>> -> memref<10112x16xf32, #tpu.memory_space<vmem_shared>>
    tpu.enqueue_indirect_dma source(%dma_start3A_169 : memref<10112x16xf32, #tpu.memory_space<vmem_shared>>) target(%arg8 : memref<16x16xf32, #tpu.memory_space<vmem>>) offsets(%dma_start3A_166 : memref<16xi32, #tpu.memory_space<vmem>>) semaphore(%arg12 : memref<!tpu.dma_semaphore, #tpu.memory_space<semaphore_mem>>)
    %dma_wait3A = arith.constant 9984 : i32
    %dma_wait3A_170 = tpu.memref_slice %arg5[%dma_wait3A] : memref<10000xi32, #tpu.memory_space<vmem>> -> memref<16xi32, #tpu.memory_space<vmem>>
    %dma_wait3A_171 = arith.constant 0 : i32
    %dma_wait3A_172 = arith.constant 0 : i32
    %dma_wait3A_173 = tpu.memref_slice %arg11[%dma_wait3A_171, %dma_wait3A_172] : memref<10112x16xf32, #tpu.memory_space<vmem_shared>> -> memref<10112x16xf32, #tpu.memory_space<vmem_shared>>
    tpu.wait_indirect_dma semaphore(%arg12 : memref<!tpu.dma_semaphore, #tpu.memory_space<semaphore_mem>>) src(%dma_wait3A_173 : memref<10112x16xf32, #tpu.memory_space<vmem_shared>>) dst(%arg8 : memref<16x16xf32, #tpu.memory_space<vmem>>)
    %dma_start3A_174 = arith.constant 9984 : i32
    %dma_start3A_175 = tpu.memref_slice %arg6[%dma_start3A_174] : memref<10000xi32, #tpu.memory_space<vmem>> -> memref<16xi32, #tpu.memory_space<vmem>>
    %dma_start3A_176 = arith.constant 0 : i32
    %dma_start3A_177 = arith.constant 0 : i32
    %dma_start3A_178 = tpu.memref_slice %arg10[%dma_start3A_176, %dma_start3A_177] : memref<10112x16xf32, #tpu.memory_space<vmem_shared>> -> memref<10112x16xf32, #tpu.memory_space<vmem_shared>>
    tpu.enqueue_indirect_dma source(%arg8 : memref<16x16xf32, #tpu.memory_space<vmem>>) target(%dma_start3A_178 : memref<10112x16xf32, #tpu.memory_space<vmem_shared>>) offsets(%dma_start3A_175 : memref<16xi32, #tpu.memory_space<vmem>>) semaphore(%arg14 : memref<!tpu.dma_semaphore, #tpu.memory_space<semaphore_mem>>) {add = true}
    %dma_wait3A_179 = arith.constant 9984 : i32
    %dma_wait3A_180 = tpu.memref_slice %arg6[%dma_wait3A_179] : memref<10000xi32, #tpu.memory_space<vmem>> -> memref<16xi32, #tpu.memory_space<vmem>>
    %dma_wait3A_181 = arith.constant 0 : i32
    %dma_wait3A_182 = arith.constant 0 : i32
    %dma_wait3A_183 = tpu.memref_slice %arg10[%dma_wait3A_181, %dma_wait3A_182] : memref<10112x16xf32, #tpu.memory_space<vmem_shared>> -> memref<10112x16xf32, #tpu.memory_space<vmem_shared>>
    tpu.wait_indirect_dma semaphore(%arg14 : memref<!tpu.dma_semaphore, #tpu.memory_space<semaphore_mem>>) src(%arg8 : memref<16x16xf32, #tpu.memory_space<vmem>>) dst(%dma_wait3A_183 : memref<10112x16xf32, #tpu.memory_space<vmem_shared>>)
    %barrier3A_184 = arith.constant 0 : index
    tpu.barrier barrier_id(%barrier3A_184)
    %mul3A_185 = arith.constant 632 : i32
    %mul3A_186 = arith.muli %arg1, %mul3A_185 : i32
    %mul3A_187 = arith.constant 632 : i32
    %mul3A_188 = arith.muli %arg1, %mul3A_187 : i32
    "tpu.region"() ({
      %run_scoped3A_189 = tpu.sem_alloc : memref<!tpu.dma_semaphore, #tpu.memory_space<semaphore_mem>>
      %dma_start3A_190 = arith.constant 0 : i32
      %dma_start3A_191 = tpu.memref_slice %arg4[%arg0, %mul3A_188, %dma_start3A_190] : memref<2x10112x16xf32, #tpu.memory_space<hbm>> -> memref<1x632x16xf32, #tpu.memory_space<hbm>>
      %dma_start3A_192 = tpu.memref_squeeze %dma_start3A_191 : memref<1x632x16xf32, #tpu.memory_space<hbm>> -> memref<632x16xf32, #tpu.memory_space<hbm>>
      %dma_start3A_193 = arith.constant 0 : i32
      %dma_start3A_194 = tpu.memref_slice %arg10[%mul3A_186, %dma_start3A_193] : memref<10112x16xf32, #tpu.memory_space<vmem_shared>> -> memref<632x16xf32, #tpu.memory_space<vmem_shared>>
      tpu.enqueue_dma source(%dma_start3A_194 : memref<632x16xf32, #tpu.memory_space<vmem_shared>>) target(%dma_start3A_192 : memref<632x16xf32, #tpu.memory_space<hbm>>) target_semaphore(%run_scoped3A_189 : memref<!tpu.dma_semaphore, #tpu.memory_space<semaphore_mem>>)
      %dma_wait3A_195 = arith.constant 0 : i32
      %dma_wait3A_196 = tpu.memref_slice %arg4[%arg0, %mul3A_188, %dma_wait3A_195] : memref<2x10112x16xf32, #tpu.memory_space<hbm>> -> memref<1x632x16xf32, #tpu.memory_space<hbm>>
      %dma_wait3A_197 = tpu.memref_squeeze %dma_wait3A_196 : memref<1x632x16xf32, #tpu.memory_space<hbm>> -> memref<632x16xf32, #tpu.memory_space<hbm>>
      %dma_wait3A_198 = arith.constant 0 : i32
      %dma_wait3A_199 = tpu.memref_slice %arg10[%mul3A_186, %dma_wait3A_198] : memref<10112x16xf32, #tpu.memory_space<vmem_shared>> -> memref<632x16xf32, #tpu.memory_space<vmem_shared>>
      tpu.wait_dma2 semaphore(%run_scoped3A_189 : memref<!tpu.dma_semaphore, #tpu.memory_space<semaphore_mem>>) src(%dma_wait3A_199 : memref<632x16xf32, #tpu.memory_space<vmem_shared>>) dst(%dma_wait3A_197 : memref<632x16xf32, #tpu.memory_space<hbm>>)
      tpu.yield
    }) : () -> ()
    return
  }
}

module attributes {stable_mosaic.version = 14 : i64} {
  func.func @_tca_body(%arg0: memref<10000x128xf32, #tpu.memory_space<vmem>>, %arg1: memref<128x16xf32, #tpu.memory_space<vmem>>, %arg2: memref<10112x16xf32, #tpu.memory_space<vmem>>) attributes {dimension_semantics = [], scalar_prefetch = 0 : i64, scratch_operands = 0 : i64, tpu.core_type = #tpu.core_type<tc>} {
    %get3A = arith.constant 0 : index
    %get3A_0 = arith.constant 0 : index
    %get3A_1 = vector.load %arg0[%get3A, %get3A_0] : memref<10000x128xf32, #tpu.memory_space<vmem>>, vector<10000x128xf32>
    %get3A_2 = arith.constant 0 : index
    %get3A_3 = arith.constant 0 : index
    %get3A_4 = vector.load %arg1[%get3A_2, %get3A_3] : memref<128x16xf32, #tpu.memory_space<vmem>>, vector<128x16xf32>
    %dot_general3A = arith.constant dense<0.000000e+00> : vector<10000x16xf32>
    %dot_general3A_5 = tpu.matmul %get3A_1, %get3A_4, %dot_general3A {dimension_numbers = #tpu.dot_dimension_numbers<[1], [0], [0], [1], [0, 0, 1, 1], [], []>, transpose_lhs_hint = false} : vector<10000x128xf32>, vector<128x16xf32>, vector<10000x16xf32> -> vector<10000x16xf32>
    %swap3A = arith.constant 0 : index
    %swap3A_6 = arith.constant 0 : index
    %swap3A_7 = vector.load %arg2[%swap3A, %swap3A_6] : memref<10112x16xf32, #tpu.memory_space<vmem>>, vector<10000x16xf32>
    tpu.vector_store %arg2[%swap3A, %swap3A_6], %dot_general3A_5 {strides = array<i32>} : memref<10112x16xf32, #tpu.memory_space<vmem>>, vector<10000x16xf32>,
    %broadcast_in_dim3A = arith.constant 0.000000e+00 : f32
    %broadcast_in_dim3A_8 = vector.broadcast %broadcast_in_dim3A : f32 to vector<112x16xf32>
    %swap3A_9 = arith.constant 10000 : index
    %swap3A_10 = arith.constant 0 : index
    %swap3A_11 = vector.load %arg2[%swap3A_9, %swap3A_10] : memref<10112x16xf32, #tpu.memory_space<vmem>>, vector<112x16xf32>
    tpu.vector_store %arg2[%swap3A_9, %swap3A_10], %broadcast_in_dim3A_8 {strides = array<i32>} : memref<10112x16xf32, #tpu.memory_space<vmem>>, vector<112x16xf32>,
    return
  }
}

module attributes {stable_mosaic.version = 14 : i64} {
  func.func @_tcd_body(%arg0: memref<1264x128xf32, #tpu.memory_space<vmem>>, %arg1: memref<2x1264x128xf32, #tpu.memory_space<vmem>>, %arg2: memref<1264x128xf32, #tpu.memory_space<vmem>>) attributes {dimension_semantics = [], scalar_prefetch = 0 : i64, scratch_operands = 0 : i64, tpu.core_type = #tpu.core_type<tc>} {
    %get3A = arith.constant 0 : index
    %get3A_0 = arith.constant 0 : index
    %get3A_1 = arith.constant 0 : index
    %get3A_2 = vector.load %arg1[%get3A, %get3A_0, %get3A_1] : memref<2x1264x128xf32, #tpu.memory_space<vmem>>, vector<1x1264x128xf32>
    %get3A_3 = vector.shape_cast %get3A_2 : vector<1x1264x128xf32> to vector<1264x128xf32>
    %get3A_4 = arith.constant 1 : index
    %get3A_5 = arith.constant 0 : index
    %get3A_6 = arith.constant 0 : index
    %get3A_7 = vector.load %arg1[%get3A_4, %get3A_5, %get3A_6] : memref<2x1264x128xf32, #tpu.memory_space<vmem>>, vector<1x1264x128xf32>
    %get3A_8 = vector.shape_cast %get3A_7 : vector<1x1264x128xf32> to vector<1264x128xf32>
    %add3A = arith.addf %get3A_3, %get3A_8 : vector<1264x128xf32>
    %add3A_9 = arith.constant 1.000000e+00 : f32
    %add3A_10 = vector.broadcast %add3A_9 : f32 to vector<1264x128xf32>
    %add3A_11 = arith.addf %add3A, %add3A_10 : vector<1264x128xf32>
    %rsqrt3A = math.rsqrt %add3A_11 : vector<1264x128xf32>
    %get3A_12 = arith.constant 0 : index
    %get3A_13 = arith.constant 0 : index
    %get3A_14 = vector.load %arg0[%get3A_12, %get3A_13] : memref<1264x128xf32, #tpu.memory_space<vmem>>, vector<1264x128xf32>
    %mul3A = arith.mulf %rsqrt3A, %get3A_14 : vector<1264x128xf32>
    %swap3A = arith.constant 0 : index
    %swap3A_15 = arith.constant 0 : index
    %swap3A_16 = vector.load %arg2[%swap3A, %swap3A_15] : memref<1264x128xf32, #tpu.memory_space<vmem>>, vector<1264x128xf32>
    tpu.vector_store %arg2[%swap3A, %swap3A_15], %mul3A {strides = array<i32>} : memref<1264x128xf32, #tpu.memory_space<vmem>>, vector<1264x128xf32>,
    return
  }
}

module attributes {stable_mosaic.version = 14 : i64} {
  func.func @_tcb_body(%arg0: memref<2x1264x128xf32, #tpu.memory_space<vmem>>, %arg1: memref<1264x128xf32, #tpu.memory_space<vmem>>, %arg2: memref<2x1264x128xf32, #tpu.memory_space<vmem>>, %arg3: memref<1x128xf32, #tpu.memory_space<vmem>>, %arg4: memref<128x8xf32, #tpu.memory_space<vmem>>, %arg5: memref<1x1xf32, #tpu.memory_space<vmem>>, %arg6: memref<1264x8xf32, #tpu.memory_space<vmem>>) attributes {dimension_semantics = [], scalar_prefetch = 0 : i64, scratch_operands = 0 : i64, tpu.core_type = #tpu.core_type<tc>} {
    %get3A = arith.constant 0 : index
    %get3A_0 = arith.constant 0 : index
    %get3A_1 = arith.constant 0 : index
    %get3A_2 = vector.load %arg2[%get3A, %get3A_0, %get3A_1] : memref<2x1264x128xf32, #tpu.memory_space<vmem>>, vector<1x1264x128xf32>
    %get3A_3 = vector.shape_cast %get3A_2 : vector<1x1264x128xf32> to vector<1264x128xf32>
    %get3A_4 = arith.constant 1 : index
    %get3A_5 = arith.constant 0 : index
    %get3A_6 = arith.constant 0 : index
    %get3A_7 = vector.load %arg2[%get3A_4, %get3A_5, %get3A_6] : memref<2x1264x128xf32, #tpu.memory_space<vmem>>, vector<1x1264x128xf32>
    %get3A_8 = vector.shape_cast %get3A_7 : vector<1x1264x128xf32> to vector<1264x128xf32>
    %add3A = arith.addf %get3A_3, %get3A_8 : vector<1264x128xf32>
    %add3A_9 = arith.constant 1.000000e+00 : f32
    %add3A_10 = vector.broadcast %add3A_9 : f32 to vector<1264x128xf32>
    %add3A_11 = arith.addf %add3A, %add3A_10 : vector<1264x128xf32>
    %rsqrt3A = math.rsqrt %add3A_11 : vector<1264x128xf32>
    %get3A_12 = arith.constant 0 : index
    %get3A_13 = arith.constant 0 : index
    %get3A_14 = arith.constant 0 : index
    %get3A_15 = vector.load %arg0[%get3A_12, %get3A_13, %get3A_14] : memref<2x1264x128xf32, #tpu.memory_space<vmem>>, vector<1x1264x128xf32>
    %get3A_16 = vector.shape_cast %get3A_15 : vector<1x1264x128xf32> to vector<1264x128xf32>
    %get3A_17 = arith.constant 1 : index
    %get3A_18 = arith.constant 0 : index
    %get3A_19 = arith.constant 0 : index
    %get3A_20 = vector.load %arg0[%get3A_17, %get3A_18, %get3A_19] : memref<2x1264x128xf32, #tpu.memory_space<vmem>>, vector<1x1264x128xf32>
    %get3A_21 = vector.shape_cast %get3A_20 : vector<1x1264x128xf32> to vector<1264x128xf32>
    %add3A_22 = arith.addf %get3A_16, %get3A_21 : vector<1264x128xf32>
    %get3A_23 = arith.constant 0 : index
    %get3A_24 = arith.constant 0 : index
    %get3A_25 = vector.load %arg1[%get3A_23, %get3A_24] : memref<1264x128xf32, #tpu.memory_space<vmem>>, vector<1264x128xf32>
    %add3A_26 = arith.addf %add3A_22, %get3A_25 : vector<1264x128xf32>
    %mul3A = arith.mulf %rsqrt3A, %add3A_26 : vector<1264x128xf32>
    %get3A_27 = arith.constant 0 : index
    %get3A_28 = arith.constant 0 : index
    %get3A_29 = vector.load %arg3[%get3A_27, %get3A_28] : memref<1x128xf32, #tpu.memory_space<vmem>>, vector<1x128xf32>
    %add3A_30 = vector.broadcast %get3A_29 : vector<1x128xf32> to vector<1264x128xf32>
    %add3A_31 = arith.addf %mul3A, %add3A_30 : vector<1264x128xf32>
    %max3A = arith.constant 0.000000e+00 : f32
    %max3A_32 = vector.broadcast %max3A : f32 to vector<1264x128xf32>
    %max3A_33 = arith.maximumf %add3A_31, %max3A_32 : vector<1264x128xf32>
    %get3A_34 = arith.constant 0 : index
    %get3A_35 = arith.constant 0 : index
    %get3A_36 = vector.load %arg4[%get3A_34, %get3A_35] : memref<128x8xf32, #tpu.memory_space<vmem>>, vector<128x8xf32>
    %dot_general3A = arith.constant dense<0.000000e+00> : vector<1264x8xf32>
    %dot_general3A_37 = tpu.matmul %max3A_33, %get3A_36, %dot_general3A {dimension_numbers = #tpu.dot_dimension_numbers<[1], [0], [0], [1], [0, 0, 1, 1], [], []>, transpose_lhs_hint = false} : vector<1264x128xf32>, vector<128x8xf32>, vector<1264x8xf32> -> vector<1264x8xf32>
    %get3A_38 = arith.constant 0 : index
    %get3A_39 = arith.constant 0 : index
    %get3A_40 = vector.load %arg5[%get3A_38, %get3A_39] : memref<1x1xf32, #tpu.memory_space<vmem>>, vector<1x1xf32>
    %get3A_41 = vector.extract %get3A_40[0, 0] : f32 from vector<1x1xf32>
    %add3A_42 = vector.broadcast %get3A_41 : f32 to vector<1264x8xf32>
    %add3A_43 = arith.addf %dot_general3A_37, %add3A_42 : vector<1264x8xf32>
    %swap3A = arith.constant 0 : index
    %swap3A_44 = arith.constant 0 : index
    %swap3A_45 = vector.load %arg6[%swap3A, %swap3A_44] : memref<1264x8xf32, #tpu.memory_space<vmem>>, vector<1264x8xf32>
    tpu.vector_store %arg6[%swap3A, %swap3A_44], %add3A_43 {strides = array<i32>} : memref<1264x8xf32, #tpu.memory_space<vmem>>, vector<1264x8xf32>,
    return
  }
}

</mosaic_0001>

<sc_bundles>
// kernel: kernel.10.cloned.1.call-start
scs
__scs_entry_jumppad:
0x0: {  	(pc) =	sbr.rel $0x88, $3  }
0x1: {  	(tag) =	ssettag $0x0;
	lr =	simm.s32 $0x1  }
0x2: {  	[smem:$0x3F9B] =	sst lr;
	_ =	strace $0xD0000000  }
0x3: {  	_ = 	snop  }
0x4: {  	_ = 	snop  }
0x5: {  	_ = 	snop  }
0x6: {  	_ = 	snop  }
0x7: {  	_ = 	snop  }
__scs_overlays_trampoline_lowered:
0x8: {  	[smem:$0x3FAA] =	sst s0  }
0x9: {  	[smem:$0x3FAB] =	sst s1  }
0xa: {  	[smem:$0x3FAC] =	sst s2  }
0xb: {  	[smem:$0x3FAD] =	sst s3  }
0xc: {  	[smem:$0x3FAE] =	sst s4  }
0xd: {  	[smem:$0x3FAF] =	sst s5  }
0xe: {  	[smem:$0x3FB0] =	sst s6  }
0xf: {  	[smem:$0x3FB1] =	sst s7  }
0x10: {  	[smem:$0x3FB2] =	sst s8  }
0x11: {  	[smem:$0x3FB3] =	sst s9;
	s0 =	simm.s32 @!p0 $0x0  }
0x12: {  	s1 =	sld [smem:$0x3F99];
	s0 =	simm.s32 @p0 $0x1  }
0x13: {  	[smem:$0x3FB4] =	sst s0;
	s0 =	simm.s32 @!p1 $0x0  }
0x14: {  	s2 =	sld [smem:$0x3F98];
	s0 =	simm.s32 @p1 $0x1  }
0x15: {  	[smem:$0x3FB5] =	sst s0;
	s0 =	simm.s32 @!p2 $0x0  }
0x16: {  	s3 =	sld [smem:$0x3FDB];
	s0 =	simm.s32 @p2 $0x1  }
0x17: {  	s4 =	simm.s32 $0x1BF5;
	[smem:$0x3FB7] =	sst s0  }
0x18: {  	s0 =	sld [smem:$0x3F9A];
	_ =	swait.ge [sflag:s4], $0x0  }
0x19: {  	s7 =	sld [smem:$0x3F9B]  }
0x1a: {  	s8 =	sadd.s32 $0xFFFFE003, lr  }
0x1b: {  	s9 =	sadd.s32 $0xFFFFFEF7, lr;
	s5 =	simm.s32 $0xFFFFFFFF;
	p2 =	slt.u32 s8, $0xFFFFF086  }
0x1c: {  	p1 =	slt.u32 s9, $0xF7A;
	s5 =	simm.s32 @!p2 $0x0  }
0x1d: {  	s5 =	simm.s32 @p1 $0x1;
	p0 =	seq.s32 s7, s2  }
0x1e: {  	s7 =	smul.u32 @!p0 $0xF7A, s2;
	p2 =	seq.s32 @!p0 s5, $0x0  }
0x1f: {  	s9 =	smul.u32 $0xF7A, s1;
	s8 =	simm.s32 @!p0 $0x1BF5;
	p2 =	por !p2, p0  }
0x20: {  	[sflag:s8] =	ssyncset.s32 @!p0 $0xFFFFF086;
	s6 =	sadd.s32 @!p0 s3, s7;
	s7 =	simm.s32 @!p0 $0x108  }
0x21: {  	s3 =	sadd.s32 s3, s9;
	s6 =	sadd.s32 @!p0 $0x88, s6;
	s7 =	simm.s32 @p2 $0x1082  }
0x22: {  	[simem:s7], [sflag:s8] =	dma.local @!p0 [hbm:s6], $0xF7A  }
0x23: {  	s9 =	sor.u32 $0xD0000000, s2;
	s6 =	simm.s32 $0x108;
	_ =	swait.ge @!p0 [sflag:s8], $0x0  }
0x24: {  	s3 =	sadd.s32 $0x88, s3;
	s6 =	simm.s32 @!p1 $0x1082;
	[sflag:s4] =	ssyncset.s32 $0xFFFFF086  }
0x25: {  	[simem:s6], [sflag:s4] =	dma.local [hbm:s3], $0xF7A  }
0x26: {  	[smem:$0x3F9B] =	sst s1;
	(tag) =	ssettag s2;
	_ =	strace s9  }
0x27: {  	s1 =	sld [smem:$0x3FAB]  }
0x28: {  	s2 =	sld [smem:$0x3FAC]  }
0x29: {  	s4 =	sld [smem:$0x3FAE]  }
0x2a: {  	p0 =	seq.s32 s5, $0x0;
	s5 =	sld [smem:$0x3FAF]  }
0x2b: {  	s6 =	sld [smem:$0x3FB0]  }
0x2c: {  	s7 =	sld [smem:$0x3FB1]  }
0x2d: {  	s3 =	simm.s32 $0x108;
	s8 =	sld [smem:$0x3FB2]  }
0x2e: {  	s3 =	simm.s32 @!p0 $0x1082;
	s9 =	sld [smem:$0x3FB3]  }
0x2f: {  	lr =	sadd.s32 s0, s3;
	s0 =	sld [smem:$0x3FAA]  }
0x30: {  	s3 =	sld [smem:$0x3FAD]  }
0x31: {  	[smem:$0x3FB6] =	sst s10  }
0x32: {  	s10 =	sld [smem:$0x3FB4];
	_ =	sdelay $0x3  }
0x33: {  	p0 =	seq.s32 s10, $0x1;
	s10 =	sld [smem:$0x3FB6];
	_ =	sdelay $0x3  }
0x34: {  	[smem:$0x3FB6] =	sst s10  }
0x35: {  	s10 =	sld [smem:$0x3FB5];
	_ =	sdelay $0x3  }
0x36: {  	p1 =	seq.s32 s10, $0x1;
	s10 =	sld [smem:$0x3FB6];
	_ =	sdelay $0x3  }
0x37: {  	[smem:$0x3FB6] =	sst s10  }
0x38: {  	s10 =	sld [smem:$0x3FB7]  }
0x39: {  	_ = 	snop;
	(pc) =	sbr.ind lr, $3  }
0x3a: {  	_ = 	snop  }
0x3b: {  	_ = 	snop  }
0x3c: {  	p2 =	seq.s32 s10, $0x1;
	s10 =	sld [smem:$0x3FB6]  }
0x3d: {  	_ =	shalt  }
0x3e: {  	_ =	shalt  }
0x3f: {  	_ =	shalt  }
0x40: {  	_ =	shalt  }
0x41: {  	_ =	shalt  }
0x42: {  	_ =	shalt  }
0x43: {  	_ =	shalt  }
0x44: {  	_ =	shalt  }
0x45: {  	_ =	shalt  }
0x46: {  	_ =	shalt  }
0x47: {  	_ =	shalt  }
0x48: {  	_ =	shalt  }
0x49: {  	_ =	shalt  }
0x4a: {  	_ =	shalt  }
0x4b: {  	_ =	shalt  }
0x4c: {  	_ =	shalt  }
0x4d: {  	_ =	shalt  }
0x4e: {  	_ =	shalt  }
0x4f: {  	_ =	shalt  }
0x50: {  	_ =	shalt  }
0x51: {  	_ =	shalt  }
0x52: {  	_ =	shalt  }
0x53: {  	_ =	shalt  }
0x54: {  	_ =	shalt  }
0x55: {  	_ =	shalt  }
0x56: {  	_ =	shalt  }
0x57: {  	_ =	shalt  }
0x58: {  	_ =	shalt  }
0x59: {  	_ =	shalt  }
0x5a: {  	_ =	shalt  }
0x5b: {  	_ =	shalt  }
0x5c: {  	_ =	shalt  }
0x5d: {  	_ =	shalt  }
0x5e: {  	_ =	shalt  }
0x5f: {  	_ =	shalt  }
0x60: {  	_ =	shalt  }
0x61: {  	_ =	shalt  }
0x62: {  	_ =	shalt  }
0x63: {  	_ =	shalt  }
0x64: {  	_ =	shalt  }
0x65: {  	_ =	shalt  }
0x66: {  	_ =	shalt  }
0x67: {  	_ =	shalt  }
0x68: {  	_ =	shalt  }
0x69: {  	_ =	shalt  }
0x6a: {  	_ =	shalt  }
0x6b: {  	_ =	shalt  }
0x6c: {  	_ =	shalt  }
0x6d: {  	_ =	shalt  }
0x6e: {  	_ =	shalt  }
0x6f: {  	_ =	shalt  }
0x70: {  	_ =	shalt  }
0x71: {  	_ =	shalt  }
0x72: {  	_ =	shalt  }
0x73: {  	_ =	shalt  }
0x74: {  	_ =	shalt  }
0x75: {  	_ =	shalt  }
0x76: {  	_ =	shalt  }
0x77: {  	_ =	shalt  }
0x78: {  	_ =	shalt  }
0x79: {  	_ =	shalt  }
0x7a: {  	_ =	shalt  }
0x7b: {  	_ =	shalt  }
0x7c: {  	_ =	shalt  }
0x7d: {  	_ =	shalt  }
0x7e: {  	_ =	shalt  }
0x7f: {  	_ =	shalt  }
0x80: {  	_ =	shalt  }
0x81: {  	_ =	shalt  }
0x82: {  	_ =	shalt  }
0x83: {  	_ =	shalt  }
0x84: {  	_ =	shalt  }
0x85: {  	_ =	shalt  }
0x86: {  	_ =	shalt  }
0x87: {  	_ =	shalt  }
.Lfunc_end0:
.L_simem_size_0:
called_computation.1_lowered:
.L_overlay_start_0:
0x88: {  	s2 =	sld [smem:$0x3FD9]  }
0x89: {  	s3 =	sld [smem:$0x3FFE];
	_ =	sdelay $0x1  }
0x8a: {  	s1 =	srdreg.scid  }
0x8b: {  	s0 =	sand.u32 $0x1, s1  }
0x8c: {  	s16 =	sshll.u32 s0, $0xA;
	s2 =	sadd.s32 s3, s2  }
0x8d: {  	s2 =	sadd.s32 s2, s16  }
0x8e: {  	[smem:$0x3FC2] =	sst s2  }
0x8f: {  	_ = 	snop  }
0x90: {  	(tm) =	ssettm $0x1  }
0x91: {  	s17 =	sld [smem:$0x3FFB];
	_ =	sdelay $0x3  }
0x92: {  	_ =	strace s17  }
0x93: {  	s2 =	sld [smem:$0x3FFC];
	_ =	sdelay $0x3  }
0x94: {  	_ =	strace s2  }
0x95: {  	s2 =	sld [smem:$0x3FFD];
	_ =	sdelay $0x3  }
0x96: {  	_ =	strace s2  }
0x97: {  	_ =	strace $0x8FFFFFFF  }
0x98: {  	s18 =	sld [smem:$0x3FDB];
	_ =	sdelay $0x1  }
0x99: {  	s19 =	simm.s32 $_scs_section_size  }
0x9a: {  	s4 =	simm.s32 $_size__tile_overlayer_lowered;
	s5 =	simm.s32 $_tile_overlayer_lowered  }
0x9b: {  	s22 =	simm.s32 $0x1BFF;
	s21 =	sshll.u32 s5, $0x1;
	s2 =	sadd.s32 s19, s18  }
0x9c: {  	s6 =	simm.s32 $0x0;
	s20 =	sshll.u32 s4, $0x1;
	s4 =	sadd.s32 s21, s2  }
0x9d: {  	[timem:s6], [sflag:s22] =	dma.local [hbm:s4], s20  }
0x9e: {  	_ =	swait.ge [sflag:s22], s20  }
0x9f: {  	s3 =	ssub.s32 $0x0, s20;
	[sflag:s22] =	ssyncset.done $0x0  }
0xa0: {  	[sflag:s22] =	ssyncadd.s32 s3;
	_ =	sdelay $0x1  }
0xa1: {  	s23 =	simm.s32 $0x1B8B  }
0xa2: {  	_ =	swait.ge [sflag:s23], $0x1  }
0xa3: {  	[sflag:s23] =	ssyncset.done $0x0  }
0xa4: {  	s25 =	simm.s32 $0x1B8E;
	s24 =	sld [smem:$0x3FFE];
	[sflag:s23] =	ssyncadd.s32 $0xFFFFFFFF  }
0xa5: {  	s26 =	simm.s32 $execute0_lowered;
	[smem:$0x3FD2] =	sst s25  }
0xa6: {  	s4 =	sshll.u32 s26, $0x1;
	_ =	strace $0x80000049;
	[dreg:$0x1] =	wrdreg $0xFFFFFFFF  }
0xa7: {  	s28 =	simm.s32 $_size_execute0_lowered;
	s2 =	sadd.s32 s2, s4;
	[dreg:$0x0] =	wrdreg $0x0  }
0xa8: {  	s4 =	sshll.u32 s28, $0x1;
	[dreg:$0x2] =	wrdreg s2  }
0xa9: {  	[dreg:$0x3] =	wrdreg s4  }
0xaa: {  	[dreg:$0x4] =	wrdreg $0xC0  }
0xab: {  	_ =	task [dreg:s6], $0x5FFFF  }
0xac: {  	[dreg:$0x1] =	wrdreg $0xFFFFFFFF  }
0xad: {  	[dreg:$0x0] =	wrdreg $0x60  }
0xae: {  	[dreg:$0x2] =	wrdreg s24  }
0xaf: {  	[dreg:$0x3] =	wrdreg $0x146A00  }
0xb0: {  	[dreg:$0x4] =	wrdreg $0x16E200  }
0xb1: {  	[dreg:$0x5] =	wrdreg $0x9  }
0xb2: {  	_ =	task.clear_ibuf [dreg:s6], $0x6FFFF;
	_ =	strace $0x90000049  }
0xb3: {  	s29 =	simm.s32 $0x9;
	_ =	strace $0x8000004B  }
0xb4: {  	_ =	swait.ge [sflag:s29], $0x1  }
0xb5: {  	[sflag:s29] =	ssyncadd.s32 $0xFFFFFFFF  }
0xb6: {  	_ =	strace $0x9000004B  }
0xb7: {  	_ =	sfence  }
0xb8: {  	s30 =	sld [smem:$0x0];
	_ =	sdelay $0x2  }
0xb9: {  	s31 =	sshll.u32 s1, $0xD;
	s1 =	sshrl.u32 s1, $0x2  }
0xba: {  	s3 =	sand.u32 $0x4000, s31;
	s1 =	sadd.s32 s1, s30  }
0xbb: {  	s0 =	sor.u32 s3, s0;
	s1 =	sshll.u32 s1, $0x11  }
0xbc: {  	s0 =	sor.u32 s1, s0  }
0xbd: {  	s0 =	sadd.s32 $0x8F2B, s0  }
0xbe: {  	[sflag:s0] =	ssyncadd.remote.s32 $0x1  }
0xbf: {  	_ =	sfence.sel $0xFFFF  }
0xc0: {  	[dreg:$0x0] =	wrdreg $0xFFFFFFFF;
	(pc) =	sbr.abs _section_cstart, $3  }
0xc1: {  	[dreg:$0x1] =	wrdreg $0xFFFFFFFF  }
0xc2: {  	_ =	task.clear_ibuf [dreg:s6], $0x2FFFF;
	_ =	strace $0x9FFFFFFF  }
0xc3: {  	(tm) =	ssettm $0x7FFFFFFF  }
tec
execute0_lowered:
.L_overlay_start_1:
0x0: {  	(tag) =	ssettag $0x1  }
0x1: {  	s0 =	rddreg [dreg:$0x0]  }
0x2: {  	s2 =	rddreg [dreg:$0x1]  }
0x3: {  	s3 =	rddreg [dreg:$0x2]  }
0x4: {  	s8 =	stileid.u32;
	s1 =	srdreg.scid;
	s11 =	simm.s32 $0x0  }
0x5: {  	s16 =	simm.s32 $0x80;
	s30 =	simm.s32 $0x5620;
	s31 =	simm.s32 $0x5E20  }
0x6: {  	s29 =	simm.s32 $0x7620;
	s12 =	simm.s32 $0x3;
	s17 =	simm.s32 $0x2  }
0x7: {  	s18 =	simm.s32 $0x4;
	s4 =	smul.u32 $0x2780, s8;
	s1 =	sand.u32 $0x1, s1  }
0x8: {  	s5 =	sshll.u32 s8, $0x1;
	[smem:$0x7FF] =	sst s11;
	s26 =	sshll.u32 s8, $0x6  }
0x9: {  	s5 =	sor.u32 s1, s5;
	s6 =	smul.u32 $0x27800, s1;
	_ =	strace $0x8000004A  }
0xa: {  	s1 =	ssub.s32 $0x2, s1;
	s21 =	sor.u32 $0x1C05, s26;
	s26 =	simm.s32 $0x6E20  }
0xb: {  	s7 =	sshrl.u32 s4, $0x3;
	s5 =	smul.u32 $0x2710, s5;
	s22 =	sshrl.u32 s1, $0x1  }
0xc: {  	s15 =	sadd.s32 s4, s2;
	[dreg:$0xb] =	wrdreg s21;
	s7 =	sadd.s32 s7, s0  }
0xd: {  	s6 =	sadd.s32 s4, s6;
	s1 =	ssub.s32 s1, s22;
	s4 =	sadd.s32 s4, s3  }
0xe: {  	[dreg:$0x5] =	wrdreg s15;
	s5 =	sshrl.u32 s5, $0x3;
	s23 =	sadd.s32 $0x15800, s7  }
0xf: {  	s6 =	sshrl.u32 s6, $0x3;
	s25 =	smax.u32 s1, $0x1;
	[dreg:$0x6] =	wrdreg s23  }
0x10: {  	s28 =	sshrl.u32 s4, $0x3;
	s5 =	sadd.s32 s5, s0;
	[dreg:$0xa] =	wrdreg s25  }
0x11: {  	s1 =	simm.s32 $0x5;
	[dreg:$0xc] =	wrdreg s28;
	s24 =	sadd.s32 $0x1E00, s5  }
0x12: {  	s0 =	sadd.s32 s6, s0;
	s5 =	sadd.s32 $0xBA40, s5;
	[dreg:$0x7] =	wrdreg s24  }
0x13: {  	s4 =	simm.s32 $0x1;
	s0 =	sadd.s32 $0x1A800, s0;
	[dreg:$0x8] =	wrdreg s5  }
0x14: {  	v0 =	vimm.f32 $0.0e+00;
	s25 =	simm.s32 $0x4E20;
	[dreg:$0x9] =	wrdreg s0;
	s24 =	simm.s32 $0x6620  }
.LBB2_1:
0x15: {  	s20 =	simm.s32 $0x40;
	s22 =	simm.s32 $0x0  }
.LBB2_2:
0x16: {  	p0 =	sne.s32 s20, $0x9DC0;
	[tilespmem:s22+$0x11F20] =	vst v0;
	s22 =	smov.u32 s20;
	s20 =	sadd.s32 $0x40, s20  }
.Ltmp0:
0x17: {  	(pc) =	sbr.rel @p0 .LBB2_2-.Ltmp0, $2  }
0x18: {  	_ =	sdelay $0x2  }
0x19: {  	s22 =	sshra.s32 s22, $0x2  }
0x1a: {  	[dreg:$0x4] =	wrdreg s11;
	[tilespmem:s22+$0x11F20] =	vst v0;
	s0 =	simm.s32 $0x11F20  }
0x1b: {  	[spmem:s15] =	stream.linear.scatter [tilespmem:s0], [sflag:$0x5], $0x2780, $0x38;
	[tilespmem:$0x195A0] =	vst v63  }
0x1c: {  	_ =	swait.ge [sflag:s1], $0x2780  }
0x1d: {  	[sflag:s1] =	ssyncset.done $0x0;
	s22 =	rddreg [dreg:$0x6]  }
0x1e: {  	s23 =	rddreg [dreg:$0xc];
	[sflag:s1] =	ssyncadd.s32 $0xFFFFD880  }
0x1f: {  	[spmem:s23], [sflag:s21] =	dma.local [hbm:s22], $0x4F0  }
0x20: {  	_ =	swait.ge [sflag:s1], $0x4F0  }
0x21: {  	[sflag:s1] =	ssyncset.done $0x0  }
0x22: {  	s20 =	simm.s32 $0x0;
	s28 =	rddreg [dreg:$0x7];
	[sflag:s1] =	ssyncadd.s32 $0xFFFFFB10  }
0x23: {  	[tilespmem:s20], [sflag:$0x5] =	stream.linear.gather [hbm4b:s28+s20], $0x2710, $0x38;
	[tilespmem:$0x195A0] =	vst v63  }
0x24: {  	_ =	swait.ge [sflag:s1], $0x2710  }
0x25: {  	[sflag:s1] =	ssyncset.done $0x0  }
0x26: {  	s6 =	simm.s32 $0x2710;
	s5 =	rddreg [dreg:$0x8];
	[sflag:s1] =	ssyncadd.s32 $0xFFFFD8F0  }
0x27: {  	[tilespmem:s6], [sflag:$0x5] =	stream.linear.gather [hbm4b:s5+s20], $0x2710, $0x38;
	[tilespmem:$0x195A0] =	vst v63  }
0x28: {  	_ =	swait.ge [sflag:s1], $0x2710  }
0x29: {  	[sflag:s1] =	ssyncset.done $0x0  }
0x2a: {  	[sflag:s1] =	ssyncadd.s32 $0xFFFFD8F0  }
0x2b: {  	[bflag:$0x0] =	sbarrier.arrive $0xFFFF  }
0x2c: {  	[tilespmem:s25], [sflag:$0x1] =	stream.indirect.gather [spmem:s3], $0x10, s20, s16, $0xb8;
	[tilespmem:$0x195A0] =	vst v63  }
0x2d: {  	_ = 	snop  }
0x2e: {  	[tilespmem:s30], [sflag:$0x1] =	stream.indirect.gather [spmem:s3], $0x10, s16, s16, $0xb8;
	[tilespmem:$0x195A0] =	vst v63  }
0x2f: {  	s7 =	simm.s32 $0x100  }
0x30: {  	[tilespmem:s31], [sflag:$0x1] =	stream.indirect.gather [spmem:s3], $0x10, s7, s16, $0xb8;
	[tilespmem:$0x195A0] =	vst v63  }
0x31: {  	s8 =	simm.s32 $0x180  }
0x32: {  	[tilespmem:s24], [sflag:$0x1] =	stream.indirect.gather [spmem:s3], $0x10, s8, s16, $0xb8;
	[tilespmem:$0x195A0] =	vst v63  }
0x33: {  	s9 =	simm.s32 $0x200  }
0x34: {  	[tilespmem:s26], [sflag:$0x1] =	stream.indirect.gather [spmem:s3], $0x10, s9, s16, $0xb8;
	[tilespmem:$0x195A0] =	vst v63  }
0x35: {  	s10 =	simm.s32 $0x280  }
0x36: {  	[tilespmem:s29], [sflag:$0x1] =	stream.indirect.gather [spmem:s3], $0x10, s10, s16, $0xb8;
	[tilespmem:$0x195A0] =	vst v63  }
0x37: {  	s11 =	simm.s32 $0x300;
	s1 =	simm.s32 $0x7E20  }
0x38: {  	[tilespmem:s1], [sflag:$0x1] =	stream.indirect.gather [spmem:s3], $0x10, s11, s16, $0xb8;
	[tilespmem:$0x195A0] =	vst v63  }
0x39: {  	s13 =	simm.s32 $0x380;
	s11 =	simm.s32 $0x8620  }
0x3a: {  	[tilespmem:s11], [sflag:$0x1] =	stream.indirect.gather [spmem:s3], $0x10, s13, s16, $0xb8;
	[tilespmem:$0x195A0] =	vst v63  }
0x3b: {  	s14 =	simm.s32 $0x400;
	s15 =	simm.s32 $0x8E20  }
0x3c: {  	[tilespmem:s15], [sflag:$0x1] =	stream.indirect.gather [spmem:s3], $0x10, s14, s16, $0xb8;
	[tilespmem:$0x195A0] =	vst v63  }
0x3d: {  	s19 =	simm.s32 $0x480;
	s21 =	simm.s32 $0x9620  }
0x3e: {  	[tilespmem:s21], [sflag:$0x1] =	stream.indirect.gather [spmem:s3], $0x10, s19, s16, $0xb8;
	[tilespmem:$0x195A0] =	vst v63  }
0x3f: {  	s5 =	simm.s32 $0x9E20;
	s20 =	simm.s32 $0x500  }
0x40: {  	[tilespmem:s5], [sflag:$0x1] =	stream.indirect.gather [spmem:s3], $0x10, s20, s16, $0xb8;
	[tilespmem:$0x195A0] =	vst v63  }
0x41: {  	s22 =	simm.s32 $0x580;
	s6 =	simm.s32 $0xA620  }
0x42: {  	[tilespmem:s6], [sflag:$0x1] =	stream.indirect.gather [spmem:s3], $0x10, s22, s16, $0xb8;
	[tilespmem:$0x195A0] =	vst v63  }
0x43: {  	s23 =	simm.s32 $0x600;
	s22 =	simm.s32 $0xAE20  }
0x44: {  	[tilespmem:s22], [sflag:$0x1] =	stream.indirect.gather [spmem:s3], $0x10, s23, s16, $0xb8;
	[tilespmem:$0x195A0] =	vst v63  }
0x45: {  	s28 =	simm.s32 $0x680;
	s19 =	simm.s32 $0xB620  }
0x46: {  	[tilespmem:s19], [sflag:$0x2] =	stream.indirect.gather [spmem:s3], $0x10, s28, s16, $0xb8;
	[tilespmem:$0x195A0] =	vst v63  }
0x47: {  	s0 =	simm.s32 $0x700;
	s23 =	simm.s32 $0xBE20  }
0x48: {  	[tilespmem:s23], [sflag:$0x2] =	stream.indirect.gather [spmem:s3], $0x10, s0, s16, $0xb8;
	[tilespmem:$0x195A0] =	vst v63  }
0x49: {  	s7 =	simm.s32 $0x780;
	s28 =	simm.s32 $0xC620  }
0x4a: {  	[tilespmem:s28], [sflag:$0x2] =	stream.indirect.gather [spmem:s3], $0x10, s7, s16, $0xb8;
	[tilespmem:$0x195A0] =	vst v63  }
0x4b: {  	s8 =	simm.s32 $0x800;
	s9 =	simm.s32 $0xCE20  }
0x4c: {  	[tilespmem:s9], [sflag:$0x2] =	stream.indirect.gather [spmem:s3], $0x10, s8, s16, $0xb8;
	[tilespmem:$0x195A0] =	vst v63  }
0x4d: {  	s10 =	simm.s32 $0x880;
	s7 =	simm.s32 $0xD620  }
0x4e: {  	[tilespmem:s7], [sflag:$0x2] =	stream.indirect.gather [spmem:s3], $0x10, s10, s16, $0xb8;
	[tilespmem:$0x195A0] =	vst v63  }
0x4f: {  	s13 =	simm.s32 $0x900;
	s8 =	simm.s32 $0xDE20  }
0x50: {  	[tilespmem:s8], [sflag:$0x2] =	stream.indirect.gather [spmem:s3], $0x10, s13, s16, $0xb8;
	[tilespmem:$0x195A0] =	vst v63  }
0x51: {  	s14 =	simm.s32 $0x980;
	s9 =	simm.s32 $0xE620  }
0x52: {  	[tilespmem:s9], [sflag:$0x2] =	stream.indirect.gather [spmem:s3], $0x10, s14, s16, $0xb8;
	[tilespmem:$0x195A0] =	vst v63  }
0x53: {  	s0 =	simm.s32 $0xA00;
	s10 =	simm.s32 $0xEE20  }
0x54: {  	[tilespmem:s10], [sflag:$0x2] =	stream.indirect.gather [spmem:s3], $0x10, s0, s16, $0xb8;
	[tilespmem:$0x195A0] =	vst v63  }
0x55: {  	s13 =	simm.s32 $0xA80;
	s14 =	simm.s32 $0xF620  }
0x56: {  	[tilespmem:s14], [sflag:$0x2] =	stream.indirect.gather [spmem:s3], $0x10, s13, s16, $0xb8;
	[tilespmem:$0x195A0] =	vst v63  }
0x57: {  	s0 =	simm.s32 $0xB00;
	s13 =	simm.s32 $0xFE20  }
0x58: {  	[tilespmem:s13], [sflag:$0x2] =	stream.indirect.gather [spmem:s3], $0x10, s0, s16, $0xb8;
	[tilespmem:$0x195A0] =	vst v63  }
0x59: {  	s0 =	simm.s32 $0xB80;
	s13 =	simm.s32 $0x10620  }
0x5a: {  	[tilespmem:s13], [sflag:$0x2] =	stream.indirect.gather [spmem:s3], $0x10, s0, s16, $0xb8;
	[tilespmem:$0x195A0] =	vst v63  }
0x5b: {  	s20 =	simm.s32 $0xC00;
	s0 =	simm.s32 $0x10E20  }
0x5c: {  	[tilespmem:s0], [sflag:$0x2] =	stream.indirect.gather [spmem:s3], $0x10, s20, s16, $0xb8;
	[tilespmem:$0x195A0] =	vst v63  }
0x5d: {  	s20 =	simm.s32 $0xC80;
	s0 =	simm.s32 $0x11620  }
0x5e: {  	[tilespmem:s0], [sflag:$0x2] =	stream.indirect.gather [spmem:s3], $0x10, s20, s16, $0xb8;
	[tilespmem:$0x195A0] =	vst v63  }
0x5f: {  	_ =	swait.ge [sflag:s4], $0x800  }
0x60: {  	[sflag:s4] =	ssyncset.done $0x0  }
0x61: {  	[sflag:s4] =	ssyncadd.s32 $0xFFFFF800  }
0x62: {  	_ =	swait.ge [sflag:s4], $0x800  }
0x63: {  	[sflag:s4] =	ssyncset.done $0x0  }
0x64: {  	[sflag:s4] =	ssyncadd.s32 $0xFFFFF800  }
0x65: {  	_ =	swait.ge [sflag:s4], $0x800  }
0x66: {  	[sflag:s4] =	ssyncset.done $0x0  }
0x67: {  	[sflag:s4] =	ssyncadd.s32 $0xFFFFF800  }
0x68: {  	_ =	swait.ge [sflag:s4], $0x800  }
0x69: {  	[sflag:s4] =	ssyncset.done $0x0  }
0x6a: {  	[sflag:s4] =	ssyncadd.s32 $0xFFFFF800  }
0x6b: {  	_ =	swait.ge [sflag:s4], $0x800  }
0x6c: {  	[sflag:s4] =	ssyncset.done $0x0  }
0x6d: {  	[sflag:s4] =	ssyncadd.s32 $0xFFFFF800  }
0x6e: {  	_ =	swait.ge [sflag:s4], $0x800  }
0x6f: {  	[sflag:s4] =	ssyncset.done $0x0  }
0x70: {  	[sflag:s4] =	ssyncadd.s32 $0xFFFFF800  }
0x71: {  	_ =	swait.ge [sflag:s4], $0x800  }
0x72: {  	[sflag:s4] =	ssyncset.done $0x0  }
0x73: {  	[sflag:s4] =	ssyncadd.s32 $0xFFFFF800  }
0x74: {  	_ =	swait.ge [sflag:s4], $0x800  }
0x75: {  	[sflag:s4] =	ssyncset.done $0x0  }
0x76: {  	[sflag:s4] =	ssyncadd.s32 $0xFFFFF800  }
0x77: {  	_ =	swait.ge [sflag:s4], $0x800  }
0x78: {  	[sflag:s4] =	ssyncset.done $0x0  }
0x79: {  	[sflag:s4] =	ssyncadd.s32 $0xFFFFF800  }
0x7a: {  	_ =	swait.ge [sflag:s4], $0x800  }
0x7b: {  	[sflag:s4] =	ssyncset.done $0x0  }
0x7c: {  	[sflag:s4] =	ssyncadd.s32 $0xFFFFF800  }
0x7d: {  	_ =	swait.ge [sflag:s4], $0x800  }
0x7e: {  	[sflag:s4] =	ssyncset.done $0x0  }
0x7f: {  	[sflag:s4] =	ssyncadd.s32 $0xFFFFF800  }
0x80: {  	_ =	swait.ge [sflag:s4], $0x800  }
0x81: {  	[sflag:s4] =	ssyncset.done $0x0  }
0x82: {  	[sflag:s4] =	ssyncadd.s32 $0xFFFFF800  }
0x83: {  	_ =	swait.ge [sflag:s4], $0x800  }
0x84: {  	[sflag:s4] =	ssyncset.done $0x0  }
0x85: {  	s20 =	simm.s32 $0x2710;
	[sflag:s4] =	ssyncadd.s32 $0xFFFFF800  }
0x86: {  	[spmem:s2] =	stream.indirect.scatter.add.f32 [tilespmem:s25], [sflag:$0x3], $0x10, s20, s16, $0xb8;
	[tilespmem:$0x195A0] =	vst v63  }
0x87: {  	s20 =	simm.s32 $0x2790  }
0x88: {  	[spmem:s2] =	stream.indirect.scatter.add.f32 [tilespmem:s30], [sflag:$0x3], $0x10, s20, s16, $0xb8;
	[tilespmem:$0x195A0] =	vst v63  }
0x89: {  	s20 =	simm.s32 $0x2810  }
0x8a: {  	[spmem:s2] =	stream.indirect.scatter.add.f32 [tilespmem:s31], [sflag:$0x3], $0x10, s20, s16, $0xb8;
	[tilespmem:$0x195A0] =	vst v63  }
0x8b: {  	s20 =	simm.s32 $0x2890  }
0x8c: {  	[spmem:s2] =	stream.indirect.scatter.add.f32 [tilespmem:s24], [sflag:$0x3], $0x10, s20, s16, $0xb8;
	[tilespmem:$0x195A0] =	vst v63  }
0x8d: {  	s24 =	simm.s32 $0x2910  }
0x8e: {  	[spmem:s2] =	stream.indirect.scatter.add.f32 [tilespmem:s26], [sflag:$0x3], $0x10, s24, s16, $0xb8;
	[tilespmem:$0x195A0] =	vst v63  }
0x8f: {  	s24 =	simm.s32 $0x2990  }
0x90: {  	[spmem:s2] =	stream.indirect.scatter.add.f32 [tilespmem:s29], [sflag:$0x3], $0x10, s24, s16, $0xb8;
	[tilespmem:$0x195A0] =	vst v63  }
0x91: {  	s26 =	simm.s32 $0x2A10  }
0x92: {  	[spmem:s2] =	stream.indirect.scatter.add.f32 [tilespmem:s1], [sflag:$0x3], $0x10, s26, s16, $0xb8;
	[tilespmem:$0x195A0] =	vst v63  }
0x93: {  	s29 =	simm.s32 $0x2A90  }
0x94: {  	[spmem:s2] =	stream.indirect.scatter.add.f32 [tilespmem:s11], [sflag:$0x3], $0x10, s29, s16, $0xb8;
	[tilespmem:$0x195A0] =	vst v63  }
0x95: {  	s24 =	simm.s32 $0x2B10  }
0x96: {  	[spmem:s2] =	stream.indirect.scatter.add.f32 [tilespmem:s15], [sflag:$0x3], $0x10, s24, s16, $0xb8;
	[tilespmem:$0x195A0] =	vst v63  }
0x97: {  	s26 =	simm.s32 $0x2B90  }
0x98: {  	[spmem:s2] =	stream.indirect.scatter.add.f32 [tilespmem:s21], [sflag:$0x3], $0x10, s26, s16, $0xb8;
	[tilespmem:$0x195A0] =	vst v63  }
0x99: {  	s29 =	simm.s32 $0x2C10  }
0x9a: {  	[spmem:s2] =	stream.indirect.scatter.add.f32 [tilespmem:s5], [sflag:$0x3], $0x10, s29, s16, $0xb8;
	[tilespmem:$0x195A0] =	vst v63  }
0x9b: {  	s5 =	simm.s32 $0x2C90  }
0x9c: {  	[spmem:s2] =	stream.indirect.scatter.add.f32 [tilespmem:s6], [sflag:$0x3], $0x10, s5, s16, $0xb8;
	[tilespmem:$0x195A0] =	vst v63  }
0x9d: {  	s6 =	simm.s32 $0x2D10  }
0x9e: {  	[spmem:s2] =	stream.indirect.scatter.add.f32 [tilespmem:s22], [sflag:$0x3], $0x10, s6, s16, $0xb8;
	[tilespmem:$0x195A0] =	vst v63  }
0x9f: {  	_ =	swait.ge [sflag:s12], $0x800  }
0xa0: {  	[sflag:s12] =	ssyncset.done $0x0  }
0xa1: {  	[sflag:s12] =	ssyncadd.s32 $0xFFFFF800  }
0xa2: {  	_ =	swait.ge [sflag:s12], $0x800  }
0xa3: {  	[sflag:s12] =	ssyncset.done $0x0  }
0xa4: {  	[sflag:s12] =	ssyncadd.s32 $0xFFFFF800  }
0xa5: {  	_ =	swait.ge [sflag:s12], $0x800  }
0xa6: {  	[sflag:s12] =	ssyncset.done $0x0  }
0xa7: {  	[sflag:s12] =	ssyncadd.s32 $0xFFFFF800  }
0xa8: {  	_ =	swait.ge [sflag:s12], $0x800  }
0xa9: {  	[sflag:s12] =	ssyncset.done $0x0  }
0xaa: {  	[sflag:s12] =	ssyncadd.s32 $0xFFFFF800  }
0xab: {  	_ =	swait.ge [sflag:s12], $0x800  }
0xac: {  	[sflag:s12] =	ssyncset.done $0x0  }
0xad: {  	[sflag:s12] =	ssyncadd.s32 $0xFFFFF800  }
0xae: {  	_ =	swait.ge [sflag:s12], $0x800  }
0xaf: {  	[sflag:s12] =	ssyncset.done $0x0  }
0xb0: {  	[sflag:s12] =	ssyncadd.s32 $0xFFFFF800  }
0xb1: {  	_ =	swait.ge [sflag:s12], $0x800  }
0xb2: {  	[sflag:s12] =	ssyncset.done $0x0  }
0xb3: {  	[sflag:s12] =	ssyncadd.s32 $0xFFFFF800  }
0xb4: {  	_ =	swait.ge [sflag:s12], $0x800  }
0xb5: {  	[sflag:s12] =	ssyncset.done $0x0  }
0xb6: {  	[sflag:s12] =	ssyncadd.s32 $0xFFFFF800  }
0xb7: {  	_ =	swait.ge [sflag:s12], $0x800  }
0xb8: {  	[sflag:s12] =	ssyncset.done $0x0  }
0xb9: {  	[sflag:s12] =	ssyncadd.s32 $0xFFFFF800  }
0xba: {  	_ =	swait.ge [sflag:s12], $0x800  }
0xbb: {  	[sflag:s12] =	ssyncset.done $0x0  }
0xbc: {  	[sflag:s12] =	ssyncadd.s32 $0xFFFFF800  }
0xbd: {  	_ =	swait.ge [sflag:s12], $0x800  }
0xbe: {  	[sflag:s12] =	ssyncset.done $0x0  }
0xbf: {  	[sflag:s12] =	ssyncadd.s32 $0xFFFFF800  }
0xc0: {  	_ =	swait.ge [sflag:s12], $0x800  }
0xc1: {  	[sflag:s12] =	ssyncset.done $0x0  }
0xc2: {  	[sflag:s12] =	ssyncadd.s32 $0xFFFFF800  }
0xc3: {  	p0 =	por $0x0, $0x0;
	_ =	swait.ge [sflag:s12], $0x800  }
0xc4: {  	s20 =	simm.s32 @!p0 $0x4E20;
	[sflag:s12] =	ssyncset.done $0x0  }
0xc5: {  	s24 =	simm.s32 @!p0 $0x80;
	s22 =	simm.s32 @!p0 $0xD00;
	[sflag:s12] =	ssyncadd.s32 $0xFFFFF800  }
0xc6: {  	[tilespmem:s20], [sflag:$0x1] =	stream.indirect.gather @!p0 [spmem:s3], $0x10, s22, s24, $0xb8;
	[tilespmem:$0x195A0] =	vst v63  }
0xc7: {  	s20 =	simm.s32 @!p0 $0xD80;
	s22 =	simm.s32 @!p0 $0x5620  }
0xc8: {  	[tilespmem:s22], [sflag:$0x1] =	stream.indirect.gather @!p0 [spmem:s3], $0x10, s20, s24, $0xb8;
	[tilespmem:$0x195A0] =	vst v63  }
0xc9: {  	s20 =	simm.s32 @!p0 $0xE00;
	s22 =	simm.s32 @!p0 $0x5E20  }
0xca: {  	[tilespmem:s22], [sflag:$0x1] =	stream.indirect.gather @!p0 [spmem:s3], $0x10, s20, s24, $0xb8;
	[tilespmem:$0x195A0] =	vst v63  }
0xcb: {  	s20 =	simm.s32 @!p0 $0xE80;
	s22 =	simm.s32 @!p0 $0x6620  }
0xcc: {  	[tilespmem:s22], [sflag:$0x1] =	stream.indirect.gather @!p0 [spmem:s3], $0x10, s20, s24, $0xb8;
	[tilespmem:$0x195A0] =	vst v63  }
0xcd: {  	s20 =	simm.s32 @!p0 $0xF00;
	s22 =	simm.s32 @!p0 $0x6E20  }
0xce: {  	[tilespmem:s22], [sflag:$0x1] =	stream.indirect.gather @!p0 [spmem:s3], $0x10, s20, s24, $0xb8;
	[tilespmem:$0x195A0] =	vst v63  }
0xcf: {  	s20 =	simm.s32 @!p0 $0xF80;
	s22 =	simm.s32 @!p0 $0x7620  }
0xd0: {  	[tilespmem:s22], [sflag:$0x1] =	stream.indirect.gather @!p0 [spmem:s3], $0x10, s20, s24, $0xb8;
	[tilespmem:$0x195A0] =	vst v63  }
0xd1: {  	s20 =	simm.s32 @!p0 $0x1000;
	s22 =	simm.s32 @!p0 $0x7E20  }
0xd2: {  	[tilespmem:s22], [sflag:$0x1] =	stream.indirect.gather @!p0 [spmem:s3], $0x10, s20, s24, $0xb8;
	[tilespmem:$0x195A0] =	vst v63  }
0xd3: {  	s20 =	simm.s32 @!p0 $0x1080;
	s22 =	simm.s32 @!p0 $0x8620  }
0xd4: {  	[tilespmem:s22], [sflag:$0x1] =	stream.indirect.gather @!p0 [spmem:s3], $0x10, s20, s24, $0xb8;
	[tilespmem:$0x195A0] =	vst v63  }
0xd5: {  	s20 =	simm.s32 @!p0 $0x1100;
	s22 =	simm.s32 @!p0 $0x8E20  }
0xd6: {  	[tilespmem:s22], [sflag:$0x1] =	stream.indirect.gather @!p0 [spmem:s3], $0x10, s20, s24, $0xb8;
	[tilespmem:$0x195A0] =	vst v63  }
0xd7: {  	s20 =	simm.s32 @!p0 $0x1180;
	s22 =	simm.s32 @!p0 $0x9620  }
0xd8: {  	[tilespmem:s22], [sflag:$0x1] =	stream.indirect.gather @!p0 [spmem:s3], $0x10, s20, s24, $0xb8;
	[tilespmem:$0x195A0] =	vst v63  }
0xd9: {  	s20 =	simm.s32 @!p0 $0x1200;
	s22 =	simm.s32 @!p0 $0x9E20  }
0xda: {  	[tilespmem:s22], [sflag:$0x1] =	stream.indirect.gather @!p0 [spmem:s3], $0x10, s20, s24, $0xb8;
	[tilespmem:$0x195A0] =	vst v63  }
0xdb: {  	s20 =	simm.s32 @!p0 $0x1280;
	s22 =	simm.s32 @!p0 $0xA620  }
0xdc: {  	[tilespmem:s22], [sflag:$0x1] =	stream.indirect.gather @!p0 [spmem:s3], $0x10, s20, s24, $0xb8;
	[tilespmem:$0x195A0] =	vst v63  }
0xdd: {  	s20 =	simm.s32 @!p0 $0x1300;
	s22 =	simm.s32 @!p0 $0xAE20  }
0xde: {  	[tilespmem:s22], [sflag:$0x1] =	stream.indirect.gather @!p0 [spmem:s3], $0x10, s20, s24, $0xb8;
	[tilespmem:$0x195A0] =	vst v63  }
0xdf: {  	_ =	swait.ge [sflag:s17], $0x800  }
0xe0: {  	[sflag:s17] =	ssyncset.done $0x0  }
0xe1: {  	[sflag:s17] =	ssyncadd.s32 $0xFFFFF800  }
0xe2: {  	_ =	swait.ge [sflag:s17], $0x800  }
0xe3: {  	[sflag:s17] =	ssyncset.done $0x0  }
0xe4: {  	[sflag:s17] =	ssyncadd.s32 $0xFFFFF800  }
0xe5: {  	_ =	swait.ge [sflag:s17], $0x800  }
0xe6: {  	[sflag:s17] =	ssyncset.done $0x0  }
0xe7: {  	[sflag:s17] =	ssyncadd.s32 $0xFFFFF800  }
0xe8: {  	_ =	swait.ge [sflag:s17], $0x800  }
0xe9: {  	[sflag:s17] =	ssyncset.done $0x0  }
0xea: {  	[sflag:s17] =	ssyncadd.s32 $0xFFFFF800  }
0xeb: {  	_ =	swait.ge [sflag:s17], $0x800  }
0xec: {  	[sflag:s17] =	ssyncset.done $0x0  }
0xed: {  	[sflag:s17] =	ssyncadd.s32 $0xFFFFF800  }
0xee: {  	_ =	swait.ge [sflag:s17], $0x800  }
0xef: {  	[sflag:s17] =	ssyncset.done $0x0  }
0xf0: {  	[sflag:s17] =	ssyncadd.s32 $0xFFFFF800  }
0xf1: {  	_ =	swait.ge [sflag:s17], $0x800  }
0xf2: {  	[sflag:s17] =	ssyncset.done $0x0  }
0xf3: {  	[sflag:s17] =	ssyncadd.s32 $0xFFFFF800  }
0xf4: {  	_ =	swait.ge [sflag:s17], $0x800  }
0xf5: {  	[sflag:s17] =	ssyncset.done $0x0  }
0xf6: {  	[sflag:s17] =	ssyncadd.s32 $0xFFFFF800  }
0xf7: {  	_ =	swait.ge [sflag:s17], $0x800  }
0xf8: {  	[sflag:s17] =	ssyncset.done $0x0  }
0xf9: {  	[sflag:s17] =	ssyncadd.s32 $0xFFFFF800  }
0xfa: {  	_ =	swait.ge [sflag:s17], $0x800  }
0xfb: {  	[sflag:s17] =	ssyncset.done $0x0  }
0xfc: {  	[sflag:s17] =	ssyncadd.s32 $0xFFFFF800  }
0xfd: {  	_ =	swait.ge [sflag:s17], $0x800  }
0xfe: {  	[sflag:s17] =	ssyncset.done $0x0  }
0xff: {  	[sflag:s17] =	ssyncadd.s32 $0xFFFFF800  }
0x100: {  	_ =	swait.ge [sflag:s17], $0x800  }
0x101: {  	[sflag:s17] =	ssyncset.done $0x0  }
0x102: {  	[sflag:s17] =	ssyncadd.s32 $0xFFFFF800  }
0x103: {  	_ =	swait.ge [sflag:s17], $0x800  }
0x104: {  	[sflag:s17] =	ssyncset.done $0x0  }
0x105: {  	s22 =	simm.s32 $0x2D90;
	[sflag:s17] =	ssyncadd.s32 $0xFFFFF800  }
0x106: {  	[spmem:s2] =	stream.indirect.scatter.add.f32 [tilespmem:s19], [sflag:$0x4], $0x10, s22, s16, $0xb8;
	[tilespmem:$0x195A0] =	vst v63  }
0x107: {  	s24 =	simm.s32 $0x2E10  }
0x108: {  	[spmem:s2] =	stream.indirect.scatter.add.f32 [tilespmem:s23], [sflag:$0x4], $0x10, s24, s16, $0xb8;
	[tilespmem:$0x195A0] =	vst v63  }
0x109: {  	s26 =	simm.s32 $0x2E90  }
0x10a: {  	[spmem:s2] =	stream.indirect.scatter.add.f32 [tilespmem:s28], [sflag:$0x4], $0x10, s26, s16, $0xb8;
	[tilespmem:$0x195A0] =	vst v63  }
0x10b: {  	s29 =	simm.s32 $0xCE20;
	s28 =	simm.s32 $0x2F10  }
0x10c: {  	[spmem:s2] =	stream.indirect.scatter.add.f32 [tilespmem:s29], [sflag:$0x4], $0x10, s28, s16, $0xb8;
	[tilespmem:$0x195A0] =	vst v63  }
0x10d: {  	s6 =	simm.s32 $0x2F90  }
0x10e: {  	[spmem:s2] =	stream.indirect.scatter.add.f32 [tilespmem:s7], [sflag:$0x4], $0x10, s6, s16, $0xb8;
	[tilespmem:$0x195A0] =	vst v63  }
0x10f: {  	s7 =	simm.s32 $0x3010  }
0x110: {  	[spmem:s2] =	stream.indirect.scatter.add.f32 [tilespmem:s8], [sflag:$0x4], $0x10, s7, s16, $0xb8;
	[tilespmem:$0x195A0] =	vst v63  }
0x111: {  	s8 =	simm.s32 $0x3090  }
0x112: {  	[spmem:s2] =	stream.indirect.scatter.add.f32 [tilespmem:s9], [sflag:$0x4], $0x10, s8, s16, $0xb8;
	[tilespmem:$0x195A0] =	vst v63  }
0x113: {  	s9 =	simm.s32 $0x3110  }
0x114: {  	[spmem:s2] =	stream.indirect.scatter.add.f32 [tilespmem:s10], [sflag:$0x4], $0x10, s9, s16, $0xb8;
	[tilespmem:$0x195A0] =	vst v63  }
0x115: {  	s19 =	simm.s32 $0x3190  }
0x116: {  	[spmem:s2] =	stream.indirect.scatter.add.f32 [tilespmem:s14], [sflag:$0x4], $0x10, s19, s16, $0xb8;
	[tilespmem:$0x195A0] =	vst v63  }
0x117: {  	s22 =	simm.s32 $0x3210;
	s23 =	simm.s32 $0xFE20  }
0x118: {  	[spmem:s2] =	stream.indirect.scatter.add.f32 [tilespmem:s23], [sflag:$0x4], $0x10, s22, s16, $0xb8;
	[tilespmem:$0x195A0] =	vst v63  }
0x119: {  	s24 =	simm.s32 $0x3290  }
0x11a: {  	[spmem:s2] =	stream.indirect.scatter.add.f32 [tilespmem:s13], [sflag:$0x4], $0x10, s24, s16, $0xb8;
	[tilespmem:$0x195A0] =	vst v63  }
0x11b: {  	s26 =	simm.s32 $0x3310;
	s28 =	simm.s32 $0x10E20  }
0x11c: {  	[spmem:s2] =	stream.indirect.scatter.add.f32 [tilespmem:s28], [sflag:$0x4], $0x10, s26, s16, $0xb8;
	[tilespmem:$0x195A0] =	vst v63  }
0x11d: {  	s29 =	simm.s32 $0x3390  }
0x11e: {  	[spmem:s2] =	stream.indirect.scatter.add.f32 [tilespmem:s0], [sflag:$0x4], $0x10, s29, s16, $0xb8;
	[tilespmem:$0x195A0] =	vst v63  }
0x11f: {  	_ =	swait.ge [sflag:s18], $0x800  }
0x120: {  	[sflag:s18] =	ssyncset.done $0x0  }
0x121: {  	[sflag:s18] =	ssyncadd.s32 $0xFFFFF800  }
0x122: {  	_ =	swait.ge [sflag:s18], $0x800  }
0x123: {  	[sflag:s18] =	ssyncset.done $0x0  }
0x124: {  	[sflag:s18] =	ssyncadd.s32 $0xFFFFF800  }
0x125: {  	_ =	swait.ge [sflag:s18], $0x800  }
0x126: {  	[sflag:s18] =	ssyncset.done $0x0  }
0x127: {  	[sflag:s18] =	ssyncadd.s32 $0xFFFFF800  }
0x128: {  	_ =	swait.ge [sflag:s18], $0x800  }
0x129: {  	[sflag:s18] =	ssyncset.done $0x0  }
0x12a: {  	[sflag:s18] =	ssyncadd.s32 $0xFFFFF800  }
0x12b: {  	_ =	swait.ge [sflag:s18], $0x800  }
0x12c: {  	[sflag:s18] =	ssyncset.done $0x0  }
0x12d: {  	[sflag:s18] =	ssyncadd.s32 $0xFFFFF800  }
0x12e: {  	_ =	swait.ge [sflag:s18], $0x800  }
0x12f: {  	[sflag:s18] =	ssyncset.done $0x0  }
0x130: {  	[sflag:s18] =	ssyncadd.s32 $0xFFFFF800  }
0x131: {  	_ =	swait.ge [sflag:s18], $0x800  }
0x132: {  	[sflag:s18] =	ssyncset.done $0x0  }
0x133: {  	[sflag:s18] =	ssyncadd.s32 $0xFFFFF800  }
0x134: {  	_ =	swait.ge [sflag:s18], $0x800  }
0x135: {  	[sflag:s18] =	ssyncset.done $0x0  }
0x136: {  	[sflag:s18] =	ssyncadd.s32 $0xFFFFF800  }
0x137: {  	_ =	swait.ge [sflag:s18], $0x800  }
0x138: {  	[sflag:s18] =	ssyncset.done $0x0  }
0x139: {  	[sflag:s18] =	ssyncadd.s32 $0xFFFFF800  }
0x13a: {  	_ =	swait.ge [sflag:s18], $0x800  }
0x13b: {  	[sflag:s18] =	ssyncset.done $0x0  }
0x13c: {  	[sflag:s18] =	ssyncadd.s32 $0xFFFFF800  }
0x13d: {  	_ =	swait.ge [sflag:s18], $0x800  }
0x13e: {  	[sflag:s18] =	ssyncset.done $0x0  }
0x13f: {  	[sflag:s18] =	ssyncadd.s32 $0xFFFFF800  }
0x140: {  	_ =	swait.ge [sflag:s18], $0x800  }
0x141: {  	[sflag:s18] =	ssyncset.done $0x0  }
0x142: {  	[sflag:s18] =	ssyncadd.s32 $0xFFFFF800  }
0x143: {  	s20 =	simm.s32 $0xD00;
	_ =	swait.ge [sflag:s18], $0x800  }
0x144: {  	s22 =	simm.s32 $0x3400;
	s24 =	simm.s32 $0x6800;
	[sflag:s18] =	ssyncset.done $0x0  }
.LBB2_4:
0x145: {  	s29 =	sadd.s32 $0x680, s20;
	[sflag:s18] =	ssyncadd.s32 $0xFFFFF800  }
0x146: {  	s26 =	smov.u32 s24;
	s24 =	sadd.s32 $0x3400, s24;
	s5 =	simm.s32 $0xB620  }
0x147: {  	[tilespmem:s5], [sflag:$0x2] =	stream.indirect.gather [spmem:s3], $0x10, s29, s16, $0xb8;
	[tilespmem:$0x195A0] =	vst v63  }
0x148: {  	s28 =	simm.s32 $0xBE20;
	p0 =	sne.s32 s24, $0x9C00;
	s29 =	sadd.s32 $0x700, s20  }
0x149: {  	[tilespmem:s28], [sflag:$0x2] =	stream.indirect.gather [spmem:s3], $0x10, s29, s16, $0xb8;
	[tilespmem:$0x195A0] =	vst v63  }
0x14a: {  	s23 =	simm.s32 $0xC620;
	s29 =	sadd.s32 $0x780, s20  }
0x14b: {  	[tilespmem:s23], [sflag:$0x2] =	stream.indirect.gather [spmem:s3], $0x10, s29, s16, $0xb8;
	[tilespmem:$0x195A0] =	vst v63  }
0x14c: {  	s7 =	simm.s32 $0xCE20;
	s29 =	sadd.s32 $0x800, s20  }
0x14d: {  	[tilespmem:s7], [sflag:$0x2] =	stream.indirect.gather [spmem:s3], $0x10, s29, s16, $0xb8;
	[tilespmem:$0x195A0] =	vst v63  }
0x14e: {  	s8 =	simm.s32 $0xD620;
	s29 =	sadd.s32 $0x880, s20  }
0x14f: {  	[tilespmem:s8], [sflag:$0x2] =	stream.indirect.gather [spmem:s3], $0x10, s29, s16, $0xb8;
	[tilespmem:$0x195A0] =	vst v63  }
0x150: {  	s9 =	simm.s32 $0xDE20;
	s29 =	sadd.s32 $0x900, s20  }
0x151: {  	[tilespmem:s9], [sflag:$0x2] =	stream.indirect.gather [spmem:s3], $0x10, s29, s16, $0xb8;
	[tilespmem:$0x195A0] =	vst v63  }
0x152: {  	s10 =	simm.s32 $0xE620;
	s29 =	sadd.s32 $0x980, s20  }
0x153: {  	[tilespmem:s10], [sflag:$0x2] =	stream.indirect.gather [spmem:s3], $0x10, s29, s16, $0xb8;
	[tilespmem:$0x195A0] =	vst v63  }
0x154: {  	s13 =	simm.s32 $0xEE20;
	s29 =	sadd.s32 $0xA00, s20  }
0x155: {  	[tilespmem:s13], [sflag:$0x2] =	stream.indirect.gather [spmem:s3], $0x10, s29, s16, $0xb8;
	[tilespmem:$0x195A0] =	vst v63  }
0x156: {  	s19 =	simm.s32 $0xF620;
	s29 =	sadd.s32 $0xA80, s20  }
0x157: {  	[tilespmem:s19], [sflag:$0x2] =	stream.indirect.gather [spmem:s3], $0x10, s29, s16, $0xb8;
	[tilespmem:$0x195A0] =	vst v63  }
0x158: {  	s6 =	simm.s32 $0xFE20;
	s29 =	sadd.s32 $0xB00, s20  }
0x159: {  	[tilespmem:s6], [sflag:$0x2] =	stream.indirect.gather [spmem:s3], $0x10, s29, s16, $0xb8;
	[tilespmem:$0x195A0] =	vst v63  }
0x15a: {  	s14 =	simm.s32 $0x10620;
	s29 =	sadd.s32 $0xB80, s20  }
0x15b: {  	[tilespmem:s14], [sflag:$0x2] =	stream.indirect.gather [spmem:s3], $0x10, s29, s16, $0xb8;
	[tilespmem:$0x195A0] =	vst v63  }
0x15c: {  	s5 =	simm.s32 $0x10E20;
	s29 =	sadd.s32 $0xC00, s20  }
0x15d: {  	[tilespmem:s5], [sflag:$0x2] =	stream.indirect.gather [spmem:s3], $0x10, s29, s16, $0xb8;
	[tilespmem:$0x195A0] =	vst v63  }
0x15e: {  	s29 =	sadd.s32 $0xC80, s20  }
0x15f: {  	[tilespmem:s0], [sflag:$0x2] =	stream.indirect.gather [spmem:s3], $0x10, s29, s16, $0xb8;
	[tilespmem:$0x195A0] =	vst v63  }
0x160: {  	_ =	swait.ge [sflag:s4], $0x800  }
0x161: {  	[sflag:s4] =	ssyncset.done $0x0  }
0x162: {  	[sflag:s4] =	ssyncadd.s32 $0xFFFFF800  }
0x163: {  	_ =	swait.ge [sflag:s4], $0x800  }
0x164: {  	[sflag:s4] =	ssyncset.done $0x0  }
0x165: {  	[sflag:s4] =	ssyncadd.s32 $0xFFFFF800  }
0x166: {  	_ =	swait.ge [sflag:s4], $0x800  }
0x167: {  	[sflag:s4] =	ssyncset.done $0x0  }
0x168: {  	[sflag:s4] =	ssyncadd.s32 $0xFFFFF800  }
0x169: {  	_ =	swait.ge [sflag:s4], $0x800  }
0x16a: {  	[sflag:s4] =	ssyncset.done $0x0  }
0x16b: {  	[sflag:s4] =	ssyncadd.s32 $0xFFFFF800  }
0x16c: {  	_ =	swait.ge [sflag:s4], $0x800  }
0x16d: {  	[sflag:s4] =	ssyncset.done $0x0  }
0x16e: {  	[sflag:s4] =	ssyncadd.s32 $0xFFFFF800  }
0x16f: {  	_ =	swait.ge [sflag:s4], $0x800  }
0x170: {  	[sflag:s4] =	ssyncset.done $0x0  }
0x171: {  	[sflag:s4] =	ssyncadd.s32 $0xFFFFF800  }
0x172: {  	_ =	swait.ge [sflag:s4], $0x800  }
0x173: {  	[sflag:s4] =	ssyncset.done $0x0  }
0x174: {  	[sflag:s4] =	ssyncadd.s32 $0xFFFFF800  }
0x175: {  	_ =	swait.ge [sflag:s4], $0x800  }
0x176: {  	[sflag:s4] =	ssyncset.done $0x0  }
0x177: {  	[sflag:s4] =	ssyncadd.s32 $0xFFFFF800  }
0x178: {  	_ =	swait.ge [sflag:s4], $0x800  }
0x179: {  	[sflag:s4] =	ssyncset.done $0x0  }
0x17a: {  	[sflag:s4] =	ssyncadd.s32 $0xFFFFF800  }
0x17b: {  	_ =	swait.ge [sflag:s4], $0x800  }
0x17c: {  	[sflag:s4] =	ssyncset.done $0x0  }
0x17d: {  	[sflag:s4] =	ssyncadd.s32 $0xFFFFF800  }
0x17e: {  	_ =	swait.ge [sflag:s4], $0x800  }
0x17f: {  	[sflag:s4] =	ssyncset.done $0x0  }
0x180: {  	[sflag:s4] =	ssyncadd.s32 $0xFFFFF800  }
0x181: {  	_ =	swait.ge [sflag:s4], $0x800  }
0x182: {  	[sflag:s4] =	ssyncset.done $0x0  }
0x183: {  	[sflag:s4] =	ssyncadd.s32 $0xFFFFF800  }
0x184: {  	_ =	swait.ge [sflag:s4], $0x800  }
0x185: {  	[sflag:s4] =	ssyncset.done $0x0  }
0x186: {  	s29 =	sadd.s32 $0x2710, s20;
	[sflag:s4] =	ssyncadd.s32 $0xFFFFF800  }
0x187: {  	[spmem:s2] =	stream.indirect.scatter.add.f32 [tilespmem:s25], [sflag:$0x3], $0x10, s29, s16, $0xb8;
	[tilespmem:$0x195A0] =	vst v63  }
0x188: {  	s29 =	sadd.s32 $0x2790, s20  }
0x189: {  	[spmem:s2] =	stream.indirect.scatter.add.f32 [tilespmem:s30], [sflag:$0x3], $0x10, s29, s16, $0xb8;
	[tilespmem:$0x195A0] =	vst v63  }
0x18a: {  	s29 =	sadd.s32 $0x2810, s20  }
0x18b: {  	[spmem:s2] =	stream.indirect.scatter.add.f32 [tilespmem:s31], [sflag:$0x3], $0x10, s29, s16, $0xb8;
	[tilespmem:$0x195A0] =	vst v63  }
0x18c: {  	s0 =	simm.s32 $0x6620;
	s29 =	sadd.s32 $0x2890, s20  }
0x18d: {  	[spmem:s2] =	stream.indirect.scatter.add.f32 [tilespmem:s0], [sflag:$0x3], $0x10, s29, s16, $0xb8;
	[tilespmem:$0x195A0] =	vst v63  }
0x18e: {  	s29 =	sadd.s32 $0x2910, s20;
	s0 =	simm.s32 $0x6E20  }
0x18f: {  	[spmem:s2] =	stream.indirect.scatter.add.f32 [tilespmem:s0], [sflag:$0x3], $0x10, s29, s16, $0xb8;
	[tilespmem:$0x195A0] =	vst v63  }
0x190: {  	s29 =	sadd.s32 $0x2990, s20;
	s0 =	simm.s32 $0x7620  }
0x191: {  	[spmem:s2] =	stream.indirect.scatter.add.f32 [tilespmem:s0], [sflag:$0x3], $0x10, s29, s16, $0xb8;
	[tilespmem:$0x195A0] =	vst v63  }
0x192: {  	s29 =	sadd.s32 $0x2A10, s20  }
0x193: {  	[spmem:s2] =	stream.indirect.scatter.add.f32 [tilespmem:s1], [sflag:$0x3], $0x10, s29, s16, $0xb8;
	[tilespmem:$0x195A0] =	vst v63  }
0x194: {  	s29 =	sadd.s32 $0x2A90, s20  }
0x195: {  	[spmem:s2] =	stream.indirect.scatter.add.f32 [tilespmem:s11], [sflag:$0x3], $0x10, s29, s16, $0xb8;
	[tilespmem:$0x195A0] =	vst v63  }
0x196: {  	s29 =	sadd.s32 $0x2B10, s20  }
0x197: {  	[spmem:s2] =	stream.indirect.scatter.add.f32 [tilespmem:s15], [sflag:$0x3], $0x10, s29, s16, $0xb8;
	[tilespmem:$0x195A0] =	vst v63  }
0x198: {  	s29 =	sadd.s32 $0x2B90, s20  }
0x199: {  	[spmem:s2] =	stream.indirect.scatter.add.f32 [tilespmem:s21], [sflag:$0x3], $0x10, s29, s16, $0xb8;
	[tilespmem:$0x195A0] =	vst v63  }
0x19a: {  	s0 =	simm.s32 $0x9E20;
	s29 =	sadd.s32 $0x2C10, s20  }
0x19b: {  	[spmem:s2] =	stream.indirect.scatter.add.f32 [tilespmem:s0], [sflag:$0x3], $0x10, s29, s16, $0xb8;
	[tilespmem:$0x195A0] =	vst v63  }
0x19c: {  	s29 =	sadd.s32 $0x2C90, s20;
	s0 =	simm.s32 $0xA620  }
0x19d: {  	[spmem:s2] =	stream.indirect.scatter.add.f32 [tilespmem:s0], [sflag:$0x3], $0x10, s29, s16, $0xb8;
	[tilespmem:$0x195A0] =	vst v63  }
0x19e: {  	s29 =	sadd.s32 $0x2D10, s20;
	s0 =	simm.s32 $0xAE20  }
0x19f: {  	[spmem:s2] =	stream.indirect.scatter.add.f32 [tilespmem:s0], [sflag:$0x3], $0x10, s29, s16, $0xb8;
	[tilespmem:$0x195A0] =	vst v63  }
0x1a0: {  	_ =	swait.ge [sflag:s12], $0x800  }
0x1a1: {  	[sflag:s12] =	ssyncset.done $0x0  }
0x1a2: {  	[sflag:s12] =	ssyncadd.s32 $0xFFFFF800  }
0x1a3: {  	_ =	swait.ge [sflag:s12], $0x800  }
0x1a4: {  	[sflag:s12] =	ssyncset.done $0x0  }
0x1a5: {  	[sflag:s12] =	ssyncadd.s32 $0xFFFFF800  }
0x1a6: {  	_ =	swait.ge [sflag:s12], $0x800  }
0x1a7: {  	[sflag:s12] =	ssyncset.done $0x0  }
0x1a8: {  	[sflag:s12] =	ssyncadd.s32 $0xFFFFF800  }
0x1a9: {  	_ =	swait.ge [sflag:s12], $0x800  }
0x1aa: {  	[sflag:s12] =	ssyncset.done $0x0  }
0x1ab: {  	[sflag:s12] =	ssyncadd.s32 $0xFFFFF800  }
0x1ac: {  	_ =	swait.ge [sflag:s12], $0x800  }
0x1ad: {  	[sflag:s12] =	ssyncset.done $0x0  }
0x1ae: {  	[sflag:s12] =	ssyncadd.s32 $0xFFFFF800  }
0x1af: {  	_ =	swait.ge [sflag:s12], $0x800  }
0x1b0: {  	[sflag:s12] =	ssyncset.done $0x0  }
0x1b1: {  	[sflag:s12] =	ssyncadd.s32 $0xFFFFF800  }
0x1b2: {  	_ =	swait.ge [sflag:s12], $0x800  }
0x1b3: {  	[sflag:s12] =	ssyncset.done $0x0  }
0x1b4: {  	[sflag:s12] =	ssyncadd.s32 $0xFFFFF800  }
0x1b5: {  	_ =	swait.ge [sflag:s12], $0x800  }
0x1b6: {  	[sflag:s12] =	ssyncset.done $0x0  }
0x1b7: {  	[sflag:s12] =	ssyncadd.s32 $0xFFFFF800  }
0x1b8: {  	_ =	swait.ge [sflag:s12], $0x800  }
0x1b9: {  	[sflag:s12] =	ssyncset.done $0x0  }
0x1ba: {  	[sflag:s12] =	ssyncadd.s32 $0xFFFFF800  }
0x1bb: {  	_ =	swait.ge [sflag:s12], $0x800  }
0x1bc: {  	[sflag:s12] =	ssyncset.done $0x0  }
0x1bd: {  	[sflag:s12] =	ssyncadd.s32 $0xFFFFF800  }
0x1be: {  	_ =	swait.ge [sflag:s12], $0x800  }
0x1bf: {  	[sflag:s12] =	ssyncset.done $0x0  }
0x1c0: {  	[sflag:s12] =	ssyncadd.s32 $0xFFFFF800  }
0x1c1: {  	_ =	swait.ge [sflag:s12], $0x800  }
0x1c2: {  	[sflag:s12] =	ssyncset.done $0x0  }
0x1c3: {  	p1 =	seq.s32 s22, $0x6800;
	[sflag:s12] =	ssyncadd.s32 $0xFFFFF800  }
0x1c4: {  	s22 =	sshra.s32 @!p1 s22, $0x2;
	_ =	swait.ge [sflag:s12], $0x800  }
0x1c5: {  	s5 =	simm.s32 $0x11620;
	s31 =	simm.s32 @!p1 $0x4E20;
	[sflag:s12] =	ssyncset.done $0x0  }
0x1c6: {  	s1 =	sadd.s32 @!p1 $0xD00, s22;
	s29 =	simm.s32 @!p1 $0x80;
	[sflag:s12] =	ssyncadd.s32 $0xFFFFF800  }
0x1c7: {  	[tilespmem:s31], [sflag:$0x1] =	stream.indirect.gather @!p1 [spmem:s3], $0x10, s1, s29, $0xb8;
	[tilespmem:$0x195A0] =	vst v63  }
0x1c8: {  	s15 =	sadd.s32 @!p1 $0xE00, s22;
	s1 =	sadd.s32 @!p1 $0xD80, s22;
	s31 =	simm.s32 @!p1 $0x5620  }
0x1c9: {  	[tilespmem:s31], [sflag:$0x1] =	stream.indirect.gather @!p1 [spmem:s3], $0x10, s1, s29, $0xb8;
	[tilespmem:$0x195A0] =	vst v63  }
0x1ca: {  	s21 =	sadd.s32 @!p1 $0xF00, s22;
	s1 =	simm.s32 @!p1 $0x5E20;
	s31 =	sadd.s32 @!p1 $0xE80, s22  }
0x1cb: {  	[tilespmem:s1], [sflag:$0x1] =	stream.indirect.gather @!p1 [spmem:s3], $0x10, s15, s29, $0xb8;
	[tilespmem:$0x195A0] =	vst v63  }
0x1cc: {  	s25 =	sadd.s32 @!p1 $0x1000, s22;
	s1 =	simm.s32 @!p1 $0x6620;
	s15 =	sadd.s32 @!p1 $0xF80, s22  }
0x1cd: {  	[tilespmem:s1], [sflag:$0x1] =	stream.indirect.gather @!p1 [spmem:s3], $0x10, s31, s29, $0xb8;
	[tilespmem:$0x195A0] =	vst v63  }
0x1ce: {  	s30 =	sadd.s32 @!p1 $0x1100, s22;
	s1 =	simm.s32 @!p1 $0x6E20;
	s31 =	sadd.s32 @!p1 $0x1080, s22  }
0x1cf: {  	[tilespmem:s1], [sflag:$0x1] =	stream.indirect.gather @!p1 [spmem:s3], $0x10, s21, s29, $0xb8;
	[tilespmem:$0x195A0] =	vst v63  }
0x1d0: {  	s0 =	sadd.s32 @!p1 $0x1200, s22;
	s1 =	simm.s32 @!p1 $0x7620;
	s21 =	sadd.s32 @!p1 $0x1180, s22  }
0x1d1: {  	[tilespmem:s1], [sflag:$0x1] =	stream.indirect.gather @!p1 [spmem:s3], $0x10, s15, s29, $0xb8;
	[tilespmem:$0x195A0] =	vst v63  }
0x1d2: {  	s11 =	sadd.s32 @!p1 $0x1300, s22;
	s1 =	simm.s32 @!p1 $0x7E20;
	s15 =	sadd.s32 @!p1 $0x1280, s22  }
0x1d3: {  	[tilespmem:s1], [sflag:$0x1] =	stream.indirect.gather @!p1 [spmem:s3], $0x10, s25, s29, $0xb8;
	[tilespmem:$0x195A0] =	vst v63  }
0x1d4: {  	s25 =	simm.s32 $0x4E20  }
0x1d5: {  	s22 =	smov.u32 s26;
	s1 =	simm.s32 @!p1 $0x8620  }
0x1d6: {  	[tilespmem:s1], [sflag:$0x1] =	stream.indirect.gather @!p1 [spmem:s3], $0x10, s31, s29, $0xb8;
	[tilespmem:$0x195A0] =	vst v63  }
0x1d7: {  	s31 =	simm.s32 $0x5E20  }
0x1d8: {  	s1 =	simm.s32 @!p1 $0x8E20  }
0x1d9: {  	[tilespmem:s1], [sflag:$0x1] =	stream.indirect.gather @!p1 [spmem:s3], $0x10, s30, s29, $0xb8;
	[tilespmem:$0x195A0] =	vst v63  }
0x1da: {  	s30 =	simm.s32 $0x5620  }
0x1db: {  	s1 =	simm.s32 @!p1 $0x9620  }
0x1dc: {  	[tilespmem:s1], [sflag:$0x1] =	stream.indirect.gather @!p1 [spmem:s3], $0x10, s21, s29, $0xb8;
	[tilespmem:$0x195A0] =	vst v63  }
0x1dd: {  	s21 =	simm.s32 $0x9620  }
0x1de: {  	s1 =	simm.s32 @!p1 $0x9E20  }
0x1df: {  	[tilespmem:s1], [sflag:$0x1] =	stream.indirect.gather @!p1 [spmem:s3], $0x10, s0, s29, $0xb8;
	[tilespmem:$0x195A0] =	vst v63  }
0x1e0: {  	s1 =	simm.s32 $0x7E20  }
0x1e1: {  	s0 =	simm.s32 @!p1 $0xA620  }
0x1e2: {  	[tilespmem:s0], [sflag:$0x1] =	stream.indirect.gather @!p1 [spmem:s3], $0x10, s15, s29, $0xb8;
	[tilespmem:$0x195A0] =	vst v63  }
0x1e3: {  	s15 =	simm.s32 $0x8E20  }
0x1e4: {  	s0 =	simm.s32 @!p1 $0xAE20  }
0x1e5: {  	[tilespmem:s0], [sflag:$0x1] =	stream.indirect.gather @!p1 [spmem:s3], $0x10, s11, s29, $0xb8;
	[tilespmem:$0x195A0] =	vst v63  }
0x1e6: {  	s11 =	simm.s32 $0x8620  }
0x1e7: {  	_ =	swait.ge [sflag:s17], $0x800  }
0x1e8: {  	[sflag:s17] =	ssyncset.done $0x0  }
0x1e9: {  	[sflag:s17] =	ssyncadd.s32 $0xFFFFF800  }
0x1ea: {  	_ =	swait.ge [sflag:s17], $0x800  }
0x1eb: {  	[sflag:s17] =	ssyncset.done $0x0  }
0x1ec: {  	[sflag:s17] =	ssyncadd.s32 $0xFFFFF800  }
0x1ed: {  	_ =	swait.ge [sflag:s17], $0x800  }
0x1ee: {  	[sflag:s17] =	ssyncset.done $0x0  }
0x1ef: {  	[sflag:s17] =	ssyncadd.s32 $0xFFFFF800  }
0x1f0: {  	_ =	swait.ge [sflag:s17], $0x800  }
0x1f1: {  	[sflag:s17] =	ssyncset.done $0x0  }
0x1f2: {  	[sflag:s17] =	ssyncadd.s32 $0xFFFFF800  }
0x1f3: {  	_ =	swait.ge [sflag:s17], $0x800  }
0x1f4: {  	[sflag:s17] =	ssyncset.done $0x0  }
0x1f5: {  	[sflag:s17] =	ssyncadd.s32 $0xFFFFF800  }
0x1f6: {  	_ =	swait.ge [sflag:s17], $0x800  }
0x1f7: {  	[sflag:s17] =	ssyncset.done $0x0  }
0x1f8: {  	[sflag:s17] =	ssyncadd.s32 $0xFFFFF800  }
0x1f9: {  	_ =	swait.ge [sflag:s17], $0x800  }
0x1fa: {  	[sflag:s17] =	ssyncset.done $0x0  }
0x1fb: {  	[sflag:s17] =	ssyncadd.s32 $0xFFFFF800  }
0x1fc: {  	_ =	swait.ge [sflag:s17], $0x800  }
0x1fd: {  	[sflag:s17] =	ssyncset.done $0x0  }
0x1fe: {  	[sflag:s17] =	ssyncadd.s32 $0xFFFFF800  }
0x1ff: {  	_ =	swait.ge [sflag:s17], $0x800  }
0x200: {  	[sflag:s17] =	ssyncset.done $0x0  }
0x201: {  	[sflag:s17] =	ssyncadd.s32 $0xFFFFF800  }
0x202: {  	_ =	swait.ge [sflag:s17], $0x800  }
0x203: {  	[sflag:s17] =	ssyncset.done $0x0  }
0x204: {  	[sflag:s17] =	ssyncadd.s32 $0xFFFFF800  }
0x205: {  	_ =	swait.ge [sflag:s17], $0x800  }
0x206: {  	[sflag:s17] =	ssyncset.done $0x0  }
0x207: {  	[sflag:s17] =	ssyncadd.s32 $0xFFFFF800  }
0x208: {  	_ =	swait.ge [sflag:s17], $0x800  }
0x209: {  	[sflag:s17] =	ssyncset.done $0x0  }
0x20a: {  	[sflag:s17] =	ssyncadd.s32 $0xFFFFF800  }
0x20b: {  	_ =	swait.ge [sflag:s17], $0x800  }
0x20c: {  	[sflag:s17] =	ssyncset.done $0x0  }
0x20d: {  	s26 =	simm.s32 $0xB620;
	s0 =	sadd.s32 $0x2D90, s20;
	[sflag:s17] =	ssyncadd.s32 $0xFFFFF800  }
0x20e: {  	[spmem:s2] =	stream.indirect.scatter.add.f32 [tilespmem:s26], [sflag:$0x4], $0x10, s0, s16, $0xb8;
	[tilespmem:$0x195A0] =	vst v63  }
0x20f: {  	s0 =	sadd.s32 $0x2E10, s20  }
0x210: {  	[spmem:s2] =	stream.indirect.scatter.add.f32 [tilespmem:s28], [sflag:$0x4], $0x10, s0, s16, $0xb8;
	[tilespmem:$0x195A0] =	vst v63  }
0x211: {  	s0 =	sadd.s32 $0x2E90, s20  }
0x212: {  	[spmem:s2] =	stream.indirect.scatter.add.f32 [tilespmem:s23], [sflag:$0x4], $0x10, s0, s16, $0xb8;
	[tilespmem:$0x195A0] =	vst v63  }
0x213: {  	s0 =	sadd.s32 $0x2F10, s20  }
0x214: {  	[spmem:s2] =	stream.indirect.scatter.add.f32 [tilespmem:s7], [sflag:$0x4], $0x10, s0, s16, $0xb8;
	[tilespmem:$0x195A0] =	vst v63  }
0x215: {  	s0 =	sadd.s32 $0x2F90, s20  }
0x216: {  	[spmem:s2] =	stream.indirect.scatter.add.f32 [tilespmem:s8], [sflag:$0x4], $0x10, s0, s16, $0xb8;
	[tilespmem:$0x195A0] =	vst v63  }
0x217: {  	s0 =	sadd.s32 $0x3010, s20  }
0x218: {  	[spmem:s2] =	stream.indirect.scatter.add.f32 [tilespmem:s9], [sflag:$0x4], $0x10, s0, s16, $0xb8;
	[tilespmem:$0x195A0] =	vst v63  }
0x219: {  	s0 =	sadd.s32 $0x3090, s20  }
0x21a: {  	[spmem:s2] =	stream.indirect.scatter.add.f32 [tilespmem:s10], [sflag:$0x4], $0x10, s0, s16, $0xb8;
	[tilespmem:$0x195A0] =	vst v63  }
0x21b: {  	s0 =	sadd.s32 $0x3110, s20  }
0x21c: {  	[spmem:s2] =	stream.indirect.scatter.add.f32 [tilespmem:s13], [sflag:$0x4], $0x10, s0, s16, $0xb8;
	[tilespmem:$0x195A0] =	vst v63  }
0x21d: {  	s0 =	sadd.s32 $0x3190, s20  }
0x21e: {  	[spmem:s2] =	stream.indirect.scatter.add.f32 [tilespmem:s19], [sflag:$0x4], $0x10, s0, s16, $0xb8;
	[tilespmem:$0x195A0] =	vst v63  }
0x21f: {  	s0 =	sadd.s32 $0x3210, s20  }
0x220: {  	[spmem:s2] =	stream.indirect.scatter.add.f32 [tilespmem:s6], [sflag:$0x4], $0x10, s0, s16, $0xb8;
	[tilespmem:$0x195A0] =	vst v63  }
0x221: {  	s0 =	sadd.s32 $0x3290, s20  }
0x222: {  	[spmem:s2] =	stream.indirect.scatter.add.f32 [tilespmem:s14], [sflag:$0x4], $0x10, s0, s16, $0xb8;
	[tilespmem:$0x195A0] =	vst v63  }
0x223: {  	s6 =	simm.s32 $0x10E20;
	s0 =	sadd.s32 $0x3310, s20  }
0x224: {  	[spmem:s2] =	stream.indirect.scatter.add.f32 [tilespmem:s6], [sflag:$0x4], $0x10, s0, s16, $0xb8;
	[tilespmem:$0x195A0] =	vst v63  }
0x225: {  	s0 =	sadd.s32 $0x3390, s20  }
0x226: {  	[spmem:s2] =	stream.indirect.scatter.add.f32 [tilespmem:s5], [sflag:$0x4], $0x10, s0, s16, $0xb8;
	[tilespmem:$0x195A0] =	vst v63  }
0x227: {  	s0 =	simm.s32 $0x11620  }
0x228: {  	_ =	swait.ge [sflag:s18], $0x800  }
0x229: {  	[sflag:s18] =	ssyncset.done $0x0  }
0x22a: {  	[sflag:s18] =	ssyncadd.s32 $0xFFFFF800  }
0x22b: {  	_ =	swait.ge [sflag:s18], $0x800  }
0x22c: {  	[sflag:s18] =	ssyncset.done $0x0  }
0x22d: {  	[sflag:s18] =	ssyncadd.s32 $0xFFFFF800  }
0x22e: {  	_ =	swait.ge [sflag:s18], $0x800  }
0x22f: {  	[sflag:s18] =	ssyncset.done $0x0  }
0x230: {  	[sflag:s18] =	ssyncadd.s32 $0xFFFFF800  }
0x231: {  	_ =	swait.ge [sflag:s18], $0x800  }
0x232: {  	[sflag:s18] =	ssyncset.done $0x0  }
0x233: {  	[sflag:s18] =	ssyncadd.s32 $0xFFFFF800  }
0x234: {  	_ =	swait.ge [sflag:s18], $0x800  }
0x235: {  	[sflag:s18] =	ssyncset.done $0x0  }
0x236: {  	[sflag:s18] =	ssyncadd.s32 $0xFFFFF800  }
0x237: {  	_ =	swait.ge [sflag:s18], $0x800  }
0x238: {  	[sflag:s18] =	ssyncset.done $0x0  }
0x239: {  	[sflag:s18] =	ssyncadd.s32 $0xFFFFF800  }
0x23a: {  	_ =	swait.ge [sflag:s18], $0x800  }
0x23b: {  	[sflag:s18] =	ssyncset.done $0x0  }
0x23c: {  	[sflag:s18] =	ssyncadd.s32 $0xFFFFF800  }
0x23d: {  	_ =	swait.ge [sflag:s18], $0x800  }
0x23e: {  	[sflag:s18] =	ssyncset.done $0x0  }
0x23f: {  	[sflag:s18] =	ssyncadd.s32 $0xFFFFF800  }
0x240: {  	_ =	swait.ge [sflag:s18], $0x800  }
0x241: {  	[sflag:s18] =	ssyncset.done $0x0  }
0x242: {  	[sflag:s18] =	ssyncadd.s32 $0xFFFFF800  }
0x243: {  	_ =	swait.ge [sflag:s18], $0x800  }
0x244: {  	[sflag:s18] =	ssyncset.done $0x0  }
0x245: {  	[sflag:s18] =	ssyncadd.s32 $0xFFFFF800  }
0x246: {  	_ =	swait.ge [sflag:s18], $0x800  }
0x247: {  	[sflag:s18] =	ssyncset.done $0x0  }
0x248: {  	[sflag:s18] =	ssyncadd.s32 $0xFFFFF800  }
.Ltmp1:
0x249: {  	_ =	swait.ge [sflag:s18], $0x800;
	(pc) =	sbr.rel @p0 .LBB2_4-.Ltmp1, $4  }
0x24a: {  	[sflag:s18] =	ssyncset.done $0x0  }
0x24b: {  	[sflag:s18] =	ssyncadd.s32 $0xFFFFF800  }
0x24c: {  	_ =	swait.ge [sflag:s18], $0x800  }
0x24d: {  	s20 =	sshra.s32 s22, $0x2;
	[sflag:s18] =	ssyncset.done $0x0  }
0x24e: {  	s0 =	sadd.s32 $0x680, s20;
	[sflag:s18] =	ssyncadd.s32 $0xFFFFF800;
	s19 =	simm.s32 $0xB620  }
0x24f: {  	[tilespmem:s19], [sflag:$0x2] =	stream.indirect.gather [spmem:s3], $0x10, s0, s16, $0xb8;
	[tilespmem:$0x195A0] =	vst v63  }
0x250: {  	s7 =	sadd.s32 $0x700, s20;
	s23 =	simm.s32 $0xBE20  }
0x251: {  	[tilespmem:s23], [sflag:$0x2] =	stream.indirect.gather [spmem:s3], $0x10, s7, s16, $0xb8;
	[tilespmem:$0x195A0] =	vst v63  }
0x252: {  	s8 =	sadd.s32 $0x780, s20;
	s26 =	simm.s32 $0xC620  }
0x253: {  	[tilespmem:s26], [sflag:$0x2] =	stream.indirect.gather [spmem:s3], $0x10, s8, s16, $0xb8;
	[tilespmem:$0x195A0] =	vst v63  }
0x254: {  	s9 =	sadd.s32 $0x800, s20;
	s6 =	simm.s32 $0xCE20  }
0x255: {  	[tilespmem:s6], [sflag:$0x2] =	stream.indirect.gather [spmem:s3], $0x10, s9, s16, $0xb8;
	[tilespmem:$0x195A0] =	vst v63  }
0x256: {  	s10 =	sadd.s32 $0x880, s20;
	s7 =	simm.s32 $0xD620  }
0x257: {  	[tilespmem:s7], [sflag:$0x2] =	stream.indirect.gather [spmem:s3], $0x10, s10, s16, $0xb8;
	[tilespmem:$0x195A0] =	vst v63  }
0x258: {  	s13 =	sadd.s32 $0x900, s20;
	s8 =	simm.s32 $0xDE20  }
0x259: {  	[tilespmem:s8], [sflag:$0x2] =	stream.indirect.gather [spmem:s3], $0x10, s13, s16, $0xb8;
	[tilespmem:$0x195A0] =	vst v63  }
0x25a: {  	s14 =	sadd.s32 $0x980, s20;
	s9 =	simm.s32 $0xE620  }
0x25b: {  	[tilespmem:s9], [sflag:$0x2] =	stream.indirect.gather [spmem:s3], $0x10, s14, s16, $0xb8;
	[tilespmem:$0x195A0] =	vst v63  }
0x25c: {  	s28 =	sadd.s32 $0xA00, s20;
	s10 =	simm.s32 $0xEE20  }
0x25d: {  	[tilespmem:s10], [sflag:$0x2] =	stream.indirect.gather [spmem:s3], $0x10, s28, s16, $0xb8;
	[tilespmem:$0x195A0] =	vst v63  }
0x25e: {  	s5 =	sadd.s32 $0xA80, s20;
	s14 =	simm.s32 $0xF620  }
0x25f: {  	[tilespmem:s14], [sflag:$0x2] =	stream.indirect.gather [spmem:s3], $0x10, s5, s16, $0xb8;
	[tilespmem:$0x195A0] =	vst v63  }
0x260: {  	s13 =	sadd.s32 $0xB00, s20;
	s5 =	simm.s32 $0xFE20  }
0x261: {  	[tilespmem:s5], [sflag:$0x2] =	stream.indirect.gather [spmem:s3], $0x10, s13, s16, $0xb8;
	[tilespmem:$0x195A0] =	vst v63  }
0x262: {  	s28 =	sadd.s32 $0xB80, s20;
	s13 =	simm.s32 $0x10620  }
0x263: {  	[tilespmem:s13], [sflag:$0x2] =	stream.indirect.gather [spmem:s3], $0x10, s28, s16, $0xb8;
	[tilespmem:$0x195A0] =	vst v63  }
0x264: {  	s0 =	sadd.s32 $0xC00, s20;
	s28 =	simm.s32 $0x10E20  }
0x265: {  	[tilespmem:s28], [sflag:$0x2] =	stream.indirect.gather [spmem:s3], $0x10, s0, s16, $0xb8;
	[tilespmem:$0x195A0] =	vst v63  }
0x266: {  	s24 =	simm.s32 $0x11620;
	s0 =	sadd.s32 $0xC80, s20  }
0x267: {  	[tilespmem:s24], [sflag:$0x2] =	stream.indirect.gather [spmem:s3], $0x10, s0, s16, $0xb8;
	[tilespmem:$0x195A0] =	vst v63  }
0x268: {  	_ =	swait.ge [sflag:s4], $0x800  }
0x269: {  	[sflag:s4] =	ssyncset.done $0x0  }
0x26a: {  	[sflag:s4] =	ssyncadd.s32 $0xFFFFF800  }
0x26b: {  	_ =	swait.ge [sflag:s4], $0x800  }
0x26c: {  	[sflag:s4] =	ssyncset.done $0x0  }
0x26d: {  	[sflag:s4] =	ssyncadd.s32 $0xFFFFF800  }
0x26e: {  	_ =	swait.ge [sflag:s4], $0x800  }
0x26f: {  	[sflag:s4] =	ssyncset.done $0x0  }
0x270: {  	[sflag:s4] =	ssyncadd.s32 $0xFFFFF800  }
0x271: {  	_ =	swait.ge [sflag:s4], $0x800  }
0x272: {  	[sflag:s4] =	ssyncset.done $0x0  }
0x273: {  	[sflag:s4] =	ssyncadd.s32 $0xFFFFF800  }
0x274: {  	_ =	swait.ge [sflag:s4], $0x800  }
0x275: {  	[sflag:s4] =	ssyncset.done $0x0  }
0x276: {  	[sflag:s4] =	ssyncadd.s32 $0xFFFFF800  }
0x277: {  	_ =	swait.ge [sflag:s4], $0x800  }
0x278: {  	[sflag:s4] =	ssyncset.done $0x0  }
0x279: {  	[sflag:s4] =	ssyncadd.s32 $0xFFFFF800  }
0x27a: {  	_ =	swait.ge [sflag:s4], $0x800  }
0x27b: {  	[sflag:s4] =	ssyncset.done $0x0  }
0x27c: {  	[sflag:s4] =	ssyncadd.s32 $0xFFFFF800  }
0x27d: {  	_ =	swait.ge [sflag:s4], $0x800  }
0x27e: {  	[sflag:s4] =	ssyncset.done $0x0  }
0x27f: {  	[sflag:s4] =	ssyncadd.s32 $0xFFFFF800  }
0x280: {  	_ =	swait.ge [sflag:s4], $0x800  }
0x281: {  	[sflag:s4] =	ssyncset.done $0x0  }
0x282: {  	[sflag:s4] =	ssyncadd.s32 $0xFFFFF800  }
0x283: {  	_ =	swait.ge [sflag:s4], $0x800  }
0x284: {  	[sflag:s4] =	ssyncset.done $0x0  }
0x285: {  	[sflag:s4] =	ssyncadd.s32 $0xFFFFF800  }
0x286: {  	_ =	swait.ge [sflag:s4], $0x800  }
0x287: {  	[sflag:s4] =	ssyncset.done $0x0  }
0x288: {  	[sflag:s4] =	ssyncadd.s32 $0xFFFFF800  }
0x289: {  	_ =	swait.ge [sflag:s4], $0x800  }
0x28a: {  	[sflag:s4] =	ssyncset.done $0x0  }
0x28b: {  	[sflag:s4] =	ssyncadd.s32 $0xFFFFF800  }
0x28c: {  	_ =	swait.ge [sflag:s4], $0x800  }
0x28d: {  	[sflag:s4] =	ssyncset.done $0x0  }
0x28e: {  	s0 =	sadd.s32 $0x2710, s20;
	[sflag:s4] =	ssyncadd.s32 $0xFFFFF800  }
0x28f: {  	[spmem:s2] =	stream.indirect.scatter.add.f32 [tilespmem:s25], [sflag:$0x3], $0x10, s0, s16, $0xb8;
	[tilespmem:$0x195A0] =	vst v63  }
0x290: {  	s0 =	sadd.s32 $0x2790, s20  }
0x291: {  	[spmem:s2] =	stream.indirect.scatter.add.f32 [tilespmem:s30], [sflag:$0x3], $0x10, s0, s16, $0xb8;
	[tilespmem:$0x195A0] =	vst v63  }
0x292: {  	s0 =	sadd.s32 $0x2810, s20  }
0x293: {  	[spmem:s2] =	stream.indirect.scatter.add.f32 [tilespmem:s31], [sflag:$0x3], $0x10, s0, s16, $0xb8;
	[tilespmem:$0x195A0] =	vst v63  }
0x294: {  	s29 =	simm.s32 $0x6620;
	s0 =	sadd.s32 $0x2890, s20  }
0x295: {  	[spmem:s2] =	stream.indirect.scatter.add.f32 [tilespmem:s29], [sflag:$0x3], $0x10, s0, s16, $0xb8;
	[tilespmem:$0x195A0] =	vst v63  }
0x296: {  	s0 =	sadd.s32 $0x2910, s20;
	s29 =	simm.s32 $0x6E20  }
0x297: {  	[spmem:s2] =	stream.indirect.scatter.add.f32 [tilespmem:s29], [sflag:$0x3], $0x10, s0, s16, $0xb8;
	[tilespmem:$0x195A0] =	vst v63  }
0x298: {  	s0 =	sadd.s32 $0x2990, s20;
	s29 =	simm.s32 $0x7620  }
0x299: {  	[spmem:s2] =	stream.indirect.scatter.add.f32 [tilespmem:s29], [sflag:$0x3], $0x10, s0, s16, $0xb8;
	[tilespmem:$0x195A0] =	vst v63  }
0x29a: {  	s0 =	sadd.s32 $0x2A10, s20  }
0x29b: {  	[spmem:s2] =	stream.indirect.scatter.add.f32 [tilespmem:s1], [sflag:$0x3], $0x10, s0, s16, $0xb8;
	[tilespmem:$0x195A0] =	vst v63  }
0x29c: {  	s1 =	sadd.s32 $0x2A90, s20  }
0x29d: {  	[spmem:s2] =	stream.indirect.scatter.add.f32 [tilespmem:s11], [sflag:$0x3], $0x10, s1, s16, $0xb8;
	[tilespmem:$0x195A0] =	vst v63  }
0x29e: {  	s11 =	sadd.s32 $0x2B10, s20  }
0x29f: {  	[spmem:s2] =	stream.indirect.scatter.add.f32 [tilespmem:s15], [sflag:$0x3], $0x10, s11, s16, $0xb8;
	[tilespmem:$0x195A0] =	vst v63  }
0x2a0: {  	s15 =	sadd.s32 $0x2B90, s20  }
0x2a1: {  	[spmem:s2] =	stream.indirect.scatter.add.f32 [tilespmem:s21], [sflag:$0x3], $0x10, s15, s16, $0xb8;
	[tilespmem:$0x195A0] =	vst v63  }
0x2a2: {  	s1 =	sadd.s32 $0x2C10, s20;
	s11 =	simm.s32 $0x9E20  }
0x2a3: {  	[spmem:s2] =	stream.indirect.scatter.add.f32 [tilespmem:s11], [sflag:$0x3], $0x10, s1, s16, $0xb8;
	[tilespmem:$0x195A0] =	vst v63  }
0x2a4: {  	s15 =	sadd.s32 $0x2C90, s20;
	s21 =	simm.s32 $0xA620  }
0x2a5: {  	[spmem:s2] =	stream.indirect.scatter.add.f32 [tilespmem:s21], [sflag:$0x3], $0x10, s15, s16, $0xb8;
	[tilespmem:$0x195A0] =	vst v63  }
0x2a6: {  	s11 =	sadd.s32 $0x2D10, s20;
	s15 =	simm.s32 $0xAE20  }
0x2a7: {  	[spmem:s2] =	stream.indirect.scatter.add.f32 [tilespmem:s15], [sflag:$0x3], $0x10, s11, s16, $0xb8;
	[tilespmem:$0x195A0] =	vst v63  }
0x2a8: {  	_ =	swait.ge [sflag:s12], $0x800  }
0x2a9: {  	[sflag:s12] =	ssyncset.done $0x0  }
0x2aa: {  	[sflag:s12] =	ssyncadd.s32 $0xFFFFF800  }
0x2ab: {  	_ =	swait.ge [sflag:s12], $0x800  }
0x2ac: {  	[sflag:s12] =	ssyncset.done $0x0  }
0x2ad: {  	[sflag:s12] =	ssyncadd.s32 $0xFFFFF800  }
0x2ae: {  	_ =	swait.ge [sflag:s12], $0x800  }
0x2af: {  	[sflag:s12] =	ssyncset.done $0x0  }
0x2b0: {  	[sflag:s12] =	ssyncadd.s32 $0xFFFFF800  }
0x2b1: {  	_ =	swait.ge [sflag:s12], $0x800  }
0x2b2: {  	[sflag:s12] =	ssyncset.done $0x0  }
0x2b3: {  	[sflag:s12] =	ssyncadd.s32 $0xFFFFF800  }
0x2b4: {  	_ =	swait.ge [sflag:s12], $0x800  }
0x2b5: {  	[sflag:s12] =	ssyncset.done $0x0  }
0x2b6: {  	[sflag:s12] =	ssyncadd.s32 $0xFFFFF800  }
0x2b7: {  	_ =	swait.ge [sflag:s12], $0x800  }
0x2b8: {  	[sflag:s12] =	ssyncset.done $0x0  }
0x2b9: {  	[sflag:s12] =	ssyncadd.s32 $0xFFFFF800  }
0x2ba: {  	_ =	swait.ge [sflag:s12], $0x800  }
0x2bb: {  	[sflag:s12] =	ssyncset.done $0x0  }
0x2bc: {  	[sflag:s12] =	ssyncadd.s32 $0xFFFFF800  }
0x2bd: {  	_ =	swait.ge [sflag:s12], $0x800  }
0x2be: {  	[sflag:s12] =	ssyncset.done $0x0  }
0x2bf: {  	[sflag:s12] =	ssyncadd.s32 $0xFFFFF800  }
0x2c0: {  	_ =	swait.ge [sflag:s12], $0x800  }
0x2c1: {  	[sflag:s12] =	ssyncset.done $0x0  }
0x2c2: {  	[sflag:s12] =	ssyncadd.s32 $0xFFFFF800  }
0x2c3: {  	_ =	swait.ge [sflag:s12], $0x800  }
0x2c4: {  	[sflag:s12] =	ssyncset.done $0x0  }
0x2c5: {  	[sflag:s12] =	ssyncadd.s32 $0xFFFFF800  }
0x2c6: {  	_ =	swait.ge [sflag:s12], $0x800  }
0x2c7: {  	[sflag:s12] =	ssyncset.done $0x0  }
0x2c8: {  	[sflag:s12] =	ssyncadd.s32 $0xFFFFF800  }
0x2c9: {  	_ =	swait.ge [sflag:s12], $0x800  }
0x2ca: {  	[sflag:s12] =	ssyncset.done $0x0  }
0x2cb: {  	[sflag:s12] =	ssyncadd.s32 $0xFFFFF800  }
0x2cc: {  	p0 =	seq.s32 s22, $0x6800;
	_ =	swait.ge [sflag:s12], $0x800  }
0x2cd: {  	s0 =	sshra.s32 @!p0 s22, $0x2;
	s1 =	simm.s32 @!p0 $0x4E20;
	[sflag:s12] =	ssyncset.done $0x0  }
0x2ce: {  	s11 =	sadd.s32 @!p0 $0xD00, s0;
	s15 =	simm.s32 @!p0 $0x80;
	[sflag:s12] =	ssyncadd.s32 $0xFFFFF800  }
0x2cf: {  	[tilespmem:s1], [sflag:$0x1] =	stream.indirect.gather @!p0 [spmem:s3], $0x10, s11, s15, $0xb8;
	[tilespmem:$0x195A0] =	vst v63  }
0x2d0: {  	s1 =	sadd.s32 @!p0 $0xD80, s0;
	s11 =	simm.s32 @!p0 $0x5620  }
0x2d1: {  	[tilespmem:s11], [sflag:$0x1] =	stream.indirect.gather @!p0 [spmem:s3], $0x10, s1, s15, $0xb8;
	[tilespmem:$0x195A0] =	vst v63  }
0x2d2: {  	s1 =	sadd.s32 @!p0 $0xE00, s0;
	s11 =	simm.s32 @!p0 $0x5E20  }
0x2d3: {  	[tilespmem:s11], [sflag:$0x1] =	stream.indirect.gather @!p0 [spmem:s3], $0x10, s1, s15, $0xb8;
	[tilespmem:$0x195A0] =	vst v63  }
0x2d4: {  	s1 =	sadd.s32 @!p0 $0xE80, s0;
	s11 =	simm.s32 @!p0 $0x6620  }
0x2d5: {  	[tilespmem:s11], [sflag:$0x1] =	stream.indirect.gather @!p0 [spmem:s3], $0x10, s1, s15, $0xb8;
	[tilespmem:$0x195A0] =	vst v63  }
0x2d6: {  	s1 =	sadd.s32 @!p0 $0xF00, s0;
	s11 =	simm.s32 @!p0 $0x6E20  }
0x2d7: {  	[tilespmem:s11], [sflag:$0x1] =	stream.indirect.gather @!p0 [spmem:s3], $0x10, s1, s15, $0xb8;
	[tilespmem:$0x195A0] =	vst v63  }
0x2d8: {  	s1 =	sadd.s32 @!p0 $0xF80, s0;
	s11 =	simm.s32 @!p0 $0x7620  }
0x2d9: {  	[tilespmem:s11], [sflag:$0x1] =	stream.indirect.gather @!p0 [spmem:s3], $0x10, s1, s15, $0xb8;
	[tilespmem:$0x195A0] =	vst v63  }
0x2da: {  	s1 =	sadd.s32 @!p0 $0x1000, s0;
	s11 =	simm.s32 @!p0 $0x7E20  }
0x2db: {  	[tilespmem:s11], [sflag:$0x1] =	stream.indirect.gather @!p0 [spmem:s3], $0x10, s1, s15, $0xb8;
	[tilespmem:$0x195A0] =	vst v63  }
0x2dc: {  	s1 =	sadd.s32 @!p0 $0x1080, s0;
	s11 =	simm.s32 @!p0 $0x8620  }
0x2dd: {  	[tilespmem:s11], [sflag:$0x1] =	stream.indirect.gather @!p0 [spmem:s3], $0x10, s1, s15, $0xb8;
	[tilespmem:$0x195A0] =	vst v63  }
0x2de: {  	s1 =	sadd.s32 @!p0 $0x1100, s0;
	s11 =	simm.s32 @!p0 $0x8E20  }
0x2df: {  	[tilespmem:s11], [sflag:$0x1] =	stream.indirect.gather @!p0 [spmem:s3], $0x10, s1, s15, $0xb8;
	[tilespmem:$0x195A0] =	vst v63  }
0x2e0: {  	s1 =	sadd.s32 @!p0 $0x1180, s0;
	s11 =	simm.s32 @!p0 $0x9620  }
0x2e1: {  	[tilespmem:s11], [sflag:$0x1] =	stream.indirect.gather @!p0 [spmem:s3], $0x10, s1, s15, $0xb8;
	[tilespmem:$0x195A0] =	vst v63  }
0x2e2: {  	s1 =	sadd.s32 @!p0 $0x1200, s0;
	s11 =	simm.s32 @!p0 $0x9E20  }
0x2e3: {  	[tilespmem:s11], [sflag:$0x1] =	stream.indirect.gather @!p0 [spmem:s3], $0x10, s1, s15, $0xb8;
	[tilespmem:$0x195A0] =	vst v63  }
0x2e4: {  	s1 =	sadd.s32 @!p0 $0x1280, s0;
	s11 =	simm.s32 @!p0 $0xA620  }
0x2e5: {  	[tilespmem:s11], [sflag:$0x1] =	stream.indirect.gather @!p0 [spmem:s3], $0x10, s1, s15, $0xb8;
	[tilespmem:$0x195A0] =	vst v63  }
0x2e6: {  	s0 =	sadd.s32 @!p0 $0x1300, s0;
	s1 =	simm.s32 @!p0 $0xAE20  }
0x2e7: {  	[tilespmem:s1], [sflag:$0x1] =	stream.indirect.gather @!p0 [spmem:s3], $0x10, s0, s15, $0xb8;
	[tilespmem:$0x195A0] =	vst v63  }
0x2e8: {  	_ =	swait.ge [sflag:s17], $0x800  }
0x2e9: {  	[sflag:s17] =	ssyncset.done $0x0  }
0x2ea: {  	[sflag:s17] =	ssyncadd.s32 $0xFFFFF800  }
0x2eb: {  	_ =	swait.ge [sflag:s17], $0x800  }
0x2ec: {  	[sflag:s17] =	ssyncset.done $0x0  }
0x2ed: {  	[sflag:s17] =	ssyncadd.s32 $0xFFFFF800  }
0x2ee: {  	_ =	swait.ge [sflag:s17], $0x800  }
0x2ef: {  	[sflag:s17] =	ssyncset.done $0x0  }
0x2f0: {  	[sflag:s17] =	ssyncadd.s32 $0xFFFFF800  }
0x2f1: {  	_ =	swait.ge [sflag:s17], $0x800  }
0x2f2: {  	[sflag:s17] =	ssyncset.done $0x0  }
0x2f3: {  	[sflag:s17] =	ssyncadd.s32 $0xFFFFF800  }
0x2f4: {  	_ =	swait.ge [sflag:s17], $0x800  }
0x2f5: {  	[sflag:s17] =	ssyncset.done $0x0  }
0x2f6: {  	[sflag:s17] =	ssyncadd.s32 $0xFFFFF800  }
0x2f7: {  	_ =	swait.ge [sflag:s17], $0x800  }
0x2f8: {  	[sflag:s17] =	ssyncset.done $0x0  }
0x2f9: {  	[sflag:s17] =	ssyncadd.s32 $0xFFFFF800  }
0x2fa: {  	_ =	swait.ge [sflag:s17], $0x800  }
0x2fb: {  	[sflag:s17] =	ssyncset.done $0x0  }
0x2fc: {  	[sflag:s17] =	ssyncadd.s32 $0xFFFFF800  }
0x2fd: {  	_ =	swait.ge [sflag:s17], $0x800  }
0x2fe: {  	[sflag:s17] =	ssyncset.done $0x0  }
0x2ff: {  	[sflag:s17] =	ssyncadd.s32 $0xFFFFF800  }
0x300: {  	_ =	swait.ge [sflag:s17], $0x800  }
0x301: {  	[sflag:s17] =	ssyncset.done $0x0  }
0x302: {  	[sflag:s17] =	ssyncadd.s32 $0xFFFFF800  }
0x303: {  	_ =	swait.ge [sflag:s17], $0x800  }
0x304: {  	[sflag:s17] =	ssyncset.done $0x0  }
0x305: {  	[sflag:s17] =	ssyncadd.s32 $0xFFFFF800  }
0x306: {  	_ =	swait.ge [sflag:s17], $0x800  }
0x307: {  	[sflag:s17] =	ssyncset.done $0x0  }
0x308: {  	[sflag:s17] =	ssyncadd.s32 $0xFFFFF800  }
0x309: {  	_ =	swait.ge [sflag:s17], $0x800  }
0x30a: {  	[sflag:s17] =	ssyncset.done $0x0  }
0x30b: {  	[sflag:s17] =	ssyncadd.s32 $0xFFFFF800  }
0x30c: {  	_ =	swait.ge [sflag:s17], $0x800  }
0x30d: {  	[sflag:s17] =	ssyncset.done $0x0  }
0x30e: {  	s21 =	sadd.s32 $0x2D90, s20;
	[sflag:s17] =	ssyncadd.s32 $0xFFFFF800  }
0x30f: {  	[spmem:s2] =	stream.indirect.scatter.add.f32 [tilespmem:s19], [sflag:$0x4], $0x10, s21, s16, $0xb8;
	[tilespmem:$0x195A0] =	vst v63  }
0x310: {  	s22 =	sadd.s32 $0x2E10, s20  }
0x311: {  	[spmem:s2] =	stream.indirect.scatter.add.f32 [tilespmem:s23], [sflag:$0x4], $0x10, s22, s16, $0xb8;
	[tilespmem:$0x195A0] =	vst v63  }
0x312: {  	s23 =	sadd.s32 $0x2E90, s20  }
0x313: {  	[spmem:s2] =	stream.indirect.scatter.add.f32 [tilespmem:s26], [sflag:$0x4], $0x10, s23, s16, $0xb8;
	[tilespmem:$0x195A0] =	vst v63  }
0x314: {  	s26 =	sadd.s32 $0x2F10, s20  }
0x315: {  	[spmem:s2] =	stream.indirect.scatter.add.f32 [tilespmem:s6], [sflag:$0x4], $0x10, s26, s16, $0xb8;
	[tilespmem:$0x195A0] =	vst v63  }
0x316: {  	s1 =	sadd.s32 $0x2F90, s20  }
0x317: {  	[spmem:s2] =	stream.indirect.scatter.add.f32 [tilespmem:s7], [sflag:$0x4], $0x10, s1, s16, $0xb8;
	[tilespmem:$0x195A0] =	vst v63  }
0x318: {  	s6 =	sadd.s32 $0x3010, s20  }
0x319: {  	[spmem:s2] =	stream.indirect.scatter.add.f32 [tilespmem:s8], [sflag:$0x4], $0x10, s6, s16, $0xb8;
	[tilespmem:$0x195A0] =	vst v63  }
0x31a: {  	s7 =	sadd.s32 $0x3090, s20  }
0x31b: {  	[spmem:s2] =	stream.indirect.scatter.add.f32 [tilespmem:s9], [sflag:$0x4], $0x10, s7, s16, $0xb8;
	[tilespmem:$0x195A0] =	vst v63  }
0x31c: {  	s8 =	sadd.s32 $0x3110, s20  }
0x31d: {  	[spmem:s2] =	stream.indirect.scatter.add.f32 [tilespmem:s10], [sflag:$0x4], $0x10, s8, s16, $0xb8;
	[tilespmem:$0x195A0] =	vst v63  }
0x31e: {  	s9 =	sadd.s32 $0x3190, s20  }
0x31f: {  	[spmem:s2] =	stream.indirect.scatter.add.f32 [tilespmem:s14], [sflag:$0x4], $0x10, s9, s16, $0xb8;
	[tilespmem:$0x195A0] =	vst v63  }
0x320: {  	s10 =	sadd.s32 $0x3210, s20  }
0x321: {  	[spmem:s2] =	stream.indirect.scatter.add.f32 [tilespmem:s5], [sflag:$0x4], $0x10, s10, s16, $0xb8;
	[tilespmem:$0x195A0] =	vst v63  }
0x322: {  	s11 =	sadd.s32 $0x3290, s20  }
0x323: {  	[spmem:s2] =	stream.indirect.scatter.add.f32 [tilespmem:s13], [sflag:$0x4], $0x10, s11, s16, $0xb8;
	[tilespmem:$0x195A0] =	vst v63  }
0x324: {  	s14 =	sadd.s32 $0x3310, s20  }
0x325: {  	[spmem:s2] =	stream.indirect.scatter.add.f32 [tilespmem:s28], [sflag:$0x4], $0x10, s14, s16, $0xb8;
	[tilespmem:$0x195A0] =	vst v63  }
0x326: {  	s15 =	sadd.s32 $0x3390, s20  }
0x327: {  	[spmem:s2] =	stream.indirect.scatter.add.f32 [tilespmem:s24], [sflag:$0x4], $0x10, s15, s16, $0xb8;
	[tilespmem:$0x195A0] =	vst v63  }
0x328: {  	_ =	swait.ge [sflag:s18], $0x800  }
0x329: {  	[sflag:s18] =	ssyncset.done $0x0  }
0x32a: {  	[sflag:s18] =	ssyncadd.s32 $0xFFFFF800  }
0x32b: {  	_ =	swait.ge [sflag:s18], $0x800  }
0x32c: {  	[sflag:s18] =	ssyncset.done $0x0  }
0x32d: {  	[sflag:s18] =	ssyncadd.s32 $0xFFFFF800  }
0x32e: {  	_ =	swait.ge [sflag:s18], $0x800  }
0x32f: {  	[sflag:s18] =	ssyncset.done $0x0  }
0x330: {  	[sflag:s18] =	ssyncadd.s32 $0xFFFFF800  }
0x331: {  	_ =	swait.ge [sflag:s18], $0x800  }
0x332: {  	[sflag:s18] =	ssyncset.done $0x0  }
0x333: {  	[sflag:s18] =	ssyncadd.s32 $0xFFFFF800  }
0x334: {  	_ =	swait.ge [sflag:s18], $0x800  }
0x335: {  	[sflag:s18] =	ssyncset.done $0x0  }
0x336: {  	[sflag:s18] =	ssyncadd.s32 $0xFFFFF800  }
0x337: {  	_ =	swait.ge [sflag:s18], $0x800  }
0x338: {  	[sflag:s18] =	ssyncset.done $0x0  }
0x339: {  	[sflag:s18] =	ssyncadd.s32 $0xFFFFF800  }
0x33a: {  	_ =	swait.ge [sflag:s18], $0x800  }
0x33b: {  	[sflag:s18] =	ssyncset.done $0x0  }
0x33c: {  	[sflag:s18] =	ssyncadd.s32 $0xFFFFF800  }
0x33d: {  	_ =	swait.ge [sflag:s18], $0x800  }
0x33e: {  	[sflag:s18] =	ssyncset.done $0x0  }
0x33f: {  	[sflag:s18] =	ssyncadd.s32 $0xFFFFF800  }
0x340: {  	_ =	swait.ge [sflag:s18], $0x800  }
0x341: {  	[sflag:s18] =	ssyncset.done $0x0  }
0x342: {  	[sflag:s18] =	ssyncadd.s32 $0xFFFFF800  }
0x343: {  	_ =	swait.ge [sflag:s18], $0x800  }
0x344: {  	[sflag:s18] =	ssyncset.done $0x0  }
0x345: {  	[sflag:s18] =	ssyncadd.s32 $0xFFFFF800  }
0x346: {  	_ =	swait.ge [sflag:s18], $0x800  }
0x347: {  	[sflag:s18] =	ssyncset.done $0x0  }
0x348: {  	[sflag:s18] =	ssyncadd.s32 $0xFFFFF800  }
0x349: {  	_ =	swait.ge [sflag:s18], $0x800  }
0x34a: {  	[sflag:s18] =	ssyncset.done $0x0  }
0x34b: {  	[sflag:s18] =	ssyncadd.s32 $0xFFFFF800  }
0x34c: {  	_ =	swait.ge [sflag:s18], $0x800  }
0x34d: {  	s19 =	simm.s32 $0x10;
	[sflag:s18] =	ssyncset.done $0x0  }
0x34e: {  	s21 =	simm.s32 $0x11E20;
	s20 =	simm.s32 $0x2700;
	[sflag:s18] =	ssyncadd.s32 $0xFFFFF800  }
0x34f: {  	[tilespmem:s21], [sflag:$0x1] =	stream.indirect.gather [spmem:s3], $0x10, s20, s19, $0xb8;
	[tilespmem:$0x195A0] =	vst v63  }
0x350: {  	_ =	swait.ge [sflag:s4], $0x100  }
0x351: {  	[sflag:s4] =	ssyncset.done $0x0  }
0x352: {  	s22 =	simm.s32 $0x4E10;
	[sflag:s4] =	ssyncadd.s32 $0xFFFFFF00  }
0x353: {  	[spmem:s2] =	stream.indirect.scatter.add.f32 [tilespmem:s21], [sflag:$0x3], $0x10, s22, s19, $0xb8;
	[tilespmem:$0x195A0] =	vst v63  }
0x354: {  	_ =	swait.ge [sflag:s12], $0x100  }
0x355: {  	[sflag:s12] =	ssyncset.done $0x0  }
0x356: {  	[sflag:s12] =	ssyncadd.s32 $0xFFFFFF00  }
0x357: {  	[bflag:$0x0] =	sbarrier.arrive $0xFFFF  }
0x358: {  	s15 =	rddreg [dreg:$0x5]  }
0x359: {  	s24 =	rddreg [dreg:$0x9]  }
0x35a: {  	s1 =	simm.s32 $0x5;
	s21 =	rddreg [dreg:$0xb];
	s23 =	sshrl.u32 s15, $0x3  }
0x35b: {  	[hbm:s24], [sflag:s21] =	dma.local [spmem:s23], $0x4F0  }
0x35c: {  	_ =	swait.ge [sflag:s1], $0x4F0  }
0x35d: {  	s26 =	rddreg [dreg:$0x4]  }
0x35e: {  	s28 =	rddreg [dreg:$0xa];
	s11 =	sadd.s32 $0x1, s26  }
0x35f: {  	p0 =	sne.s32 s11, s28  }
.Ltmp2:
0x360: {  	_ = 	snop;
	(pc) =	sbr.rel @p0 .LBB2_1-.Ltmp2, $3  }
0x361: {  	_ =	sdelay $0x1  }
0x362: {  	s29 =	simm.s32 $0x7620;
	[sflag:s1] =	ssyncset.done $0x0  }
0x363: {  	s24 =	simm.s32 $0x6620;
	[sflag:s1] =	ssyncadd.s32 $0xFFFFFB10;
	s26 =	simm.s32 $0x6E20  }
0x364: {  	_ =	sfence.sel $0x180000  }
0x365: {  	[bflag:$0x0] =	sbarrier.arrive $0xFFFF  }
0x366: {  	_ =	strace $0x9000004A  }
0x367: {  	s0 =	stileid.u32;
	[bflag:$0x2] =	sbarrier.arrive $0xFFFF  }
0x368: {  	p0 =	sne.s32 s0, $0x0;
	s0 =	rddreg [dreg:$0x3]  }
0x369: {  	s0 =	sadd.s32 @!p0 $0x100000, s0  }
0x36a: {  	[sflag:s0] =	ssyncadd.tile.s32 @!p0 $0x1;
	_ =	shalt  }
.Lfunc_end2:
_tile_overlayer_lowered:
.L_overlay_start_2:
0x36b: {  	(tag) =	ssettag $0x2  }
0x36c: {  	s0 =	rddreg [dreg:$0x0];
	s2 =	stileid.u32  }
0x36d: {  	s1 =	rddreg [dreg:$0x1];
	p0 =	sne.s32 s2, $0x0  }
0x36e: {  	s3 =	rddreg [dreg:$0x2];
	[bflag:$0x3] =	sbarrier.arrive $0xFFFF;
	s2 =	simm.s32 @!p0 $0x1C05  }
0x36f: {  	[timem:s3], [sflag:s2] =	dma.local @!p0 [hbm:s0], s1  }
0x370: {  	s0 =	simm.s32 @!p0 $0x5  }
0x371: {  	_ =	swait.ge @!p0 [sflag:s0], s1  }
0x372: {  	s1 =	ssub.s32 @!p0 $0x0, s1;
	[sflag:s0] =	ssyncset.done @!p0 $0x0  }
0x373: {  	[sflag:s0] =	ssyncadd.s32 @!p0 s1  }
0x374: {  	[bflag:$0x3] =	sbarrier.arrive $0xFFFF  }
0x375: {  	_ =	shalt  }

// kernel: kernel.7.cloned.1.call-start
scs
__scs_entry_jumppad:
0x0: {  	(pc) =	sbr.rel $0x88, $3  }
0x1: {  	(tag) =	ssettag $0x0;
	lr =	simm.s32 $0x1  }
0x2: {  	[smem:$0x3F9B] =	sst lr;
	_ =	strace $0xD0000000  }
0x3: {  	_ = 	snop  }
0x4: {  	_ = 	snop  }
0x5: {  	_ = 	snop  }
0x6: {  	_ = 	snop  }
0x7: {  	_ = 	snop  }
__scs_overlays_trampoline_lowered:
0x8: {  	[smem:$0x3FAA] =	sst s0  }
0x9: {  	[smem:$0x3FAB] =	sst s1  }
0xa: {  	[smem:$0x3FAC] =	sst s2  }
0xb: {  	[smem:$0x3FAD] =	sst s3  }
0xc: {  	[smem:$0x3FAE] =	sst s4  }
0xd: {  	[smem:$0x3FAF] =	sst s5  }
0xe: {  	[smem:$0x3FB0] =	sst s6  }
0xf: {  	[smem:$0x3FB1] =	sst s7  }
0x10: {  	[smem:$0x3FB2] =	sst s8  }
0x11: {  	[smem:$0x3FB3] =	sst s9;
	s0 =	simm.s32 @!p0 $0x0  }
0x12: {  	s1 =	sld [smem:$0x3F99];
	s0 =	simm.s32 @p0 $0x1  }
0x13: {  	[smem:$0x3FB4] =	sst s0;
	s0 =	simm.s32 @!p1 $0x0  }
0x14: {  	s2 =	sld [smem:$0x3F98];
	s0 =	simm.s32 @p1 $0x1  }
0x15: {  	[smem:$0x3FB5] =	sst s0;
	s0 =	simm.s32 @!p2 $0x0  }
0x16: {  	s3 =	sld [smem:$0x3FDB];
	s0 =	simm.s32 @p2 $0x1  }
0x17: {  	s4 =	simm.s32 $0x1BF5;
	[smem:$0x3FB7] =	sst s0  }
0x18: {  	s0 =	sld [smem:$0x3F9A];
	_ =	swait.ge [sflag:s4], $0x0  }
0x19: {  	s7 =	sld [smem:$0x3F9B]  }
0x1a: {  	s8 =	sadd.s32 $0xFFFFE003, lr  }
0x1b: {  	s9 =	sadd.s32 $0xFFFFFEF7, lr;
	s5 =	simm.s32 $0xFFFFFFFF;
	p2 =	slt.u32 s8, $0xFFFFF086  }
0x1c: {  	p1 =	slt.u32 s9, $0xF7A;
	s5 =	simm.s32 @!p2 $0x0  }
0x1d: {  	s5 =	simm.s32 @p1 $0x1;
	p0 =	seq.s32 s7, s2  }
0x1e: {  	s7 =	smul.u32 @!p0 $0xF7A, s2;
	p2 =	seq.s32 @!p0 s5, $0x0  }
0x1f: {  	s9 =	smul.u32 $0xF7A, s1;
	s8 =	simm.s32 @!p0 $0x1BF5;
	p2 =	por !p2, p0  }
0x20: {  	[sflag:s8] =	ssyncset.s32 @!p0 $0xFFFFF086;
	s6 =	sadd.s32 @!p0 s3, s7;
	s7 =	simm.s32 @!p0 $0x108  }
0x21: {  	s3 =	sadd.s32 s3, s9;
	s6 =	sadd.s32 @!p0 $0x88, s6;
	s7 =	simm.s32 @p2 $0x1082  }
0x22: {  	[simem:s7], [sflag:s8] =	dma.local @!p0 [hbm:s6], $0xF7A  }
0x23: {  	s9 =	sor.u32 $0xD0000000, s2;
	s6 =	simm.s32 $0x108;
	_ =	swait.ge @!p0 [sflag:s8], $0x0  }
0x24: {  	s3 =	sadd.s32 $0x88, s3;
	s6 =	simm.s32 @!p1 $0x1082;
	[sflag:s4] =	ssyncset.s32 $0xFFFFF086  }
0x25: {  	[simem:s6], [sflag:s4] =	dma.local [hbm:s3], $0xF7A  }
0x26: {  	[smem:$0x3F9B] =	sst s1;
	(tag) =	ssettag s2;
	_ =	strace s9  }
0x27: {  	s1 =	sld [smem:$0x3FAB]  }
0x28: {  	s2 =	sld [smem:$0x3FAC]  }
0x29: {  	s4 =	sld [smem:$0x3FAE]  }
0x2a: {  	p0 =	seq.s32 s5, $0x0;
	s5 =	sld [smem:$0x3FAF]  }
0x2b: {  	s6 =	sld [smem:$0x3FB0]  }
0x2c: {  	s7 =	sld [smem:$0x3FB1]  }
0x2d: {  	s3 =	simm.s32 $0x108;
	s8 =	sld [smem:$0x3FB2]  }
0x2e: {  	s3 =	simm.s32 @!p0 $0x1082;
	s9 =	sld [smem:$0x3FB3]  }
0x2f: {  	lr =	sadd.s32 s0, s3;
	s0 =	sld [smem:$0x3FAA]  }
0x30: {  	s3 =	sld [smem:$0x3FAD]  }
0x31: {  	[smem:$0x3FB6] =	sst s10  }
0x32: {  	s10 =	sld [smem:$0x3FB4];
	_ =	sdelay $0x3  }
0x33: {  	p0 =	seq.s32 s10, $0x1;
	s10 =	sld [smem:$0x3FB6];
	_ =	sdelay $0x3  }
0x34: {  	[smem:$0x3FB6] =	sst s10  }
0x35: {  	s10 =	sld [smem:$0x3FB5];
	_ =	sdelay $0x3  }
0x36: {  	p1 =	seq.s32 s10, $0x1;
	s10 =	sld [smem:$0x3FB6];
	_ =	sdelay $0x3  }
0x37: {  	[smem:$0x3FB6] =	sst s10  }
0x38: {  	s10 =	sld [smem:$0x3FB7]  }
0x39: {  	_ = 	snop;
	(pc) =	sbr.ind lr, $3  }
0x3a: {  	_ = 	snop  }
0x3b: {  	_ = 	snop  }
0x3c: {  	p2 =	seq.s32 s10, $0x1;
	s10 =	sld [smem:$0x3FB6]  }
0x3d: {  	_ =	shalt  }
0x3e: {  	_ =	shalt  }
0x3f: {  	_ =	shalt  }
0x40: {  	_ =	shalt  }
0x41: {  	_ =	shalt  }
0x42: {  	_ =	shalt  }
0x43: {  	_ =	shalt  }
0x44: {  	_ =	shalt  }
0x45: {  	_ =	shalt  }
0x46: {  	_ =	shalt  }
0x47: {  	_ =	shalt  }
0x48: {  	_ =	shalt  }
0x49: {  	_ =	shalt  }
0x4a: {  	_ =	shalt  }
0x4b: {  	_ =	shalt  }
0x4c: {  	_ =	shalt  }
0x4d: {  	_ =	shalt  }
0x4e: {  	_ =	shalt  }
0x4f: {  	_ =	shalt  }
0x50: {  	_ =	shalt  }
0x51: {  	_ =	shalt  }
0x52: {  	_ =	shalt  }
0x53: {  	_ =	shalt  }
0x54: {  	_ =	shalt  }
0x55: {  	_ =	shalt  }
0x56: {  	_ =	shalt  }
0x57: {  	_ =	shalt  }
0x58: {  	_ =	shalt  }
0x59: {  	_ =	shalt  }
0x5a: {  	_ =	shalt  }
0x5b: {  	_ =	shalt  }
0x5c: {  	_ =	shalt  }
0x5d: {  	_ =	shalt  }
0x5e: {  	_ =	shalt  }
0x5f: {  	_ =	shalt  }
0x60: {  	_ =	shalt  }
0x61: {  	_ =	shalt  }
0x62: {  	_ =	shalt  }
0x63: {  	_ =	shalt  }
0x64: {  	_ =	shalt  }
0x65: {  	_ =	shalt  }
0x66: {  	_ =	shalt  }
0x67: {  	_ =	shalt  }
0x68: {  	_ =	shalt  }
0x69: {  	_ =	shalt  }
0x6a: {  	_ =	shalt  }
0x6b: {  	_ =	shalt  }
0x6c: {  	_ =	shalt  }
0x6d: {  	_ =	shalt  }
0x6e: {  	_ =	shalt  }
0x6f: {  	_ =	shalt  }
0x70: {  	_ =	shalt  }
0x71: {  	_ =	shalt  }
0x72: {  	_ =	shalt  }
0x73: {  	_ =	shalt  }
0x74: {  	_ =	shalt  }
0x75: {  	_ =	shalt  }
0x76: {  	_ =	shalt  }
0x77: {  	_ =	shalt  }
0x78: {  	_ =	shalt  }
0x79: {  	_ =	shalt  }
0x7a: {  	_ =	shalt  }
0x7b: {  	_ =	shalt  }
0x7c: {  	_ =	shalt  }
0x7d: {  	_ =	shalt  }
0x7e: {  	_ =	shalt  }
0x7f: {  	_ =	shalt  }
0x80: {  	_ =	shalt  }
0x81: {  	_ =	shalt  }
0x82: {  	_ =	shalt  }
0x83: {  	_ =	shalt  }
0x84: {  	_ =	shalt  }
0x85: {  	_ =	shalt  }
0x86: {  	_ =	shalt  }
0x87: {  	_ =	shalt  }
.Lfunc_end0:
.L_simem_size_0:
called_computation_lowered:
.L_overlay_start_0:
0x88: {  	s2 =	sld [smem:$0x3FD9]  }
0x89: {  	s3 =	sld [smem:$0x3FFE];
	_ =	sdelay $0x1  }
0x8a: {  	s1 =	srdreg.scid  }
0x8b: {  	s0 =	sand.u32 $0x1, s1  }
0x8c: {  	s16 =	sshll.u32 s0, $0xA;
	s2 =	sadd.s32 s3, s2  }
0x8d: {  	s2 =	sadd.s32 s2, s16  }
0x8e: {  	[smem:$0x3FC2] =	sst s2  }
0x8f: {  	_ = 	snop  }
0x90: {  	(tm) =	ssettm $0x1  }
0x91: {  	s17 =	sld [smem:$0x3FFB];
	_ =	sdelay $0x3  }
0x92: {  	_ =	strace s17  }
0x93: {  	s2 =	sld [smem:$0x3FFC];
	_ =	sdelay $0x3  }
0x94: {  	_ =	strace s2  }
0x95: {  	s2 =	sld [smem:$0x3FFD];
	_ =	sdelay $0x3  }
0x96: {  	_ =	strace s2  }
0x97: {  	_ =	strace $0x8FFFFFFF  }
0x98: {  	s18 =	sld [smem:$0x3FDB];
	_ =	sdelay $0x1  }
0x99: {  	s19 =	simm.s32 $_scs_section_size  }
0x9a: {  	s4 =	simm.s32 $_size__tile_overlayer_lowered;
	s5 =	simm.s32 $_tile_overlayer_lowered  }
0x9b: {  	s22 =	simm.s32 $0x1BFF;
	s21 =	sshll.u32 s5, $0x1;
	s2 =	sadd.s32 s19, s18  }
0x9c: {  	s6 =	simm.s32 $0x0;
	s20 =	sshll.u32 s4, $0x1;
	s4 =	sadd.s32 s21, s2  }
0x9d: {  	[timem:s6], [sflag:s22] =	dma.local [hbm:s4], s20  }
0x9e: {  	_ =	swait.ge [sflag:s22], s20  }
0x9f: {  	s3 =	ssub.s32 $0x0, s20;
	[sflag:s22] =	ssyncset.done $0x0  }
0xa0: {  	[sflag:s22] =	ssyncadd.s32 s3;
	_ =	sdelay $0x1  }
0xa1: {  	s23 =	simm.s32 $0x1B8B  }
0xa2: {  	_ =	swait.ge [sflag:s23], $0x1  }
0xa3: {  	[sflag:s23] =	ssyncset.done $0x0  }
0xa4: {  	s25 =	simm.s32 $0x1B8E;
	s24 =	sld [smem:$0x3FFE];
	[sflag:s23] =	ssyncadd.s32 $0xFFFFFFFF  }
0xa5: {  	s26 =	simm.s32 $execute0_lowered;
	[smem:$0x3FD2] =	sst s25  }
0xa6: {  	s4 =	sshll.u32 s26, $0x1;
	_ =	strace $0x80000046;
	[dreg:$0x1] =	wrdreg $0xFFFFFFFF  }
0xa7: {  	s28 =	simm.s32 $_size_execute0_lowered;
	s2 =	sadd.s32 s2, s4;
	[dreg:$0x0] =	wrdreg $0x0  }
0xa8: {  	s4 =	sshll.u32 s28, $0x1;
	[dreg:$0x2] =	wrdreg s2  }
0xa9: {  	[dreg:$0x3] =	wrdreg s4  }
0xaa: {  	[dreg:$0x4] =	wrdreg $0xC0  }
0xab: {  	_ =	task [dreg:s6], $0x5FFFF  }
0xac: {  	[dreg:$0x1] =	wrdreg $0xFFFFFFFF  }
0xad: {  	[dreg:$0x0] =	wrdreg $0x60  }
0xae: {  	[dreg:$0x2] =	wrdreg s24  }
0xaf: {  	[dreg:$0x3] =	wrdreg $0x56900  }
0xb0: {  	[dreg:$0x4] =	wrdreg $0x9  }
0xb1: {  	_ =	task.clear_ibuf [dreg:s6], $0x5FFFF;
	_ =	strace $0x90000046  }
0xb2: {  	s29 =	simm.s32 $0x9;
	_ =	strace $0x80000048  }
0xb3: {  	_ =	swait.ge [sflag:s29], $0x1  }
0xb4: {  	[sflag:s29] =	ssyncadd.s32 $0xFFFFFFFF  }
0xb5: {  	_ =	strace $0x90000048  }
0xb6: {  	_ =	sfence  }
0xb7: {  	s30 =	sld [smem:$0x0];
	_ =	sdelay $0x2  }
0xb8: {  	s31 =	sshll.u32 s1, $0xD;
	s1 =	sshrl.u32 s1, $0x2  }
0xb9: {  	s3 =	sand.u32 $0x4000, s31;
	s1 =	sadd.s32 s1, s30  }
0xba: {  	s0 =	sor.u32 s3, s0;
	s1 =	sshll.u32 s1, $0x11  }
0xbb: {  	s0 =	sor.u32 s1, s0  }
0xbc: {  	s0 =	sadd.s32 $0x8F2B, s0  }
0xbd: {  	[sflag:s0] =	ssyncadd.remote.s32 $0x1  }
0xbe: {  	_ =	sfence.sel $0xFFFF  }
0xbf: {  	[dreg:$0x0] =	wrdreg $0xFFFFFFFF;
	(pc) =	sbr.abs _section_cstart, $3  }
0xc0: {  	[dreg:$0x1] =	wrdreg $0xFFFFFFFF  }
0xc1: {  	_ =	task.clear_ibuf [dreg:s6], $0x2FFFF;
	_ =	strace $0x9FFFFFFF  }
0xc2: {  	(tm) =	ssettm $0x7FFFFFFF  }
0xc3: {  	_ =	shalt  }
tec
execute0_lowered:
.L_overlay_start_1:
0x0: {  	(tag) =	ssettag $0x1  }
0x1: {  	s4 =	rddreg [dreg:$0x0]  }
0x2: {  	s2 =	rddreg [dreg:$0x1]  }
0x3: {  	s0 =	rddreg [dreg:$0x2]  }
0x4: {  	s3 =	srdreg.scid;
	s1 =	stileid.u32;
	s10 =	simm.s32 $0x80  }
0x5: {  	s11 =	simm.s32 $0x2710;
	s12 =	simm.s32 $0x10;
	s13 =	simm.s32 $0x2700  }
0x6: {  	s14 =	simm.s32 $0x1;
	s5 =	sand.u32 $0x1, s3;
	s6 =	smul.u32 $0x2780, s1  }
0x7: {  	s7 =	sshll.u32 s1, $0x1;
	s3 =	simm.s32 $0x0;
	s15 =	sshll.u32 s1, $0x6  }
0x8: {  	s8 =	smul.u32 $0x27800, s5;
	s7 =	sor.u32 s5, s7;
	[smem:$0x7FF] =	sst s3  }
0x9: {  	s5 =	ssub.s32 $0x2, s5;
	s15 =	sor.u32 $0x1C02, s15;
	s7 =	smul.u32 $0x2710, s7  }
0xa: {  	_ =	strace $0x80000047;
	s9 =	sshrl.u32 s5, $0x1;
	s8 =	sadd.s32 s6, s8  }
0xb: {  	s9 =	ssub.s32 s5, s9;
	s8 =	sshrl.u32 s8, $0x3;
	s7 =	sshrl.u32 s7, $0x3  }
0xc: {  	s8 =	sadd.s32 s8, s4;
	s7 =	sadd.s32 s4, s7;
	s4 =	sadd.s32 s6, s2  }
0xd: {  	s5 =	sadd.s32 $0xBA40, s7;
	s6 =	sadd.s32 $0x15800, s8;
	s7 =	smax.u32 s9, $0x1  }
0xe: {  	v0 =	vimm.f32 $0.0e+00;
	v1 =	vimm.f32 $1.000000000e+00;
	s8 =	simm.s32 $0x2F10;
	s9 =	simm.s32 $0x2;
	s16 =	sshrl.u32 s4, $0x3  }
.LBB2_1:
0xf: {  	s17 =	simm.s32 $0x0  }
.LBB2_2:
0x10: {  	p0 =	sne.s32 s17, $0x9DC0  }
.Ltmp0:
0x11: {  	_ = 	snop;
	(pc) =	sbr.rel @p0 .LBB2_2-.Ltmp0, $3  }
0x12: {  	_ =	sdelay $0x1  }
0x13: {  	s18 =	sshra.s32 s17, $0x2  }
0x14: {  	s17 =	sadd.s32 $0x40, s17;
	[tilespmem:s18+$0x2F10] =	vst v0  }
0x15: {  	s17 =	simm.s32 $0x40;
	s18 =	simm.s32 $0x0  }
.LBB2_4:
0x16: {  	p0 =	sne.s32 s17, $0x1FC0;
	[tilespmem:s18+$0x2710] =	vst v1;
	s18 =	smov.u32 s17;
	s17 =	sadd.s32 $0x40, s17  }
.Ltmp1:
0x17: {  	(pc) =	sbr.rel @p0 .LBB2_4-.Ltmp1, $2  }
0x18: {  	_ =	sdelay $0x2  }
0x19: {  	s18 =	sshra.s32 s18, $0x2  }
0x1a: {  	[tilespmem:s18+$0x2710] =	vst v1  }
0x1b: {  	[spmem:s4] =	stream.linear.scatter [tilespmem:s8], [sflag:$0x2], $0x2780, $0x38;
	[tilespmem:$0x7E10] =	vst v63  }
0x1c: {  	_ =	swait.ge [sflag:s9], $0x2780  }
0x1d: {  	[sflag:s9] =	ssyncset.done $0x0  }
0x1e: {  	s17 =	simm.s32 $0x0;
	[sflag:s9] =	ssyncadd.s32 $0xFFFFD880  }
0x1f: {  	[tilespmem:s17], [sflag:$0x2] =	stream.linear.gather [hbm4b:s5+s17], $0x2710, $0x38;
	[tilespmem:$0x7E10] =	vst v63  }
0x20: {  	_ =	swait.ge [sflag:s9], $0x2710  }
0x21: {  	[sflag:s9] =	ssyncset.done $0x0  }
0x22: {  	[sflag:s9] =	ssyncadd.s32 $0xFFFFD8F0  }
0x23: {  	s18 =	simm.s32 $0x0;
	s17 =	simm.s32 $0x200;
	[bflag:$0x0] =	sbarrier.arrive $0xFFFF  }
.LBB2_6:
0x24: {  	[spmem:s2] =	stream.indirect.scatter.add.f32 [tilespmem:s11], [sflag:$0x1], $0x10, s18, s10, $0xb8;
	[tilespmem:$0x7E10] =	vst v63  }
0x25: {  	s18 =	smov.u32 s17;
	p0 =	sne.s32 s17, $0x9A00  }
.Ltmp2:
0x26: {  	s17 =	sadd.s32 $0x200, s17;
	(pc) =	sbr.rel @p0 .LBB2_6-.Ltmp2, $2  }
0x27: {  	_ =	sdelay $0x2  }
0x28: {  	s18 =	sshra.s32 s18, $0x2  }
0x29: {  	[spmem:s2] =	stream.indirect.scatter.add.f32 [tilespmem:s11], [sflag:$0x1], $0x10, s18, s10, $0xb8;
	[tilespmem:$0x7E10] =	vst v63  }
0x2a: {  	_ = 	snop  }
0x2b: {  	[spmem:s2] =	stream.indirect.scatter.add.f32 [tilespmem:s11], [sflag:$0x1], $0x10, s13, s12, $0xb8;
	[tilespmem:$0x7E10] =	vst v63  }
0x2c: {  	_ =	swait.ge [sflag:s14], $0x800  }
0x2d: {  	s17 =	simm.s32 $0x4D;
	[sflag:s14] =	ssyncset.done $0x0  }
.LBB2_8:
0x2e: {  	p0 =	sne.s32 s17, $0x1;
	s17 =	sadd.s32 $0xFFFFFFFF, s17;
	[sflag:s14] =	ssyncadd.s32 $0xFFFFF800  }
.Ltmp3:
0x2f: {  	(pc) =	sbr.rel @p0 .LBB2_8-.Ltmp3, $3  }
0x30: {  	_ =	sdelay $0x1  }
0x31: {  	_ =	swait.ge [sflag:s14], $0x800  }
0x32: {  	[sflag:s14] =	ssyncset.done $0x0  }
0x33: {  	[sflag:s14] =	ssyncadd.s32 $0xFFFFF800  }
0x34: {  	_ =	swait.ge [sflag:s14], $0x100  }
0x35: {  	s3 =	sadd.s32 $0x1, s3;
	[sflag:s14] =	ssyncset.done $0x0  }
0x36: {  	p0 =	sne.s32 s3, s7;
	[sflag:s14] =	ssyncadd.s32 $0xFFFFFF00  }
.Ltmp4:
0x37: {  	[bflag:$0x0] =	sbarrier.arrive $0xFFFF;
	(pc) =	sbr.rel @p0 .LBB2_1-.Ltmp4, $4  }
0x38: {  	[hbm:s6], [sflag:s15] =	dma.local [spmem:s16], $0x4F0  }
0x39: {  	_ =	swait.ge [sflag:s9], $0x4F0  }
0x3a: {  	[sflag:s9] =	ssyncset.done $0x0  }
0x3b: {  	[sflag:s9] =	ssyncadd.s32 $0xFFFFFB10  }
0x3c: {  	_ =	sfence.sel $0x180000  }
0x3d: {  	[bflag:$0x0] =	sbarrier.arrive $0xFFFF  }
0x3e: {  	p0 =	sne.s32 s1, $0x0;
	_ =	strace $0x90000047  }
0x3f: {  	s0 =	sadd.s32 @!p0 $0x100000, s0;
	[bflag:$0x2] =	sbarrier.arrive $0xFFFF  }
0x40: {  	[sflag:s0] =	ssyncadd.tile.s32 @!p0 $0x1;
	_ =	shalt  }
.Lfunc_end2:
_tile_overlayer_lowered:
.L_overlay_start_2:
0x41: {  	(tag) =	ssettag $0x2  }
0x42: {  	s0 =	rddreg [dreg:$0x0];
	s2 =	stileid.u32  }
0x43: {  	s1 =	rddreg [dreg:$0x1];
	p0 =	sne.s32 s2, $0x0  }
0x44: {  	s3 =	rddreg [dreg:$0x2];
	[bflag:$0x3] =	sbarrier.arrive $0xFFFF;
	s2 =	simm.s32 @!p0 $0x1C02  }
0x45: {  	[timem:s3], [sflag:s2] =	dma.local @!p0 [hbm:s0], s1  }
0x46: {  	s0 =	simm.s32 @!p0 $0x2  }
0x47: {  	_ =	swait.ge @!p0 [sflag:s0], s1  }
0x48: {  	s1 =	ssub.s32 @!p0 $0x0, s1;
	[sflag:s0] =	ssyncset.done @!p0 $0x0  }
0x49: {  	[sflag:s0] =	ssyncadd.s32 @!p0 s1  }
0x4a: {  	[bflag:$0x3] =	sbarrier.arrive $0xFFFF  }
0x4b: {  	_ =	shalt  }

</sc_bundles>
